<compile_context>
chip_gen: v7x
topology: tpu7x:2x2x1
jax: 0.10.2.dev20260603
libtpu: 0.0.44.dev20260713+nightly
codegen_flags: <defaults>
</compile_context>

<pallas_src>
import functools

import jax
import jax.numpy as jnp
from jax import lax
from jax.experimental import pallas as pl
from jax.experimental.pallas import tpu as pltpu
from jax.experimental.pallas import tpu_sc as plsc

N = 10000
NPAD = 10240
DUMMY = N
NC, NS, L = 2, 16, 16
NW = NC * NS
CH = 128
RPT = NPAD // NS
D = 64


def _make_deg_kernel(nchunk):
    mesh = plsc.VectorSubcoreMesh(core_axis_name="c", subcore_axis_name="s")

    @functools.partial(
        pl.kernel,
        mesh=mesh,
        out_type=jax.ShapeDtypeStruct((2, NW, NPAD), jnp.float32),
        compiler_params=pltpu.CompilerParams(needs_layout_passes=False,
                                             use_tc_tiling_on_sc=False),
        scratch_types=[
            pltpu.VMEM((nchunk, CH), jnp.int32),
            pltpu.VMEM((NPAD,), jnp.float32),
        ],
    )
    def deg_kernel(d1_hbm, d2_hbm, out_hbm, dstv, hist):
        c = lax.axis_index("c")
        s = lax.axis_index("s")
        gid = c * NS + s
        zero16 = jnp.zeros((L,), jnp.float32)
        ones16 = jnp.ones((L,), jnp.float32)

        for l, d_hbm in ((0, d1_hbm), (1, d2_hbm)):
            pltpu.sync_copy(d_hbm.at[gid], dstv)

            def _zh(i, _):
                hist[pl.ds(i * L, L)] = zero16
                return _
            lax.fori_loop(0, NPAD // L, _zh, None)

            def _acc(r, _):
                for k in range(CH // L):
                    idx = dstv[r, pl.ds(k * L, L)]
                    plsc.addupdate_scatter(hist, [idx], ones16)
                return _
            lax.fori_loop(0, nchunk, _acc, None)
            pltpu.sync_copy(hist, out_hbm.at[l].at[gid])

    return deg_kernel


def _make_seg_kernel(nchunk):
    mesh = plsc.VectorSubcoreMesh(core_axis_name="c", subcore_axis_name="s")
    acc_t = jax.ShapeDtypeStruct((NC, NPAD, D), jnp.float32)
    nstage = N // NS

    @functools.partial(
        pl.kernel,
        mesh=mesh,
        out_type=[acc_t, acc_t],
        compiler_params=pltpu.CompilerParams(needs_layout_passes=False,
                                             use_tc_tiling_on_sc=False),
        scratch_types=[
            pltpu.VMEM((nchunk, CH), jnp.int32),
            pltpu.VMEM((nchunk, CH), jnp.int32),
            pltpu.VMEM((CH, D), jnp.float32),
            pltpu.VMEM((CH, D), jnp.float32),
            pltpu.VMEM((CH, D), jnp.float32),
            pltpu.VMEM_SHARED((N, D), jnp.float32),
            pltpu.VMEM_SHARED((NPAD, D), jnp.float32),
            pltpu.SemaphoreType.DMA,
            pltpu.SemaphoreType.DMA,
            pltpu.SemaphoreType.DMA,
        ],
    )
    def seg_kernel(hs1_hbm, hs2_hbm, s1_hbm, d1_hbm, s2_hbm, d2_hbm,
                   o1_hbm, o2_hbm,
                   si, di, rowsA, rowsB, bounce, hs_sh, acc,
                   semGA, semGB, semC):
        c = lax.axis_index("c")
        s = lax.axis_index("s")
        gid = c * NS + s
        zero16 = jnp.zeros((L,), jnp.float32)
        hrows = pl.ds(s * nstage, nstage)

        pltpu.async_copy(hs1_hbm.at[hrows], hs_sh.at[hrows], semC)
        pltpu.async_copy(s1_hbm.at[gid], si, semGA)
        pltpu.async_copy(d1_hbm.at[gid], di, semGB)

        def _zb(r, _):
            for k in range(D // L):
                bounce[r, pl.ds(k * L, L)] = zero16
            return _
        lax.fori_loop(0, CH, _zb, None)
        for q in range(RPT // CH):
            pltpu.sync_copy(bounce, acc.at[pl.ds(s * RPT + q * CH, CH)])
        pltpu.make_async_copy(hs1_hbm.at[hrows], hs_sh.at[hrows], semC).wait()
        pltpu.make_async_copy(s1_hbm.at[gid], si, semGA).wait()
        pltpu.make_async_copy(d1_hbm.at[gid], di, semGB).wait()
        plsc.subcore_barrier()

        bufs = ((rowsA, semGA), (rowsB, semGB))

        def _run_list(hs_hbm_next, s_hbm_next, d_hbm_next, o_hbm, last):
            for b, (buf, sem) in enumerate(bufs):
                pltpu.async_copy(hs_sh.at[si.at[b]], buf, sem)

            def _pair(i, _):
                j = 2 * i
                for b, (buf, sem) in enumerate(bufs):
                    pltpu.make_async_copy(hs_sh.at[si.at[j + b]],
                                          buf, sem).wait()
                    pltpu.sync_copy(buf, acc.at[di.at[j + b]], add=True)
                    pltpu.async_copy(hs_sh.at[si.at[j + b + 2]], buf, sem)
                return _
            lax.fori_loop(0, nchunk // 2 - 1, _pair, None)

            jlast = nchunk - 2
            for b, (buf, sem) in enumerate(bufs):
                pltpu.make_async_copy(hs_sh.at[si.at[jlast + b]],
                                      buf, sem).wait()
                pltpu.sync_copy(buf, acc.at[di.at[jlast + b]], add=True)

            plsc.subcore_barrier()
            for q in range(RPT // CH):
                arows = pl.ds(s * RPT + q * CH, CH)
                pltpu.sync_copy(acc.at[arows], bounce)
                pltpu.sync_copy(bounce, o_hbm.at[c].at[arows])
            if not last:
                pltpu.async_copy(s_hbm_next.at[gid], si, semGA)
                pltpu.async_copy(d_hbm_next.at[gid], di, semGB)
                lax.fori_loop(0, CH, _zb, None)
                for q in range(RPT // CH):
                    pltpu.sync_copy(bounce, acc.at[pl.ds(s * RPT + q * CH, CH)])
                pltpu.sync_copy(hs_hbm_next.at[hrows], hs_sh.at[hrows])
                pltpu.make_async_copy(s_hbm_next.at[gid], si, semGA).wait()
                pltpu.make_async_copy(d_hbm_next.at[gid], di, semGB).wait()
                plsc.subcore_barrier()

        _run_list(hs2_hbm, s2_hbm, d2_hbm, o1_hbm, last=False)
        _run_list(None, None, None, o2_hbm, last=True)

    return seg_kernel


def _stage1_body(n):
    def body(x_ref, w11_ref, w21_ref, degp_ref, hs11_ref, hs21_ref, dinv_ref):
        deg1 = jnp.sum(degp_ref[0], axis=1).reshape(NPAD, 1) + 1.0
        deg2 = jnp.sum(degp_ref[1], axis=1).reshape(NPAD, 1) + 1.0
        dv = lax.rsqrt(jnp.concatenate([deg1, deg2], axis=1))
        dinv_ref[...] = dv
        x = x_ref[...]
        hs11_ref[...] = dv[:n, 0:1] * jnp.dot(x, w11_ref[...],
                                              preferred_element_type=jnp.float32)
        hs21_ref[...] = dv[:n, 1:2] * jnp.dot(x, w21_ref[...],
                                              preferred_element_type=jnp.float32)
    return body


def _elu(v):
    return jnp.where(v > 0, v, jnp.exp(jnp.minimum(v, 0.0)) - 1.0)


_B = 1000


def _full(shape):
    nd = len(shape)
    return pl.BlockSpec(shape, lambda i, _nd=nd: (0,) * nd)


def _rows(width):
    return pl.BlockSpec((_B, width), lambda i: (i, 0))


def _acc_spec():
    return pl.BlockSpec((NC, _B, D), lambda i: (0, i, 0))


def _dinv_spec():
    return pl.BlockSpec((_B, 2), lambda i: (i, 0))


def _stage2_body(n):
    def body(a11_ref, a21_ref, hs11_ref, hs21_ref, dinv_ref,
             b11_ref, b21_ref, wg1a_ref, wg1b_ref, bg1_ref,
             w12_ref, w22_ref, hs12_ref, hs22_ref):
        dv = dinv_ref[...]
        dinv1, dinv2 = dv[:, 0:1], dv[:, 1:2]
        a11 = a11_ref[0] + a11_ref[1]
        a21 = a21_ref[0] + a21_ref[1]
        s11 = _elu(dinv1 * (a11 + hs11_ref[...]) + b11_ref[...])
        s21 = _elu(dinv2 * (a21 + hs21_ref[...]) + b21_ref[...])
        z = (jnp.sum(s11 * wg1a_ref[...], axis=1, keepdims=True)
             + jnp.sum(s21 * wg1b_ref[...], axis=1, keepdims=True)
             + bg1_ref[...])
        g = jax.nn.sigmoid(z)
        mid = g * s11 + (1.0 - g) * s21
        hs12_ref[...] = dinv1 * jnp.dot(mid, w12_ref[...],
                                        preferred_element_type=jnp.float32)
        hs22_ref[...] = dinv2 * jnp.dot(mid, w22_ref[...],
                                        preferred_element_type=jnp.float32)
    return body


def _stage3_body(n):
    def body(a12_ref, a22_ref, hs12_ref, hs22_ref, dinv_ref,
             b12_ref, b22_ref, wg2a_ref, wg2b_ref, bg2_ref,
             wt_ref, bt_ref, out_ref):
        dv = dinv_ref[...]
        dinv1, dinv2 = dv[:, 0:1], dv[:, 1:2]
        s12 = dinv1 * (a12_ref[0] + a12_ref[1] + hs12_ref[...]) \
            + b12_ref[...]
        s22 = dinv2 * (a22_ref[0] + a22_ref[1] + hs22_ref[...]) \
            + b22_ref[...]
        z = (jnp.sum(s12 * wg2a_ref[...], axis=1, keepdims=True)
             + jnp.sum(s22 * wg2b_ref[...], axis=1, keepdims=True)
             + bg2_ref[...])
        g = jax.nn.sigmoid(z)
        o = g * s12 + (1.0 - g) * s22
        o = jnp.dot(o, wt_ref[...], preferred_element_type=jnp.float32) \
            + bt_ref[...]
        m = jnp.max(o, axis=1, keepdims=True)
        e = o - m
        out_ref[...] = e - jnp.log(jnp.sum(jnp.exp(e), axis=1, keepdims=True))
    return body


def kernel(node_feature, one_adj_list, two_adj_list, W11, b11, W12, b12,
           W21, b21, W22, b22, Wg1, bg1, Wg2, bg2, Wt, bt):
    n, d_in = node_feature.shape
    e = one_adj_list.shape[1]
    ept = -(-e // (NW * 2 * CH)) * 2 * CH
    nchunk = ept // CH
    pad = NW * ept - e

    def prep(adj):
        src = jnp.concatenate([adj[0], jnp.zeros((pad,), jnp.int32)])
        dst = jnp.concatenate([adj[1], jnp.full((pad,), DUMMY, jnp.int32)])
        return src.reshape(NW, nchunk, CH), dst.reshape(NW, nchunk, CH)

    s1r, d1r = prep(one_adj_list)
    s2r, d2r = prep(two_adj_list)

    deg_parts = _make_deg_kernel(nchunk)(d1r, d2r)
    degp = jnp.swapaxes(deg_parts, 1, 2)

    hs_t = jax.ShapeDtypeStruct((n, D), jnp.float32)

    hs11, hs21, dinv = pl.pallas_call(
        _stage1_body(n),
        out_shape=[hs_t, hs_t, jax.ShapeDtypeStruct((NPAD, 2), jnp.float32)],
    )(node_feature, W11, W21, degp)

    seg = _make_seg_kernel(nchunk)
    a11, a21 = seg(hs11, hs21, s1r, d1r, s2r, d2r)

    b11r = b11.reshape(1, D)
    b21r = b21.reshape(1, D)
    wg1a = Wg1[:D, 0].reshape(1, D)
    wg1b = Wg1[D:, 0].reshape(1, D)
    bg1r = bg1.reshape(1, 1)

    grid = n // _B
    hs12, hs22 = pl.pallas_call(
        _stage2_body(n),
        grid=(grid,),
        in_specs=[_acc_spec(), _acc_spec(), _rows(D), _rows(D), _dinv_spec(),
                  _full((1, D)), _full((1, D)), _full((1, D)), _full((1, D)),
                  _full((1, 1)), _full((D, D)), _full((D, D))],
        out_specs=[_rows(D), _rows(D)],
        out_shape=[hs_t, hs_t],
    )(a11, a21, hs11, hs21, dinv, b11r, b21r, wg1a, wg1b, bg1r, W12, W22)

    a12, a22 = seg(hs12, hs22, s1r, d1r, s2r, d2r)

    b12r = b12.reshape(1, D)
    b22r = b22.reshape(1, D)
    wg2a = Wg2[:D, 0].reshape(1, D)
    wg2b = Wg2[D:, 0].reshape(1, D)
    bg2r = bg2.reshape(1, 1)
    btr = bt.reshape(1, D)

    out = pl.pallas_call(
        _stage3_body(n),
        grid=(grid,),
        in_specs=[_acc_spec(), _acc_spec(), _rows(D), _rows(D), _dinv_spec(),
                  _full((1, D)), _full((1, D)), _full((1, D)), _full((1, D)),
                  _full((1, 1)), _full((D, D)), _full((1, D))],
        out_specs=_rows(D),
        out_shape=jax.ShapeDtypeStruct((n, D), jnp.float32),
    )(a12, a22, hs12, hs22, dinv, b12r, b22r, wg2a, wg2b, bg2r, Wt, btr)

    return out

# --- scband reference (transcript-rebuilt; emitter-appended) ---
"""Pipeline reference for scband-gcn2-48524540510807 (READ-ONLY COPY).

The authoritative reference and input builder live on the scoring server;
editing this copy changes nothing except your own understanding.
"""

import jax, jax.numpy as jnp
import numpy as np

N = 10000
E = 320000
D_IN = 128
D_MID = 64
D_OUT = 64


def gcn_conv(x, edge_index, W, b):
    n = x.shape[0]
    h = x @ W
    loop = jnp.arange(n)
    src = jnp.concatenate([edge_index[0], loop])
    dst = jnp.concatenate([edge_index[1], loop])
    deg = jnp.zeros((n,), dtype=h.dtype).at[dst].add(1.0)
    dinv = jnp.where(deg > 0, 1.0 / jnp.sqrt(deg), 0.0)
    norm = dinv[src] * dinv[dst]
    out = jax.ops.segment_sum(h[src] * norm[:, None], dst, num_segments=n)
    return out + b


def two_order_aggr(x1, x2, Wg, bg, Wt=None, bt=None):
    g = jax.nn.sigmoid(jnp.concatenate([x1, x2], axis=1) @ Wg + bg)
    out = g * x1 + (1.0 - g) * x2
    if Wt is not None:
        out = out @ Wt + bt
    return out


def setup_inputs(seed: int = 0):
    key = jax.random.key(seed)
    ks = jax.random.split(key, 20)
    inp = {}
    inp["node_feature"] = jax.random.normal(ks[0], (N, D_IN), dtype=jnp.float32)
    inp["one_adj_list"] = jax.random.randint(ks[1], (2, E), 0, N, dtype=jnp.int32)
    inp["two_adj_list"] = jax.random.randint(ks[2], (2, E), 0, N, dtype=jnp.int32)
    s_in = 1.0 / np.sqrt(D_IN)
    s_mid = 1.0 / np.sqrt(D_MID)
    inp["W11"] = jax.random.normal(ks[3], (D_IN, D_MID), dtype=jnp.float32) * s_in
    inp["b11"] = jnp.zeros((D_MID,), dtype=jnp.float32)
    inp["W12"] = jax.random.normal(ks[4], (D_MID, D_OUT), dtype=jnp.float32) * s_mid
    inp["b12"] = jnp.zeros((D_OUT,), dtype=jnp.float32)
    inp["W21"] = jax.random.normal(ks[5], (D_IN, D_MID), dtype=jnp.float32) * s_in
    inp["b21"] = jnp.zeros((D_MID,), dtype=jnp.float32)
    inp["W22"] = jax.random.normal(ks[6], (D_MID, D_OUT), dtype=jnp.float32) * s_mid
    inp["b22"] = jnp.zeros((D_OUT,), dtype=jnp.float32)
    inp["Wg1"] = jax.random.normal(ks[7], (2 * D_MID, 1), dtype=jnp.float32) * (1.0 / np.sqrt(2 * D_MID))
    inp["bg1"] = jnp.zeros((1,), dtype=jnp.float32)
    inp["Wg2"] = jax.random.normal(ks[8], (2 * D_OUT, 1), dtype=jnp.float32) * (1.0 / np.sqrt(2 * D_OUT))
    inp["bg2"] = jnp.zeros((1,), dtype=jnp.float32)
    inp["Wt"] = jax.random.normal(ks[9], (D_OUT, D_OUT), dtype=jnp.float32) * (1.0 / np.sqrt(D_OUT))
    inp["bt"] = jnp.zeros((D_OUT,), dtype=jnp.float32)
    return inp


def reference(node_feature, one_adj_list, two_adj_list, W11, b11, W12, b12, W21, b21, W22, b22, Wg1, bg1, Wg2, bg2, Wt, bt):
    # eval mode: dropout layers are identity
    s11 = jax.nn.elu(gcn_conv(node_feature, one_adj_list, W11, b11))
    s21 = jax.nn.elu(gcn_conv(node_feature, two_adj_list, W21, b21))
    mid = two_order_aggr(s11, s21, Wg1, bg1)
    s12 = gcn_conv(mid, one_adj_list, W12, b12)
    s22 = gcn_conv(mid, two_adj_list, W22, b22)
    out = two_order_aggr(s12, s22, Wg2, bg2, Wt, bt)
    return jax.nn.log_softmax(out, axis=1)

if __name__ == "__main__":
    import jax
    _d = setup_inputs()
    print(jax.jit(kernel)(*tuple(_d.values())))

</pallas_src>

<mosaic_0001>
#map = affine_map<(d0, d1) -> (0, 0)>
#map1 = affine_map<(d0, d1) -> (0, 0, 0)>
module attributes {stable_mosaic.version = 14 : i64} {
  func.func @seg_kernel(%arg0: i32, %arg1: i32, %arg2: memref<10000x64xf32, #tpu.memory_space<hbm>>, %arg3: memref<10000x64xf32, #tpu.memory_space<hbm>>, %arg4: memref<32x80x128xi32, #tpu.memory_space<hbm>>, %arg5: memref<32x80x128xi32, #tpu.memory_space<hbm>>, %arg6: memref<32x80x128xi32, #tpu.memory_space<hbm>>, %arg7: memref<32x80x128xi32, #tpu.memory_space<hbm>>, %arg8: memref<2x10240x64xf32, #tpu.memory_space<hbm>>, %arg9: memref<2x10240x64xf32, #tpu.memory_space<hbm>>, %arg10: memref<80x128xi32, #tpu.memory_space<vmem>>, %arg11: memref<80x128xi32, #tpu.memory_space<vmem>>, %arg12: memref<128x64xf32, #tpu.memory_space<vmem>>, %arg13: memref<128x64xf32, #tpu.memory_space<vmem>>, %arg14: memref<128x64xf32, #tpu.memory_space<vmem>>, %arg15: memref<10000x64xf32, #tpu.memory_space<vmem_shared>>, %arg16: memref<10240x64xf32, #tpu.memory_space<vmem_shared>>, %arg17: memref<!tpu.dma_semaphore, #tpu.memory_space<semaphore_mem>>, %arg18: memref<!tpu.dma_semaphore, #tpu.memory_space<semaphore_mem>>, %arg19: memref<!tpu.dma_semaphore, #tpu.memory_space<semaphore_mem>>) attributes {dimension_semantics = [#tpu.dimension_semantics<core_parallel>, #tpu.dimension_semantics<subcore_parallel>], iteration_bounds = array<i64: 2, 16>, scalar_prefetch = 0 : i64, scratch_operands = 10 : i64, tpu.core_type = #tpu.core_type<sc_vector_subcore>, window_params = [{transform_indices = #map}, {transform_indices = #map}, {transform_indices = #map1}, {transform_indices = #map1}, {transform_indices = #map1}, {transform_indices = #map1}, {transform_indices = #map1}, {transform_indices = #map1}]} {
    %mul3A = arith.constant 16 : i32
    %mul3A_0 = arith.muli %arg0, %mul3A : i32
    %add3A = arith.addi %mul3A_0, %arg1 : i32
    %broadcast_in_dim3A = arith.constant 0.000000e+00 : f32
    %broadcast_in_dim3A_1 = vector.broadcast %broadcast_in_dim3A : f32 to vector<16xf32>
    %mul3A_2 = arith.constant 625 : i32
    %mul3A_3 = arith.muli %arg1, %mul3A_2 : i32
    %dma_start3A = arith.constant 0 : i32
    %dma_start3A_4 = tpu.memref_slice %arg15[%mul3A_3, %dma_start3A] : memref<10000x64xf32, #tpu.memory_space<vmem_shared>> -> memref<625x64xf32, #tpu.memory_space<vmem_shared>>
    %dma_start3A_5 = arith.constant 0 : i32
    %dma_start3A_6 = tpu.memref_slice %arg2[%mul3A_3, %dma_start3A_5] : memref<10000x64xf32, #tpu.memory_space<hbm>> -> memref<625x64xf32, #tpu.memory_space<hbm>>
    tpu.enqueue_dma source(%dma_start3A_6 : memref<625x64xf32, #tpu.memory_space<hbm>>) target(%dma_start3A_4 : memref<625x64xf32, #tpu.memory_space<vmem_shared>>) target_semaphore(%arg19 : memref<!tpu.dma_semaphore, #tpu.memory_space<semaphore_mem>>)
    %dma_start3A_7 = arith.constant 0 : i32
    %dma_start3A_8 = arith.constant 0 : i32
    %dma_start3A_9 = tpu.memref_slice %arg4[%add3A, %dma_start3A_7, %dma_start3A_8] : memref<32x80x128xi32, #tpu.memory_space<hbm>> -> memref<1x80x128xi32, #tpu.memory_space<hbm>>
    %dma_start3A_10 = tpu.memref_squeeze %dma_start3A_9 : memref<1x80x128xi32, #tpu.memory_space<hbm>> -> memref<80x128xi32, #tpu.memory_space<hbm>>
    %dma_start3A_11 = arith.constant 0 : i32
    %dma_start3A_12 = arith.constant 0 : i32
    %dma_start3A_13 = tpu.memref_slice %arg4[%add3A, %dma_start3A_11, %dma_start3A_12] : memref<32x80x128xi32, #tpu.memory_space<hbm>> -> memref<1x80x128xi32, #tpu.memory_space<hbm>>
    %dma_start3A_14 = tpu.memref_squeeze %dma_start3A_13 : memref<1x80x128xi32, #tpu.memory_space<hbm>> -> memref<80x128xi32, #tpu.memory_space<hbm>>
    tpu.enqueue_dma source(%dma_start3A_14 : memref<80x128xi32, #tpu.memory_space<hbm>>) target(%arg10 : memref<80x128xi32, #tpu.memory_space<vmem>>) target_semaphore(%arg17 : memref<!tpu.dma_semaphore, #tpu.memory_space<semaphore_mem>>)
    %dma_start3A_15 = arith.constant 0 : i32
    %dma_start3A_16 = arith.constant 0 : i32
    %dma_start3A_17 = tpu.memref_slice %arg5[%add3A, %dma_start3A_15, %dma_start3A_16] : memref<32x80x128xi32, #tpu.memory_space<hbm>> -> memref<1x80x128xi32, #tpu.memory_space<hbm>>
    %dma_start3A_18 = tpu.memref_squeeze %dma_start3A_17 : memref<1x80x128xi32, #tpu.memory_space<hbm>> -> memref<80x128xi32, #tpu.memory_space<hbm>>
    %dma_start3A_19 = arith.constant 0 : i32
    %dma_start3A_20 = arith.constant 0 : i32
    %dma_start3A_21 = tpu.memref_slice %arg5[%add3A, %dma_start3A_19, %dma_start3A_20] : memref<32x80x128xi32, #tpu.memory_space<hbm>> -> memref<1x80x128xi32, #tpu.memory_space<hbm>>
    %dma_start3A_22 = tpu.memref_squeeze %dma_start3A_21 : memref<1x80x128xi32, #tpu.memory_space<hbm>> -> memref<80x128xi32, #tpu.memory_space<hbm>>
    tpu.enqueue_dma source(%dma_start3A_22 : memref<80x128xi32, #tpu.memory_space<hbm>>) target(%arg11 : memref<80x128xi32, #tpu.memory_space<vmem>>) target_semaphore(%arg18 : memref<!tpu.dma_semaphore, #tpu.memory_space<semaphore_mem>>)
    %scan3A = arith.constant 0 : i32
    %scan3A_23 = arith.constant 128 : i32
    %scan3A_24 = arith.addi %scan3A, %scan3A_23 : i32
    %scan3A_25 = arith.constant 1 : i32
    scf.for %scan3A_235 = %scan3A to %scan3A_24 step %scan3A_25  : i32 {
      %swap3A = arith.index_cast %scan3A_235 : i32 to index
      %swap3A_236 = arith.constant 0 : index
      %swap3A_237 = tpu.vector_load %arg14[%swap3A, %swap3A_236] {strides = array<i32>} : memref<128x64xf32, #tpu.memory_space<vmem>>, vector<16xf32>,
      tpu.vector_store %arg14[%swap3A, %swap3A_236], %broadcast_in_dim3A_1 {strides = array<i32>} : memref<128x64xf32, #tpu.memory_space<vmem>>, vector<16xf32>,
      %swap3A_238 = arith.index_cast %scan3A_235 : i32 to index
      %swap3A_239 = arith.constant 16 : index
      %swap3A_240 = tpu.vector_load %arg14[%swap3A_238, %swap3A_239] {strides = array<i32>} : memref<128x64xf32, #tpu.memory_space<vmem>>, vector<16xf32>,
      tpu.vector_store %arg14[%swap3A_238, %swap3A_239], %broadcast_in_dim3A_1 {strides = array<i32>} : memref<128x64xf32, #tpu.memory_space<vmem>>, vector<16xf32>,
      %swap3A_241 = arith.index_cast %scan3A_235 : i32 to index
      %swap3A_242 = arith.constant 32 : index
      %swap3A_243 = tpu.vector_load %arg14[%swap3A_241, %swap3A_242] {strides = array<i32>} : memref<128x64xf32, #tpu.memory_space<vmem>>, vector<16xf32>,
      tpu.vector_store %arg14[%swap3A_241, %swap3A_242], %broadcast_in_dim3A_1 {strides = array<i32>} : memref<128x64xf32, #tpu.memory_space<vmem>>, vector<16xf32>,
      %swap3A_244 = arith.index_cast %scan3A_235 : i32 to index
      %swap3A_245 = arith.constant 48 : index
      %swap3A_246 = tpu.vector_load %arg14[%swap3A_244, %swap3A_245] {strides = array<i32>} : memref<128x64xf32, #tpu.memory_space<vmem>>, vector<16xf32>,
      tpu.vector_store %arg14[%swap3A_244, %swap3A_245], %broadcast_in_dim3A_1 {strides = array<i32>} : memref<128x64xf32, #tpu.memory_space<vmem>>, vector<16xf32>,
    }
    %scan3A_26 = arith.constant 128 : i32
    %mul3A_27 = arith.constant 640 : i32
    %mul3A_28 = arith.muli %arg1, %mul3A_27 : i32
    %add3A_29 = arith.constant 0 : i32
    %add3A_30 = arith.addi %mul3A_28, %add3A_29 : i32
    "tpu.region"() ({
      %run_scoped3A_235 = tpu.sem_alloc : memref<!tpu.dma_semaphore, #tpu.memory_space<semaphore_mem>>
      %dma_start3A_236 = arith.constant 0 : i32
      %dma_start3A_237 = tpu.memref_slice %arg16[%add3A_30, %dma_start3A_236] : memref<10240x64xf32, #tpu.memory_space<vmem_shared>> -> memref<128x64xf32, #tpu.memory_space<vmem_shared>>
      %dma_start3A_238 = arith.constant 0 : i32
      %dma_start3A_239 = tpu.memref_slice %arg16[%add3A_30, %dma_start3A_238] : memref<10240x64xf32, #tpu.memory_space<vmem_shared>> -> memref<128x64xf32, #tpu.memory_space<vmem_shared>>
      tpu.enqueue_dma source(%arg14 : memref<128x64xf32, #tpu.memory_space<vmem>>) target(%dma_start3A_239 : memref<128x64xf32, #tpu.memory_space<vmem_shared>>) target_semaphore(%run_scoped3A_235 : memref<!tpu.dma_semaphore, #tpu.memory_space<semaphore_mem>>)
      %dma_wait3A_240 = arith.constant 0 : i32
      %dma_wait3A_241 = tpu.memref_slice %arg16[%add3A_30, %dma_wait3A_240] : memref<10240x64xf32, #tpu.memory_space<vmem_shared>> -> memref<128x64xf32, #tpu.memory_space<vmem_shared>>
      %dma_wait3A_242 = arith.constant 0 : i32
      %dma_wait3A_243 = tpu.memref_slice %arg16[%add3A_30, %dma_wait3A_242] : memref<10240x64xf32, #tpu.memory_space<vmem_shared>> -> memref<128x64xf32, #tpu.memory_space<vmem_shared>>
      tpu.wait_dma2 semaphore(%run_scoped3A_235 : memref<!tpu.dma_semaphore, #tpu.memory_space<semaphore_mem>>) src(%arg14 : memref<128x64xf32, #tpu.memory_space<vmem>>) dst(%dma_wait3A_243 : memref<128x64xf32, #tpu.memory_space<vmem_shared>>)
      tpu.yield
    }) : () -> ()
    %mul3A_31 = arith.constant 640 : i32
    %mul3A_32 = arith.muli %arg1, %mul3A_31 : i32
    %add3A_33 = arith.constant 128 : i32
    %add3A_34 = arith.addi %mul3A_32, %add3A_33 : i32
    "tpu.region"() ({
      %run_scoped3A_235 = tpu.sem_alloc : memref<!tpu.dma_semaphore, #tpu.memory_space<semaphore_mem>>
      %dma_start3A_236 = arith.constant 0 : i32
      %dma_start3A_237 = tpu.memref_slice %arg16[%add3A_34, %dma_start3A_236] : memref<10240x64xf32, #tpu.memory_space<vmem_shared>> -> memref<128x64xf32, #tpu.memory_space<vmem_shared>>
      %dma_start3A_238 = arith.constant 0 : i32
      %dma_start3A_239 = tpu.memref_slice %arg16[%add3A_34, %dma_start3A_238] : memref<10240x64xf32, #tpu.memory_space<vmem_shared>> -> memref<128x64xf32, #tpu.memory_space<vmem_shared>>
      tpu.enqueue_dma source(%arg14 : memref<128x64xf32, #tpu.memory_space<vmem>>) target(%dma_start3A_239 : memref<128x64xf32, #tpu.memory_space<vmem_shared>>) target_semaphore(%run_scoped3A_235 : memref<!tpu.dma_semaphore, #tpu.memory_space<semaphore_mem>>)
      %dma_wait3A_240 = arith.constant 0 : i32
      %dma_wait3A_241 = tpu.memref_slice %arg16[%add3A_34, %dma_wait3A_240] : memref<10240x64xf32, #tpu.memory_space<vmem_shared>> -> memref<128x64xf32, #tpu.memory_space<vmem_shared>>
      %dma_wait3A_242 = arith.constant 0 : i32
      %dma_wait3A_243 = tpu.memref_slice %arg16[%add3A_34, %dma_wait3A_242] : memref<10240x64xf32, #tpu.memory_space<vmem_shared>> -> memref<128x64xf32, #tpu.memory_space<vmem_shared>>
      tpu.wait_dma2 semaphore(%run_scoped3A_235 : memref<!tpu.dma_semaphore, #tpu.memory_space<semaphore_mem>>) src(%arg14 : memref<128x64xf32, #tpu.memory_space<vmem>>) dst(%dma_wait3A_243 : memref<128x64xf32, #tpu.memory_space<vmem_shared>>)
      tpu.yield
    }) : () -> ()
    %mul3A_35 = arith.constant 640 : i32
    %mul3A_36 = arith.muli %arg1, %mul3A_35 : i32
    %add3A_37 = arith.constant 256 : i32
    %add3A_38 = arith.addi %mul3A_36, %add3A_37 : i32
    "tpu.region"() ({
      %run_scoped3A_235 = tpu.sem_alloc : memref<!tpu.dma_semaphore, #tpu.memory_space<semaphore_mem>>
      %dma_start3A_236 = arith.constant 0 : i32
      %dma_start3A_237 = tpu.memref_slice %arg16[%add3A_38, %dma_start3A_236] : memref<10240x64xf32, #tpu.memory_space<vmem_shared>> -> memref<128x64xf32, #tpu.memory_space<vmem_shared>>
      %dma_start3A_238 = arith.constant 0 : i32
      %dma_start3A_239 = tpu.memref_slice %arg16[%add3A_38, %dma_start3A_238] : memref<10240x64xf32, #tpu.memory_space<vmem_shared>> -> memref<128x64xf32, #tpu.memory_space<vmem_shared>>
      tpu.enqueue_dma source(%arg14 : memref<128x64xf32, #tpu.memory_space<vmem>>) target(%dma_start3A_239 : memref<128x64xf32, #tpu.memory_space<vmem_shared>>) target_semaphore(%run_scoped3A_235 : memref<!tpu.dma_semaphore, #tpu.memory_space<semaphore_mem>>)
      %dma_wait3A_240 = arith.constant 0 : i32
      %dma_wait3A_241 = tpu.memref_slice %arg16[%add3A_38, %dma_wait3A_240] : memref<10240x64xf32, #tpu.memory_space<vmem_shared>> -> memref<128x64xf32, #tpu.memory_space<vmem_shared>>
      %dma_wait3A_242 = arith.constant 0 : i32
      %dma_wait3A_243 = tpu.memref_slice %arg16[%add3A_38, %dma_wait3A_242] : memref<10240x64xf32, #tpu.memory_space<vmem_shared>> -> memref<128x64xf32, #tpu.memory_space<vmem_shared>>
      tpu.wait_dma2 semaphore(%run_scoped3A_235 : memref<!tpu.dma_semaphore, #tpu.memory_space<semaphore_mem>>) src(%arg14 : memref<128x64xf32, #tpu.memory_space<vmem>>) dst(%dma_wait3A_243 : memref<128x64xf32, #tpu.memory_space<vmem_shared>>)
      tpu.yield
    }) : () -> ()
    %mul3A_39 = arith.constant 640 : i32
    %mul3A_40 = arith.muli %arg1, %mul3A_39 : i32
    %add3A_41 = arith.constant 384 : i32
    %add3A_42 = arith.addi %mul3A_40, %add3A_41 : i32
    "tpu.region"() ({
      %run_scoped3A_235 = tpu.sem_alloc : memref<!tpu.dma_semaphore, #tpu.memory_space<semaphore_mem>>
      %dma_start3A_236 = arith.constant 0 : i32
      %dma_start3A_237 = tpu.memref_slice %arg16[%add3A_42, %dma_start3A_236] : memref<10240x64xf32, #tpu.memory_space<vmem_shared>> -> memref<128x64xf32, #tpu.memory_space<vmem_shared>>
      %dma_start3A_238 = arith.constant 0 : i32
      %dma_start3A_239 = tpu.memref_slice %arg16[%add3A_42, %dma_start3A_238] : memref<10240x64xf32, #tpu.memory_space<vmem_shared>> -> memref<128x64xf32, #tpu.memory_space<vmem_shared>>
      tpu.enqueue_dma source(%arg14 : memref<128x64xf32, #tpu.memory_space<vmem>>) target(%dma_start3A_239 : memref<128x64xf32, #tpu.memory_space<vmem_shared>>) target_semaphore(%run_scoped3A_235 : memref<!tpu.dma_semaphore, #tpu.memory_space<semaphore_mem>>)
      %dma_wait3A_240 = arith.constant 0 : i32
      %dma_wait3A_241 = tpu.memref_slice %arg16[%add3A_42, %dma_wait3A_240] : memref<10240x64xf32, #tpu.memory_space<vmem_shared>> -> memref<128x64xf32, #tpu.memory_space<vmem_shared>>
      %dma_wait3A_242 = arith.constant 0 : i32
      %dma_wait3A_243 = tpu.memref_slice %arg16[%add3A_42, %dma_wait3A_242] : memref<10240x64xf32, #tpu.memory_space<vmem_shared>> -> memref<128x64xf32, #tpu.memory_space<vmem_shared>>
      tpu.wait_dma2 semaphore(%run_scoped3A_235 : memref<!tpu.dma_semaphore, #tpu.memory_space<semaphore_mem>>) src(%arg14 : memref<128x64xf32, #tpu.memory_space<vmem>>) dst(%dma_wait3A_243 : memref<128x64xf32, #tpu.memory_space<vmem_shared>>)
      tpu.yield
    }) : () -> ()
    %mul3A_43 = arith.constant 640 : i32
    %mul3A_44 = arith.muli %arg1, %mul3A_43 : i32
    %add3A_45 = arith.constant 512 : i32
    %add3A_46 = arith.addi %mul3A_44, %add3A_45 : i32
    "tpu.region"() ({
      %run_scoped3A_235 = tpu.sem_alloc : memref<!tpu.dma_semaphore, #tpu.memory_space<semaphore_mem>>
      %dma_start3A_236 = arith.constant 0 : i32
      %dma_start3A_237 = tpu.memref_slice %arg16[%add3A_46, %dma_start3A_236] : memref<10240x64xf32, #tpu.memory_space<vmem_shared>> -> memref<128x64xf32, #tpu.memory_space<vmem_shared>>
      %dma_start3A_238 = arith.constant 0 : i32
      %dma_start3A_239 = tpu.memref_slice %arg16[%add3A_46, %dma_start3A_238] : memref<10240x64xf32, #tpu.memory_space<vmem_shared>> -> memref<128x64xf32, #tpu.memory_space<vmem_shared>>
      tpu.enqueue_dma source(%arg14 : memref<128x64xf32, #tpu.memory_space<vmem>>) target(%dma_start3A_239 : memref<128x64xf32, #tpu.memory_space<vmem_shared>>) target_semaphore(%run_scoped3A_235 : memref<!tpu.dma_semaphore, #tpu.memory_space<semaphore_mem>>)
      %dma_wait3A_240 = arith.constant 0 : i32
      %dma_wait3A_241 = tpu.memref_slice %arg16[%add3A_46, %dma_wait3A_240] : memref<10240x64xf32, #tpu.memory_space<vmem_shared>> -> memref<128x64xf32, #tpu.memory_space<vmem_shared>>
      %dma_wait3A_242 = arith.constant 0 : i32
      %dma_wait3A_243 = tpu.memref_slice %arg16[%add3A_46, %dma_wait3A_242] : memref<10240x64xf32, #tpu.memory_space<vmem_shared>> -> memref<128x64xf32, #tpu.memory_space<vmem_shared>>
      tpu.wait_dma2 semaphore(%run_scoped3A_235 : memref<!tpu.dma_semaphore, #tpu.memory_space<semaphore_mem>>) src(%arg14 : memref<128x64xf32, #tpu.memory_space<vmem>>) dst(%dma_wait3A_243 : memref<128x64xf32, #tpu.memory_space<vmem_shared>>)
      tpu.yield
    }) : () -> ()
    %dma_wait3A = arith.constant 0 : i32
    %dma_wait3A_47 = tpu.memref_slice %arg15[%mul3A_3, %dma_wait3A] : memref<10000x64xf32, #tpu.memory_space<vmem_shared>> -> memref<625x64xf32, #tpu.memory_space<vmem_shared>>
    %dma_wait3A_48 = arith.constant 0 : i32
    %dma_wait3A_49 = tpu.memref_slice %arg2[%mul3A_3, %dma_wait3A_48] : memref<10000x64xf32, #tpu.memory_space<hbm>> -> memref<625x64xf32, #tpu.memory_space<hbm>>
    tpu.wait_dma2 semaphore(%arg19 : memref<!tpu.dma_semaphore, #tpu.memory_space<semaphore_mem>>) src(%dma_wait3A_49 : memref<625x64xf32, #tpu.memory_space<hbm>>) dst(%dma_wait3A_47 : memref<625x64xf32, #tpu.memory_space<vmem_shared>>)
    %dma_wait3A_50 = arith.constant 0 : i32
    %dma_wait3A_51 = arith.constant 0 : i32
    %dma_wait3A_52 = tpu.memref_slice %arg4[%add3A, %dma_wait3A_50, %dma_wait3A_51] : memref<32x80x128xi32, #tpu.memory_space<hbm>> -> memref<1x80x128xi32, #tpu.memory_space<hbm>>
    %dma_wait3A_53 = tpu.memref_squeeze %dma_wait3A_52 : memref<1x80x128xi32, #tpu.memory_space<hbm>> -> memref<80x128xi32, #tpu.memory_space<hbm>>
    %dma_wait3A_54 = arith.constant 0 : i32
    %dma_wait3A_55 = arith.constant 0 : i32
    %dma_wait3A_56 = tpu.memref_slice %arg4[%add3A, %dma_wait3A_54, %dma_wait3A_55] : memref<32x80x128xi32, #tpu.memory_space<hbm>> -> memref<1x80x128xi32, #tpu.memory_space<hbm>>
    %dma_wait3A_57 = tpu.memref_squeeze %dma_wait3A_56 : memref<1x80x128xi32, #tpu.memory_space<hbm>> -> memref<80x128xi32, #tpu.memory_space<hbm>>
    tpu.wait_dma2 semaphore(%arg17 : memref<!tpu.dma_semaphore, #tpu.memory_space<semaphore_mem>>) src(%dma_wait3A_57 : memref<80x128xi32, #tpu.memory_space<hbm>>) dst(%arg10 : memref<80x128xi32, #tpu.memory_space<vmem>>)
    %dma_wait3A_58 = arith.constant 0 : i32
    %dma_wait3A_59 = arith.constant 0 : i32
    %dma_wait3A_60 = tpu.memref_slice %arg5[%add3A, %dma_wait3A_58, %dma_wait3A_59] : memref<32x80x128xi32, #tpu.memory_space<hbm>> -> memref<1x80x128xi32, #tpu.memory_space<hbm>>
    %dma_wait3A_61 = tpu.memref_squeeze %dma_wait3A_60 : memref<1x80x128xi32, #tpu.memory_space<hbm>> -> memref<80x128xi32, #tpu.memory_space<hbm>>
    %dma_wait3A_62 = arith.constant 0 : i32
    %dma_wait3A_63 = arith.constant 0 : i32
    %dma_wait3A_64 = tpu.memref_slice %arg5[%add3A, %dma_wait3A_62, %dma_wait3A_63] : memref<32x80x128xi32, #tpu.memory_space<hbm>> -> memref<1x80x128xi32, #tpu.memory_space<hbm>>
    %dma_wait3A_65 = tpu.memref_squeeze %dma_wait3A_64 : memref<1x80x128xi32, #tpu.memory_space<hbm>> -> memref<80x128xi32, #tpu.memory_space<hbm>>
    tpu.wait_dma2 semaphore(%arg18 : memref<!tpu.dma_semaphore, #tpu.memory_space<semaphore_mem>>) src(%dma_wait3A_65 : memref<80x128xi32, #tpu.memory_space<hbm>>) dst(%arg11 : memref<80x128xi32, #tpu.memory_space<vmem>>)
    %barrier3A = arith.constant 0 : index
    tpu.barrier barrier_id(%barrier3A)
    %dma_start3A_66 = arith.constant 0 : i32
    %dma_start3A_67 = arith.constant 0 : i32
    %dma_start3A_68 = tpu.memref_slice %arg10[%dma_start3A_66, %dma_start3A_67] : memref<80x128xi32, #tpu.memory_space<vmem>> -> memref<1x128xi32, #tpu.memory_space<vmem>>
    %dma_start3A_69 = tpu.memref_squeeze %dma_start3A_68 : memref<1x128xi32, #tpu.memory_space<vmem>> -> memref<128xi32, #tpu.memory_space<vmem>>
    %dma_start3A_70 = arith.constant 0 : i32
    %dma_start3A_71 = arith.constant 0 : i32
    %dma_start3A_72 = tpu.memref_slice %arg15[%dma_start3A_70, %dma_start3A_71] : memref<10000x64xf32, #tpu.memory_space<vmem_shared>> -> memref<10000x64xf32, #tpu.memory_space<vmem_shared>>
    tpu.enqueue_indirect_dma source(%dma_start3A_72 : memref<10000x64xf32, #tpu.memory_space<vmem_shared>>) target(%arg12 : memref<128x64xf32, #tpu.memory_space<vmem>>) offsets(%dma_start3A_69 : memref<128xi32, #tpu.memory_space<vmem>>) semaphore(%arg17 : memref<!tpu.dma_semaphore, #tpu.memory_space<semaphore_mem>>)
    %dma_start3A_73 = arith.constant 1 : i32
    %dma_start3A_74 = arith.constant 0 : i32
    %dma_start3A_75 = tpu.memref_slice %arg10[%dma_start3A_73, %dma_start3A_74] : memref<80x128xi32, #tpu.memory_space<vmem>> -> memref<1x128xi32, #tpu.memory_space<vmem>>
    %dma_start3A_76 = tpu.memref_squeeze %dma_start3A_75 : memref<1x128xi32, #tpu.memory_space<vmem>> -> memref<128xi32, #tpu.memory_space<vmem>>
    %dma_start3A_77 = arith.constant 0 : i32
    %dma_start3A_78 = arith.constant 0 : i32
    %dma_start3A_79 = tpu.memref_slice %arg15[%dma_start3A_77, %dma_start3A_78] : memref<10000x64xf32, #tpu.memory_space<vmem_shared>> -> memref<10000x64xf32, #tpu.memory_space<vmem_shared>>
    tpu.enqueue_indirect_dma source(%dma_start3A_79 : memref<10000x64xf32, #tpu.memory_space<vmem_shared>>) target(%arg13 : memref<128x64xf32, #tpu.memory_space<vmem>>) offsets(%dma_start3A_76 : memref<128xi32, #tpu.memory_space<vmem>>) semaphore(%arg18 : memref<!tpu.dma_semaphore, #tpu.memory_space<semaphore_mem>>)
    %scan3A_80 = arith.constant 0 : i32
    %scan3A_81 = arith.constant 39 : i32
    %scan3A_82 = arith.addi %scan3A_80, %scan3A_81 : i32
    %scan3A_83 = arith.constant 1 : i32
    scf.for %scan3A_235 = %scan3A_80 to %scan3A_82 step %scan3A_83  : i32 {
      %mul3A_236 = arith.constant 2 : i32
      %mul3A_237 = arith.muli %mul3A_236, %scan3A_235 : i32
      %add3A_238 = arith.constant 0 : i32
      %add3A_239 = arith.addi %mul3A_237, %add3A_238 : i32
      %dma_wait3A_240 = arith.constant 0 : i32
      %dma_wait3A_241 = tpu.memref_slice %arg10[%add3A_239, %dma_wait3A_240] : memref<80x128xi32, #tpu.memory_space<vmem>> -> memref<1x128xi32, #tpu.memory_space<vmem>>
      %dma_wait3A_242 = tpu.memref_squeeze %dma_wait3A_241 : memref<1x128xi32, #tpu.memory_space<vmem>> -> memref<128xi32, #tpu.memory_space<vmem>>
      %dma_wait3A_243 = arith.constant 0 : i32
      %dma_wait3A_244 = arith.constant 0 : i32
      %dma_wait3A_245 = tpu.memref_slice %arg15[%dma_wait3A_243, %dma_wait3A_244] : memref<10000x64xf32, #tpu.memory_space<vmem_shared>> -> memref<10000x64xf32, #tpu.memory_space<vmem_shared>>
      tpu.wait_indirect_dma semaphore(%arg17 : memref<!tpu.dma_semaphore, #tpu.memory_space<semaphore_mem>>) src(%dma_wait3A_245 : memref<10000x64xf32, #tpu.memory_space<vmem_shared>>) dst(%arg12 : memref<128x64xf32, #tpu.memory_space<vmem>>)
      %add3A_246 = arith.constant 0 : i32
      %add3A_247 = arith.addi %mul3A_237, %add3A_246 : i32
      "tpu.region"() ({
        %run_scoped3A_278 = tpu.sem_alloc : memref<!tpu.dma_semaphore, #tpu.memory_space<semaphore_mem>>
        %dma_start3A_279 = arith.constant 0 : i32
        %dma_start3A_280 = tpu.memref_slice %arg11[%add3A_247, %dma_start3A_279] : memref<80x128xi32, #tpu.memory_space<vmem>> -> memref<1x128xi32, #tpu.memory_space<vmem>>
        %dma_start3A_281 = tpu.memref_squeeze %dma_start3A_280 : memref<1x128xi32, #tpu.memory_space<vmem>> -> memref<128xi32, #tpu.memory_space<vmem>>
        %dma_start3A_282 = arith.constant 0 : i32
        %dma_start3A_283 = arith.constant 0 : i32
        %dma_start3A_284 = tpu.memref_slice %arg16[%dma_start3A_282, %dma_start3A_283] : memref<10240x64xf32, #tpu.memory_space<vmem_shared>> -> memref<10240x64xf32, #tpu.memory_space<vmem_shared>>
        tpu.enqueue_indirect_dma source(%arg12 : memref<128x64xf32, #tpu.memory_space<vmem>>) target(%dma_start3A_284 : memref<10240x64xf32, #tpu.memory_space<vmem_shared>>) offsets(%dma_start3A_281 : memref<128xi32, #tpu.memory_space<vmem>>) semaphore(%run_scoped3A_278 : memref<!tpu.dma_semaphore, #tpu.memory_space<semaphore_mem>>) {add = true}
        %dma_wait3A_285 = arith.constant 0 : i32
        %dma_wait3A_286 = tpu.memref_slice %arg11[%add3A_247, %dma_wait3A_285] : memref<80x128xi32, #tpu.memory_space<vmem>> -> memref<1x128xi32, #tpu.memory_space<vmem>>
        %dma_wait3A_287 = tpu.memref_squeeze %dma_wait3A_286 : memref<1x128xi32, #tpu.memory_space<vmem>> -> memref<128xi32, #tpu.memory_space<vmem>>
        %dma_wait3A_288 = arith.constant 0 : i32
        %dma_wait3A_289 = arith.constant 0 : i32
        %dma_wait3A_290 = tpu.memref_slice %arg16[%dma_wait3A_288, %dma_wait3A_289] : memref<10240x64xf32, #tpu.memory_space<vmem_shared>> -> memref<10240x64xf32, #tpu.memory_space<vmem_shared>>
        tpu.wait_indirect_dma semaphore(%run_scoped3A_278 : memref<!tpu.dma_semaphore, #tpu.memory_space<semaphore_mem>>) src(%arg12 : memref<128x64xf32, #tpu.memory_space<vmem>>) dst(%dma_wait3A_290 : memref<10240x64xf32, #tpu.memory_space<vmem_shared>>)
        tpu.yield
      }) : () -> ()
      %add3A_248 = arith.constant 0 : i32
      %add3A_249 = arith.addi %mul3A_237, %add3A_248 : i32
      %add3A_250 = arith.constant 2 : i32
      %add3A_251 = arith.addi %add3A_249, %add3A_250 : i32
      %dma_start3A_252 = arith.constant 0 : i32
      %dma_start3A_253 = tpu.memref_slice %arg10[%add3A_251, %dma_start3A_252] : memref<80x128xi32, #tpu.memory_space<vmem>> -> memref<1x128xi32, #tpu.memory_space<vmem>>
      %dma_start3A_254 = tpu.memref_squeeze %dma_start3A_253 : memref<1x128xi32, #tpu.memory_space<vmem>> -> memref<128xi32, #tpu.memory_space<vmem>>
      %dma_start3A_255 = arith.constant 0 : i32
      %dma_start3A_256 = arith.constant 0 : i32
      %dma_start3A_257 = tpu.memref_slice %arg15[%dma_start3A_255, %dma_start3A_256] : memref<10000x64xf32, #tpu.memory_space<vmem_shared>> -> memref<10000x64xf32, #tpu.memory_space<vmem_shared>>
      tpu.enqueue_indirect_dma source(%dma_start3A_257 : memref<10000x64xf32, #tpu.memory_space<vmem_shared>>) target(%arg12 : memref<128x64xf32, #tpu.memory_space<vmem>>) offsets(%dma_start3A_254 : memref<128xi32, #tpu.memory_space<vmem>>) semaphore(%arg17 : memref<!tpu.dma_semaphore, #tpu.memory_space<semaphore_mem>>)
      %add3A_258 = arith.constant 1 : i32
      %add3A_259 = arith.addi %mul3A_237, %add3A_258 : i32
      %dma_wait3A_260 = arith.constant 0 : i32
      %dma_wait3A_261 = tpu.memref_slice %arg10[%add3A_259, %dma_wait3A_260] : memref<80x128xi32, #tpu.memory_space<vmem>> -> memref<1x128xi32, #tpu.memory_space<vmem>>
      %dma_wait3A_262 = tpu.memref_squeeze %dma_wait3A_261 : memref<1x128xi32, #tpu.memory_space<vmem>> -> memref<128xi32, #tpu.memory_space<vmem>>
      %dma_wait3A_263 = arith.constant 0 : i32
      %dma_wait3A_264 = arith.constant 0 : i32
      %dma_wait3A_265 = tpu.memref_slice %arg15[%dma_wait3A_263, %dma_wait3A_264] : memref<10000x64xf32, #tpu.memory_space<vmem_shared>> -> memref<10000x64xf32, #tpu.memory_space<vmem_shared>>
      tpu.wait_indirect_dma semaphore(%arg18 : memref<!tpu.dma_semaphore, #tpu.memory_space<semaphore_mem>>) src(%dma_wait3A_265 : memref<10000x64xf32, #tpu.memory_space<vmem_shared>>) dst(%arg13 : memref<128x64xf32, #tpu.memory_space<vmem>>)
      %add3A_266 = arith.constant 1 : i32
      %add3A_267 = arith.addi %mul3A_237, %add3A_266 : i32
      "tpu.region"() ({
        %run_scoped3A_278 = tpu.sem_alloc : memref<!tpu.dma_semaphore, #tpu.memory_space<semaphore_mem>>
        %dma_start3A_279 = arith.constant 0 : i32
        %dma_start3A_280 = tpu.memref_slice %arg11[%add3A_267, %dma_start3A_279] : memref<80x128xi32, #tpu.memory_space<vmem>> -> memref<1x128xi32, #tpu.memory_space<vmem>>
        %dma_start3A_281 = tpu.memref_squeeze %dma_start3A_280 : memref<1x128xi32, #tpu.memory_space<vmem>> -> memref<128xi32, #tpu.memory_space<vmem>>
        %dma_start3A_282 = arith.constant 0 : i32
        %dma_start3A_283 = arith.constant 0 : i32
        %dma_start3A_284 = tpu.memref_slice %arg16[%dma_start3A_282, %dma_start3A_283] : memref<10240x64xf32, #tpu.memory_space<vmem_shared>> -> memref<10240x64xf32, #tpu.memory_space<vmem_shared>>
        tpu.enqueue_indirect_dma source(%arg13 : memref<128x64xf32, #tpu.memory_space<vmem>>) target(%dma_start3A_284 : memref<10240x64xf32, #tpu.memory_space<vmem_shared>>) offsets(%dma_start3A_281 : memref<128xi32, #tpu.memory_space<vmem>>) semaphore(%run_scoped3A_278 : memref<!tpu.dma_semaphore, #tpu.memory_space<semaphore_mem>>) {add = true}
        %dma_wait3A_285 = arith.constant 0 : i32
        %dma_wait3A_286 = tpu.memref_slice %arg11[%add3A_267, %dma_wait3A_285] : memref<80x128xi32, #tpu.memory_space<vmem>> -> memref<1x128xi32, #tpu.memory_space<vmem>>
        %dma_wait3A_287 = tpu.memref_squeeze %dma_wait3A_286 : memref<1x128xi32, #tpu.memory_space<vmem>> -> memref<128xi32, #tpu.memory_space<vmem>>
        %dma_wait3A_288 = arith.constant 0 : i32
        %dma_wait3A_289 = arith.constant 0 : i32
        %dma_wait3A_290 = tpu.memref_slice %arg16[%dma_wait3A_288, %dma_wait3A_289] : memref<10240x64xf32, #tpu.memory_space<vmem_shared>> -> memref<10240x64xf32, #tpu.memory_space<vmem_shared>>
        tpu.wait_indirect_dma semaphore(%run_scoped3A_278 : memref<!tpu.dma_semaphore, #tpu.memory_space<semaphore_mem>>) src(%arg13 : memref<128x64xf32, #tpu.memory_space<vmem>>) dst(%dma_wait3A_290 : memref<10240x64xf32, #tpu.memory_space<vmem_shared>>)
        tpu.yield
      }) : () -> ()
      %add3A_268 = arith.constant 1 : i32
      %add3A_269 = arith.addi %mul3A_237, %add3A_268 : i32
      %add3A_270 = arith.constant 2 : i32
      %add3A_271 = arith.addi %add3A_269, %add3A_270 : i32
      %dma_start3A_272 = arith.constant 0 : i32
      %dma_start3A_273 = tpu.memref_slice %arg10[%add3A_271, %dma_start3A_272] : memref<80x128xi32, #tpu.memory_space<vmem>> -> memref<1x128xi32, #tpu.memory_space<vmem>>
      %dma_start3A_274 = tpu.memref_squeeze %dma_start3A_273 : memref<1x128xi32, #tpu.memory_space<vmem>> -> memref<128xi32, #tpu.memory_space<vmem>>
      %dma_start3A_275 = arith.constant 0 : i32
      %dma_start3A_276 = arith.constant 0 : i32
      %dma_start3A_277 = tpu.memref_slice %arg15[%dma_start3A_275, %dma_start3A_276] : memref<10000x64xf32, #tpu.memory_space<vmem_shared>> -> memref<10000x64xf32, #tpu.memory_space<vmem_shared>>
      tpu.enqueue_indirect_dma source(%dma_start3A_277 : memref<10000x64xf32, #tpu.memory_space<vmem_shared>>) target(%arg13 : memref<128x64xf32, #tpu.memory_space<vmem>>) offsets(%dma_start3A_274 : memref<128xi32, #tpu.memory_space<vmem>>) semaphore(%arg18 : memref<!tpu.dma_semaphore, #tpu.memory_space<semaphore_mem>>)
    }
    %scan3A_84 = arith.constant 39 : i32
    %dma_wait3A_85 = arith.constant 78 : i32
    %dma_wait3A_86 = arith.constant 0 : i32
    %dma_wait3A_87 = tpu.memref_slice %arg10[%dma_wait3A_85, %dma_wait3A_86] : memref<80x128xi32, #tpu.memory_space<vmem>> -> memref<1x128xi32, #tpu.memory_space<vmem>>
    %dma_wait3A_88 = tpu.memref_squeeze %dma_wait3A_87 : memref<1x128xi32, #tpu.memory_space<vmem>> -> memref<128xi32, #tpu.memory_space<vmem>>
    %dma_wait3A_89 = arith.constant 0 : i32
    %dma_wait3A_90 = arith.constant 0 : i32
    %dma_wait3A_91 = tpu.memref_slice %arg15[%dma_wait3A_89, %dma_wait3A_90] : memref<10000x64xf32, #tpu.memory_space<vmem_shared>> -> memref<10000x64xf32, #tpu.memory_space<vmem_shared>>
    tpu.wait_indirect_dma semaphore(%arg17 : memref<!tpu.dma_semaphore, #tpu.memory_space<semaphore_mem>>) src(%dma_wait3A_91 : memref<10000x64xf32, #tpu.memory_space<vmem_shared>>) dst(%arg12 : memref<128x64xf32, #tpu.memory_space<vmem>>)
    %run_scoped3A = arith.constant 78 : i32
    "tpu.region"() ({
      %run_scoped3A_235 = tpu.sem_alloc : memref<!tpu.dma_semaphore, #tpu.memory_space<semaphore_mem>>
      %dma_start3A_236 = arith.constant 0 : i32
      %dma_start3A_237 = tpu.memref_slice %arg11[%run_scoped3A, %dma_start3A_236] : memref<80x128xi32, #tpu.memory_space<vmem>> -> memref<1x128xi32, #tpu.memory_space<vmem>>
      %dma_start3A_238 = tpu.memref_squeeze %dma_start3A_237 : memref<1x128xi32, #tpu.memory_space<vmem>> -> memref<128xi32, #tpu.memory_space<vmem>>
      %dma_start3A_239 = arith.constant 0 : i32
      %dma_start3A_240 = arith.constant 0 : i32
      %dma_start3A_241 = tpu.memref_slice %arg16[%dma_start3A_239, %dma_start3A_240] : memref<10240x64xf32, #tpu.memory_space<vmem_shared>> -> memref<10240x64xf32, #tpu.memory_space<vmem_shared>>
      tpu.enqueue_indirect_dma source(%arg12 : memref<128x64xf32, #tpu.memory_space<vmem>>) target(%dma_start3A_241 : memref<10240x64xf32, #tpu.memory_space<vmem_shared>>) offsets(%dma_start3A_238 : memref<128xi32, #tpu.memory_space<vmem>>) semaphore(%run_scoped3A_235 : memref<!tpu.dma_semaphore, #tpu.memory_space<semaphore_mem>>) {add = true}
      %dma_wait3A_242 = arith.constant 0 : i32
      %dma_wait3A_243 = tpu.memref_slice %arg11[%run_scoped3A, %dma_wait3A_242] : memref<80x128xi32, #tpu.memory_space<vmem>> -> memref<1x128xi32, #tpu.memory_space<vmem>>
      %dma_wait3A_244 = tpu.memref_squeeze %dma_wait3A_243 : memref<1x128xi32, #tpu.memory_space<vmem>> -> memref<128xi32, #tpu.memory_space<vmem>>
      %dma_wait3A_245 = arith.constant 0 : i32
      %dma_wait3A_246 = arith.constant 0 : i32
      %dma_wait3A_247 = tpu.memref_slice %arg16[%dma_wait3A_245, %dma_wait3A_246] : memref<10240x64xf32, #tpu.memory_space<vmem_shared>> -> memref<10240x64xf32, #tpu.memory_space<vmem_shared>>
      tpu.wait_indirect_dma semaphore(%run_scoped3A_235 : memref<!tpu.dma_semaphore, #tpu.memory_space<semaphore_mem>>) src(%arg12 : memref<128x64xf32, #tpu.memory_space<vmem>>) dst(%dma_wait3A_247 : memref<10240x64xf32, #tpu.memory_space<vmem_shared>>)
      tpu.yield
    }) : () -> ()
    %dma_wait3A_92 = arith.constant 79 : i32
    %dma_wait3A_93 = arith.constant 0 : i32
    %dma_wait3A_94 = tpu.memref_slice %arg10[%dma_wait3A_92, %dma_wait3A_93] : memref<80x128xi32, #tpu.memory_space<vmem>> -> memref<1x128xi32, #tpu.memory_space<vmem>>
    %dma_wait3A_95 = tpu.memref_squeeze %dma_wait3A_94 : memref<1x128xi32, #tpu.memory_space<vmem>> -> memref<128xi32, #tpu.memory_space<vmem>>
    %dma_wait3A_96 = arith.constant 0 : i32
    %dma_wait3A_97 = arith.constant 0 : i32
    %dma_wait3A_98 = tpu.memref_slice %arg15[%dma_wait3A_96, %dma_wait3A_97] : memref<10000x64xf32, #tpu.memory_space<vmem_shared>> -> memref<10000x64xf32, #tpu.memory_space<vmem_shared>>
    tpu.wait_indirect_dma semaphore(%arg18 : memref<!tpu.dma_semaphore, #tpu.memory_space<semaphore_mem>>) src(%dma_wait3A_98 : memref<10000x64xf32, #tpu.memory_space<vmem_shared>>) dst(%arg13 : memref<128x64xf32, #tpu.memory_space<vmem>>)
    %run_scoped3A_99 = arith.constant 79 : i32
    "tpu.region"() ({
      %run_scoped3A_235 = tpu.sem_alloc : memref<!tpu.dma_semaphore, #tpu.memory_space<semaphore_mem>>
      %dma_start3A_236 = arith.constant 0 : i32
      %dma_start3A_237 = tpu.memref_slice %arg11[%run_scoped3A_99, %dma_start3A_236] : memref<80x128xi32, #tpu.memory_space<vmem>> -> memref<1x128xi32, #tpu.memory_space<vmem>>
      %dma_start3A_238 = tpu.memref_squeeze %dma_start3A_237 : memref<1x128xi32, #tpu.memory_space<vmem>> -> memref<128xi32, #tpu.memory_space<vmem>>
      %dma_start3A_239 = arith.constant 0 : i32
      %dma_start3A_240 = arith.constant 0 : i32
      %dma_start3A_241 = tpu.memref_slice %arg16[%dma_start3A_239, %dma_start3A_240] : memref<10240x64xf32, #tpu.memory_space<vmem_shared>> -> memref<10240x64xf32, #tpu.memory_space<vmem_shared>>
      tpu.enqueue_indirect_dma source(%arg13 : memref<128x64xf32, #tpu.memory_space<vmem>>) target(%dma_start3A_241 : memref<10240x64xf32, #tpu.memory_space<vmem_shared>>) offsets(%dma_start3A_238 : memref<128xi32, #tpu.memory_space<vmem>>) semaphore(%run_scoped3A_235 : memref<!tpu.dma_semaphore, #tpu.memory_space<semaphore_mem>>) {add = true}
      %dma_wait3A_242 = arith.constant 0 : i32
      %dma_wait3A_243 = tpu.memref_slice %arg11[%run_scoped3A_99, %dma_wait3A_242] : memref<80x128xi32, #tpu.memory_space<vmem>> -> memref<1x128xi32, #tpu.memory_space<vmem>>
      %dma_wait3A_244 = tpu.memref_squeeze %dma_wait3A_243 : memref<1x128xi32, #tpu.memory_space<vmem>> -> memref<128xi32, #tpu.memory_space<vmem>>
      %dma_wait3A_245 = arith.constant 0 : i32
      %dma_wait3A_246 = arith.constant 0 : i32
      %dma_wait3A_247 = tpu.memref_slice %arg16[%dma_wait3A_245, %dma_wait3A_246] : memref<10240x64xf32, #tpu.memory_space<vmem_shared>> -> memref<10240x64xf32, #tpu.memory_space<vmem_shared>>
      tpu.wait_indirect_dma semaphore(%run_scoped3A_235 : memref<!tpu.dma_semaphore, #tpu.memory_space<semaphore_mem>>) src(%arg13 : memref<128x64xf32, #tpu.memory_space<vmem>>) dst(%dma_wait3A_247 : memref<10240x64xf32, #tpu.memory_space<vmem_shared>>)
      tpu.yield
    }) : () -> ()
    %barrier3A_100 = arith.constant 0 : index
    tpu.barrier barrier_id(%barrier3A_100)
    %mul3A_101 = arith.constant 640 : i32
    %mul3A_102 = arith.muli %arg1, %mul3A_101 : i32
    %add3A_103 = arith.constant 0 : i32
    %add3A_104 = arith.addi %mul3A_102, %add3A_103 : i32
    "tpu.region"() ({
      %run_scoped3A_235 = tpu.sem_alloc : memref<!tpu.dma_semaphore, #tpu.memory_space<semaphore_mem>>
      %dma_start3A_236 = arith.constant 0 : i32
      %dma_start3A_237 = tpu.memref_slice %arg16[%add3A_104, %dma_start3A_236] : memref<10240x64xf32, #tpu.memory_space<vmem_shared>> -> memref<128x64xf32, #tpu.memory_space<vmem_shared>>
      %dma_start3A_238 = arith.constant 0 : i32
      %dma_start3A_239 = tpu.memref_slice %arg16[%add3A_104, %dma_start3A_238] : memref<10240x64xf32, #tpu.memory_space<vmem_shared>> -> memref<128x64xf32, #tpu.memory_space<vmem_shared>>
      tpu.enqueue_dma source(%dma_start3A_239 : memref<128x64xf32, #tpu.memory_space<vmem_shared>>) target(%arg14 : memref<128x64xf32, #tpu.memory_space<vmem>>) target_semaphore(%run_scoped3A_235 : memref<!tpu.dma_semaphore, #tpu.memory_space<semaphore_mem>>)
      %dma_wait3A_240 = arith.constant 0 : i32
      %dma_wait3A_241 = tpu.memref_slice %arg16[%add3A_104, %dma_wait3A_240] : memref<10240x64xf32, #tpu.memory_space<vmem_shared>> -> memref<128x64xf32, #tpu.memory_space<vmem_shared>>
      %dma_wait3A_242 = arith.constant 0 : i32
      %dma_wait3A_243 = tpu.memref_slice %arg16[%add3A_104, %dma_wait3A_242] : memref<10240x64xf32, #tpu.memory_space<vmem_shared>> -> memref<128x64xf32, #tpu.memory_space<vmem_shared>>
      tpu.wait_dma2 semaphore(%run_scoped3A_235 : memref<!tpu.dma_semaphore, #tpu.memory_space<semaphore_mem>>) src(%dma_wait3A_243 : memref<128x64xf32, #tpu.memory_space<vmem_shared>>) dst(%arg14 : memref<128x64xf32, #tpu.memory_space<vmem>>)
      tpu.yield
    }) : () -> ()
    "tpu.region"() ({
      %run_scoped3A_235 = tpu.sem_alloc : memref<!tpu.dma_semaphore, #tpu.memory_space<semaphore_mem>>
      %dma_start3A_236 = arith.constant 0 : i32
      %dma_start3A_237 = arith.constant 0 : i32
      %dma_start3A_238 = tpu.memref_slice %arg8[%arg0, %dma_start3A_236, %dma_start3A_237] : memref<2x10240x64xf32, #tpu.memory_space<hbm>> -> memref<1x10240x64xf32, #tpu.memory_space<hbm>>
      %dma_start3A_239 = tpu.memref_squeeze %dma_start3A_238 : memref<1x10240x64xf32, #tpu.memory_space<hbm>> -> memref<10240x64xf32, #tpu.memory_space<hbm>>
      %dma_start3A_240 = arith.constant 0 : i32
      %dma_start3A_241 = tpu.memref_slice %dma_start3A_239[%add3A_104, %dma_start3A_240] : memref<10240x64xf32, #tpu.memory_space<hbm>> -> memref<128x64xf32, #tpu.memory_space<hbm>>
      %dma_start3A_242 = arith.constant 0 : i32
      %dma_start3A_243 = arith.constant 0 : i32
      %dma_start3A_244 = tpu.memref_slice %arg8[%arg0, %dma_start3A_242, %dma_start3A_243] : memref<2x10240x64xf32, #tpu.memory_space<hbm>> -> memref<1x10240x64xf32, #tpu.memory_space<hbm>>
      %dma_start3A_245 = tpu.memref_squeeze %dma_start3A_244 : memref<1x10240x64xf32, #tpu.memory_space<hbm>> -> memref<10240x64xf32, #tpu.memory_space<hbm>>
      %dma_start3A_246 = arith.constant 0 : i32
      %dma_start3A_247 = tpu.memref_slice %dma_start3A_245[%add3A_104, %dma_start3A_246] : memref<10240x64xf32, #tpu.memory_space<hbm>> -> memref<128x64xf32, #tpu.memory_space<hbm>>
      tpu.enqueue_dma source(%arg14 : memref<128x64xf32, #tpu.memory_space<vmem>>) target(%dma_start3A_247 : memref<128x64xf32, #tpu.memory_space<hbm>>) target_semaphore(%run_scoped3A_235 : memref<!tpu.dma_semaphore, #tpu.memory_space<semaphore_mem>>)
      %dma_wait3A_248 = arith.constant 0 : i32
      %dma_wait3A_249 = arith.constant 0 : i32
      %dma_wait3A_250 = tpu.memref_slice %arg8[%arg0, %dma_wait3A_248, %dma_wait3A_249] : memref<2x10240x64xf32, #tpu.memory_space<hbm>> -> memref<1x10240x64xf32, #tpu.memory_space<hbm>>
      %dma_wait3A_251 = tpu.memref_squeeze %dma_wait3A_250 : memref<1x10240x64xf32, #tpu.memory_space<hbm>> -> memref<10240x64xf32, #tpu.memory_space<hbm>>
      %dma_wait3A_252 = arith.constant 0 : i32
      %dma_wait3A_253 = tpu.memref_slice %dma_wait3A_251[%add3A_104, %dma_wait3A_252] : memref<10240x64xf32, #tpu.memory_space<hbm>> -> memref<128x64xf32, #tpu.memory_space<hbm>>
      %dma_wait3A_254 = arith.constant 0 : i32
      %dma_wait3A_255 = arith.constant 0 : i32
      %dma_wait3A_256 = tpu.memref_slice %arg8[%arg0, %dma_wait3A_254, %dma_wait3A_255] : memref<2x10240x64xf32, #tpu.memory_space<hbm>> -> memref<1x10240x64xf32, #tpu.memory_space<hbm>>
      %dma_wait3A_257 = tpu.memref_squeeze %dma_wait3A_256 : memref<1x10240x64xf32, #tpu.memory_space<hbm>> -> memref<10240x64xf32, #tpu.memory_space<hbm>>
      %dma_wait3A_258 = arith.constant 0 : i32
      %dma_wait3A_259 = tpu.memref_slice %dma_wait3A_257[%add3A_104, %dma_wait3A_258] : memref<10240x64xf32, #tpu.memory_space<hbm>> -> memref<128x64xf32, #tpu.memory_space<hbm>>
      tpu.wait_dma2 semaphore(%run_scoped3A_235 : memref<!tpu.dma_semaphore, #tpu.memory_space<semaphore_mem>>) src(%arg14 : memref<128x64xf32, #tpu.memory_space<vmem>>) dst(%dma_wait3A_259 : memref<128x64xf32, #tpu.memory_space<hbm>>)
      tpu.yield
    }) : () -> ()
    %mul3A_105 = arith.constant 640 : i32
    %mul3A_106 = arith.muli %arg1, %mul3A_105 : i32
    %add3A_107 = arith.constant 128 : i32
    %add3A_108 = arith.addi %mul3A_106, %add3A_107 : i32
    "tpu.region"() ({
      %run_scoped3A_235 = tpu.sem_alloc : memref<!tpu.dma_semaphore, #tpu.memory_space<semaphore_mem>>
      %dma_start3A_236 = arith.constant 0 : i32
      %dma_start3A_237 = tpu.memref_slice %arg16[%add3A_108, %dma_start3A_236] : memref<10240x64xf32, #tpu.memory_space<vmem_shared>> -> memref<128x64xf32, #tpu.memory_space<vmem_shared>>
      %dma_start3A_238 = arith.constant 0 : i32
      %dma_start3A_239 = tpu.memref_slice %arg16[%add3A_108, %dma_start3A_238] : memref<10240x64xf32, #tpu.memory_space<vmem_shared>> -> memref<128x64xf32, #tpu.memory_space<vmem_shared>>
      tpu.enqueue_dma source(%dma_start3A_239 : memref<128x64xf32, #tpu.memory_space<vmem_shared>>) target(%arg14 : memref<128x64xf32, #tpu.memory_space<vmem>>) target_semaphore(%run_scoped3A_235 : memref<!tpu.dma_semaphore, #tpu.memory_space<semaphore_mem>>)
      %dma_wait3A_240 = arith.constant 0 : i32
      %dma_wait3A_241 = tpu.memref_slice %arg16[%add3A_108, %dma_wait3A_240] : memref<10240x64xf32, #tpu.memory_space<vmem_shared>> -> memref<128x64xf32, #tpu.memory_space<vmem_shared>>
      %dma_wait3A_242 = arith.constant 0 : i32
      %dma_wait3A_243 = tpu.memref_slice %arg16[%add3A_108, %dma_wait3A_242] : memref<10240x64xf32, #tpu.memory_space<vmem_shared>> -> memref<128x64xf32, #tpu.memory_space<vmem_shared>>
      tpu.wait_dma2 semaphore(%run_scoped3A_235 : memref<!tpu.dma_semaphore, #tpu.memory_space<semaphore_mem>>) src(%dma_wait3A_243 : memref<128x64xf32, #tpu.memory_space<vmem_shared>>) dst(%arg14 : memref<128x64xf32, #tpu.memory_space<vmem>>)
      tpu.yield
    }) : () -> ()
    "tpu.region"() ({
      %run_scoped3A_235 = tpu.sem_alloc : memref<!tpu.dma_semaphore, #tpu.memory_space<semaphore_mem>>
      %dma_start3A_236 = arith.constant 0 : i32
      %dma_start3A_237 = arith.constant 0 : i32
      %dma_start3A_238 = tpu.memref_slice %arg8[%arg0, %dma_start3A_236, %dma_start3A_237] : memref<2x10240x64xf32, #tpu.memory_space<hbm>> -> memref<1x10240x64xf32, #tpu.memory_space<hbm>>
      %dma_start3A_239 = tpu.memref_squeeze %dma_start3A_238 : memref<1x10240x64xf32, #tpu.memory_space<hbm>> -> memref<10240x64xf32, #tpu.memory_space<hbm>>
      %dma_start3A_240 = arith.constant 0 : i32
      %dma_start3A_241 = tpu.memref_slice %dma_start3A_239[%add3A_108, %dma_start3A_240] : memref<10240x64xf32, #tpu.memory_space<hbm>> -> memref<128x64xf32, #tpu.memory_space<hbm>>
      %dma_start3A_242 = arith.constant 0 : i32
      %dma_start3A_243 = arith.constant 0 : i32
      %dma_start3A_244 = tpu.memref_slice %arg8[%arg0, %dma_start3A_242, %dma_start3A_243] : memref<2x10240x64xf32, #tpu.memory_space<hbm>> -> memref<1x10240x64xf32, #tpu.memory_space<hbm>>
      %dma_start3A_245 = tpu.memref_squeeze %dma_start3A_244 : memref<1x10240x64xf32, #tpu.memory_space<hbm>> -> memref<10240x64xf32, #tpu.memory_space<hbm>>
      %dma_start3A_246 = arith.constant 0 : i32
      %dma_start3A_247 = tpu.memref_slice %dma_start3A_245[%add3A_108, %dma_start3A_246] : memref<10240x64xf32, #tpu.memory_space<hbm>> -> memref<128x64xf32, #tpu.memory_space<hbm>>
      tpu.enqueue_dma source(%arg14 : memref<128x64xf32, #tpu.memory_space<vmem>>) target(%dma_start3A_247 : memref<128x64xf32, #tpu.memory_space<hbm>>) target_semaphore(%run_scoped3A_235 : memref<!tpu.dma_semaphore, #tpu.memory_space<semaphore_mem>>)
      %dma_wait3A_248 = arith.constant 0 : i32
      %dma_wait3A_249 = arith.constant 0 : i32
      %dma_wait3A_250 = tpu.memref_slice %arg8[%arg0, %dma_wait3A_248, %dma_wait3A_249] : memref<2x10240x64xf32, #tpu.memory_space<hbm>> -> memref<1x10240x64xf32, #tpu.memory_space<hbm>>
      %dma_wait3A_251 = tpu.memref_squeeze %dma_wait3A_250 : memref<1x10240x64xf32, #tpu.memory_space<hbm>> -> memref<10240x64xf32, #tpu.memory_space<hbm>>
      %dma_wait3A_252 = arith.constant 0 : i32
      %dma_wait3A_253 = tpu.memref_slice %dma_wait3A_251[%add3A_108, %dma_wait3A_252] : memref<10240x64xf32, #tpu.memory_space<hbm>> -> memref<128x64xf32, #tpu.memory_space<hbm>>
      %dma_wait3A_254 = arith.constant 0 : i32
      %dma_wait3A_255 = arith.constant 0 : i32
      %dma_wait3A_256 = tpu.memref_slice %arg8[%arg0, %dma_wait3A_254, %dma_wait3A_255] : memref<2x10240x64xf32, #tpu.memory_space<hbm>> -> memref<1x10240x64xf32, #tpu.memory_space<hbm>>
      %dma_wait3A_257 = tpu.memref_squeeze %dma_wait3A_256 : memref<1x10240x64xf32, #tpu.memory_space<hbm>> -> memref<10240x64xf32, #tpu.memory_space<hbm>>
      %dma_wait3A_258 = arith.constant 0 : i32
      %dma_wait3A_259 = tpu.memref_slice %dma_wait3A_257[%add3A_108, %dma_wait3A_258] : memref<10240x64xf32, #tpu.memory_space<hbm>> -> memref<128x64xf32, #tpu.memory_space<hbm>>
      tpu.wait_dma2 semaphore(%run_scoped3A_235 : memref<!tpu.dma_semaphore, #tpu.memory_space<semaphore_mem>>) src(%arg14 : memref<128x64xf32, #tpu.memory_space<vmem>>) dst(%dma_wait3A_259 : memref<128x64xf32, #tpu.memory_space<hbm>>)
      tpu.yield
    }) : () -> ()
    %mul3A_109 = arith.constant 640 : i32
    %mul3A_110 = arith.muli %arg1, %mul3A_109 : i32
    %add3A_111 = arith.constant 256 : i32
    %add3A_112 = arith.addi %mul3A_110, %add3A_111 : i32
    "tpu.region"() ({
      %run_scoped3A_235 = tpu.sem_alloc : memref<!tpu.dma_semaphore, #tpu.memory_space<semaphore_mem>>
      %dma_start3A_236 = arith.constant 0 : i32
      %dma_start3A_237 = tpu.memref_slice %arg16[%add3A_112, %dma_start3A_236] : memref<10240x64xf32, #tpu.memory_space<vmem_shared>> -> memref<128x64xf32, #tpu.memory_space<vmem_shared>>
      %dma_start3A_238 = arith.constant 0 : i32
      %dma_start3A_239 = tpu.memref_slice %arg16[%add3A_112, %dma_start3A_238] : memref<10240x64xf32, #tpu.memory_space<vmem_shared>> -> memref<128x64xf32, #tpu.memory_space<vmem_shared>>
      tpu.enqueue_dma source(%dma_start3A_239 : memref<128x64xf32, #tpu.memory_space<vmem_shared>>) target(%arg14 : memref<128x64xf32, #tpu.memory_space<vmem>>) target_semaphore(%run_scoped3A_235 : memref<!tpu.dma_semaphore, #tpu.memory_space<semaphore_mem>>)
      %dma_wait3A_240 = arith.constant 0 : i32
      %dma_wait3A_241 = tpu.memref_slice %arg16[%add3A_112, %dma_wait3A_240] : memref<10240x64xf32, #tpu.memory_space<vmem_shared>> -> memref<128x64xf32, #tpu.memory_space<vmem_shared>>
      %dma_wait3A_242 = arith.constant 0 : i32
      %dma_wait3A_243 = tpu.memref_slice %arg16[%add3A_112, %dma_wait3A_242] : memref<10240x64xf32, #tpu.memory_space<vmem_shared>> -> memref<128x64xf32, #tpu.memory_space<vmem_shared>>
      tpu.wait_dma2 semaphore(%run_scoped3A_235 : memref<!tpu.dma_semaphore, #tpu.memory_space<semaphore_mem>>) src(%dma_wait3A_243 : memref<128x64xf32, #tpu.memory_space<vmem_shared>>) dst(%arg14 : memref<128x64xf32, #tpu.memory_space<vmem>>)
      tpu.yield
    }) : () -> ()
    "tpu.region"() ({
      %run_scoped3A_235 = tpu.sem_alloc : memref<!tpu.dma_semaphore, #tpu.memory_space<semaphore_mem>>
      %dma_start3A_236 = arith.constant 0 : i32
      %dma_start3A_237 = arith.constant 0 : i32
      %dma_start3A_238 = tpu.memref_slice %arg8[%arg0, %dma_start3A_236, %dma_start3A_237] : memref<2x10240x64xf32, #tpu.memory_space<hbm>> -> memref<1x10240x64xf32, #tpu.memory_space<hbm>>
      %dma_start3A_239 = tpu.memref_squeeze %dma_start3A_238 : memref<1x10240x64xf32, #tpu.memory_space<hbm>> -> memref<10240x64xf32, #tpu.memory_space<hbm>>
      %dma_start3A_240 = arith.constant 0 : i32
      %dma_start3A_241 = tpu.memref_slice %dma_start3A_239[%add3A_112, %dma_start3A_240] : memref<10240x64xf32, #tpu.memory_space<hbm>> -> memref<128x64xf32, #tpu.memory_space<hbm>>
      %dma_start3A_242 = arith.constant 0 : i32
      %dma_start3A_243 = arith.constant 0 : i32
      %dma_start3A_244 = tpu.memref_slice %arg8[%arg0, %dma_start3A_242, %dma_start3A_243] : memref<2x10240x64xf32, #tpu.memory_space<hbm>> -> memref<1x10240x64xf32, #tpu.memory_space<hbm>>
      %dma_start3A_245 = tpu.memref_squeeze %dma_start3A_244 : memref<1x10240x64xf32, #tpu.memory_space<hbm>> -> memref<10240x64xf32, #tpu.memory_space<hbm>>
      %dma_start3A_246 = arith.constant 0 : i32
      %dma_start3A_247 = tpu.memref_slice %dma_start3A_245[%add3A_112, %dma_start3A_246] : memref<10240x64xf32, #tpu.memory_space<hbm>> -> memref<128x64xf32, #tpu.memory_space<hbm>>
      tpu.enqueue_dma source(%arg14 : memref<128x64xf32, #tpu.memory_space<vmem>>) target(%dma_start3A_247 : memref<128x64xf32, #tpu.memory_space<hbm>>) target_semaphore(%run_scoped3A_235 : memref<!tpu.dma_semaphore, #tpu.memory_space<semaphore_mem>>)
      %dma_wait3A_248 = arith.constant 0 : i32
      %dma_wait3A_249 = arith.constant 0 : i32
      %dma_wait3A_250 = tpu.memref_slice %arg8[%arg0, %dma_wait3A_248, %dma_wait3A_249] : memref<2x10240x64xf32, #tpu.memory_space<hbm>> -> memref<1x10240x64xf32, #tpu.memory_space<hbm>>
      %dma_wait3A_251 = tpu.memref_squeeze %dma_wait3A_250 : memref<1x10240x64xf32, #tpu.memory_space<hbm>> -> memref<10240x64xf32, #tpu.memory_space<hbm>>
      %dma_wait3A_252 = arith.constant 0 : i32
      %dma_wait3A_253 = tpu.memref_slice %dma_wait3A_251[%add3A_112, %dma_wait3A_252] : memref<10240x64xf32, #tpu.memory_space<hbm>> -> memref<128x64xf32, #tpu.memory_space<hbm>>
      %dma_wait3A_254 = arith.constant 0 : i32
      %dma_wait3A_255 = arith.constant 0 : i32
      %dma_wait3A_256 = tpu.memref_slice %arg8[%arg0, %dma_wait3A_254, %dma_wait3A_255] : memref<2x10240x64xf32, #tpu.memory_space<hbm>> -> memref<1x10240x64xf32, #tpu.memory_space<hbm>>
      %dma_wait3A_257 = tpu.memref_squeeze %dma_wait3A_256 : memref<1x10240x64xf32, #tpu.memory_space<hbm>> -> memref<10240x64xf32, #tpu.memory_space<hbm>>
      %dma_wait3A_258 = arith.constant 0 : i32
      %dma_wait3A_259 = tpu.memref_slice %dma_wait3A_257[%add3A_112, %dma_wait3A_258] : memref<10240x64xf32, #tpu.memory_space<hbm>> -> memref<128x64xf32, #tpu.memory_space<hbm>>
      tpu.wait_dma2 semaphore(%run_scoped3A_235 : memref<!tpu.dma_semaphore, #tpu.memory_space<semaphore_mem>>) src(%arg14 : memref<128x64xf32, #tpu.memory_space<vmem>>) dst(%dma_wait3A_259 : memref<128x64xf32, #tpu.memory_space<hbm>>)
      tpu.yield
    }) : () -> ()
    %mul3A_113 = arith.constant 640 : i32
    %mul3A_114 = arith.muli %arg1, %mul3A_113 : i32
    %add3A_115 = arith.constant 384 : i32
    %add3A_116 = arith.addi %mul3A_114, %add3A_115 : i32
    "tpu.region"() ({
      %run_scoped3A_235 = tpu.sem_alloc : memref<!tpu.dma_semaphore, #tpu.memory_space<semaphore_mem>>
      %dma_start3A_236 = arith.constant 0 : i32
      %dma_start3A_237 = tpu.memref_slice %arg16[%add3A_116, %dma_start3A_236] : memref<10240x64xf32, #tpu.memory_space<vmem_shared>> -> memref<128x64xf32, #tpu.memory_space<vmem_shared>>
      %dma_start3A_238 = arith.constant 0 : i32
      %dma_start3A_239 = tpu.memref_slice %arg16[%add3A_116, %dma_start3A_238] : memref<10240x64xf32, #tpu.memory_space<vmem_shared>> -> memref<128x64xf32, #tpu.memory_space<vmem_shared>>
      tpu.enqueue_dma source(%dma_start3A_239 : memref<128x64xf32, #tpu.memory_space<vmem_shared>>) target(%arg14 : memref<128x64xf32, #tpu.memory_space<vmem>>) target_semaphore(%run_scoped3A_235 : memref<!tpu.dma_semaphore, #tpu.memory_space<semaphore_mem>>)
      %dma_wait3A_240 = arith.constant 0 : i32
      %dma_wait3A_241 = tpu.memref_slice %arg16[%add3A_116, %dma_wait3A_240] : memref<10240x64xf32, #tpu.memory_space<vmem_shared>> -> memref<128x64xf32, #tpu.memory_space<vmem_shared>>
      %dma_wait3A_242 = arith.constant 0 : i32
      %dma_wait3A_243 = tpu.memref_slice %arg16[%add3A_116, %dma_wait3A_242] : memref<10240x64xf32, #tpu.memory_space<vmem_shared>> -> memref<128x64xf32, #tpu.memory_space<vmem_shared>>
      tpu.wait_dma2 semaphore(%run_scoped3A_235 : memref<!tpu.dma_semaphore, #tpu.memory_space<semaphore_mem>>) src(%dma_wait3A_243 : memref<128x64xf32, #tpu.memory_space<vmem_shared>>) dst(%arg14 : memref<128x64xf32, #tpu.memory_space<vmem>>)
      tpu.yield
    }) : () -> ()
    "tpu.region"() ({
      %run_scoped3A_235 = tpu.sem_alloc : memref<!tpu.dma_semaphore, #tpu.memory_space<semaphore_mem>>
      %dma_start3A_236 = arith.constant 0 : i32
      %dma_start3A_237 = arith.constant 0 : i32
      %dma_start3A_238 = tpu.memref_slice %arg8[%arg0, %dma_start3A_236, %dma_start3A_237] : memref<2x10240x64xf32, #tpu.memory_space<hbm>> -> memref<1x10240x64xf32, #tpu.memory_space<hbm>>
      %dma_start3A_239 = tpu.memref_squeeze %dma_start3A_238 : memref<1x10240x64xf32, #tpu.memory_space<hbm>> -> memref<10240x64xf32, #tpu.memory_space<hbm>>
      %dma_start3A_240 = arith.constant 0 : i32
      %dma_start3A_241 = tpu.memref_slice %dma_start3A_239[%add3A_116, %dma_start3A_240] : memref<10240x64xf32, #tpu.memory_space<hbm>> -> memref<128x64xf32, #tpu.memory_space<hbm>>
      %dma_start3A_242 = arith.constant 0 : i32
      %dma_start3A_243 = arith.constant 0 : i32
      %dma_start3A_244 = tpu.memref_slice %arg8[%arg0, %dma_start3A_242, %dma_start3A_243] : memref<2x10240x64xf32, #tpu.memory_space<hbm>> -> memref<1x10240x64xf32, #tpu.memory_space<hbm>>
      %dma_start3A_245 = tpu.memref_squeeze %dma_start3A_244 : memref<1x10240x64xf32, #tpu.memory_space<hbm>> -> memref<10240x64xf32, #tpu.memory_space<hbm>>
      %dma_start3A_246 = arith.constant 0 : i32
      %dma_start3A_247 = tpu.memref_slice %dma_start3A_245[%add3A_116, %dma_start3A_246] : memref<10240x64xf32, #tpu.memory_space<hbm>> -> memref<128x64xf32, #tpu.memory_space<hbm>>
      tpu.enqueue_dma source(%arg14 : memref<128x64xf32, #tpu.memory_space<vmem>>) target(%dma_start3A_247 : memref<128x64xf32, #tpu.memory_space<hbm>>) target_semaphore(%run_scoped3A_235 : memref<!tpu.dma_semaphore, #tpu.memory_space<semaphore_mem>>)
      %dma_wait3A_248 = arith.constant 0 : i32
      %dma_wait3A_249 = arith.constant 0 : i32
      %dma_wait3A_250 = tpu.memref_slice %arg8[%arg0, %dma_wait3A_248, %dma_wait3A_249] : memref<2x10240x64xf32, #tpu.memory_space<hbm>> -> memref<1x10240x64xf32, #tpu.memory_space<hbm>>
      %dma_wait3A_251 = tpu.memref_squeeze %dma_wait3A_250 : memref<1x10240x64xf32, #tpu.memory_space<hbm>> -> memref<10240x64xf32, #tpu.memory_space<hbm>>
      %dma_wait3A_252 = arith.constant 0 : i32
      %dma_wait3A_253 = tpu.memref_slice %dma_wait3A_251[%add3A_116, %dma_wait3A_252] : memref<10240x64xf32, #tpu.memory_space<hbm>> -> memref<128x64xf32, #tpu.memory_space<hbm>>
      %dma_wait3A_254 = arith.constant 0 : i32
      %dma_wait3A_255 = arith.constant 0 : i32
      %dma_wait3A_256 = tpu.memref_slice %arg8[%arg0, %dma_wait3A_254, %dma_wait3A_255] : memref<2x10240x64xf32, #tpu.memory_space<hbm>> -> memref<1x10240x64xf32, #tpu.memory_space<hbm>>
      %dma_wait3A_257 = tpu.memref_squeeze %dma_wait3A_256 : memref<1x10240x64xf32, #tpu.memory_space<hbm>> -> memref<10240x64xf32, #tpu.memory_space<hbm>>
      %dma_wait3A_258 = arith.constant 0 : i32
      %dma_wait3A_259 = tpu.memref_slice %dma_wait3A_257[%add3A_116, %dma_wait3A_258] : memref<10240x64xf32, #tpu.memory_space<hbm>> -> memref<128x64xf32, #tpu.memory_space<hbm>>
      tpu.wait_dma2 semaphore(%run_scoped3A_235 : memref<!tpu.dma_semaphore, #tpu.memory_space<semaphore_mem>>) src(%arg14 : memref<128x64xf32, #tpu.memory_space<vmem>>) dst(%dma_wait3A_259 : memref<128x64xf32, #tpu.memory_space<hbm>>)
      tpu.yield
    }) : () -> ()
    %mul3A_117 = arith.constant 640 : i32
    %mul3A_118 = arith.muli %arg1, %mul3A_117 : i32
    %add3A_119 = arith.constant 512 : i32
    %add3A_120 = arith.addi %mul3A_118, %add3A_119 : i32
    "tpu.region"() ({
      %run_scoped3A_235 = tpu.sem_alloc : memref<!tpu.dma_semaphore, #tpu.memory_space<semaphore_mem>>
      %dma_start3A_236 = arith.constant 0 : i32
      %dma_start3A_237 = tpu.memref_slice %arg16[%add3A_120, %dma_start3A_236] : memref<10240x64xf32, #tpu.memory_space<vmem_shared>> -> memref<128x64xf32, #tpu.memory_space<vmem_shared>>
      %dma_start3A_238 = arith.constant 0 : i32
      %dma_start3A_239 = tpu.memref_slice %arg16[%add3A_120, %dma_start3A_238] : memref<10240x64xf32, #tpu.memory_space<vmem_shared>> -> memref<128x64xf32, #tpu.memory_space<vmem_shared>>
      tpu.enqueue_dma source(%dma_start3A_239 : memref<128x64xf32, #tpu.memory_space<vmem_shared>>) target(%arg14 : memref<128x64xf32, #tpu.memory_space<vmem>>) target_semaphore(%run_scoped3A_235 : memref<!tpu.dma_semaphore, #tpu.memory_space<semaphore_mem>>)
      %dma_wait3A_240 = arith.constant 0 : i32
      %dma_wait3A_241 = tpu.memref_slice %arg16[%add3A_120, %dma_wait3A_240] : memref<10240x64xf32, #tpu.memory_space<vmem_shared>> -> memref<128x64xf32, #tpu.memory_space<vmem_shared>>
      %dma_wait3A_242 = arith.constant 0 : i32
      %dma_wait3A_243 = tpu.memref_slice %arg16[%add3A_120, %dma_wait3A_242] : memref<10240x64xf32, #tpu.memory_space<vmem_shared>> -> memref<128x64xf32, #tpu.memory_space<vmem_shared>>
      tpu.wait_dma2 semaphore(%run_scoped3A_235 : memref<!tpu.dma_semaphore, #tpu.memory_space<semaphore_mem>>) src(%dma_wait3A_243 : memref<128x64xf32, #tpu.memory_space<vmem_shared>>) dst(%arg14 : memref<128x64xf32, #tpu.memory_space<vmem>>)
      tpu.yield
    }) : () -> ()
    "tpu.region"() ({
      %run_scoped3A_235 = tpu.sem_alloc : memref<!tpu.dma_semaphore, #tpu.memory_space<semaphore_mem>>
      %dma_start3A_236 = arith.constant 0 : i32
      %dma_start3A_237 = arith.constant 0 : i32
      %dma_start3A_238 = tpu.memref_slice %arg8[%arg0, %dma_start3A_236, %dma_start3A_237] : memref<2x10240x64xf32, #tpu.memory_space<hbm>> -> memref<1x10240x64xf32, #tpu.memory_space<hbm>>
      %dma_start3A_239 = tpu.memref_squeeze %dma_start3A_238 : memref<1x10240x64xf32, #tpu.memory_space<hbm>> -> memref<10240x64xf32, #tpu.memory_space<hbm>>
      %dma_start3A_240 = arith.constant 0 : i32
      %dma_start3A_241 = tpu.memref_slice %dma_start3A_239[%add3A_120, %dma_start3A_240] : memref<10240x64xf32, #tpu.memory_space<hbm>> -> memref<128x64xf32, #tpu.memory_space<hbm>>
      %dma_start3A_242 = arith.constant 0 : i32
      %dma_start3A_243 = arith.constant 0 : i32
      %dma_start3A_244 = tpu.memref_slice %arg8[%arg0, %dma_start3A_242, %dma_start3A_243] : memref<2x10240x64xf32, #tpu.memory_space<hbm>> -> memref<1x10240x64xf32, #tpu.memory_space<hbm>>
      %dma_start3A_245 = tpu.memref_squeeze %dma_start3A_244 : memref<1x10240x64xf32, #tpu.memory_space<hbm>> -> memref<10240x64xf32, #tpu.memory_space<hbm>>
      %dma_start3A_246 = arith.constant 0 : i32
      %dma_start3A_247 = tpu.memref_slice %dma_start3A_245[%add3A_120, %dma_start3A_246] : memref<10240x64xf32, #tpu.memory_space<hbm>> -> memref<128x64xf32, #tpu.memory_space<hbm>>
      tpu.enqueue_dma source(%arg14 : memref<128x64xf32, #tpu.memory_space<vmem>>) target(%dma_start3A_247 : memref<128x64xf32, #tpu.memory_space<hbm>>) target_semaphore(%run_scoped3A_235 : memref<!tpu.dma_semaphore, #tpu.memory_space<semaphore_mem>>)
      %dma_wait3A_248 = arith.constant 0 : i32
      %dma_wait3A_249 = arith.constant 0 : i32
      %dma_wait3A_250 = tpu.memref_slice %arg8[%arg0, %dma_wait3A_248, %dma_wait3A_249] : memref<2x10240x64xf32, #tpu.memory_space<hbm>> -> memref<1x10240x64xf32, #tpu.memory_space<hbm>>
      %dma_wait3A_251 = tpu.memref_squeeze %dma_wait3A_250 : memref<1x10240x64xf32, #tpu.memory_space<hbm>> -> memref<10240x64xf32, #tpu.memory_space<hbm>>
      %dma_wait3A_252 = arith.constant 0 : i32
      %dma_wait3A_253 = tpu.memref_slice %dma_wait3A_251[%add3A_120, %dma_wait3A_252] : memref<10240x64xf32, #tpu.memory_space<hbm>> -> memref<128x64xf32, #tpu.memory_space<hbm>>
      %dma_wait3A_254 = arith.constant 0 : i32
      %dma_wait3A_255 = arith.constant 0 : i32
      %dma_wait3A_256 = tpu.memref_slice %arg8[%arg0, %dma_wait3A_254, %dma_wait3A_255] : memref<2x10240x64xf32, #tpu.memory_space<hbm>> -> memref<1x10240x64xf32, #tpu.memory_space<hbm>>
      %dma_wait3A_257 = tpu.memref_squeeze %dma_wait3A_256 : memref<1x10240x64xf32, #tpu.memory_space<hbm>> -> memref<10240x64xf32, #tpu.memory_space<hbm>>
      %dma_wait3A_258 = arith.constant 0 : i32
      %dma_wait3A_259 = tpu.memref_slice %dma_wait3A_257[%add3A_120, %dma_wait3A_258] : memref<10240x64xf32, #tpu.memory_space<hbm>> -> memref<128x64xf32, #tpu.memory_space<hbm>>
      tpu.wait_dma2 semaphore(%run_scoped3A_235 : memref<!tpu.dma_semaphore, #tpu.memory_space<semaphore_mem>>) src(%arg14 : memref<128x64xf32, #tpu.memory_space<vmem>>) dst(%dma_wait3A_259 : memref<128x64xf32, #tpu.memory_space<hbm>>)
      tpu.yield
    }) : () -> ()
    %dma_start3A_121 = arith.constant 0 : i32
    %dma_start3A_122 = arith.constant 0 : i32
    %dma_start3A_123 = tpu.memref_slice %arg6[%add3A, %dma_start3A_121, %dma_start3A_122] : memref<32x80x128xi32, #tpu.memory_space<hbm>> -> memref<1x80x128xi32, #tpu.memory_space<hbm>>
    %dma_start3A_124 = tpu.memref_squeeze %dma_start3A_123 : memref<1x80x128xi32, #tpu.memory_space<hbm>> -> memref<80x128xi32, #tpu.memory_space<hbm>>
    %dma_start3A_125 = arith.constant 0 : i32
    %dma_start3A_126 = arith.constant 0 : i32
    %dma_start3A_127 = tpu.memref_slice %arg6[%add3A, %dma_start3A_125, %dma_start3A_126] : memref<32x80x128xi32, #tpu.memory_space<hbm>> -> memref<1x80x128xi32, #tpu.memory_space<hbm>>
    %dma_start3A_128 = tpu.memref_squeeze %dma_start3A_127 : memref<1x80x128xi32, #tpu.memory_space<hbm>> -> memref<80x128xi32, #tpu.memory_space<hbm>>
    tpu.enqueue_dma source(%dma_start3A_128 : memref<80x128xi32, #tpu.memory_space<hbm>>) target(%arg10 : memref<80x128xi32, #tpu.memory_space<vmem>>) target_semaphore(%arg17 : memref<!tpu.dma_semaphore, #tpu.memory_space<semaphore_mem>>)
    %dma_start3A_129 = arith.constant 0 : i32
    %dma_start3A_130 = arith.constant 0 : i32
    %dma_start3A_131 = tpu.memref_slice %arg7[%add3A, %dma_start3A_129, %dma_start3A_130] : memref<32x80x128xi32, #tpu.memory_space<hbm>> -> memref<1x80x128xi32, #tpu.memory_space<hbm>>
    %dma_start3A_132 = tpu.memref_squeeze %dma_start3A_131 : memref<1x80x128xi32, #tpu.memory_space<hbm>> -> memref<80x128xi32, #tpu.memory_space<hbm>>
    %dma_start3A_133 = arith.constant 0 : i32
    %dma_start3A_134 = arith.constant 0 : i32
    %dma_start3A_135 = tpu.memref_slice %arg7[%add3A, %dma_start3A_133, %dma_start3A_134] : memref<32x80x128xi32, #tpu.memory_space<hbm>> -> memref<1x80x128xi32, #tpu.memory_space<hbm>>
    %dma_start3A_136 = tpu.memref_squeeze %dma_start3A_135 : memref<1x80x128xi32, #tpu.memory_space<hbm>> -> memref<80x128xi32, #tpu.memory_space<hbm>>
    tpu.enqueue_dma source(%dma_start3A_136 : memref<80x128xi32, #tpu.memory_space<hbm>>) target(%arg11 : memref<80x128xi32, #tpu.memory_space<vmem>>) target_semaphore(%arg18 : memref<!tpu.dma_semaphore, #tpu.memory_space<semaphore_mem>>)
    %scan3A_137 = arith.constant 0 : i32
    %scan3A_138 = arith.constant 128 : i32
    %scan3A_139 = arith.addi %scan3A_137, %scan3A_138 : i32
    %scan3A_140 = arith.constant 1 : i32
    scf.for %scan3A_235 = %scan3A_137 to %scan3A_139 step %scan3A_140  : i32 {
      %swap3A = arith.index_cast %scan3A_235 : i32 to index
      %swap3A_236 = arith.constant 0 : index
      %swap3A_237 = tpu.vector_load %arg14[%swap3A, %swap3A_236] {strides = array<i32>} : memref<128x64xf32, #tpu.memory_space<vmem>>, vector<16xf32>,
      tpu.vector_store %arg14[%swap3A, %swap3A_236], %broadcast_in_dim3A_1 {strides = array<i32>} : memref<128x64xf32, #tpu.memory_space<vmem>>, vector<16xf32>,
      %swap3A_238 = arith.index_cast %scan3A_235 : i32 to index
      %swap3A_239 = arith.constant 16 : index
      %swap3A_240 = tpu.vector_load %arg14[%swap3A_238, %swap3A_239] {strides = array<i32>} : memref<128x64xf32, #tpu.memory_space<vmem>>, vector<16xf32>,
      tpu.vector_store %arg14[%swap3A_238, %swap3A_239], %broadcast_in_dim3A_1 {strides = array<i32>} : memref<128x64xf32, #tpu.memory_space<vmem>>, vector<16xf32>,
      %swap3A_241 = arith.index_cast %scan3A_235 : i32 to index
      %swap3A_242 = arith.constant 32 : index
      %swap3A_243 = tpu.vector_load %arg14[%swap3A_241, %swap3A_242] {strides = array<i32>} : memref<128x64xf32, #tpu.memory_space<vmem>>, vector<16xf32>,
      tpu.vector_store %arg14[%swap3A_241, %swap3A_242], %broadcast_in_dim3A_1 {strides = array<i32>} : memref<128x64xf32, #tpu.memory_space<vmem>>, vector<16xf32>,
      %swap3A_244 = arith.index_cast %scan3A_235 : i32 to index
      %swap3A_245 = arith.constant 48 : index
      %swap3A_246 = tpu.vector_load %arg14[%swap3A_244, %swap3A_245] {strides = array<i32>} : memref<128x64xf32, #tpu.memory_space<vmem>>, vector<16xf32>,
      tpu.vector_store %arg14[%swap3A_244, %swap3A_245], %broadcast_in_dim3A_1 {strides = array<i32>} : memref<128x64xf32, #tpu.memory_space<vmem>>, vector<16xf32>,
    }
    %scan3A_141 = arith.constant 128 : i32
    %mul3A_142 = arith.constant 640 : i32
    %mul3A_143 = arith.muli %arg1, %mul3A_142 : i32
    %add3A_144 = arith.constant 0 : i32
    %add3A_145 = arith.addi %mul3A_143, %add3A_144 : i32
    "tpu.region"() ({
      %run_scoped3A_235 = tpu.sem_alloc : memref<!tpu.dma_semaphore, #tpu.memory_space<semaphore_mem>>
      %dma_start3A_236 = arith.constant 0 : i32
      %dma_start3A_237 = tpu.memref_slice %arg16[%add3A_145, %dma_start3A_236] : memref<10240x64xf32, #tpu.memory_space<vmem_shared>> -> memref<128x64xf32, #tpu.memory_space<vmem_shared>>
      %dma_start3A_238 = arith.constant 0 : i32
      %dma_start3A_239 = tpu.memref_slice %arg16[%add3A_145, %dma_start3A_238] : memref<10240x64xf32, #tpu.memory_space<vmem_shared>> -> memref<128x64xf32, #tpu.memory_space<vmem_shared>>
      tpu.enqueue_dma source(%arg14 : memref<128x64xf32, #tpu.memory_space<vmem>>) target(%dma_start3A_239 : memref<128x64xf32, #tpu.memory_space<vmem_shared>>) target_semaphore(%run_scoped3A_235 : memref<!tpu.dma_semaphore, #tpu.memory_space<semaphore_mem>>)
      %dma_wait3A_240 = arith.constant 0 : i32
      %dma_wait3A_241 = tpu.memref_slice %arg16[%add3A_145, %dma_wait3A_240] : memref<10240x64xf32, #tpu.memory_space<vmem_shared>> -> memref<128x64xf32, #tpu.memory_space<vmem_shared>>
      %dma_wait3A_242 = arith.constant 0 : i32
      %dma_wait3A_243 = tpu.memref_slice %arg16[%add3A_145, %dma_wait3A_242] : memref<10240x64xf32, #tpu.memory_space<vmem_shared>> -> memref<128x64xf32, #tpu.memory_space<vmem_shared>>
      tpu.wait_dma2 semaphore(%run_scoped3A_235 : memref<!tpu.dma_semaphore, #tpu.memory_space<semaphore_mem>>) src(%arg14 : memref<128x64xf32, #tpu.memory_space<vmem>>) dst(%dma_wait3A_243 : memref<128x64xf32, #tpu.memory_space<vmem_shared>>)
      tpu.yield
    }) : () -> ()
    %mul3A_146 = arith.constant 640 : i32
    %mul3A_147 = arith.muli %arg1, %mul3A_146 : i32
    %add3A_148 = arith.constant 128 : i32
    %add3A_149 = arith.addi %mul3A_147, %add3A_148 : i32
    "tpu.region"() ({
      %run_scoped3A_235 = tpu.sem_alloc : memref<!tpu.dma_semaphore, #tpu.memory_space<semaphore_mem>>
      %dma_start3A_236 = arith.constant 0 : i32
      %dma_start3A_237 = tpu.memref_slice %arg16[%add3A_149, %dma_start3A_236] : memref<10240x64xf32, #tpu.memory_space<vmem_shared>> -> memref<128x64xf32, #tpu.memory_space<vmem_shared>>
      %dma_start3A_238 = arith.constant 0 : i32
      %dma_start3A_239 = tpu.memref_slice %arg16[%add3A_149, %dma_start3A_238] : memref<10240x64xf32, #tpu.memory_space<vmem_shared>> -> memref<128x64xf32, #tpu.memory_space<vmem_shared>>
      tpu.enqueue_dma source(%arg14 : memref<128x64xf32, #tpu.memory_space<vmem>>) target(%dma_start3A_239 : memref<128x64xf32, #tpu.memory_space<vmem_shared>>) target_semaphore(%run_scoped3A_235 : memref<!tpu.dma_semaphore, #tpu.memory_space<semaphore_mem>>)
      %dma_wait3A_240 = arith.constant 0 : i32
      %dma_wait3A_241 = tpu.memref_slice %arg16[%add3A_149, %dma_wait3A_240] : memref<10240x64xf32, #tpu.memory_space<vmem_shared>> -> memref<128x64xf32, #tpu.memory_space<vmem_shared>>
      %dma_wait3A_242 = arith.constant 0 : i32
      %dma_wait3A_243 = tpu.memref_slice %arg16[%add3A_149, %dma_wait3A_242] : memref<10240x64xf32, #tpu.memory_space<vmem_shared>> -> memref<128x64xf32, #tpu.memory_space<vmem_shared>>
      tpu.wait_dma2 semaphore(%run_scoped3A_235 : memref<!tpu.dma_semaphore, #tpu.memory_space<semaphore_mem>>) src(%arg14 : memref<128x64xf32, #tpu.memory_space<vmem>>) dst(%dma_wait3A_243 : memref<128x64xf32, #tpu.memory_space<vmem_shared>>)
      tpu.yield
    }) : () -> ()
    %mul3A_150 = arith.constant 640 : i32
    %mul3A_151 = arith.muli %arg1, %mul3A_150 : i32
    %add3A_152 = arith.constant 256 : i32
    %add3A_153 = arith.addi %mul3A_151, %add3A_152 : i32
    "tpu.region"() ({
      %run_scoped3A_235 = tpu.sem_alloc : memref<!tpu.dma_semaphore, #tpu.memory_space<semaphore_mem>>
      %dma_start3A_236 = arith.constant 0 : i32
      %dma_start3A_237 = tpu.memref_slice %arg16[%add3A_153, %dma_start3A_236] : memref<10240x64xf32, #tpu.memory_space<vmem_shared>> -> memref<128x64xf32, #tpu.memory_space<vmem_shared>>
      %dma_start3A_238 = arith.constant 0 : i32
      %dma_start3A_239 = tpu.memref_slice %arg16[%add3A_153, %dma_start3A_238] : memref<10240x64xf32, #tpu.memory_space<vmem_shared>> -> memref<128x64xf32, #tpu.memory_space<vmem_shared>>
      tpu.enqueue_dma source(%arg14 : memref<128x64xf32, #tpu.memory_space<vmem>>) target(%dma_start3A_239 : memref<128x64xf32, #tpu.memory_space<vmem_shared>>) target_semaphore(%run_scoped3A_235 : memref<!tpu.dma_semaphore, #tpu.memory_space<semaphore_mem>>)
      %dma_wait3A_240 = arith.constant 0 : i32
      %dma_wait3A_241 = tpu.memref_slice %arg16[%add3A_153, %dma_wait3A_240] : memref<10240x64xf32, #tpu.memory_space<vmem_shared>> -> memref<128x64xf32, #tpu.memory_space<vmem_shared>>
      %dma_wait3A_242 = arith.constant 0 : i32
      %dma_wait3A_243 = tpu.memref_slice %arg16[%add3A_153, %dma_wait3A_242] : memref<10240x64xf32, #tpu.memory_space<vmem_shared>> -> memref<128x64xf32, #tpu.memory_space<vmem_shared>>
      tpu.wait_dma2 semaphore(%run_scoped3A_235 : memref<!tpu.dma_semaphore, #tpu.memory_space<semaphore_mem>>) src(%arg14 : memref<128x64xf32, #tpu.memory_space<vmem>>) dst(%dma_wait3A_243 : memref<128x64xf32, #tpu.memory_space<vmem_shared>>)
      tpu.yield
    }) : () -> ()
    %mul3A_154 = arith.constant 640 : i32
    %mul3A_155 = arith.muli %arg1, %mul3A_154 : i32
    %add3A_156 = arith.constant 384 : i32
    %add3A_157 = arith.addi %mul3A_155, %add3A_156 : i32
    "tpu.region"() ({
      %run_scoped3A_235 = tpu.sem_alloc : memref<!tpu.dma_semaphore, #tpu.memory_space<semaphore_mem>>
      %dma_start3A_236 = arith.constant 0 : i32
      %dma_start3A_237 = tpu.memref_slice %arg16[%add3A_157, %dma_start3A_236] : memref<10240x64xf32, #tpu.memory_space<vmem_shared>> -> memref<128x64xf32, #tpu.memory_space<vmem_shared>>
      %dma_start3A_238 = arith.constant 0 : i32
      %dma_start3A_239 = tpu.memref_slice %arg16[%add3A_157, %dma_start3A_238] : memref<10240x64xf32, #tpu.memory_space<vmem_shared>> -> memref<128x64xf32, #tpu.memory_space<vmem_shared>>
      tpu.enqueue_dma source(%arg14 : memref<128x64xf32, #tpu.memory_space<vmem>>) target(%dma_start3A_239 : memref<128x64xf32, #tpu.memory_space<vmem_shared>>) target_semaphore(%run_scoped3A_235 : memref<!tpu.dma_semaphore, #tpu.memory_space<semaphore_mem>>)
      %dma_wait3A_240 = arith.constant 0 : i32
      %dma_wait3A_241 = tpu.memref_slice %arg16[%add3A_157, %dma_wait3A_240] : memref<10240x64xf32, #tpu.memory_space<vmem_shared>> -> memref<128x64xf32, #tpu.memory_space<vmem_shared>>
      %dma_wait3A_242 = arith.constant 0 : i32
      %dma_wait3A_243 = tpu.memref_slice %arg16[%add3A_157, %dma_wait3A_242] : memref<10240x64xf32, #tpu.memory_space<vmem_shared>> -> memref<128x64xf32, #tpu.memory_space<vmem_shared>>
      tpu.wait_dma2 semaphore(%run_scoped3A_235 : memref<!tpu.dma_semaphore, #tpu.memory_space<semaphore_mem>>) src(%arg14 : memref<128x64xf32, #tpu.memory_space<vmem>>) dst(%dma_wait3A_243 : memref<128x64xf32, #tpu.memory_space<vmem_shared>>)
      tpu.yield
    }) : () -> ()
    %mul3A_158 = arith.constant 640 : i32
    %mul3A_159 = arith.muli %arg1, %mul3A_158 : i32
    %add3A_160 = arith.constant 512 : i32
    %add3A_161 = arith.addi %mul3A_159, %add3A_160 : i32
    "tpu.region"() ({
      %run_scoped3A_235 = tpu.sem_alloc : memref<!tpu.dma_semaphore, #tpu.memory_space<semaphore_mem>>
      %dma_start3A_236 = arith.constant 0 : i32
      %dma_start3A_237 = tpu.memref_slice %arg16[%add3A_161, %dma_start3A_236] : memref<10240x64xf32, #tpu.memory_space<vmem_shared>> -> memref<128x64xf32, #tpu.memory_space<vmem_shared>>
      %dma_start3A_238 = arith.constant 0 : i32
      %dma_start3A_239 = tpu.memref_slice %arg16[%add3A_161, %dma_start3A_238] : memref<10240x64xf32, #tpu.memory_space<vmem_shared>> -> memref<128x64xf32, #tpu.memory_space<vmem_shared>>
      tpu.enqueue_dma source(%arg14 : memref<128x64xf32, #tpu.memory_space<vmem>>) target(%dma_start3A_239 : memref<128x64xf32, #tpu.memory_space<vmem_shared>>) target_semaphore(%run_scoped3A_235 : memref<!tpu.dma_semaphore, #tpu.memory_space<semaphore_mem>>)
      %dma_wait3A_240 = arith.constant 0 : i32
      %dma_wait3A_241 = tpu.memref_slice %arg16[%add3A_161, %dma_wait3A_240] : memref<10240x64xf32, #tpu.memory_space<vmem_shared>> -> memref<128x64xf32, #tpu.memory_space<vmem_shared>>
      %dma_wait3A_242 = arith.constant 0 : i32
      %dma_wait3A_243 = tpu.memref_slice %arg16[%add3A_161, %dma_wait3A_242] : memref<10240x64xf32, #tpu.memory_space<vmem_shared>> -> memref<128x64xf32, #tpu.memory_space<vmem_shared>>
      tpu.wait_dma2 semaphore(%run_scoped3A_235 : memref<!tpu.dma_semaphore, #tpu.memory_space<semaphore_mem>>) src(%arg14 : memref<128x64xf32, #tpu.memory_space<vmem>>) dst(%dma_wait3A_243 : memref<128x64xf32, #tpu.memory_space<vmem_shared>>)
      tpu.yield
    }) : () -> ()
    "tpu.region"() ({
      %run_scoped3A_235 = tpu.sem_alloc : memref<!tpu.dma_semaphore, #tpu.memory_space<semaphore_mem>>
      %dma_start3A_236 = arith.constant 0 : i32
      %dma_start3A_237 = tpu.memref_slice %arg15[%mul3A_3, %dma_start3A_236] : memref<10000x64xf32, #tpu.memory_space<vmem_shared>> -> memref<625x64xf32, #tpu.memory_space<vmem_shared>>
      %dma_start3A_238 = arith.constant 0 : i32
      %dma_start3A_239 = tpu.memref_slice %arg3[%mul3A_3, %dma_start3A_238] : memref<10000x64xf32, #tpu.memory_space<hbm>> -> memref<625x64xf32, #tpu.memory_space<hbm>>
      tpu.enqueue_dma source(%dma_start3A_239 : memref<625x64xf32, #tpu.memory_space<hbm>>) target(%dma_start3A_237 : memref<625x64xf32, #tpu.memory_space<vmem_shared>>) target_semaphore(%run_scoped3A_235 : memref<!tpu.dma_semaphore, #tpu.memory_space<semaphore_mem>>)
      %dma_wait3A_240 = arith.constant 0 : i32
      %dma_wait3A_241 = tpu.memref_slice %arg15[%mul3A_3, %dma_wait3A_240] : memref<10000x64xf32, #tpu.memory_space<vmem_shared>> -> memref<625x64xf32, #tpu.memory_space<vmem_shared>>
      %dma_wait3A_242 = arith.constant 0 : i32
      %dma_wait3A_243 = tpu.memref_slice %arg3[%mul3A_3, %dma_wait3A_242] : memref<10000x64xf32, #tpu.memory_space<hbm>> -> memref<625x64xf32, #tpu.memory_space<hbm>>
      tpu.wait_dma2 semaphore(%run_scoped3A_235 : memref<!tpu.dma_semaphore, #tpu.memory_space<semaphore_mem>>) src(%dma_wait3A_243 : memref<625x64xf32, #tpu.memory_space<hbm>>) dst(%dma_wait3A_241 : memref<625x64xf32, #tpu.memory_space<vmem_shared>>)
      tpu.yield
    }) : () -> ()
    %dma_wait3A_162 = arith.constant 0 : i32
    %dma_wait3A_163 = arith.constant 0 : i32
    %dma_wait3A_164 = tpu.memref_slice %arg6[%add3A, %dma_wait3A_162, %dma_wait3A_163] : memref<32x80x128xi32, #tpu.memory_space<hbm>> -> memref<1x80x128xi32, #tpu.memory_space<hbm>>
    %dma_wait3A_165 = tpu.memref_squeeze %dma_wait3A_164 : memref<1x80x128xi32, #tpu.memory_space<hbm>> -> memref<80x128xi32, #tpu.memory_space<hbm>>
    %dma_wait3A_166 = arith.constant 0 : i32
    %dma_wait3A_167 = arith.constant 0 : i32
    %dma_wait3A_168 = tpu.memref_slice %arg6[%add3A, %dma_wait3A_166, %dma_wait3A_167] : memref<32x80x128xi32, #tpu.memory_space<hbm>> -> memref<1x80x128xi32, #tpu.memory_space<hbm>>
    %dma_wait3A_169 = tpu.memref_squeeze %dma_wait3A_168 : memref<1x80x128xi32, #tpu.memory_space<hbm>> -> memref<80x128xi32, #tpu.memory_space<hbm>>
    tpu.wait_dma2 semaphore(%arg17 : memref<!tpu.dma_semaphore, #tpu.memory_space<semaphore_mem>>) src(%dma_wait3A_169 : memref<80x128xi32, #tpu.memory_space<hbm>>) dst(%arg10 : memref<80x128xi32, #tpu.memory_space<vmem>>)
    %dma_wait3A_170 = arith.constant 0 : i32
    %dma_wait3A_171 = arith.constant 0 : i32
    %dma_wait3A_172 = tpu.memref_slice %arg7[%add3A, %dma_wait3A_170, %dma_wait3A_171] : memref<32x80x128xi32, #tpu.memory_space<hbm>> -> memref<1x80x128xi32, #tpu.memory_space<hbm>>
    %dma_wait3A_173 = tpu.memref_squeeze %dma_wait3A_172 : memref<1x80x128xi32, #tpu.memory_space<hbm>> -> memref<80x128xi32, #tpu.memory_space<hbm>>
    %dma_wait3A_174 = arith.constant 0 : i32
    %dma_wait3A_175 = arith.constant 0 : i32
    %dma_wait3A_176 = tpu.memref_slice %arg7[%add3A, %dma_wait3A_174, %dma_wait3A_175] : memref<32x80x128xi32, #tpu.memory_space<hbm>> -> memref<1x80x128xi32, #tpu.memory_space<hbm>>
    %dma_wait3A_177 = tpu.memref_squeeze %dma_wait3A_176 : memref<1x80x128xi32, #tpu.memory_space<hbm>> -> memref<80x128xi32, #tpu.memory_space<hbm>>
    tpu.wait_dma2 semaphore(%arg18 : memref<!tpu.dma_semaphore, #tpu.memory_space<semaphore_mem>>) src(%dma_wait3A_177 : memref<80x128xi32, #tpu.memory_space<hbm>>) dst(%arg11 : memref<80x128xi32, #tpu.memory_space<vmem>>)
    %barrier3A_178 = arith.constant 0 : index
    tpu.barrier barrier_id(%barrier3A_178)
    %dma_start3A_179 = arith.constant 0 : i32
    %dma_start3A_180 = arith.constant 0 : i32
    %dma_start3A_181 = tpu.memref_slice %arg10[%dma_start3A_179, %dma_start3A_180] : memref<80x128xi32, #tpu.memory_space<vmem>> -> memref<1x128xi32, #tpu.memory_space<vmem>>
    %dma_start3A_182 = tpu.memref_squeeze %dma_start3A_181 : memref<1x128xi32, #tpu.memory_space<vmem>> -> memref<128xi32, #tpu.memory_space<vmem>>
    %dma_start3A_183 = arith.constant 0 : i32
    %dma_start3A_184 = arith.constant 0 : i32
    %dma_start3A_185 = tpu.memref_slice %arg15[%dma_start3A_183, %dma_start3A_184] : memref<10000x64xf32, #tpu.memory_space<vmem_shared>> -> memref<10000x64xf32, #tpu.memory_space<vmem_shared>>
    tpu.enqueue_indirect_dma source(%dma_start3A_185 : memref<10000x64xf32, #tpu.memory_space<vmem_shared>>) target(%arg12 : memref<128x64xf32, #tpu.memory_space<vmem>>) offsets(%dma_start3A_182 : memref<128xi32, #tpu.memory_space<vmem>>) semaphore(%arg17 : memref<!tpu.dma_semaphore, #tpu.memory_space<semaphore_mem>>)
    %dma_start3A_186 = arith.constant 1 : i32
    %dma_start3A_187 = arith.constant 0 : i32
    %dma_start3A_188 = tpu.memref_slice %arg10[%dma_start3A_186, %dma_start3A_187] : memref<80x128xi32, #tpu.memory_space<vmem>> -> memref<1x128xi32, #tpu.memory_space<vmem>>
    %dma_start3A_189 = tpu.memref_squeeze %dma_start3A_188 : memref<1x128xi32, #tpu.memory_space<vmem>> -> memref<128xi32, #tpu.memory_space<vmem>>
    %dma_start3A_190 = arith.constant 0 : i32
    %dma_start3A_191 = arith.constant 0 : i32
    %dma_start3A_192 = tpu.memref_slice %arg15[%dma_start3A_190, %dma_start3A_191] : memref<10000x64xf32, #tpu.memory_space<vmem_shared>> -> memref<10000x64xf32, #tpu.memory_space<vmem_shared>>
    tpu.enqueue_indirect_dma source(%dma_start3A_192 : memref<10000x64xf32, #tpu.memory_space<vmem_shared>>) target(%arg13 : memref<128x64xf32, #tpu.memory_space<vmem>>) offsets(%dma_start3A_189 : memref<128xi32, #tpu.memory_space<vmem>>) semaphore(%arg18 : memref<!tpu.dma_semaphore, #tpu.memory_space<semaphore_mem>>)
    %scan3A_193 = arith.constant 0 : i32
    %scan3A_194 = arith.constant 39 : i32
    %scan3A_195 = arith.addi %scan3A_193, %scan3A_194 : i32
    %scan3A_196 = arith.constant 1 : i32
    scf.for %scan3A_235 = %scan3A_193 to %scan3A_195 step %scan3A_196  : i32 {
      %mul3A_236 = arith.constant 2 : i32
      %mul3A_237 = arith.muli %mul3A_236, %scan3A_235 : i32
      %add3A_238 = arith.constant 0 : i32
      %add3A_239 = arith.addi %mul3A_237, %add3A_238 : i32
      %dma_wait3A_240 = arith.constant 0 : i32
      %dma_wait3A_241 = tpu.memref_slice %arg10[%add3A_239, %dma_wait3A_240] : memref<80x128xi32, #tpu.memory_space<vmem>> -> memref<1x128xi32, #tpu.memory_space<vmem>>
      %dma_wait3A_242 = tpu.memref_squeeze %dma_wait3A_241 : memref<1x128xi32, #tpu.memory_space<vmem>> -> memref<128xi32, #tpu.memory_space<vmem>>
      %dma_wait3A_243 = arith.constant 0 : i32
      %dma_wait3A_244 = arith.constant 0 : i32
      %dma_wait3A_245 = tpu.memref_slice %arg15[%dma_wait3A_243, %dma_wait3A_244] : memref<10000x64xf32, #tpu.memory_space<vmem_shared>> -> memref<10000x64xf32, #tpu.memory_space<vmem_shared>>
      tpu.wait_indirect_dma semaphore(%arg17 : memref<!tpu.dma_semaphore, #tpu.memory_space<semaphore_mem>>) src(%dma_wait3A_245 : memref<10000x64xf32, #tpu.memory_space<vmem_shared>>) dst(%arg12 : memref<128x64xf32, #tpu.memory_space<vmem>>)
      %add3A_246 = arith.constant 0 : i32
      %add3A_247 = arith.addi %mul3A_237, %add3A_246 : i32
      "tpu.region"() ({
        %run_scoped3A_278 = tpu.sem_alloc : memref<!tpu.dma_semaphore, #tpu.memory_space<semaphore_mem>>
        %dma_start3A_279 = arith.constant 0 : i32
        %dma_start3A_280 = tpu.memref_slice %arg11[%add3A_247, %dma_start3A_279] : memref<80x128xi32, #tpu.memory_space<vmem>> -> memref<1x128xi32, #tpu.memory_space<vmem>>
        %dma_start3A_281 = tpu.memref_squeeze %dma_start3A_280 : memref<1x128xi32, #tpu.memory_space<vmem>> -> memref<128xi32, #tpu.memory_space<vmem>>
        %dma_start3A_282 = arith.constant 0 : i32
        %dma_start3A_283 = arith.constant 0 : i32
        %dma_start3A_284 = tpu.memref_slice %arg16[%dma_start3A_282, %dma_start3A_283] : memref<10240x64xf32, #tpu.memory_space<vmem_shared>> -> memref<10240x64xf32, #tpu.memory_space<vmem_shared>>
        tpu.enqueue_indirect_dma source(%arg12 : memref<128x64xf32, #tpu.memory_space<vmem>>) target(%dma_start3A_284 : memref<10240x64xf32, #tpu.memory_space<vmem_shared>>) offsets(%dma_start3A_281 : memref<128xi32, #tpu.memory_space<vmem>>) semaphore(%run_scoped3A_278 : memref<!tpu.dma_semaphore, #tpu.memory_space<semaphore_mem>>) {add = true}
        %dma_wait3A_285 = arith.constant 0 : i32
        %dma_wait3A_286 = tpu.memref_slice %arg11[%add3A_247, %dma_wait3A_285] : memref<80x128xi32, #tpu.memory_space<vmem>> -> memref<1x128xi32, #tpu.memory_space<vmem>>
        %dma_wait3A_287 = tpu.memref_squeeze %dma_wait3A_286 : memref<1x128xi32, #tpu.memory_space<vmem>> -> memref<128xi32, #tpu.memory_space<vmem>>
        %dma_wait3A_288 = arith.constant 0 : i32
        %dma_wait3A_289 = arith.constant 0 : i32
        %dma_wait3A_290 = tpu.memref_slice %arg16[%dma_wait3A_288, %dma_wait3A_289] : memref<10240x64xf32, #tpu.memory_space<vmem_shared>> -> memref<10240x64xf32, #tpu.memory_space<vmem_shared>>
        tpu.wait_indirect_dma semaphore(%run_scoped3A_278 : memref<!tpu.dma_semaphore, #tpu.memory_space<semaphore_mem>>) src(%arg12 : memref<128x64xf32, #tpu.memory_space<vmem>>) dst(%dma_wait3A_290 : memref<10240x64xf32, #tpu.memory_space<vmem_shared>>)
        tpu.yield
      }) : () -> ()
      %add3A_248 = arith.constant 0 : i32
      %add3A_249 = arith.addi %mul3A_237, %add3A_248 : i32
      %add3A_250 = arith.constant 2 : i32
      %add3A_251 = arith.addi %add3A_249, %add3A_250 : i32
      %dma_start3A_252 = arith.constant 0 : i32
      %dma_start3A_253 = tpu.memref_slice %arg10[%add3A_251, %dma_start3A_252] : memref<80x128xi32, #tpu.memory_space<vmem>> -> memref<1x128xi32, #tpu.memory_space<vmem>>
      %dma_start3A_254 = tpu.memref_squeeze %dma_start3A_253 : memref<1x128xi32, #tpu.memory_space<vmem>> -> memref<128xi32, #tpu.memory_space<vmem>>
      %dma_start3A_255 = arith.constant 0 : i32
      %dma_start3A_256 = arith.constant 0 : i32
      %dma_start3A_257 = tpu.memref_slice %arg15[%dma_start3A_255, %dma_start3A_256] : memref<10000x64xf32, #tpu.memory_space<vmem_shared>> -> memref<10000x64xf32, #tpu.memory_space<vmem_shared>>
      tpu.enqueue_indirect_dma source(%dma_start3A_257 : memref<10000x64xf32, #tpu.memory_space<vmem_shared>>) target(%arg12 : memref<128x64xf32, #tpu.memory_space<vmem>>) offsets(%dma_start3A_254 : memref<128xi32, #tpu.memory_space<vmem>>) semaphore(%arg17 : memref<!tpu.dma_semaphore, #tpu.memory_space<semaphore_mem>>)
      %add3A_258 = arith.constant 1 : i32
      %add3A_259 = arith.addi %mul3A_237, %add3A_258 : i32
      %dma_wait3A_260 = arith.constant 0 : i32
      %dma_wait3A_261 = tpu.memref_slice %arg10[%add3A_259, %dma_wait3A_260] : memref<80x128xi32, #tpu.memory_space<vmem>> -> memref<1x128xi32, #tpu.memory_space<vmem>>
      %dma_wait3A_262 = tpu.memref_squeeze %dma_wait3A_261 : memref<1x128xi32, #tpu.memory_space<vmem>> -> memref<128xi32, #tpu.memory_space<vmem>>
      %dma_wait3A_263 = arith.constant 0 : i32
      %dma_wait3A_264 = arith.constant 0 : i32
      %dma_wait3A_265 = tpu.memref_slice %arg15[%dma_wait3A_263, %dma_wait3A_264] : memref<10000x64xf32, #tpu.memory_space<vmem_shared>> -> memref<10000x64xf32, #tpu.memory_space<vmem_shared>>
      tpu.wait_indirect_dma semaphore(%arg18 : memref<!tpu.dma_semaphore, #tpu.memory_space<semaphore_mem>>) src(%dma_wait3A_265 : memref<10000x64xf32, #tpu.memory_space<vmem_shared>>) dst(%arg13 : memref<128x64xf32, #tpu.memory_space<vmem>>)
      %add3A_266 = arith.constant 1 : i32
      %add3A_267 = arith.addi %mul3A_237, %add3A_266 : i32
      "tpu.region"() ({
        %run_scoped3A_278 = tpu.sem_alloc : memref<!tpu.dma_semaphore, #tpu.memory_space<semaphore_mem>>
        %dma_start3A_279 = arith.constant 0 : i32
        %dma_start3A_280 = tpu.memref_slice %arg11[%add3A_267, %dma_start3A_279] : memref<80x128xi32, #tpu.memory_space<vmem>> -> memref<1x128xi32, #tpu.memory_space<vmem>>
        %dma_start3A_281 = tpu.memref_squeeze %dma_start3A_280 : memref<1x128xi32, #tpu.memory_space<vmem>> -> memref<128xi32, #tpu.memory_space<vmem>>
        %dma_start3A_282 = arith.constant 0 : i32
        %dma_start3A_283 = arith.constant 0 : i32
        %dma_start3A_284 = tpu.memref_slice %arg16[%dma_start3A_282, %dma_start3A_283] : memref<10240x64xf32, #tpu.memory_space<vmem_shared>> -> memref<10240x64xf32, #tpu.memory_space<vmem_shared>>
        tpu.enqueue_indirect_dma source(%arg13 : memref<128x64xf32, #tpu.memory_space<vmem>>) target(%dma_start3A_284 : memref<10240x64xf32, #tpu.memory_space<vmem_shared>>) offsets(%dma_start3A_281 : memref<128xi32, #tpu.memory_space<vmem>>) semaphore(%run_scoped3A_278 : memref<!tpu.dma_semaphore, #tpu.memory_space<semaphore_mem>>) {add = true}
        %dma_wait3A_285 = arith.constant 0 : i32
        %dma_wait3A_286 = tpu.memref_slice %arg11[%add3A_267, %dma_wait3A_285] : memref<80x128xi32, #tpu.memory_space<vmem>> -> memref<1x128xi32, #tpu.memory_space<vmem>>
        %dma_wait3A_287 = tpu.memref_squeeze %dma_wait3A_286 : memref<1x128xi32, #tpu.memory_space<vmem>> -> memref<128xi32, #tpu.memory_space<vmem>>
        %dma_wait3A_288 = arith.constant 0 : i32
        %dma_wait3A_289 = arith.constant 0 : i32
        %dma_wait3A_290 = tpu.memref_slice %arg16[%dma_wait3A_288, %dma_wait3A_289] : memref<10240x64xf32, #tpu.memory_space<vmem_shared>> -> memref<10240x64xf32, #tpu.memory_space<vmem_shared>>
        tpu.wait_indirect_dma semaphore(%run_scoped3A_278 : memref<!tpu.dma_semaphore, #tpu.memory_space<semaphore_mem>>) src(%arg13 : memref<128x64xf32, #tpu.memory_space<vmem>>) dst(%dma_wait3A_290 : memref<10240x64xf32, #tpu.memory_space<vmem_shared>>)
        tpu.yield
      }) : () -> ()
      %add3A_268 = arith.constant 1 : i32
      %add3A_269 = arith.addi %mul3A_237, %add3A_268 : i32
      %add3A_270 = arith.constant 2 : i32
      %add3A_271 = arith.addi %add3A_269, %add3A_270 : i32
      %dma_start3A_272 = arith.constant 0 : i32
      %dma_start3A_273 = tpu.memref_slice %arg10[%add3A_271, %dma_start3A_272] : memref<80x128xi32, #tpu.memory_space<vmem>> -> memref<1x128xi32, #tpu.memory_space<vmem>>
      %dma_start3A_274 = tpu.memref_squeeze %dma_start3A_273 : memref<1x128xi32, #tpu.memory_space<vmem>> -> memref<128xi32, #tpu.memory_space<vmem>>
      %dma_start3A_275 = arith.constant 0 : i32
      %dma_start3A_276 = arith.constant 0 : i32
      %dma_start3A_277 = tpu.memref_slice %arg15[%dma_start3A_275, %dma_start3A_276] : memref<10000x64xf32, #tpu.memory_space<vmem_shared>> -> memref<10000x64xf32, #tpu.memory_space<vmem_shared>>
      tpu.enqueue_indirect_dma source(%dma_start3A_277 : memref<10000x64xf32, #tpu.memory_space<vmem_shared>>) target(%arg13 : memref<128x64xf32, #tpu.memory_space<vmem>>) offsets(%dma_start3A_274 : memref<128xi32, #tpu.memory_space<vmem>>) semaphore(%arg18 : memref<!tpu.dma_semaphore, #tpu.memory_space<semaphore_mem>>)
    }
    %scan3A_197 = arith.constant 39 : i32
    %dma_wait3A_198 = arith.constant 78 : i32
    %dma_wait3A_199 = arith.constant 0 : i32
    %dma_wait3A_200 = tpu.memref_slice %arg10[%dma_wait3A_198, %dma_wait3A_199] : memref<80x128xi32, #tpu.memory_space<vmem>> -> memref<1x128xi32, #tpu.memory_space<vmem>>
    %dma_wait3A_201 = tpu.memref_squeeze %dma_wait3A_200 : memref<1x128xi32, #tpu.memory_space<vmem>> -> memref<128xi32, #tpu.memory_space<vmem>>
    %dma_wait3A_202 = arith.constant 0 : i32
    %dma_wait3A_203 = arith.constant 0 : i32
    %dma_wait3A_204 = tpu.memref_slice %arg15[%dma_wait3A_202, %dma_wait3A_203] : memref<10000x64xf32, #tpu.memory_space<vmem_shared>> -> memref<10000x64xf32, #tpu.memory_space<vmem_shared>>
    tpu.wait_indirect_dma semaphore(%arg17 : memref<!tpu.dma_semaphore, #tpu.memory_space<semaphore_mem>>) src(%dma_wait3A_204 : memref<10000x64xf32, #tpu.memory_space<vmem_shared>>) dst(%arg12 : memref<128x64xf32, #tpu.memory_space<vmem>>)
    %run_scoped3A_205 = arith.constant 78 : i32
    "tpu.region"() ({
      %run_scoped3A_235 = tpu.sem_alloc : memref<!tpu.dma_semaphore, #tpu.memory_space<semaphore_mem>>
      %dma_start3A_236 = arith.constant 0 : i32
      %dma_start3A_237 = tpu.memref_slice %arg11[%run_scoped3A_205, %dma_start3A_236] : memref<80x128xi32, #tpu.memory_space<vmem>> -> memref<1x128xi32, #tpu.memory_space<vmem>>
      %dma_start3A_238 = tpu.memref_squeeze %dma_start3A_237 : memref<1x128xi32, #tpu.memory_space<vmem>> -> memref<128xi32, #tpu.memory_space<vmem>>
      %dma_start3A_239 = arith.constant 0 : i32
      %dma_start3A_240 = arith.constant 0 : i32
      %dma_start3A_241 = tpu.memref_slice %arg16[%dma_start3A_239, %dma_start3A_240] : memref<10240x64xf32, #tpu.memory_space<vmem_shared>> -> memref<10240x64xf32, #tpu.memory_space<vmem_shared>>
      tpu.enqueue_indirect_dma source(%arg12 : memref<128x64xf32, #tpu.memory_space<vmem>>) target(%dma_start3A_241 : memref<10240x64xf32, #tpu.memory_space<vmem_shared>>) offsets(%dma_start3A_238 : memref<128xi32, #tpu.memory_space<vmem>>) semaphore(%run_scoped3A_235 : memref<!tpu.dma_semaphore, #tpu.memory_space<semaphore_mem>>) {add = true}
      %dma_wait3A_242 = arith.constant 0 : i32
      %dma_wait3A_243 = tpu.memref_slice %arg11[%run_scoped3A_205, %dma_wait3A_242] : memref<80x128xi32, #tpu.memory_space<vmem>> -> memref<1x128xi32, #tpu.memory_space<vmem>>
      %dma_wait3A_244 = tpu.memref_squeeze %dma_wait3A_243 : memref<1x128xi32, #tpu.memory_space<vmem>> -> memref<128xi32, #tpu.memory_space<vmem>>
      %dma_wait3A_245 = arith.constant 0 : i32
      %dma_wait3A_246 = arith.constant 0 : i32
      %dma_wait3A_247 = tpu.memref_slice %arg16[%dma_wait3A_245, %dma_wait3A_246] : memref<10240x64xf32, #tpu.memory_space<vmem_shared>> -> memref<10240x64xf32, #tpu.memory_space<vmem_shared>>
      tpu.wait_indirect_dma semaphore(%run_scoped3A_235 : memref<!tpu.dma_semaphore, #tpu.memory_space<semaphore_mem>>) src(%arg12 : memref<128x64xf32, #tpu.memory_space<vmem>>) dst(%dma_wait3A_247 : memref<10240x64xf32, #tpu.memory_space<vmem_shared>>)
      tpu.yield
    }) : () -> ()
    %dma_wait3A_206 = arith.constant 79 : i32
    %dma_wait3A_207 = arith.constant 0 : i32
    %dma_wait3A_208 = tpu.memref_slice %arg10[%dma_wait3A_206, %dma_wait3A_207] : memref<80x128xi32, #tpu.memory_space<vmem>> -> memref<1x128xi32, #tpu.memory_space<vmem>>
    %dma_wait3A_209 = tpu.memref_squeeze %dma_wait3A_208 : memref<1x128xi32, #tpu.memory_space<vmem>> -> memref<128xi32, #tpu.memory_space<vmem>>
    %dma_wait3A_210 = arith.constant 0 : i32
    %dma_wait3A_211 = arith.constant 0 : i32
    %dma_wait3A_212 = tpu.memref_slice %arg15[%dma_wait3A_210, %dma_wait3A_211] : memref<10000x64xf32, #tpu.memory_space<vmem_shared>> -> memref<10000x64xf32, #tpu.memory_space<vmem_shared>>
    tpu.wait_indirect_dma semaphore(%arg18 : memref<!tpu.dma_semaphore, #tpu.memory_space<semaphore_mem>>) src(%dma_wait3A_212 : memref<10000x64xf32, #tpu.memory_space<vmem_shared>>) dst(%arg13 : memref<128x64xf32, #tpu.memory_space<vmem>>)
    %run_scoped3A_213 = arith.constant 79 : i32
    "tpu.region"() ({
      %run_scoped3A_235 = tpu.sem_alloc : memref<!tpu.dma_semaphore, #tpu.memory_space<semaphore_mem>>
      %dma_start3A_236 = arith.constant 0 : i32
      %dma_start3A_237 = tpu.memref_slice %arg11[%run_scoped3A_213, %dma_start3A_236] : memref<80x128xi32, #tpu.memory_space<vmem>> -> memref<1x128xi32, #tpu.memory_space<vmem>>
      %dma_start3A_238 = tpu.memref_squeeze %dma_start3A_237 : memref<1x128xi32, #tpu.memory_space<vmem>> -> memref<128xi32, #tpu.memory_space<vmem>>
      %dma_start3A_239 = arith.constant 0 : i32
      %dma_start3A_240 = arith.constant 0 : i32
      %dma_start3A_241 = tpu.memref_slice %arg16[%dma_start3A_239, %dma_start3A_240] : memref<10240x64xf32, #tpu.memory_space<vmem_shared>> -> memref<10240x64xf32, #tpu.memory_space<vmem_shared>>
      tpu.enqueue_indirect_dma source(%arg13 : memref<128x64xf32, #tpu.memory_space<vmem>>) target(%dma_start3A_241 : memref<10240x64xf32, #tpu.memory_space<vmem_shared>>) offsets(%dma_start3A_238 : memref<128xi32, #tpu.memory_space<vmem>>) semaphore(%run_scoped3A_235 : memref<!tpu.dma_semaphore, #tpu.memory_space<semaphore_mem>>) {add = true}
      %dma_wait3A_242 = arith.constant 0 : i32
      %dma_wait3A_243 = tpu.memref_slice %arg11[%run_scoped3A_213, %dma_wait3A_242] : memref<80x128xi32, #tpu.memory_space<vmem>> -> memref<1x128xi32, #tpu.memory_space<vmem>>
      %dma_wait3A_244 = tpu.memref_squeeze %dma_wait3A_243 : memref<1x128xi32, #tpu.memory_space<vmem>> -> memref<128xi32, #tpu.memory_space<vmem>>
      %dma_wait3A_245 = arith.constant 0 : i32
      %dma_wait3A_246 = arith.constant 0 : i32
      %dma_wait3A_247 = tpu.memref_slice %arg16[%dma_wait3A_245, %dma_wait3A_246] : memref<10240x64xf32, #tpu.memory_space<vmem_shared>> -> memref<10240x64xf32, #tpu.memory_space<vmem_shared>>
      tpu.wait_indirect_dma semaphore(%run_scoped3A_235 : memref<!tpu.dma_semaphore, #tpu.memory_space<semaphore_mem>>) src(%arg13 : memref<128x64xf32, #tpu.memory_space<vmem>>) dst(%dma_wait3A_247 : memref<10240x64xf32, #tpu.memory_space<vmem_shared>>)
      tpu.yield
    }) : () -> ()
    %barrier3A_214 = arith.constant 0 : index
    tpu.barrier barrier_id(%barrier3A_214)
    %mul3A_215 = arith.constant 640 : i32
    %mul3A_216 = arith.muli %arg1, %mul3A_215 : i32
    %add3A_217 = arith.constant 0 : i32
    %add3A_218 = arith.addi %mul3A_216, %add3A_217 : i32
    "tpu.region"() ({
      %run_scoped3A_235 = tpu.sem_alloc : memref<!tpu.dma_semaphore, #tpu.memory_space<semaphore_mem>>
      %dma_start3A_236 = arith.constant 0 : i32
      %dma_start3A_237 = tpu.memref_slice %arg16[%add3A_218, %dma_start3A_236] : memref<10240x64xf32, #tpu.memory_space<vmem_shared>> -> memref<128x64xf32, #tpu.memory_space<vmem_shared>>
      %dma_start3A_238 = arith.constant 0 : i32
      %dma_start3A_239 = tpu.memref_slice %arg16[%add3A_218, %dma_start3A_238] : memref<10240x64xf32, #tpu.memory_space<vmem_shared>> -> memref<128x64xf32, #tpu.memory_space<vmem_shared>>
      tpu.enqueue_dma source(%dma_start3A_239 : memref<128x64xf32, #tpu.memory_space<vmem_shared>>) target(%arg14 : memref<128x64xf32, #tpu.memory_space<vmem>>) target_semaphore(%run_scoped3A_235 : memref<!tpu.dma_semaphore, #tpu.memory_space<semaphore_mem>>)
      %dma_wait3A_240 = arith.constant 0 : i32
      %dma_wait3A_241 = tpu.memref_slice %arg16[%add3A_218, %dma_wait3A_240] : memref<10240x64xf32, #tpu.memory_space<vmem_shared>> -> memref<128x64xf32, #tpu.memory_space<vmem_shared>>
      %dma_wait3A_242 = arith.constant 0 : i32
      %dma_wait3A_243 = tpu.memref_slice %arg16[%add3A_218, %dma_wait3A_242] : memref<10240x64xf32, #tpu.memory_space<vmem_shared>> -> memref<128x64xf32, #tpu.memory_space<vmem_shared>>
      tpu.wait_dma2 semaphore(%run_scoped3A_235 : memref<!tpu.dma_semaphore, #tpu.memory_space<semaphore_mem>>) src(%dma_wait3A_243 : memref<128x64xf32, #tpu.memory_space<vmem_shared>>) dst(%arg14 : memref<128x64xf32, #tpu.memory_space<vmem>>)
      tpu.yield
    }) : () -> ()
    "tpu.region"() ({
      %run_scoped3A_235 = tpu.sem_alloc : memref<!tpu.dma_semaphore, #tpu.memory_space<semaphore_mem>>
      %dma_start3A_236 = arith.constant 0 : i32
      %dma_start3A_237 = arith.constant 0 : i32
      %dma_start3A_238 = tpu.memref_slice %arg9[%arg0, %dma_start3A_236, %dma_start3A_237] : memref<2x10240x64xf32, #tpu.memory_space<hbm>> -> memref<1x10240x64xf32, #tpu.memory_space<hbm>>
      %dma_start3A_239 = tpu.memref_squeeze %dma_start3A_238 : memref<1x10240x64xf32, #tpu.memory_space<hbm>> -> memref<10240x64xf32, #tpu.memory_space<hbm>>
      %dma_start3A_240 = arith.constant 0 : i32
      %dma_start3A_241 = tpu.memref_slice %dma_start3A_239[%add3A_218, %dma_start3A_240] : memref<10240x64xf32, #tpu.memory_space<hbm>> -> memref<128x64xf32, #tpu.memory_space<hbm>>
      %dma_start3A_242 = arith.constant 0 : i32
      %dma_start3A_243 = arith.constant 0 : i32
      %dma_start3A_244 = tpu.memref_slice %arg9[%arg0, %dma_start3A_242, %dma_start3A_243] : memref<2x10240x64xf32, #tpu.memory_space<hbm>> -> memref<1x10240x64xf32, #tpu.memory_space<hbm>>
      %dma_start3A_245 = tpu.memref_squeeze %dma_start3A_244 : memref<1x10240x64xf32, #tpu.memory_space<hbm>> -> memref<10240x64xf32, #tpu.memory_space<hbm>>
      %dma_start3A_246 = arith.constant 0 : i32
      %dma_start3A_247 = tpu.memref_slice %dma_start3A_245[%add3A_218, %dma_start3A_246] : memref<10240x64xf32, #tpu.memory_space<hbm>> -> memref<128x64xf32, #tpu.memory_space<hbm>>
      tpu.enqueue_dma source(%arg14 : memref<128x64xf32, #tpu.memory_space<vmem>>) target(%dma_start3A_247 : memref<128x64xf32, #tpu.memory_space<hbm>>) target_semaphore(%run_scoped3A_235 : memref<!tpu.dma_semaphore, #tpu.memory_space<semaphore_mem>>)
      %dma_wait3A_248 = arith.constant 0 : i32
      %dma_wait3A_249 = arith.constant 0 : i32
      %dma_wait3A_250 = tpu.memref_slice %arg9[%arg0, %dma_wait3A_248, %dma_wait3A_249] : memref<2x10240x64xf32, #tpu.memory_space<hbm>> -> memref<1x10240x64xf32, #tpu.memory_space<hbm>>
      %dma_wait3A_251 = tpu.memref_squeeze %dma_wait3A_250 : memref<1x10240x64xf32, #tpu.memory_space<hbm>> -> memref<10240x64xf32, #tpu.memory_space<hbm>>
      %dma_wait3A_252 = arith.constant 0 : i32
      %dma_wait3A_253 = tpu.memref_slice %dma_wait3A_251[%add3A_218, %dma_wait3A_252] : memref<10240x64xf32, #tpu.memory_space<hbm>> -> memref<128x64xf32, #tpu.memory_space<hbm>>
      %dma_wait3A_254 = arith.constant 0 : i32
      %dma_wait3A_255 = arith.constant 0 : i32
      %dma_wait3A_256 = tpu.memref_slice %arg9[%arg0, %dma_wait3A_254, %dma_wait3A_255] : memref<2x10240x64xf32, #tpu.memory_space<hbm>> -> memref<1x10240x64xf32, #tpu.memory_space<hbm>>
      %dma_wait3A_257 = tpu.memref_squeeze %dma_wait3A_256 : memref<1x10240x64xf32, #tpu.memory_space<hbm>> -> memref<10240x64xf32, #tpu.memory_space<hbm>>
      %dma_wait3A_258 = arith.constant 0 : i32
      %dma_wait3A_259 = tpu.memref_slice %dma_wait3A_257[%add3A_218, %dma_wait3A_258] : memref<10240x64xf32, #tpu.memory_space<hbm>> -> memref<128x64xf32, #tpu.memory_space<hbm>>
      tpu.wait_dma2 semaphore(%run_scoped3A_235 : memref<!tpu.dma_semaphore, #tpu.memory_space<semaphore_mem>>) src(%arg14 : memref<128x64xf32, #tpu.memory_space<vmem>>) dst(%dma_wait3A_259 : memref<128x64xf32, #tpu.memory_space<hbm>>)
      tpu.yield
    }) : () -> ()
    %mul3A_219 = arith.constant 640 : i32
    %mul3A_220 = arith.muli %arg1, %mul3A_219 : i32
    %add3A_221 = arith.constant 128 : i32
    %add3A_222 = arith.addi %mul3A_220, %add3A_221 : i32
    "tpu.region"() ({
      %run_scoped3A_235 = tpu.sem_alloc : memref<!tpu.dma_semaphore, #tpu.memory_space<semaphore_mem>>
      %dma_start3A_236 = arith.constant 0 : i32
      %dma_start3A_237 = tpu.memref_slice %arg16[%add3A_222, %dma_start3A_236] : memref<10240x64xf32, #tpu.memory_space<vmem_shared>> -> memref<128x64xf32, #tpu.memory_space<vmem_shared>>
      %dma_start3A_238 = arith.constant 0 : i32
      %dma_start3A_239 = tpu.memref_slice %arg16[%add3A_222, %dma_start3A_238] : memref<10240x64xf32, #tpu.memory_space<vmem_shared>> -> memref<128x64xf32, #tpu.memory_space<vmem_shared>>
      tpu.enqueue_dma source(%dma_start3A_239 : memref<128x64xf32, #tpu.memory_space<vmem_shared>>) target(%arg14 : memref<128x64xf32, #tpu.memory_space<vmem>>) target_semaphore(%run_scoped3A_235 : memref<!tpu.dma_semaphore, #tpu.memory_space<semaphore_mem>>)
      %dma_wait3A_240 = arith.constant 0 : i32
      %dma_wait3A_241 = tpu.memref_slice %arg16[%add3A_222, %dma_wait3A_240] : memref<10240x64xf32, #tpu.memory_space<vmem_shared>> -> memref<128x64xf32, #tpu.memory_space<vmem_shared>>
      %dma_wait3A_242 = arith.constant 0 : i32
      %dma_wait3A_243 = tpu.memref_slice %arg16[%add3A_222, %dma_wait3A_242] : memref<10240x64xf32, #tpu.memory_space<vmem_shared>> -> memref<128x64xf32, #tpu.memory_space<vmem_shared>>
      tpu.wait_dma2 semaphore(%run_scoped3A_235 : memref<!tpu.dma_semaphore, #tpu.memory_space<semaphore_mem>>) src(%dma_wait3A_243 : memref<128x64xf32, #tpu.memory_space<vmem_shared>>) dst(%arg14 : memref<128x64xf32, #tpu.memory_space<vmem>>)
      tpu.yield
    }) : () -> ()
    "tpu.region"() ({
      %run_scoped3A_235 = tpu.sem_alloc : memref<!tpu.dma_semaphore, #tpu.memory_space<semaphore_mem>>
      %dma_start3A_236 = arith.constant 0 : i32
      %dma_start3A_237 = arith.constant 0 : i32
      %dma_start3A_238 = tpu.memref_slice %arg9[%arg0, %dma_start3A_236, %dma_start3A_237] : memref<2x10240x64xf32, #tpu.memory_space<hbm>> -> memref<1x10240x64xf32, #tpu.memory_space<hbm>>
      %dma_start3A_239 = tpu.memref_squeeze %dma_start3A_238 : memref<1x10240x64xf32, #tpu.memory_space<hbm>> -> memref<10240x64xf32, #tpu.memory_space<hbm>>
      %dma_start3A_240 = arith.constant 0 : i32
      %dma_start3A_241 = tpu.memref_slice %dma_start3A_239[%add3A_222, %dma_start3A_240] : memref<10240x64xf32, #tpu.memory_space<hbm>> -> memref<128x64xf32, #tpu.memory_space<hbm>>
      %dma_start3A_242 = arith.constant 0 : i32
      %dma_start3A_243 = arith.constant 0 : i32
      %dma_start3A_244 = tpu.memref_slice %arg9[%arg0, %dma_start3A_242, %dma_start3A_243] : memref<2x10240x64xf32, #tpu.memory_space<hbm>> -> memref<1x10240x64xf32, #tpu.memory_space<hbm>>
      %dma_start3A_245 = tpu.memref_squeeze %dma_start3A_244 : memref<1x10240x64xf32, #tpu.memory_space<hbm>> -> memref<10240x64xf32, #tpu.memory_space<hbm>>
      %dma_start3A_246 = arith.constant 0 : i32
      %dma_start3A_247 = tpu.memref_slice %dma_start3A_245[%add3A_222, %dma_start3A_246] : memref<10240x64xf32, #tpu.memory_space<hbm>> -> memref<128x64xf32, #tpu.memory_space<hbm>>
      tpu.enqueue_dma source(%arg14 : memref<128x64xf32, #tpu.memory_space<vmem>>) target(%dma_start3A_247 : memref<128x64xf32, #tpu.memory_space<hbm>>) target_semaphore(%run_scoped3A_235 : memref<!tpu.dma_semaphore, #tpu.memory_space<semaphore_mem>>)
      %dma_wait3A_248 = arith.constant 0 : i32
      %dma_wait3A_249 = arith.constant 0 : i32
      %dma_wait3A_250 = tpu.memref_slice %arg9[%arg0, %dma_wait3A_248, %dma_wait3A_249] : memref<2x10240x64xf32, #tpu.memory_space<hbm>> -> memref<1x10240x64xf32, #tpu.memory_space<hbm>>
      %dma_wait3A_251 = tpu.memref_squeeze %dma_wait3A_250 : memref<1x10240x64xf32, #tpu.memory_space<hbm>> -> memref<10240x64xf32, #tpu.memory_space<hbm>>
      %dma_wait3A_252 = arith.constant 0 : i32
      %dma_wait3A_253 = tpu.memref_slice %dma_wait3A_251[%add3A_222, %dma_wait3A_252] : memref<10240x64xf32, #tpu.memory_space<hbm>> -> memref<128x64xf32, #tpu.memory_space<hbm>>
      %dma_wait3A_254 = arith.constant 0 : i32
      %dma_wait3A_255 = arith.constant 0 : i32
      %dma_wait3A_256 = tpu.memref_slice %arg9[%arg0, %dma_wait3A_254, %dma_wait3A_255] : memref<2x10240x64xf32, #tpu.memory_space<hbm>> -> memref<1x10240x64xf32, #tpu.memory_space<hbm>>
      %dma_wait3A_257 = tpu.memref_squeeze %dma_wait3A_256 : memref<1x10240x64xf32, #tpu.memory_space<hbm>> -> memref<10240x64xf32, #tpu.memory_space<hbm>>
      %dma_wait3A_258 = arith.constant 0 : i32
      %dma_wait3A_259 = tpu.memref_slice %dma_wait3A_257[%add3A_222, %dma_wait3A_258] : memref<10240x64xf32, #tpu.memory_space<hbm>> -> memref<128x64xf32, #tpu.memory_space<hbm>>
      tpu.wait_dma2 semaphore(%run_scoped3A_235 : memref<!tpu.dma_semaphore, #tpu.memory_space<semaphore_mem>>) src(%arg14 : memref<128x64xf32, #tpu.memory_space<vmem>>) dst(%dma_wait3A_259 : memref<128x64xf32, #tpu.memory_space<hbm>>)
      tpu.yield
    }) : () -> ()
    %mul3A_223 = arith.constant 640 : i32
    %mul3A_224 = arith.muli %arg1, %mul3A_223 : i32
    %add3A_225 = arith.constant 256 : i32
    %add3A_226 = arith.addi %mul3A_224, %add3A_225 : i32
    "tpu.region"() ({
      %run_scoped3A_235 = tpu.sem_alloc : memref<!tpu.dma_semaphore, #tpu.memory_space<semaphore_mem>>
      %dma_start3A_236 = arith.constant 0 : i32
      %dma_start3A_237 = tpu.memref_slice %arg16[%add3A_226, %dma_start3A_236] : memref<10240x64xf32, #tpu.memory_space<vmem_shared>> -> memref<128x64xf32, #tpu.memory_space<vmem_shared>>
      %dma_start3A_238 = arith.constant 0 : i32
      %dma_start3A_239 = tpu.memref_slice %arg16[%add3A_226, %dma_start3A_238] : memref<10240x64xf32, #tpu.memory_space<vmem_shared>> -> memref<128x64xf32, #tpu.memory_space<vmem_shared>>
      tpu.enqueue_dma source(%dma_start3A_239 : memref<128x64xf32, #tpu.memory_space<vmem_shared>>) target(%arg14 : memref<128x64xf32, #tpu.memory_space<vmem>>) target_semaphore(%run_scoped3A_235 : memref<!tpu.dma_semaphore, #tpu.memory_space<semaphore_mem>>)
      %dma_wait3A_240 = arith.constant 0 : i32
      %dma_wait3A_241 = tpu.memref_slice %arg16[%add3A_226, %dma_wait3A_240] : memref<10240x64xf32, #tpu.memory_space<vmem_shared>> -> memref<128x64xf32, #tpu.memory_space<vmem_shared>>
      %dma_wait3A_242 = arith.constant 0 : i32
      %dma_wait3A_243 = tpu.memref_slice %arg16[%add3A_226, %dma_wait3A_242] : memref<10240x64xf32, #tpu.memory_space<vmem_shared>> -> memref<128x64xf32, #tpu.memory_space<vmem_shared>>
      tpu.wait_dma2 semaphore(%run_scoped3A_235 : memref<!tpu.dma_semaphore, #tpu.memory_space<semaphore_mem>>) src(%dma_wait3A_243 : memref<128x64xf32, #tpu.memory_space<vmem_shared>>) dst(%arg14 : memref<128x64xf32, #tpu.memory_space<vmem>>)
      tpu.yield
    }) : () -> ()
    "tpu.region"() ({
      %run_scoped3A_235 = tpu.sem_alloc : memref<!tpu.dma_semaphore, #tpu.memory_space<semaphore_mem>>
      %dma_start3A_236 = arith.constant 0 : i32
      %dma_start3A_237 = arith.constant 0 : i32
      %dma_start3A_238 = tpu.memref_slice %arg9[%arg0, %dma_start3A_236, %dma_start3A_237] : memref<2x10240x64xf32, #tpu.memory_space<hbm>> -> memref<1x10240x64xf32, #tpu.memory_space<hbm>>
      %dma_start3A_239 = tpu.memref_squeeze %dma_start3A_238 : memref<1x10240x64xf32, #tpu.memory_space<hbm>> -> memref<10240x64xf32, #tpu.memory_space<hbm>>
      %dma_start3A_240 = arith.constant 0 : i32
      %dma_start3A_241 = tpu.memref_slice %dma_start3A_239[%add3A_226, %dma_start3A_240] : memref<10240x64xf32, #tpu.memory_space<hbm>> -> memref<128x64xf32, #tpu.memory_space<hbm>>
      %dma_start3A_242 = arith.constant 0 : i32
      %dma_start3A_243 = arith.constant 0 : i32
      %dma_start3A_244 = tpu.memref_slice %arg9[%arg0, %dma_start3A_242, %dma_start3A_243] : memref<2x10240x64xf32, #tpu.memory_space<hbm>> -> memref<1x10240x64xf32, #tpu.memory_space<hbm>>
      %dma_start3A_245 = tpu.memref_squeeze %dma_start3A_244 : memref<1x10240x64xf32, #tpu.memory_space<hbm>> -> memref<10240x64xf32, #tpu.memory_space<hbm>>
      %dma_start3A_246 = arith.constant 0 : i32
      %dma_start3A_247 = tpu.memref_slice %dma_start3A_245[%add3A_226, %dma_start3A_246] : memref<10240x64xf32, #tpu.memory_space<hbm>> -> memref<128x64xf32, #tpu.memory_space<hbm>>
      tpu.enqueue_dma source(%arg14 : memref<128x64xf32, #tpu.memory_space<vmem>>) target(%dma_start3A_247 : memref<128x64xf32, #tpu.memory_space<hbm>>) target_semaphore(%run_scoped3A_235 : memref<!tpu.dma_semaphore, #tpu.memory_space<semaphore_mem>>)
      %dma_wait3A_248 = arith.constant 0 : i32
      %dma_wait3A_249 = arith.constant 0 : i32
      %dma_wait3A_250 = tpu.memref_slice %arg9[%arg0, %dma_wait3A_248, %dma_wait3A_249] : memref<2x10240x64xf32, #tpu.memory_space<hbm>> -> memref<1x10240x64xf32, #tpu.memory_space<hbm>>
      %dma_wait3A_251 = tpu.memref_squeeze %dma_wait3A_250 : memref<1x10240x64xf32, #tpu.memory_space<hbm>> -> memref<10240x64xf32, #tpu.memory_space<hbm>>
      %dma_wait3A_252 = arith.constant 0 : i32
      %dma_wait3A_253 = tpu.memref_slice %dma_wait3A_251[%add3A_226, %dma_wait3A_252] : memref<10240x64xf32, #tpu.memory_space<hbm>> -> memref<128x64xf32, #tpu.memory_space<hbm>>
      %dma_wait3A_254 = arith.constant 0 : i32
      %dma_wait3A_255 = arith.constant 0 : i32
      %dma_wait3A_256 = tpu.memref_slice %arg9[%arg0, %dma_wait3A_254, %dma_wait3A_255] : memref<2x10240x64xf32, #tpu.memory_space<hbm>> -> memref<1x10240x64xf32, #tpu.memory_space<hbm>>
      %dma_wait3A_257 = tpu.memref_squeeze %dma_wait3A_256 : memref<1x10240x64xf32, #tpu.memory_space<hbm>> -> memref<10240x64xf32, #tpu.memory_space<hbm>>
      %dma_wait3A_258 = arith.constant 0 : i32
      %dma_wait3A_259 = tpu.memref_slice %dma_wait3A_257[%add3A_226, %dma_wait3A_258] : memref<10240x64xf32, #tpu.memory_space<hbm>> -> memref<128x64xf32, #tpu.memory_space<hbm>>
      tpu.wait_dma2 semaphore(%run_scoped3A_235 : memref<!tpu.dma_semaphore, #tpu.memory_space<semaphore_mem>>) src(%arg14 : memref<128x64xf32, #tpu.memory_space<vmem>>) dst(%dma_wait3A_259 : memref<128x64xf32, #tpu.memory_space<hbm>>)
      tpu.yield
    }) : () -> ()
    %mul3A_227 = arith.constant 640 : i32
    %mul3A_228 = arith.muli %arg1, %mul3A_227 : i32
    %add3A_229 = arith.constant 384 : i32
    %add3A_230 = arith.addi %mul3A_228, %add3A_229 : i32
    "tpu.region"() ({
      %run_scoped3A_235 = tpu.sem_alloc : memref<!tpu.dma_semaphore, #tpu.memory_space<semaphore_mem>>
      %dma_start3A_236 = arith.constant 0 : i32
      %dma_start3A_237 = tpu.memref_slice %arg16[%add3A_230, %dma_start3A_236] : memref<10240x64xf32, #tpu.memory_space<vmem_shared>> -> memref<128x64xf32, #tpu.memory_space<vmem_shared>>
      %dma_start3A_238 = arith.constant 0 : i32
      %dma_start3A_239 = tpu.memref_slice %arg16[%add3A_230, %dma_start3A_238] : memref<10240x64xf32, #tpu.memory_space<vmem_shared>> -> memref<128x64xf32, #tpu.memory_space<vmem_shared>>
      tpu.enqueue_dma source(%dma_start3A_239 : memref<128x64xf32, #tpu.memory_space<vmem_shared>>) target(%arg14 : memref<128x64xf32, #tpu.memory_space<vmem>>) target_semaphore(%run_scoped3A_235 : memref<!tpu.dma_semaphore, #tpu.memory_space<semaphore_mem>>)
      %dma_wait3A_240 = arith.constant 0 : i32
      %dma_wait3A_241 = tpu.memref_slice %arg16[%add3A_230, %dma_wait3A_240] : memref<10240x64xf32, #tpu.memory_space<vmem_shared>> -> memref<128x64xf32, #tpu.memory_space<vmem_shared>>
      %dma_wait3A_242 = arith.constant 0 : i32
      %dma_wait3A_243 = tpu.memref_slice %arg16[%add3A_230, %dma_wait3A_242] : memref<10240x64xf32, #tpu.memory_space<vmem_shared>> -> memref<128x64xf32, #tpu.memory_space<vmem_shared>>
      tpu.wait_dma2 semaphore(%run_scoped3A_235 : memref<!tpu.dma_semaphore, #tpu.memory_space<semaphore_mem>>) src(%dma_wait3A_243 : memref<128x64xf32, #tpu.memory_space<vmem_shared>>) dst(%arg14 : memref<128x64xf32, #tpu.memory_space<vmem>>)
      tpu.yield
    }) : () -> ()
    "tpu.region"() ({
      %run_scoped3A_235 = tpu.sem_alloc : memref<!tpu.dma_semaphore, #tpu.memory_space<semaphore_mem>>
      %dma_start3A_236 = arith.constant 0 : i32
      %dma_start3A_237 = arith.constant 0 : i32
      %dma_start3A_238 = tpu.memref_slice %arg9[%arg0, %dma_start3A_236, %dma_start3A_237] : memref<2x10240x64xf32, #tpu.memory_space<hbm>> -> memref<1x10240x64xf32, #tpu.memory_space<hbm>>
      %dma_start3A_239 = tpu.memref_squeeze %dma_start3A_238 : memref<1x10240x64xf32, #tpu.memory_space<hbm>> -> memref<10240x64xf32, #tpu.memory_space<hbm>>
      %dma_start3A_240 = arith.constant 0 : i32
      %dma_start3A_241 = tpu.memref_slice %dma_start3A_239[%add3A_230, %dma_start3A_240] : memref<10240x64xf32, #tpu.memory_space<hbm>> -> memref<128x64xf32, #tpu.memory_space<hbm>>
      %dma_start3A_242 = arith.constant 0 : i32
      %dma_start3A_243 = arith.constant 0 : i32
      %dma_start3A_244 = tpu.memref_slice %arg9[%arg0, %dma_start3A_242, %dma_start3A_243] : memref<2x10240x64xf32, #tpu.memory_space<hbm>> -> memref<1x10240x64xf32, #tpu.memory_space<hbm>>
      %dma_start3A_245 = tpu.memref_squeeze %dma_start3A_244 : memref<1x10240x64xf32, #tpu.memory_space<hbm>> -> memref<10240x64xf32, #tpu.memory_space<hbm>>
      %dma_start3A_246 = arith.constant 0 : i32
      %dma_start3A_247 = tpu.memref_slice %dma_start3A_245[%add3A_230, %dma_start3A_246] : memref<10240x64xf32, #tpu.memory_space<hbm>> -> memref<128x64xf32, #tpu.memory_space<hbm>>
      tpu.enqueue_dma source(%arg14 : memref<128x64xf32, #tpu.memory_space<vmem>>) target(%dma_start3A_247 : memref<128x64xf32, #tpu.memory_space<hbm>>) target_semaphore(%run_scoped3A_235 : memref<!tpu.dma_semaphore, #tpu.memory_space<semaphore_mem>>)
      %dma_wait3A_248 = arith.constant 0 : i32
      %dma_wait3A_249 = arith.constant 0 : i32
      %dma_wait3A_250 = tpu.memref_slice %arg9[%arg0, %dma_wait3A_248, %dma_wait3A_249] : memref<2x10240x64xf32, #tpu.memory_space<hbm>> -> memref<1x10240x64xf32, #tpu.memory_space<hbm>>
      %dma_wait3A_251 = tpu.memref_squeeze %dma_wait3A_250 : memref<1x10240x64xf32, #tpu.memory_space<hbm>> -> memref<10240x64xf32, #tpu.memory_space<hbm>>
      %dma_wait3A_252 = arith.constant 0 : i32
      %dma_wait3A_253 = tpu.memref_slice %dma_wait3A_251[%add3A_230, %dma_wait3A_252] : memref<10240x64xf32, #tpu.memory_space<hbm>> -> memref<128x64xf32, #tpu.memory_space<hbm>>
      %dma_wait3A_254 = arith.constant 0 : i32
      %dma_wait3A_255 = arith.constant 0 : i32
      %dma_wait3A_256 = tpu.memref_slice %arg9[%arg0, %dma_wait3A_254, %dma_wait3A_255] : memref<2x10240x64xf32, #tpu.memory_space<hbm>> -> memref<1x10240x64xf32, #tpu.memory_space<hbm>>
      %dma_wait3A_257 = tpu.memref_squeeze %dma_wait3A_256 : memref<1x10240x64xf32, #tpu.memory_space<hbm>> -> memref<10240x64xf32, #tpu.memory_space<hbm>>
      %dma_wait3A_258 = arith.constant 0 : i32
      %dma_wait3A_259 = tpu.memref_slice %dma_wait3A_257[%add3A_230, %dma_wait3A_258] : memref<10240x64xf32, #tpu.memory_space<hbm>> -> memref<128x64xf32, #tpu.memory_space<hbm>>
      tpu.wait_dma2 semaphore(%run_scoped3A_235 : memref<!tpu.dma_semaphore, #tpu.memory_space<semaphore_mem>>) src(%arg14 : memref<128x64xf32, #tpu.memory_space<vmem>>) dst(%dma_wait3A_259 : memref<128x64xf32, #tpu.memory_space<hbm>>)
      tpu.yield
    }) : () -> ()
    %mul3A_231 = arith.constant 640 : i32
    %mul3A_232 = arith.muli %arg1, %mul3A_231 : i32
    %add3A_233 = arith.constant 512 : i32
    %add3A_234 = arith.addi %mul3A_232, %add3A_233 : i32
    "tpu.region"() ({
      %run_scoped3A_235 = tpu.sem_alloc : memref<!tpu.dma_semaphore, #tpu.memory_space<semaphore_mem>>
      %dma_start3A_236 = arith.constant 0 : i32
      %dma_start3A_237 = tpu.memref_slice %arg16[%add3A_234, %dma_start3A_236] : memref<10240x64xf32, #tpu.memory_space<vmem_shared>> -> memref<128x64xf32, #tpu.memory_space<vmem_shared>>
      %dma_start3A_238 = arith.constant 0 : i32
      %dma_start3A_239 = tpu.memref_slice %arg16[%add3A_234, %dma_start3A_238] : memref<10240x64xf32, #tpu.memory_space<vmem_shared>> -> memref<128x64xf32, #tpu.memory_space<vmem_shared>>
      tpu.enqueue_dma source(%dma_start3A_239 : memref<128x64xf32, #tpu.memory_space<vmem_shared>>) target(%arg14 : memref<128x64xf32, #tpu.memory_space<vmem>>) target_semaphore(%run_scoped3A_235 : memref<!tpu.dma_semaphore, #tpu.memory_space<semaphore_mem>>)
      %dma_wait3A_240 = arith.constant 0 : i32
      %dma_wait3A_241 = tpu.memref_slice %arg16[%add3A_234, %dma_wait3A_240] : memref<10240x64xf32, #tpu.memory_space<vmem_shared>> -> memref<128x64xf32, #tpu.memory_space<vmem_shared>>
      %dma_wait3A_242 = arith.constant 0 : i32
      %dma_wait3A_243 = tpu.memref_slice %arg16[%add3A_234, %dma_wait3A_242] : memref<10240x64xf32, #tpu.memory_space<vmem_shared>> -> memref<128x64xf32, #tpu.memory_space<vmem_shared>>
      tpu.wait_dma2 semaphore(%run_scoped3A_235 : memref<!tpu.dma_semaphore, #tpu.memory_space<semaphore_mem>>) src(%dma_wait3A_243 : memref<128x64xf32, #tpu.memory_space<vmem_shared>>) dst(%arg14 : memref<128x64xf32, #tpu.memory_space<vmem>>)
      tpu.yield
    }) : () -> ()
    "tpu.region"() ({
      %run_scoped3A_235 = tpu.sem_alloc : memref<!tpu.dma_semaphore, #tpu.memory_space<semaphore_mem>>
      %dma_start3A_236 = arith.constant 0 : i32
      %dma_start3A_237 = arith.constant 0 : i32
      %dma_start3A_238 = tpu.memref_slice %arg9[%arg0, %dma_start3A_236, %dma_start3A_237] : memref<2x10240x64xf32, #tpu.memory_space<hbm>> -> memref<1x10240x64xf32, #tpu.memory_space<hbm>>
      %dma_start3A_239 = tpu.memref_squeeze %dma_start3A_238 : memref<1x10240x64xf32, #tpu.memory_space<hbm>> -> memref<10240x64xf32, #tpu.memory_space<hbm>>
      %dma_start3A_240 = arith.constant 0 : i32
      %dma_start3A_241 = tpu.memref_slice %dma_start3A_239[%add3A_234, %dma_start3A_240] : memref<10240x64xf32, #tpu.memory_space<hbm>> -> memref<128x64xf32, #tpu.memory_space<hbm>>
      %dma_start3A_242 = arith.constant 0 : i32
      %dma_start3A_243 = arith.constant 0 : i32
      %dma_start3A_244 = tpu.memref_slice %arg9[%arg0, %dma_start3A_242, %dma_start3A_243] : memref<2x10240x64xf32, #tpu.memory_space<hbm>> -> memref<1x10240x64xf32, #tpu.memory_space<hbm>>
      %dma_start3A_245 = tpu.memref_squeeze %dma_start3A_244 : memref<1x10240x64xf32, #tpu.memory_space<hbm>> -> memref<10240x64xf32, #tpu.memory_space<hbm>>
      %dma_start3A_246 = arith.constant 0 : i32
      %dma_start3A_247 = tpu.memref_slice %dma_start3A_245[%add3A_234, %dma_start3A_246] : memref<10240x64xf32, #tpu.memory_space<hbm>> -> memref<128x64xf32, #tpu.memory_space<hbm>>
      tpu.enqueue_dma source(%arg14 : memref<128x64xf32, #tpu.memory_space<vmem>>) target(%dma_start3A_247 : memref<128x64xf32, #tpu.memory_space<hbm>>) target_semaphore(%run_scoped3A_235 : memref<!tpu.dma_semaphore, #tpu.memory_space<semaphore_mem>>)
      %dma_wait3A_248 = arith.constant 0 : i32
      %dma_wait3A_249 = arith.constant 0 : i32
      %dma_wait3A_250 = tpu.memref_slice %arg9[%arg0, %dma_wait3A_248, %dma_wait3A_249] : memref<2x10240x64xf32, #tpu.memory_space<hbm>> -> memref<1x10240x64xf32, #tpu.memory_space<hbm>>
      %dma_wait3A_251 = tpu.memref_squeeze %dma_wait3A_250 : memref<1x10240x64xf32, #tpu.memory_space<hbm>> -> memref<10240x64xf32, #tpu.memory_space<hbm>>
      %dma_wait3A_252 = arith.constant 0 : i32
      %dma_wait3A_253 = tpu.memref_slice %dma_wait3A_251[%add3A_234, %dma_wait3A_252] : memref<10240x64xf32, #tpu.memory_space<hbm>> -> memref<128x64xf32, #tpu.memory_space<hbm>>
      %dma_wait3A_254 = arith.constant 0 : i32
      %dma_wait3A_255 = arith.constant 0 : i32
      %dma_wait3A_256 = tpu.memref_slice %arg9[%arg0, %dma_wait3A_254, %dma_wait3A_255] : memref<2x10240x64xf32, #tpu.memory_space<hbm>> -> memref<1x10240x64xf32, #tpu.memory_space<hbm>>
      %dma_wait3A_257 = tpu.memref_squeeze %dma_wait3A_256 : memref<1x10240x64xf32, #tpu.memory_space<hbm>> -> memref<10240x64xf32, #tpu.memory_space<hbm>>
      %dma_wait3A_258 = arith.constant 0 : i32
      %dma_wait3A_259 = tpu.memref_slice %dma_wait3A_257[%add3A_234, %dma_wait3A_258] : memref<10240x64xf32, #tpu.memory_space<hbm>> -> memref<128x64xf32, #tpu.memory_space<hbm>>
      tpu.wait_dma2 semaphore(%run_scoped3A_235 : memref<!tpu.dma_semaphore, #tpu.memory_space<semaphore_mem>>) src(%arg14 : memref<128x64xf32, #tpu.memory_space<vmem>>) dst(%dma_wait3A_259 : memref<128x64xf32, #tpu.memory_space<hbm>>)
      tpu.yield
    }) : () -> ()
    return
  }
}

#map = affine_map<(d0, d1) -> (0, 0, 0)>
module attributes {stable_mosaic.version = 14 : i64} {
  func.func @deg_kernel(%arg0: i32, %arg1: i32, %arg2: memref<32x80x128xi32, #tpu.memory_space<hbm>>, %arg3: memref<32x80x128xi32, #tpu.memory_space<hbm>>, %arg4: memref<2x32x10240xf32, #tpu.memory_space<hbm>>, %arg5: memref<80x128xi32, #tpu.memory_space<vmem>>, %arg6: memref<10240xf32, #tpu.memory_space<vmem>>) attributes {dimension_semantics = [#tpu.dimension_semantics<core_parallel>, #tpu.dimension_semantics<subcore_parallel>], iteration_bounds = array<i64: 2, 16>, scalar_prefetch = 0 : i64, scratch_operands = 2 : i64, tpu.core_type = #tpu.core_type<sc_vector_subcore>, window_params = [{transform_indices = #map}, {transform_indices = #map}, {transform_indices = #map}]} {
    %mul3A = arith.constant 16 : i32
    %mul3A_0 = arith.muli %arg0, %mul3A : i32
    %add3A = arith.addi %mul3A_0, %arg1 : i32
    %broadcast_in_dim3A = arith.constant 0.000000e+00 : f32
    %broadcast_in_dim3A_1 = vector.broadcast %broadcast_in_dim3A : f32 to vector<16xf32>
    %broadcast_in_dim3A_2 = arith.constant 1.000000e+00 : f32
    %broadcast_in_dim3A_3 = vector.broadcast %broadcast_in_dim3A_2 : f32 to vector<16xf32>
    "tpu.region"() ({
      %run_scoped3A_24 = tpu.sem_alloc : memref<!tpu.dma_semaphore, #tpu.memory_space<semaphore_mem>>
      %dma_start3A = arith.constant 0 : i32
      %dma_start3A_25 = arith.constant 0 : i32
      %dma_start3A_26 = tpu.memref_slice %arg2[%add3A, %dma_start3A, %dma_start3A_25] : memref<32x80x128xi32, #tpu.memory_space<hbm>> -> memref<1x80x128xi32, #tpu.memory_space<hbm>>
      %dma_start3A_27 = tpu.memref_squeeze %dma_start3A_26 : memref<1x80x128xi32, #tpu.memory_space<hbm>> -> memref<80x128xi32, #tpu.memory_space<hbm>>
      %dma_start3A_28 = arith.constant 0 : i32
      %dma_start3A_29 = arith.constant 0 : i32
      %dma_start3A_30 = tpu.memref_slice %arg2[%add3A, %dma_start3A_28, %dma_start3A_29] : memref<32x80x128xi32, #tpu.memory_space<hbm>> -> memref<1x80x128xi32, #tpu.memory_space<hbm>>
      %dma_start3A_31 = tpu.memref_squeeze %dma_start3A_30 : memref<1x80x128xi32, #tpu.memory_space<hbm>> -> memref<80x128xi32, #tpu.memory_space<hbm>>
      tpu.enqueue_dma source(%dma_start3A_31 : memref<80x128xi32, #tpu.memory_space<hbm>>) target(%arg5 : memref<80x128xi32, #tpu.memory_space<vmem>>) target_semaphore(%run_scoped3A_24 : memref<!tpu.dma_semaphore, #tpu.memory_space<semaphore_mem>>)
      %dma_wait3A = arith.constant 0 : i32
      %dma_wait3A_32 = arith.constant 0 : i32
      %dma_wait3A_33 = tpu.memref_slice %arg2[%add3A, %dma_wait3A, %dma_wait3A_32] : memref<32x80x128xi32, #tpu.memory_space<hbm>> -> memref<1x80x128xi32, #tpu.memory_space<hbm>>
      %dma_wait3A_34 = tpu.memref_squeeze %dma_wait3A_33 : memref<1x80x128xi32, #tpu.memory_space<hbm>> -> memref<80x128xi32, #tpu.memory_space<hbm>>
      %dma_wait3A_35 = arith.constant 0 : i32
      %dma_wait3A_36 = arith.constant 0 : i32
      %dma_wait3A_37 = tpu.memref_slice %arg2[%add3A, %dma_wait3A_35, %dma_wait3A_36] : memref<32x80x128xi32, #tpu.memory_space<hbm>> -> memref<1x80x128xi32, #tpu.memory_space<hbm>>
      %dma_wait3A_38 = tpu.memref_squeeze %dma_wait3A_37 : memref<1x80x128xi32, #tpu.memory_space<hbm>> -> memref<80x128xi32, #tpu.memory_space<hbm>>
      tpu.wait_dma2 semaphore(%run_scoped3A_24 : memref<!tpu.dma_semaphore, #tpu.memory_space<semaphore_mem>>) src(%dma_wait3A_38 : memref<80x128xi32, #tpu.memory_space<hbm>>) dst(%arg5 : memref<80x128xi32, #tpu.memory_space<vmem>>)
      tpu.yield
    }) : () -> ()
    %scan3A = arith.constant 0 : i32
    %scan3A_4 = arith.constant 640 : i32
    %scan3A_5 = arith.addi %scan3A, %scan3A_4 : i32
    %scan3A_6 = arith.constant 1 : i32
    scf.for %scan3A_24 = %scan3A to %scan3A_5 step %scan3A_6  : i32 {
      %mul3A_25 = arith.constant 16 : i32
      %mul3A_26 = arith.muli %scan3A_24, %mul3A_25 : i32
      %swap3A = arith.index_cast %mul3A_26 : i32 to index
      %swap3A_27 = tpu.vector_load %arg6[%swap3A] {strides = array<i32>} : memref<10240xf32, #tpu.memory_space<vmem>>, vector<16xf32>,
      tpu.vector_store %arg6[%swap3A], %broadcast_in_dim3A_1 {strides = array<i32>} : memref<10240xf32, #tpu.memory_space<vmem>>, vector<16xf32>,
    }
    %scan3A_7 = arith.constant 640 : i32
    %scan3A_8 = arith.constant 0 : i32
    %scan3A_9 = arith.constant 80 : i32
    %scan3A_10 = arith.addi %scan3A_8, %scan3A_9 : i32
    %scan3A_11 = arith.constant 1 : i32
    scf.for %scan3A_24 = %scan3A_8 to %scan3A_10 step %scan3A_11  : i32 {
      %get3A = arith.index_cast %scan3A_24 : i32 to index
      %get3A_25 = arith.constant 0 : index
      %get3A_26 = tpu.vector_load %arg5[%get3A, %get3A_25] {strides = array<i32>} : memref<80x128xi32, #tpu.memory_space<vmem>>, vector<16xi32>,
      tpu.vector_store_idx %arg6[%get3A_26], %broadcast_in_dim3A_3 {add = true} : memref<10240xf32, #tpu.memory_space<vmem>>[vector<16xi32>], vector<16xf32>,
      %get3A_27 = arith.index_cast %scan3A_24 : i32 to index
      %get3A_28 = arith.constant 16 : index
      %get3A_29 = tpu.vector_load %arg5[%get3A_27, %get3A_28] {strides = array<i32>} : memref<80x128xi32, #tpu.memory_space<vmem>>, vector<16xi32>,
      tpu.vector_store_idx %arg6[%get3A_29], %broadcast_in_dim3A_3 {add = true} : memref<10240xf32, #tpu.memory_space<vmem>>[vector<16xi32>], vector<16xf32>,
      %get3A_30 = arith.index_cast %scan3A_24 : i32 to index
      %get3A_31 = arith.constant 32 : index
      %get3A_32 = tpu.vector_load %arg5[%get3A_30, %get3A_31] {strides = array<i32>} : memref<80x128xi32, #tpu.memory_space<vmem>>, vector<16xi32>,
      tpu.vector_store_idx %arg6[%get3A_32], %broadcast_in_dim3A_3 {add = true} : memref<10240xf32, #tpu.memory_space<vmem>>[vector<16xi32>], vector<16xf32>,
      %get3A_33 = arith.index_cast %scan3A_24 : i32 to index
      %get3A_34 = arith.constant 48 : index
      %get3A_35 = tpu.vector_load %arg5[%get3A_33, %get3A_34] {strides = array<i32>} : memref<80x128xi32, #tpu.memory_space<vmem>>, vector<16xi32>,
      tpu.vector_store_idx %arg6[%get3A_35], %broadcast_in_dim3A_3 {add = true} : memref<10240xf32, #tpu.memory_space<vmem>>[vector<16xi32>], vector<16xf32>,
      %get3A_36 = arith.index_cast %scan3A_24 : i32 to index
      %get3A_37 = arith.constant 64 : index
      %get3A_38 = tpu.vector_load %arg5[%get3A_36, %get3A_37] {strides = array<i32>} : memref<80x128xi32, #tpu.memory_space<vmem>>, vector<16xi32>,
      tpu.vector_store_idx %arg6[%get3A_38], %broadcast_in_dim3A_3 {add = true} : memref<10240xf32, #tpu.memory_space<vmem>>[vector<16xi32>], vector<16xf32>,
      %get3A_39 = arith.index_cast %scan3A_24 : i32 to index
      %get3A_40 = arith.constant 80 : index
      %get3A_41 = tpu.vector_load %arg5[%get3A_39, %get3A_40] {strides = array<i32>} : memref<80x128xi32, #tpu.memory_space<vmem>>, vector<16xi32>,
      tpu.vector_store_idx %arg6[%get3A_41], %broadcast_in_dim3A_3 {add = true} : memref<10240xf32, #tpu.memory_space<vmem>>[vector<16xi32>], vector<16xf32>,
      %get3A_42 = arith.index_cast %scan3A_24 : i32 to index
      %get3A_43 = arith.constant 96 : index
      %get3A_44 = tpu.vector_load %arg5[%get3A_42, %get3A_43] {strides = array<i32>} : memref<80x128xi32, #tpu.memory_space<vmem>>, vector<16xi32>,
      tpu.vector_store_idx %arg6[%get3A_44], %broadcast_in_dim3A_3 {add = true} : memref<10240xf32, #tpu.memory_space<vmem>>[vector<16xi32>], vector<16xf32>,
      %get3A_45 = arith.index_cast %scan3A_24 : i32 to index
      %get3A_46 = arith.constant 112 : index
      %get3A_47 = tpu.vector_load %arg5[%get3A_45, %get3A_46] {strides = array<i32>} : memref<80x128xi32, #tpu.memory_space<vmem>>, vector<16xi32>,
      tpu.vector_store_idx %arg6[%get3A_47], %broadcast_in_dim3A_3 {add = true} : memref<10240xf32, #tpu.memory_space<vmem>>[vector<16xi32>], vector<16xf32>,
    }
    %scan3A_12 = arith.constant 80 : i32
    %run_scoped3A = arith.constant 0 : i32
    "tpu.region"() ({
      %run_scoped3A_24 = tpu.sem_alloc : memref<!tpu.dma_semaphore, #tpu.memory_space<semaphore_mem>>
      %dma_start3A = arith.constant 0 : i32
      %dma_start3A_25 = arith.constant 0 : i32
      %dma_start3A_26 = tpu.memref_slice %arg4[%run_scoped3A, %dma_start3A, %dma_start3A_25] : memref<2x32x10240xf32, #tpu.memory_space<hbm>> -> memref<1x32x10240xf32, #tpu.memory_space<hbm>>
      %dma_start3A_27 = tpu.memref_squeeze %dma_start3A_26 : memref<1x32x10240xf32, #tpu.memory_space<hbm>> -> memref<32x10240xf32, #tpu.memory_space<hbm>>
      %dma_start3A_28 = arith.constant 0 : i32
      %dma_start3A_29 = tpu.memref_slice %dma_start3A_27[%add3A, %dma_start3A_28] : memref<32x10240xf32, #tpu.memory_space<hbm>> -> memref<1x10240xf32, #tpu.memory_space<hbm>>
      %dma_start3A_30 = tpu.memref_squeeze %dma_start3A_29 : memref<1x10240xf32, #tpu.memory_space<hbm>> -> memref<10240xf32, #tpu.memory_space<hbm>>
      %dma_start3A_31 = arith.constant 0 : i32
      %dma_start3A_32 = arith.constant 0 : i32
      %dma_start3A_33 = tpu.memref_slice %arg4[%run_scoped3A, %dma_start3A_31, %dma_start3A_32] : memref<2x32x10240xf32, #tpu.memory_space<hbm>> -> memref<1x32x10240xf32, #tpu.memory_space<hbm>>
      %dma_start3A_34 = tpu.memref_squeeze %dma_start3A_33 : memref<1x32x10240xf32, #tpu.memory_space<hbm>> -> memref<32x10240xf32, #tpu.memory_space<hbm>>
      %dma_start3A_35 = arith.constant 0 : i32
      %dma_start3A_36 = tpu.memref_slice %dma_start3A_34[%add3A, %dma_start3A_35] : memref<32x10240xf32, #tpu.memory_space<hbm>> -> memref<1x10240xf32, #tpu.memory_space<hbm>>
      %dma_start3A_37 = tpu.memref_squeeze %dma_start3A_36 : memref<1x10240xf32, #tpu.memory_space<hbm>> -> memref<10240xf32, #tpu.memory_space<hbm>>
      tpu.enqueue_dma source(%arg6 : memref<10240xf32, #tpu.memory_space<vmem>>) target(%dma_start3A_37 : memref<10240xf32, #tpu.memory_space<hbm>>) target_semaphore(%run_scoped3A_24 : memref<!tpu.dma_semaphore, #tpu.memory_space<semaphore_mem>>)
      %dma_wait3A = arith.constant 0 : i32
      %dma_wait3A_38 = arith.constant 0 : i32
      %dma_wait3A_39 = tpu.memref_slice %arg4[%run_scoped3A, %dma_wait3A, %dma_wait3A_38] : memref<2x32x10240xf32, #tpu.memory_space<hbm>> -> memref<1x32x10240xf32, #tpu.memory_space<hbm>>
      %dma_wait3A_40 = tpu.memref_squeeze %dma_wait3A_39 : memref<1x32x10240xf32, #tpu.memory_space<hbm>> -> memref<32x10240xf32, #tpu.memory_space<hbm>>
      %dma_wait3A_41 = arith.constant 0 : i32
      %dma_wait3A_42 = tpu.memref_slice %dma_wait3A_40[%add3A, %dma_wait3A_41] : memref<32x10240xf32, #tpu.memory_space<hbm>> -> memref<1x10240xf32, #tpu.memory_space<hbm>>
      %dma_wait3A_43 = tpu.memref_squeeze %dma_wait3A_42 : memref<1x10240xf32, #tpu.memory_space<hbm>> -> memref<10240xf32, #tpu.memory_space<hbm>>
      %dma_wait3A_44 = arith.constant 0 : i32
      %dma_wait3A_45 = arith.constant 0 : i32
      %dma_wait3A_46 = tpu.memref_slice %arg4[%run_scoped3A, %dma_wait3A_44, %dma_wait3A_45] : memref<2x32x10240xf32, #tpu.memory_space<hbm>> -> memref<1x32x10240xf32, #tpu.memory_space<hbm>>
      %dma_wait3A_47 = tpu.memref_squeeze %dma_wait3A_46 : memref<1x32x10240xf32, #tpu.memory_space<hbm>> -> memref<32x10240xf32, #tpu.memory_space<hbm>>
      %dma_wait3A_48 = arith.constant 0 : i32
      %dma_wait3A_49 = tpu.memref_slice %dma_wait3A_47[%add3A, %dma_wait3A_48] : memref<32x10240xf32, #tpu.memory_space<hbm>> -> memref<1x10240xf32, #tpu.memory_space<hbm>>
      %dma_wait3A_50 = tpu.memref_squeeze %dma_wait3A_49 : memref<1x10240xf32, #tpu.memory_space<hbm>> -> memref<10240xf32, #tpu.memory_space<hbm>>
      tpu.wait_dma2 semaphore(%run_scoped3A_24 : memref<!tpu.dma_semaphore, #tpu.memory_space<semaphore_mem>>) src(%arg6 : memref<10240xf32, #tpu.memory_space<vmem>>) dst(%dma_wait3A_50 : memref<10240xf32, #tpu.memory_space<hbm>>)
      tpu.yield
    }) : () -> ()
    "tpu.region"() ({
      %run_scoped3A_24 = tpu.sem_alloc : memref<!tpu.dma_semaphore, #tpu.memory_space<semaphore_mem>>
      %dma_start3A = arith.constant 0 : i32
      %dma_start3A_25 = arith.constant 0 : i32
      %dma_start3A_26 = tpu.memref_slice %arg3[%add3A, %dma_start3A, %dma_start3A_25] : memref<32x80x128xi32, #tpu.memory_space<hbm>> -> memref<1x80x128xi32, #tpu.memory_space<hbm>>
      %dma_start3A_27 = tpu.memref_squeeze %dma_start3A_26 : memref<1x80x128xi32, #tpu.memory_space<hbm>> -> memref<80x128xi32, #tpu.memory_space<hbm>>
      %dma_start3A_28 = arith.constant 0 : i32
      %dma_start3A_29 = arith.constant 0 : i32
      %dma_start3A_30 = tpu.memref_slice %arg3[%add3A, %dma_start3A_28, %dma_start3A_29] : memref<32x80x128xi32, #tpu.memory_space<hbm>> -> memref<1x80x128xi32, #tpu.memory_space<hbm>>
      %dma_start3A_31 = tpu.memref_squeeze %dma_start3A_30 : memref<1x80x128xi32, #tpu.memory_space<hbm>> -> memref<80x128xi32, #tpu.memory_space<hbm>>
      tpu.enqueue_dma source(%dma_start3A_31 : memref<80x128xi32, #tpu.memory_space<hbm>>) target(%arg5 : memref<80x128xi32, #tpu.memory_space<vmem>>) target_semaphore(%run_scoped3A_24 : memref<!tpu.dma_semaphore, #tpu.memory_space<semaphore_mem>>)
      %dma_wait3A = arith.constant 0 : i32
      %dma_wait3A_32 = arith.constant 0 : i32
      %dma_wait3A_33 = tpu.memref_slice %arg3[%add3A, %dma_wait3A, %dma_wait3A_32] : memref<32x80x128xi32, #tpu.memory_space<hbm>> -> memref<1x80x128xi32, #tpu.memory_space<hbm>>
      %dma_wait3A_34 = tpu.memref_squeeze %dma_wait3A_33 : memref<1x80x128xi32, #tpu.memory_space<hbm>> -> memref<80x128xi32, #tpu.memory_space<hbm>>
      %dma_wait3A_35 = arith.constant 0 : i32
      %dma_wait3A_36 = arith.constant 0 : i32
      %dma_wait3A_37 = tpu.memref_slice %arg3[%add3A, %dma_wait3A_35, %dma_wait3A_36] : memref<32x80x128xi32, #tpu.memory_space<hbm>> -> memref<1x80x128xi32, #tpu.memory_space<hbm>>
      %dma_wait3A_38 = tpu.memref_squeeze %dma_wait3A_37 : memref<1x80x128xi32, #tpu.memory_space<hbm>> -> memref<80x128xi32, #tpu.memory_space<hbm>>
      tpu.wait_dma2 semaphore(%run_scoped3A_24 : memref<!tpu.dma_semaphore, #tpu.memory_space<semaphore_mem>>) src(%dma_wait3A_38 : memref<80x128xi32, #tpu.memory_space<hbm>>) dst(%arg5 : memref<80x128xi32, #tpu.memory_space<vmem>>)
      tpu.yield
    }) : () -> ()
    %scan3A_13 = arith.constant 0 : i32
    %scan3A_14 = arith.constant 640 : i32
    %scan3A_15 = arith.addi %scan3A_13, %scan3A_14 : i32
    %scan3A_16 = arith.constant 1 : i32
    scf.for %scan3A_24 = %scan3A_13 to %scan3A_15 step %scan3A_16  : i32 {
      %mul3A_25 = arith.constant 16 : i32
      %mul3A_26 = arith.muli %scan3A_24, %mul3A_25 : i32
      %swap3A = arith.index_cast %mul3A_26 : i32 to index
      %swap3A_27 = tpu.vector_load %arg6[%swap3A] {strides = array<i32>} : memref<10240xf32, #tpu.memory_space<vmem>>, vector<16xf32>,
      tpu.vector_store %arg6[%swap3A], %broadcast_in_dim3A_1 {strides = array<i32>} : memref<10240xf32, #tpu.memory_space<vmem>>, vector<16xf32>,
    }
    %scan3A_17 = arith.constant 640 : i32
    %scan3A_18 = arith.constant 0 : i32
    %scan3A_19 = arith.constant 80 : i32
    %scan3A_20 = arith.addi %scan3A_18, %scan3A_19 : i32
    %scan3A_21 = arith.constant 1 : i32
    scf.for %scan3A_24 = %scan3A_18 to %scan3A_20 step %scan3A_21  : i32 {
      %get3A = arith.index_cast %scan3A_24 : i32 to index
      %get3A_25 = arith.constant 0 : index
      %get3A_26 = tpu.vector_load %arg5[%get3A, %get3A_25] {strides = array<i32>} : memref<80x128xi32, #tpu.memory_space<vmem>>, vector<16xi32>,
      tpu.vector_store_idx %arg6[%get3A_26], %broadcast_in_dim3A_3 {add = true} : memref<10240xf32, #tpu.memory_space<vmem>>[vector<16xi32>], vector<16xf32>,
      %get3A_27 = arith.index_cast %scan3A_24 : i32 to index
      %get3A_28 = arith.constant 16 : index
      %get3A_29 = tpu.vector_load %arg5[%get3A_27, %get3A_28] {strides = array<i32>} : memref<80x128xi32, #tpu.memory_space<vmem>>, vector<16xi32>,
      tpu.vector_store_idx %arg6[%get3A_29], %broadcast_in_dim3A_3 {add = true} : memref<10240xf32, #tpu.memory_space<vmem>>[vector<16xi32>], vector<16xf32>,
      %get3A_30 = arith.index_cast %scan3A_24 : i32 to index
      %get3A_31 = arith.constant 32 : index
      %get3A_32 = tpu.vector_load %arg5[%get3A_30, %get3A_31] {strides = array<i32>} : memref<80x128xi32, #tpu.memory_space<vmem>>, vector<16xi32>,
      tpu.vector_store_idx %arg6[%get3A_32], %broadcast_in_dim3A_3 {add = true} : memref<10240xf32, #tpu.memory_space<vmem>>[vector<16xi32>], vector<16xf32>,
      %get3A_33 = arith.index_cast %scan3A_24 : i32 to index
      %get3A_34 = arith.constant 48 : index
      %get3A_35 = tpu.vector_load %arg5[%get3A_33, %get3A_34] {strides = array<i32>} : memref<80x128xi32, #tpu.memory_space<vmem>>, vector<16xi32>,
      tpu.vector_store_idx %arg6[%get3A_35], %broadcast_in_dim3A_3 {add = true} : memref<10240xf32, #tpu.memory_space<vmem>>[vector<16xi32>], vector<16xf32>,
      %get3A_36 = arith.index_cast %scan3A_24 : i32 to index
      %get3A_37 = arith.constant 64 : index
      %get3A_38 = tpu.vector_load %arg5[%get3A_36, %get3A_37] {strides = array<i32>} : memref<80x128xi32, #tpu.memory_space<vmem>>, vector<16xi32>,
      tpu.vector_store_idx %arg6[%get3A_38], %broadcast_in_dim3A_3 {add = true} : memref<10240xf32, #tpu.memory_space<vmem>>[vector<16xi32>], vector<16xf32>,
      %get3A_39 = arith.index_cast %scan3A_24 : i32 to index
      %get3A_40 = arith.constant 80 : index
      %get3A_41 = tpu.vector_load %arg5[%get3A_39, %get3A_40] {strides = array<i32>} : memref<80x128xi32, #tpu.memory_space<vmem>>, vector<16xi32>,
      tpu.vector_store_idx %arg6[%get3A_41], %broadcast_in_dim3A_3 {add = true} : memref<10240xf32, #tpu.memory_space<vmem>>[vector<16xi32>], vector<16xf32>,
      %get3A_42 = arith.index_cast %scan3A_24 : i32 to index
      %get3A_43 = arith.constant 96 : index
      %get3A_44 = tpu.vector_load %arg5[%get3A_42, %get3A_43] {strides = array<i32>} : memref<80x128xi32, #tpu.memory_space<vmem>>, vector<16xi32>,
      tpu.vector_store_idx %arg6[%get3A_44], %broadcast_in_dim3A_3 {add = true} : memref<10240xf32, #tpu.memory_space<vmem>>[vector<16xi32>], vector<16xf32>,
      %get3A_45 = arith.index_cast %scan3A_24 : i32 to index
      %get3A_46 = arith.constant 112 : index
      %get3A_47 = tpu.vector_load %arg5[%get3A_45, %get3A_46] {strides = array<i32>} : memref<80x128xi32, #tpu.memory_space<vmem>>, vector<16xi32>,
      tpu.vector_store_idx %arg6[%get3A_47], %broadcast_in_dim3A_3 {add = true} : memref<10240xf32, #tpu.memory_space<vmem>>[vector<16xi32>], vector<16xf32>,
    }
    %scan3A_22 = arith.constant 80 : i32
    %run_scoped3A_23 = arith.constant 1 : i32
    "tpu.region"() ({
      %run_scoped3A_24 = tpu.sem_alloc : memref<!tpu.dma_semaphore, #tpu.memory_space<semaphore_mem>>
      %dma_start3A = arith.constant 0 : i32
      %dma_start3A_25 = arith.constant 0 : i32
      %dma_start3A_26 = tpu.memref_slice %arg4[%run_scoped3A_23, %dma_start3A, %dma_start3A_25] : memref<2x32x10240xf32, #tpu.memory_space<hbm>> -> memref<1x32x10240xf32, #tpu.memory_space<hbm>>
      %dma_start3A_27 = tpu.memref_squeeze %dma_start3A_26 : memref<1x32x10240xf32, #tpu.memory_space<hbm>> -> memref<32x10240xf32, #tpu.memory_space<hbm>>
      %dma_start3A_28 = arith.constant 0 : i32
      %dma_start3A_29 = tpu.memref_slice %dma_start3A_27[%add3A, %dma_start3A_28] : memref<32x10240xf32, #tpu.memory_space<hbm>> -> memref<1x10240xf32, #tpu.memory_space<hbm>>
      %dma_start3A_30 = tpu.memref_squeeze %dma_start3A_29 : memref<1x10240xf32, #tpu.memory_space<hbm>> -> memref<10240xf32, #tpu.memory_space<hbm>>
      %dma_start3A_31 = arith.constant 0 : i32
      %dma_start3A_32 = arith.constant 0 : i32
      %dma_start3A_33 = tpu.memref_slice %arg4[%run_scoped3A_23, %dma_start3A_31, %dma_start3A_32] : memref<2x32x10240xf32, #tpu.memory_space<hbm>> -> memref<1x32x10240xf32, #tpu.memory_space<hbm>>
      %dma_start3A_34 = tpu.memref_squeeze %dma_start3A_33 : memref<1x32x10240xf32, #tpu.memory_space<hbm>> -> memref<32x10240xf32, #tpu.memory_space<hbm>>
      %dma_start3A_35 = arith.constant 0 : i32
      %dma_start3A_36 = tpu.memref_slice %dma_start3A_34[%add3A, %dma_start3A_35] : memref<32x10240xf32, #tpu.memory_space<hbm>> -> memref<1x10240xf32, #tpu.memory_space<hbm>>
      %dma_start3A_37 = tpu.memref_squeeze %dma_start3A_36 : memref<1x10240xf32, #tpu.memory_space<hbm>> -> memref<10240xf32, #tpu.memory_space<hbm>>
      tpu.enqueue_dma source(%arg6 : memref<10240xf32, #tpu.memory_space<vmem>>) target(%dma_start3A_37 : memref<10240xf32, #tpu.memory_space<hbm>>) target_semaphore(%run_scoped3A_24 : memref<!tpu.dma_semaphore, #tpu.memory_space<semaphore_mem>>)
      %dma_wait3A = arith.constant 0 : i32
      %dma_wait3A_38 = arith.constant 0 : i32
      %dma_wait3A_39 = tpu.memref_slice %arg4[%run_scoped3A_23, %dma_wait3A, %dma_wait3A_38] : memref<2x32x10240xf32, #tpu.memory_space<hbm>> -> memref<1x32x10240xf32, #tpu.memory_space<hbm>>
      %dma_wait3A_40 = tpu.memref_squeeze %dma_wait3A_39 : memref<1x32x10240xf32, #tpu.memory_space<hbm>> -> memref<32x10240xf32, #tpu.memory_space<hbm>>
      %dma_wait3A_41 = arith.constant 0 : i32
      %dma_wait3A_42 = tpu.memref_slice %dma_wait3A_40[%add3A, %dma_wait3A_41] : memref<32x10240xf32, #tpu.memory_space<hbm>> -> memref<1x10240xf32, #tpu.memory_space<hbm>>
      %dma_wait3A_43 = tpu.memref_squeeze %dma_wait3A_42 : memref<1x10240xf32, #tpu.memory_space<hbm>> -> memref<10240xf32, #tpu.memory_space<hbm>>
      %dma_wait3A_44 = arith.constant 0 : i32
      %dma_wait3A_45 = arith.constant 0 : i32
      %dma_wait3A_46 = tpu.memref_slice %arg4[%run_scoped3A_23, %dma_wait3A_44, %dma_wait3A_45] : memref<2x32x10240xf32, #tpu.memory_space<hbm>> -> memref<1x32x10240xf32, #tpu.memory_space<hbm>>
      %dma_wait3A_47 = tpu.memref_squeeze %dma_wait3A_46 : memref<1x32x10240xf32, #tpu.memory_space<hbm>> -> memref<32x10240xf32, #tpu.memory_space<hbm>>
      %dma_wait3A_48 = arith.constant 0 : i32
      %dma_wait3A_49 = tpu.memref_slice %dma_wait3A_47[%add3A, %dma_wait3A_48] : memref<32x10240xf32, #tpu.memory_space<hbm>> -> memref<1x10240xf32, #tpu.memory_space<hbm>>
      %dma_wait3A_50 = tpu.memref_squeeze %dma_wait3A_49 : memref<1x10240xf32, #tpu.memory_space<hbm>> -> memref<10240xf32, #tpu.memory_space<hbm>>
      tpu.wait_dma2 semaphore(%run_scoped3A_24 : memref<!tpu.dma_semaphore, #tpu.memory_space<semaphore_mem>>) src(%arg6 : memref<10240xf32, #tpu.memory_space<vmem>>) dst(%dma_wait3A_50 : memref<10240xf32, #tpu.memory_space<hbm>>)
      tpu.yield
    }) : () -> ()
    return
  }
}

#map = affine_map<(d0, d1) -> (0, 0)>
#map1 = affine_map<(d0, d1) -> (0, 0, 0)>
module attributes {stable_mosaic.version = 14 : i64} {
  func.func @seg_kernel(%arg0: i32, %arg1: i32, %arg2: memref<10000x64xf32, #tpu.memory_space<hbm>>, %arg3: memref<10000x64xf32, #tpu.memory_space<hbm>>, %arg4: memref<32x80x128xi32, #tpu.memory_space<hbm>>, %arg5: memref<32x80x128xi32, #tpu.memory_space<hbm>>, %arg6: memref<32x80x128xi32, #tpu.memory_space<hbm>>, %arg7: memref<32x80x128xi32, #tpu.memory_space<hbm>>, %arg8: memref<2x10240x64xf32, #tpu.memory_space<hbm>>, %arg9: memref<2x10240x64xf32, #tpu.memory_space<hbm>>, %arg10: memref<80x128xi32, #tpu.memory_space<vmem>>, %arg11: memref<80x128xi32, #tpu.memory_space<vmem>>, %arg12: memref<128x64xf32, #tpu.memory_space<vmem>>, %arg13: memref<128x64xf32, #tpu.memory_space<vmem>>, %arg14: memref<128x64xf32, #tpu.memory_space<vmem>>, %arg15: memref<10000x64xf32, #tpu.memory_space<vmem_shared>>, %arg16: memref<10240x64xf32, #tpu.memory_space<vmem_shared>>, %arg17: memref<!tpu.dma_semaphore, #tpu.memory_space<semaphore_mem>>, %arg18: memref<!tpu.dma_semaphore, #tpu.memory_space<semaphore_mem>>, %arg19: memref<!tpu.dma_semaphore, #tpu.memory_space<semaphore_mem>>) attributes {dimension_semantics = [#tpu.dimension_semantics<core_parallel>, #tpu.dimension_semantics<subcore_parallel>], iteration_bounds = array<i64: 2, 16>, scalar_prefetch = 0 : i64, scratch_operands = 10 : i64, tpu.core_type = #tpu.core_type<sc_vector_subcore>, window_params = [{transform_indices = #map}, {transform_indices = #map}, {transform_indices = #map1}, {transform_indices = #map1}, {transform_indices = #map1}, {transform_indices = #map1}, {transform_indices = #map1}, {transform_indices = #map1}]} {
    %mul3A = arith.constant 16 : i32
    %mul3A_0 = arith.muli %arg0, %mul3A : i32
    %add3A = arith.addi %mul3A_0, %arg1 : i32
    %broadcast_in_dim3A = arith.constant 0.000000e+00 : f32
    %broadcast_in_dim3A_1 = vector.broadcast %broadcast_in_dim3A : f32 to vector<16xf32>
    %mul3A_2 = arith.constant 625 : i32
    %mul3A_3 = arith.muli %arg1, %mul3A_2 : i32
    %dma_start3A = arith.constant 0 : i32
    %dma_start3A_4 = tpu.memref_slice %arg15[%mul3A_3, %dma_start3A] : memref<10000x64xf32, #tpu.memory_space<vmem_shared>> -> memref<625x64xf32, #tpu.memory_space<vmem_shared>>
    %dma_start3A_5 = arith.constant 0 : i32
    %dma_start3A_6 = tpu.memref_slice %arg2[%mul3A_3, %dma_start3A_5] : memref<10000x64xf32, #tpu.memory_space<hbm>> -> memref<625x64xf32, #tpu.memory_space<hbm>>
    tpu.enqueue_dma source(%dma_start3A_6 : memref<625x64xf32, #tpu.memory_space<hbm>>) target(%dma_start3A_4 : memref<625x64xf32, #tpu.memory_space<vmem_shared>>) target_semaphore(%arg19 : memref<!tpu.dma_semaphore, #tpu.memory_space<semaphore_mem>>)
    %dma_start3A_7 = arith.constant 0 : i32
    %dma_start3A_8 = arith.constant 0 : i32
    %dma_start3A_9 = tpu.memref_slice %arg4[%add3A, %dma_start3A_7, %dma_start3A_8] : memref<32x80x128xi32, #tpu.memory_space<hbm>> -> memref<1x80x128xi32, #tpu.memory_space<hbm>>
    %dma_start3A_10 = tpu.memref_squeeze %dma_start3A_9 : memref<1x80x128xi32, #tpu.memory_space<hbm>> -> memref<80x128xi32, #tpu.memory_space<hbm>>
    %dma_start3A_11 = arith.constant 0 : i32
    %dma_start3A_12 = arith.constant 0 : i32
    %dma_start3A_13 = tpu.memref_slice %arg4[%add3A, %dma_start3A_11, %dma_start3A_12] : memref<32x80x128xi32, #tpu.memory_space<hbm>> -> memref<1x80x128xi32, #tpu.memory_space<hbm>>
    %dma_start3A_14 = tpu.memref_squeeze %dma_start3A_13 : memref<1x80x128xi32, #tpu.memory_space<hbm>> -> memref<80x128xi32, #tpu.memory_space<hbm>>
    tpu.enqueue_dma source(%dma_start3A_14 : memref<80x128xi32, #tpu.memory_space<hbm>>) target(%arg10 : memref<80x128xi32, #tpu.memory_space<vmem>>) target_semaphore(%arg17 : memref<!tpu.dma_semaphore, #tpu.memory_space<semaphore_mem>>)
    %dma_start3A_15 = arith.constant 0 : i32
    %dma_start3A_16 = arith.constant 0 : i32
    %dma_start3A_17 = tpu.memref_slice %arg5[%add3A, %dma_start3A_15, %dma_start3A_16] : memref<32x80x128xi32, #tpu.memory_space<hbm>> -> memref<1x80x128xi32, #tpu.memory_space<hbm>>
    %dma_start3A_18 = tpu.memref_squeeze %dma_start3A_17 : memref<1x80x128xi32, #tpu.memory_space<hbm>> -> memref<80x128xi32, #tpu.memory_space<hbm>>
    %dma_start3A_19 = arith.constant 0 : i32
    %dma_start3A_20 = arith.constant 0 : i32
    %dma_start3A_21 = tpu.memref_slice %arg5[%add3A, %dma_start3A_19, %dma_start3A_20] : memref<32x80x128xi32, #tpu.memory_space<hbm>> -> memref<1x80x128xi32, #tpu.memory_space<hbm>>
    %dma_start3A_22 = tpu.memref_squeeze %dma_start3A_21 : memref<1x80x128xi32, #tpu.memory_space<hbm>> -> memref<80x128xi32, #tpu.memory_space<hbm>>
    tpu.enqueue_dma source(%dma_start3A_22 : memref<80x128xi32, #tpu.memory_space<hbm>>) target(%arg11 : memref<80x128xi32, #tpu.memory_space<vmem>>) target_semaphore(%arg18 : memref<!tpu.dma_semaphore, #tpu.memory_space<semaphore_mem>>)
    %scan3A = arith.constant 0 : i32
    %scan3A_23 = arith.constant 128 : i32
    %scan3A_24 = arith.addi %scan3A, %scan3A_23 : i32
    %scan3A_25 = arith.constant 1 : i32
    scf.for %scan3A_235 = %scan3A to %scan3A_24 step %scan3A_25  : i32 {
      %swap3A = arith.index_cast %scan3A_235 : i32 to index
      %swap3A_236 = arith.constant 0 : index
      %swap3A_237 = tpu.vector_load %arg14[%swap3A, %swap3A_236] {strides = array<i32>} : memref<128x64xf32, #tpu.memory_space<vmem>>, vector<16xf32>,
      tpu.vector_store %arg14[%swap3A, %swap3A_236], %broadcast_in_dim3A_1 {strides = array<i32>} : memref<128x64xf32, #tpu.memory_space<vmem>>, vector<16xf32>,
      %swap3A_238 = arith.index_cast %scan3A_235 : i32 to index
      %swap3A_239 = arith.constant 16 : index
      %swap3A_240 = tpu.vector_load %arg14[%swap3A_238, %swap3A_239] {strides = array<i32>} : memref<128x64xf32, #tpu.memory_space<vmem>>, vector<16xf32>,
      tpu.vector_store %arg14[%swap3A_238, %swap3A_239], %broadcast_in_dim3A_1 {strides = array<i32>} : memref<128x64xf32, #tpu.memory_space<vmem>>, vector<16xf32>,
      %swap3A_241 = arith.index_cast %scan3A_235 : i32 to index
      %swap3A_242 = arith.constant 32 : index
      %swap3A_243 = tpu.vector_load %arg14[%swap3A_241, %swap3A_242] {strides = array<i32>} : memref<128x64xf32, #tpu.memory_space<vmem>>, vector<16xf32>,
      tpu.vector_store %arg14[%swap3A_241, %swap3A_242], %broadcast_in_dim3A_1 {strides = array<i32>} : memref<128x64xf32, #tpu.memory_space<vmem>>, vector<16xf32>,
      %swap3A_244 = arith.index_cast %scan3A_235 : i32 to index
      %swap3A_245 = arith.constant 48 : index
      %swap3A_246 = tpu.vector_load %arg14[%swap3A_244, %swap3A_245] {strides = array<i32>} : memref<128x64xf32, #tpu.memory_space<vmem>>, vector<16xf32>,
      tpu.vector_store %arg14[%swap3A_244, %swap3A_245], %broadcast_in_dim3A_1 {strides = array<i32>} : memref<128x64xf32, #tpu.memory_space<vmem>>, vector<16xf32>,
    }
    %scan3A_26 = arith.constant 128 : i32
    %mul3A_27 = arith.constant 640 : i32
    %mul3A_28 = arith.muli %arg1, %mul3A_27 : i32
    %add3A_29 = arith.constant 0 : i32
    %add3A_30 = arith.addi %mul3A_28, %add3A_29 : i32
    "tpu.region"() ({
      %run_scoped3A_235 = tpu.sem_alloc : memref<!tpu.dma_semaphore, #tpu.memory_space<semaphore_mem>>
      %dma_start3A_236 = arith.constant 0 : i32
      %dma_start3A_237 = tpu.memref_slice %arg16[%add3A_30, %dma_start3A_236] : memref<10240x64xf32, #tpu.memory_space<vmem_shared>> -> memref<128x64xf32, #tpu.memory_space<vmem_shared>>
      %dma_start3A_238 = arith.constant 0 : i32
      %dma_start3A_239 = tpu.memref_slice %arg16[%add3A_30, %dma_start3A_238] : memref<10240x64xf32, #tpu.memory_space<vmem_shared>> -> memref<128x64xf32, #tpu.memory_space<vmem_shared>>
      tpu.enqueue_dma source(%arg14 : memref<128x64xf32, #tpu.memory_space<vmem>>) target(%dma_start3A_239 : memref<128x64xf32, #tpu.memory_space<vmem_shared>>) target_semaphore(%run_scoped3A_235 : memref<!tpu.dma_semaphore, #tpu.memory_space<semaphore_mem>>)
      %dma_wait3A_240 = arith.constant 0 : i32
      %dma_wait3A_241 = tpu.memref_slice %arg16[%add3A_30, %dma_wait3A_240] : memref<10240x64xf32, #tpu.memory_space<vmem_shared>> -> memref<128x64xf32, #tpu.memory_space<vmem_shared>>
      %dma_wait3A_242 = arith.constant 0 : i32
      %dma_wait3A_243 = tpu.memref_slice %arg16[%add3A_30, %dma_wait3A_242] : memref<10240x64xf32, #tpu.memory_space<vmem_shared>> -> memref<128x64xf32, #tpu.memory_space<vmem_shared>>
      tpu.wait_dma2 semaphore(%run_scoped3A_235 : memref<!tpu.dma_semaphore, #tpu.memory_space<semaphore_mem>>) src(%arg14 : memref<128x64xf32, #tpu.memory_space<vmem>>) dst(%dma_wait3A_243 : memref<128x64xf32, #tpu.memory_space<vmem_shared>>)
      tpu.yield
    }) : () -> ()
    %mul3A_31 = arith.constant 640 : i32
    %mul3A_32 = arith.muli %arg1, %mul3A_31 : i32
    %add3A_33 = arith.constant 128 : i32
    %add3A_34 = arith.addi %mul3A_32, %add3A_33 : i32
    "tpu.region"() ({
      %run_scoped3A_235 = tpu.sem_alloc : memref<!tpu.dma_semaphore, #tpu.memory_space<semaphore_mem>>
      %dma_start3A_236 = arith.constant 0 : i32
      %dma_start3A_237 = tpu.memref_slice %arg16[%add3A_34, %dma_start3A_236] : memref<10240x64xf32, #tpu.memory_space<vmem_shared>> -> memref<128x64xf32, #tpu.memory_space<vmem_shared>>
      %dma_start3A_238 = arith.constant 0 : i32
      %dma_start3A_239 = tpu.memref_slice %arg16[%add3A_34, %dma_start3A_238] : memref<10240x64xf32, #tpu.memory_space<vmem_shared>> -> memref<128x64xf32, #tpu.memory_space<vmem_shared>>
      tpu.enqueue_dma source(%arg14 : memref<128x64xf32, #tpu.memory_space<vmem>>) target(%dma_start3A_239 : memref<128x64xf32, #tpu.memory_space<vmem_shared>>) target_semaphore(%run_scoped3A_235 : memref<!tpu.dma_semaphore, #tpu.memory_space<semaphore_mem>>)
      %dma_wait3A_240 = arith.constant 0 : i32
      %dma_wait3A_241 = tpu.memref_slice %arg16[%add3A_34, %dma_wait3A_240] : memref<10240x64xf32, #tpu.memory_space<vmem_shared>> -> memref<128x64xf32, #tpu.memory_space<vmem_shared>>
      %dma_wait3A_242 = arith.constant 0 : i32
      %dma_wait3A_243 = tpu.memref_slice %arg16[%add3A_34, %dma_wait3A_242] : memref<10240x64xf32, #tpu.memory_space<vmem_shared>> -> memref<128x64xf32, #tpu.memory_space<vmem_shared>>
      tpu.wait_dma2 semaphore(%run_scoped3A_235 : memref<!tpu.dma_semaphore, #tpu.memory_space<semaphore_mem>>) src(%arg14 : memref<128x64xf32, #tpu.memory_space<vmem>>) dst(%dma_wait3A_243 : memref<128x64xf32, #tpu.memory_space<vmem_shared>>)
      tpu.yield
    }) : () -> ()
    %mul3A_35 = arith.constant 640 : i32
    %mul3A_36 = arith.muli %arg1, %mul3A_35 : i32
    %add3A_37 = arith.constant 256 : i32
    %add3A_38 = arith.addi %mul3A_36, %add3A_37 : i32
    "tpu.region"() ({
      %run_scoped3A_235 = tpu.sem_alloc : memref<!tpu.dma_semaphore, #tpu.memory_space<semaphore_mem>>
      %dma_start3A_236 = arith.constant 0 : i32
      %dma_start3A_237 = tpu.memref_slice %arg16[%add3A_38, %dma_start3A_236] : memref<10240x64xf32, #tpu.memory_space<vmem_shared>> -> memref<128x64xf32, #tpu.memory_space<vmem_shared>>
      %dma_start3A_238 = arith.constant 0 : i32
      %dma_start3A_239 = tpu.memref_slice %arg16[%add3A_38, %dma_start3A_238] : memref<10240x64xf32, #tpu.memory_space<vmem_shared>> -> memref<128x64xf32, #tpu.memory_space<vmem_shared>>
      tpu.enqueue_dma source(%arg14 : memref<128x64xf32, #tpu.memory_space<vmem>>) target(%dma_start3A_239 : memref<128x64xf32, #tpu.memory_space<vmem_shared>>) target_semaphore(%run_scoped3A_235 : memref<!tpu.dma_semaphore, #tpu.memory_space<semaphore_mem>>)
      %dma_wait3A_240 = arith.constant 0 : i32
      %dma_wait3A_241 = tpu.memref_slice %arg16[%add3A_38, %dma_wait3A_240] : memref<10240x64xf32, #tpu.memory_space<vmem_shared>> -> memref<128x64xf32, #tpu.memory_space<vmem_shared>>
      %dma_wait3A_242 = arith.constant 0 : i32
      %dma_wait3A_243 = tpu.memref_slice %arg16[%add3A_38, %dma_wait3A_242] : memref<10240x64xf32, #tpu.memory_space<vmem_shared>> -> memref<128x64xf32, #tpu.memory_space<vmem_shared>>
      tpu.wait_dma2 semaphore(%run_scoped3A_235 : memref<!tpu.dma_semaphore, #tpu.memory_space<semaphore_mem>>) src(%arg14 : memref<128x64xf32, #tpu.memory_space<vmem>>) dst(%dma_wait3A_243 : memref<128x64xf32, #tpu.memory_space<vmem_shared>>)
      tpu.yield
    }) : () -> ()
    %mul3A_39 = arith.constant 640 : i32
    %mul3A_40 = arith.muli %arg1, %mul3A_39 : i32
    %add3A_41 = arith.constant 384 : i32
    %add3A_42 = arith.addi %mul3A_40, %add3A_41 : i32
    "tpu.region"() ({
      %run_scoped3A_235 = tpu.sem_alloc : memref<!tpu.dma_semaphore, #tpu.memory_space<semaphore_mem>>
      %dma_start3A_236 = arith.constant 0 : i32
      %dma_start3A_237 = tpu.memref_slice %arg16[%add3A_42, %dma_start3A_236] : memref<10240x64xf32, #tpu.memory_space<vmem_shared>> -> memref<128x64xf32, #tpu.memory_space<vmem_shared>>
      %dma_start3A_238 = arith.constant 0 : i32
      %dma_start3A_239 = tpu.memref_slice %arg16[%add3A_42, %dma_start3A_238] : memref<10240x64xf32, #tpu.memory_space<vmem_shared>> -> memref<128x64xf32, #tpu.memory_space<vmem_shared>>
      tpu.enqueue_dma source(%arg14 : memref<128x64xf32, #tpu.memory_space<vmem>>) target(%dma_start3A_239 : memref<128x64xf32, #tpu.memory_space<vmem_shared>>) target_semaphore(%run_scoped3A_235 : memref<!tpu.dma_semaphore, #tpu.memory_space<semaphore_mem>>)
      %dma_wait3A_240 = arith.constant 0 : i32
      %dma_wait3A_241 = tpu.memref_slice %arg16[%add3A_42, %dma_wait3A_240] : memref<10240x64xf32, #tpu.memory_space<vmem_shared>> -> memref<128x64xf32, #tpu.memory_space<vmem_shared>>
      %dma_wait3A_242 = arith.constant 0 : i32
      %dma_wait3A_243 = tpu.memref_slice %arg16[%add3A_42, %dma_wait3A_242] : memref<10240x64xf32, #tpu.memory_space<vmem_shared>> -> memref<128x64xf32, #tpu.memory_space<vmem_shared>>
      tpu.wait_dma2 semaphore(%run_scoped3A_235 : memref<!tpu.dma_semaphore, #tpu.memory_space<semaphore_mem>>) src(%arg14 : memref<128x64xf32, #tpu.memory_space<vmem>>) dst(%dma_wait3A_243 : memref<128x64xf32, #tpu.memory_space<vmem_shared>>)
      tpu.yield
    }) : () -> ()
    %mul3A_43 = arith.constant 640 : i32
    %mul3A_44 = arith.muli %arg1, %mul3A_43 : i32
    %add3A_45 = arith.constant 512 : i32
    %add3A_46 = arith.addi %mul3A_44, %add3A_45 : i32
    "tpu.region"() ({
      %run_scoped3A_235 = tpu.sem_alloc : memref<!tpu.dma_semaphore, #tpu.memory_space<semaphore_mem>>
      %dma_start3A_236 = arith.constant 0 : i32
      %dma_start3A_237 = tpu.memref_slice %arg16[%add3A_46, %dma_start3A_236] : memref<10240x64xf32, #tpu.memory_space<vmem_shared>> -> memref<128x64xf32, #tpu.memory_space<vmem_shared>>
      %dma_start3A_238 = arith.constant 0 : i32
      %dma_start3A_239 = tpu.memref_slice %arg16[%add3A_46, %dma_start3A_238] : memref<10240x64xf32, #tpu.memory_space<vmem_shared>> -> memref<128x64xf32, #tpu.memory_space<vmem_shared>>
      tpu.enqueue_dma source(%arg14 : memref<128x64xf32, #tpu.memory_space<vmem>>) target(%dma_start3A_239 : memref<128x64xf32, #tpu.memory_space<vmem_shared>>) target_semaphore(%run_scoped3A_235 : memref<!tpu.dma_semaphore, #tpu.memory_space<semaphore_mem>>)
      %dma_wait3A_240 = arith.constant 0 : i32
      %dma_wait3A_241 = tpu.memref_slice %arg16[%add3A_46, %dma_wait3A_240] : memref<10240x64xf32, #tpu.memory_space<vmem_shared>> -> memref<128x64xf32, #tpu.memory_space<vmem_shared>>
      %dma_wait3A_242 = arith.constant 0 : i32
      %dma_wait3A_243 = tpu.memref_slice %arg16[%add3A_46, %dma_wait3A_242] : memref<10240x64xf32, #tpu.memory_space<vmem_shared>> -> memref<128x64xf32, #tpu.memory_space<vmem_shared>>
      tpu.wait_dma2 semaphore(%run_scoped3A_235 : memref<!tpu.dma_semaphore, #tpu.memory_space<semaphore_mem>>) src(%arg14 : memref<128x64xf32, #tpu.memory_space<vmem>>) dst(%dma_wait3A_243 : memref<128x64xf32, #tpu.memory_space<vmem_shared>>)
      tpu.yield
    }) : () -> ()
    %dma_wait3A = arith.constant 0 : i32
    %dma_wait3A_47 = tpu.memref_slice %arg15[%mul3A_3, %dma_wait3A] : memref<10000x64xf32, #tpu.memory_space<vmem_shared>> -> memref<625x64xf32, #tpu.memory_space<vmem_shared>>
    %dma_wait3A_48 = arith.constant 0 : i32
    %dma_wait3A_49 = tpu.memref_slice %arg2[%mul3A_3, %dma_wait3A_48] : memref<10000x64xf32, #tpu.memory_space<hbm>> -> memref<625x64xf32, #tpu.memory_space<hbm>>
    tpu.wait_dma2 semaphore(%arg19 : memref<!tpu.dma_semaphore, #tpu.memory_space<semaphore_mem>>) src(%dma_wait3A_49 : memref<625x64xf32, #tpu.memory_space<hbm>>) dst(%dma_wait3A_47 : memref<625x64xf32, #tpu.memory_space<vmem_shared>>)
    %dma_wait3A_50 = arith.constant 0 : i32
    %dma_wait3A_51 = arith.constant 0 : i32
    %dma_wait3A_52 = tpu.memref_slice %arg4[%add3A, %dma_wait3A_50, %dma_wait3A_51] : memref<32x80x128xi32, #tpu.memory_space<hbm>> -> memref<1x80x128xi32, #tpu.memory_space<hbm>>
    %dma_wait3A_53 = tpu.memref_squeeze %dma_wait3A_52 : memref<1x80x128xi32, #tpu.memory_space<hbm>> -> memref<80x128xi32, #tpu.memory_space<hbm>>
    %dma_wait3A_54 = arith.constant 0 : i32
    %dma_wait3A_55 = arith.constant 0 : i32
    %dma_wait3A_56 = tpu.memref_slice %arg4[%add3A, %dma_wait3A_54, %dma_wait3A_55] : memref<32x80x128xi32, #tpu.memory_space<hbm>> -> memref<1x80x128xi32, #tpu.memory_space<hbm>>
    %dma_wait3A_57 = tpu.memref_squeeze %dma_wait3A_56 : memref<1x80x128xi32, #tpu.memory_space<hbm>> -> memref<80x128xi32, #tpu.memory_space<hbm>>
    tpu.wait_dma2 semaphore(%arg17 : memref<!tpu.dma_semaphore, #tpu.memory_space<semaphore_mem>>) src(%dma_wait3A_57 : memref<80x128xi32, #tpu.memory_space<hbm>>) dst(%arg10 : memref<80x128xi32, #tpu.memory_space<vmem>>)
    %dma_wait3A_58 = arith.constant 0 : i32
    %dma_wait3A_59 = arith.constant 0 : i32
    %dma_wait3A_60 = tpu.memref_slice %arg5[%add3A, %dma_wait3A_58, %dma_wait3A_59] : memref<32x80x128xi32, #tpu.memory_space<hbm>> -> memref<1x80x128xi32, #tpu.memory_space<hbm>>
    %dma_wait3A_61 = tpu.memref_squeeze %dma_wait3A_60 : memref<1x80x128xi32, #tpu.memory_space<hbm>> -> memref<80x128xi32, #tpu.memory_space<hbm>>
    %dma_wait3A_62 = arith.constant 0 : i32
    %dma_wait3A_63 = arith.constant 0 : i32
    %dma_wait3A_64 = tpu.memref_slice %arg5[%add3A, %dma_wait3A_62, %dma_wait3A_63] : memref<32x80x128xi32, #tpu.memory_space<hbm>> -> memref<1x80x128xi32, #tpu.memory_space<hbm>>
    %dma_wait3A_65 = tpu.memref_squeeze %dma_wait3A_64 : memref<1x80x128xi32, #tpu.memory_space<hbm>> -> memref<80x128xi32, #tpu.memory_space<hbm>>
    tpu.wait_dma2 semaphore(%arg18 : memref<!tpu.dma_semaphore, #tpu.memory_space<semaphore_mem>>) src(%dma_wait3A_65 : memref<80x128xi32, #tpu.memory_space<hbm>>) dst(%arg11 : memref<80x128xi32, #tpu.memory_space<vmem>>)
    %barrier3A = arith.constant 0 : index
    tpu.barrier barrier_id(%barrier3A)
    %dma_start3A_66 = arith.constant 0 : i32
    %dma_start3A_67 = arith.constant 0 : i32
    %dma_start3A_68 = tpu.memref_slice %arg10[%dma_start3A_66, %dma_start3A_67] : memref<80x128xi32, #tpu.memory_space<vmem>> -> memref<1x128xi32, #tpu.memory_space<vmem>>
    %dma_start3A_69 = tpu.memref_squeeze %dma_start3A_68 : memref<1x128xi32, #tpu.memory_space<vmem>> -> memref<128xi32, #tpu.memory_space<vmem>>
    %dma_start3A_70 = arith.constant 0 : i32
    %dma_start3A_71 = arith.constant 0 : i32
    %dma_start3A_72 = tpu.memref_slice %arg15[%dma_start3A_70, %dma_start3A_71] : memref<10000x64xf32, #tpu.memory_space<vmem_shared>> -> memref<10000x64xf32, #tpu.memory_space<vmem_shared>>
    tpu.enqueue_indirect_dma source(%dma_start3A_72 : memref<10000x64xf32, #tpu.memory_space<vmem_shared>>) target(%arg12 : memref<128x64xf32, #tpu.memory_space<vmem>>) offsets(%dma_start3A_69 : memref<128xi32, #tpu.memory_space<vmem>>) semaphore(%arg17 : memref<!tpu.dma_semaphore, #tpu.memory_space<semaphore_mem>>)
    %dma_start3A_73 = arith.constant 1 : i32
    %dma_start3A_74 = arith.constant 0 : i32
    %dma_start3A_75 = tpu.memref_slice %arg10[%dma_start3A_73, %dma_start3A_74] : memref<80x128xi32, #tpu.memory_space<vmem>> -> memref<1x128xi32, #tpu.memory_space<vmem>>
    %dma_start3A_76 = tpu.memref_squeeze %dma_start3A_75 : memref<1x128xi32, #tpu.memory_space<vmem>> -> memref<128xi32, #tpu.memory_space<vmem>>
    %dma_start3A_77 = arith.constant 0 : i32
    %dma_start3A_78 = arith.constant 0 : i32
    %dma_start3A_79 = tpu.memref_slice %arg15[%dma_start3A_77, %dma_start3A_78] : memref<10000x64xf32, #tpu.memory_space<vmem_shared>> -> memref<10000x64xf32, #tpu.memory_space<vmem_shared>>
    tpu.enqueue_indirect_dma source(%dma_start3A_79 : memref<10000x64xf32, #tpu.memory_space<vmem_shared>>) target(%arg13 : memref<128x64xf32, #tpu.memory_space<vmem>>) offsets(%dma_start3A_76 : memref<128xi32, #tpu.memory_space<vmem>>) semaphore(%arg18 : memref<!tpu.dma_semaphore, #tpu.memory_space<semaphore_mem>>)
    %scan3A_80 = arith.constant 0 : i32
    %scan3A_81 = arith.constant 39 : i32
    %scan3A_82 = arith.addi %scan3A_80, %scan3A_81 : i32
    %scan3A_83 = arith.constant 1 : i32
    scf.for %scan3A_235 = %scan3A_80 to %scan3A_82 step %scan3A_83  : i32 {
      %mul3A_236 = arith.constant 2 : i32
      %mul3A_237 = arith.muli %mul3A_236, %scan3A_235 : i32
      %add3A_238 = arith.constant 0 : i32
      %add3A_239 = arith.addi %mul3A_237, %add3A_238 : i32
      %dma_wait3A_240 = arith.constant 0 : i32
      %dma_wait3A_241 = tpu.memref_slice %arg10[%add3A_239, %dma_wait3A_240] : memref<80x128xi32, #tpu.memory_space<vmem>> -> memref<1x128xi32, #tpu.memory_space<vmem>>
      %dma_wait3A_242 = tpu.memref_squeeze %dma_wait3A_241 : memref<1x128xi32, #tpu.memory_space<vmem>> -> memref<128xi32, #tpu.memory_space<vmem>>
      %dma_wait3A_243 = arith.constant 0 : i32
      %dma_wait3A_244 = arith.constant 0 : i32
      %dma_wait3A_245 = tpu.memref_slice %arg15[%dma_wait3A_243, %dma_wait3A_244] : memref<10000x64xf32, #tpu.memory_space<vmem_shared>> -> memref<10000x64xf32, #tpu.memory_space<vmem_shared>>
      tpu.wait_indirect_dma semaphore(%arg17 : memref<!tpu.dma_semaphore, #tpu.memory_space<semaphore_mem>>) src(%dma_wait3A_245 : memref<10000x64xf32, #tpu.memory_space<vmem_shared>>) dst(%arg12 : memref<128x64xf32, #tpu.memory_space<vmem>>)
      %add3A_246 = arith.constant 0 : i32
      %add3A_247 = arith.addi %mul3A_237, %add3A_246 : i32
      "tpu.region"() ({
        %run_scoped3A_278 = tpu.sem_alloc : memref<!tpu.dma_semaphore, #tpu.memory_space<semaphore_mem>>
        %dma_start3A_279 = arith.constant 0 : i32
        %dma_start3A_280 = tpu.memref_slice %arg11[%add3A_247, %dma_start3A_279] : memref<80x128xi32, #tpu.memory_space<vmem>> -> memref<1x128xi32, #tpu.memory_space<vmem>>
        %dma_start3A_281 = tpu.memref_squeeze %dma_start3A_280 : memref<1x128xi32, #tpu.memory_space<vmem>> -> memref<128xi32, #tpu.memory_space<vmem>>
        %dma_start3A_282 = arith.constant 0 : i32
        %dma_start3A_283 = arith.constant 0 : i32
        %dma_start3A_284 = tpu.memref_slice %arg16[%dma_start3A_282, %dma_start3A_283] : memref<10240x64xf32, #tpu.memory_space<vmem_shared>> -> memref<10240x64xf32, #tpu.memory_space<vmem_shared>>
        tpu.enqueue_indirect_dma source(%arg12 : memref<128x64xf32, #tpu.memory_space<vmem>>) target(%dma_start3A_284 : memref<10240x64xf32, #tpu.memory_space<vmem_shared>>) offsets(%dma_start3A_281 : memref<128xi32, #tpu.memory_space<vmem>>) semaphore(%run_scoped3A_278 : memref<!tpu.dma_semaphore, #tpu.memory_space<semaphore_mem>>) {add = true}
        %dma_wait3A_285 = arith.constant 0 : i32
        %dma_wait3A_286 = tpu.memref_slice %arg11[%add3A_247, %dma_wait3A_285] : memref<80x128xi32, #tpu.memory_space<vmem>> -> memref<1x128xi32, #tpu.memory_space<vmem>>
        %dma_wait3A_287 = tpu.memref_squeeze %dma_wait3A_286 : memref<1x128xi32, #tpu.memory_space<vmem>> -> memref<128xi32, #tpu.memory_space<vmem>>
        %dma_wait3A_288 = arith.constant 0 : i32
        %dma_wait3A_289 = arith.constant 0 : i32
        %dma_wait3A_290 = tpu.memref_slice %arg16[%dma_wait3A_288, %dma_wait3A_289] : memref<10240x64xf32, #tpu.memory_space<vmem_shared>> -> memref<10240x64xf32, #tpu.memory_space<vmem_shared>>
        tpu.wait_indirect_dma semaphore(%run_scoped3A_278 : memref<!tpu.dma_semaphore, #tpu.memory_space<semaphore_mem>>) src(%arg12 : memref<128x64xf32, #tpu.memory_space<vmem>>) dst(%dma_wait3A_290 : memref<10240x64xf32, #tpu.memory_space<vmem_shared>>)
        tpu.yield
      }) : () -> ()
      %add3A_248 = arith.constant 0 : i32
      %add3A_249 = arith.addi %mul3A_237, %add3A_248 : i32
      %add3A_250 = arith.constant 2 : i32
      %add3A_251 = arith.addi %add3A_249, %add3A_250 : i32
      %dma_start3A_252 = arith.constant 0 : i32
      %dma_start3A_253 = tpu.memref_slice %arg10[%add3A_251, %dma_start3A_252] : memref<80x128xi32, #tpu.memory_space<vmem>> -> memref<1x128xi32, #tpu.memory_space<vmem>>
      %dma_start3A_254 = tpu.memref_squeeze %dma_start3A_253 : memref<1x128xi32, #tpu.memory_space<vmem>> -> memref<128xi32, #tpu.memory_space<vmem>>
      %dma_start3A_255 = arith.constant 0 : i32
      %dma_start3A_256 = arith.constant 0 : i32
      %dma_start3A_257 = tpu.memref_slice %arg15[%dma_start3A_255, %dma_start3A_256] : memref<10000x64xf32, #tpu.memory_space<vmem_shared>> -> memref<10000x64xf32, #tpu.memory_space<vmem_shared>>
      tpu.enqueue_indirect_dma source(%dma_start3A_257 : memref<10000x64xf32, #tpu.memory_space<vmem_shared>>) target(%arg12 : memref<128x64xf32, #tpu.memory_space<vmem>>) offsets(%dma_start3A_254 : memref<128xi32, #tpu.memory_space<vmem>>) semaphore(%arg17 : memref<!tpu.dma_semaphore, #tpu.memory_space<semaphore_mem>>)
      %add3A_258 = arith.constant 1 : i32
      %add3A_259 = arith.addi %mul3A_237, %add3A_258 : i32
      %dma_wait3A_260 = arith.constant 0 : i32
      %dma_wait3A_261 = tpu.memref_slice %arg10[%add3A_259, %dma_wait3A_260] : memref<80x128xi32, #tpu.memory_space<vmem>> -> memref<1x128xi32, #tpu.memory_space<vmem>>
      %dma_wait3A_262 = tpu.memref_squeeze %dma_wait3A_261 : memref<1x128xi32, #tpu.memory_space<vmem>> -> memref<128xi32, #tpu.memory_space<vmem>>
      %dma_wait3A_263 = arith.constant 0 : i32
      %dma_wait3A_264 = arith.constant 0 : i32
      %dma_wait3A_265 = tpu.memref_slice %arg15[%dma_wait3A_263, %dma_wait3A_264] : memref<10000x64xf32, #tpu.memory_space<vmem_shared>> -> memref<10000x64xf32, #tpu.memory_space<vmem_shared>>
      tpu.wait_indirect_dma semaphore(%arg18 : memref<!tpu.dma_semaphore, #tpu.memory_space<semaphore_mem>>) src(%dma_wait3A_265 : memref<10000x64xf32, #tpu.memory_space<vmem_shared>>) dst(%arg13 : memref<128x64xf32, #tpu.memory_space<vmem>>)
      %add3A_266 = arith.constant 1 : i32
      %add3A_267 = arith.addi %mul3A_237, %add3A_266 : i32
      "tpu.region"() ({
        %run_scoped3A_278 = tpu.sem_alloc : memref<!tpu.dma_semaphore, #tpu.memory_space<semaphore_mem>>
        %dma_start3A_279 = arith.constant 0 : i32
        %dma_start3A_280 = tpu.memref_slice %arg11[%add3A_267, %dma_start3A_279] : memref<80x128xi32, #tpu.memory_space<vmem>> -> memref<1x128xi32, #tpu.memory_space<vmem>>
        %dma_start3A_281 = tpu.memref_squeeze %dma_start3A_280 : memref<1x128xi32, #tpu.memory_space<vmem>> -> memref<128xi32, #tpu.memory_space<vmem>>
        %dma_start3A_282 = arith.constant 0 : i32
        %dma_start3A_283 = arith.constant 0 : i32
        %dma_start3A_284 = tpu.memref_slice %arg16[%dma_start3A_282, %dma_start3A_283] : memref<10240x64xf32, #tpu.memory_space<vmem_shared>> -> memref<10240x64xf32, #tpu.memory_space<vmem_shared>>
        tpu.enqueue_indirect_dma source(%arg13 : memref<128x64xf32, #tpu.memory_space<vmem>>) target(%dma_start3A_284 : memref<10240x64xf32, #tpu.memory_space<vmem_shared>>) offsets(%dma_start3A_281 : memref<128xi32, #tpu.memory_space<vmem>>) semaphore(%run_scoped3A_278 : memref<!tpu.dma_semaphore, #tpu.memory_space<semaphore_mem>>) {add = true}
        %dma_wait3A_285 = arith.constant 0 : i32
        %dma_wait3A_286 = tpu.memref_slice %arg11[%add3A_267, %dma_wait3A_285] : memref<80x128xi32, #tpu.memory_space<vmem>> -> memref<1x128xi32, #tpu.memory_space<vmem>>
        %dma_wait3A_287 = tpu.memref_squeeze %dma_wait3A_286 : memref<1x128xi32, #tpu.memory_space<vmem>> -> memref<128xi32, #tpu.memory_space<vmem>>
        %dma_wait3A_288 = arith.constant 0 : i32
        %dma_wait3A_289 = arith.constant 0 : i32
        %dma_wait3A_290 = tpu.memref_slice %arg16[%dma_wait3A_288, %dma_wait3A_289] : memref<10240x64xf32, #tpu.memory_space<vmem_shared>> -> memref<10240x64xf32, #tpu.memory_space<vmem_shared>>
        tpu.wait_indirect_dma semaphore(%run_scoped3A_278 : memref<!tpu.dma_semaphore, #tpu.memory_space<semaphore_mem>>) src(%arg13 : memref<128x64xf32, #tpu.memory_space<vmem>>) dst(%dma_wait3A_290 : memref<10240x64xf32, #tpu.memory_space<vmem_shared>>)
        tpu.yield
      }) : () -> ()
      %add3A_268 = arith.constant 1 : i32
      %add3A_269 = arith.addi %mul3A_237, %add3A_268 : i32
      %add3A_270 = arith.constant 2 : i32
      %add3A_271 = arith.addi %add3A_269, %add3A_270 : i32
      %dma_start3A_272 = arith.constant 0 : i32
      %dma_start3A_273 = tpu.memref_slice %arg10[%add3A_271, %dma_start3A_272] : memref<80x128xi32, #tpu.memory_space<vmem>> -> memref<1x128xi32, #tpu.memory_space<vmem>>
      %dma_start3A_274 = tpu.memref_squeeze %dma_start3A_273 : memref<1x128xi32, #tpu.memory_space<vmem>> -> memref<128xi32, #tpu.memory_space<vmem>>
      %dma_start3A_275 = arith.constant 0 : i32
      %dma_start3A_276 = arith.constant 0 : i32
      %dma_start3A_277 = tpu.memref_slice %arg15[%dma_start3A_275, %dma_start3A_276] : memref<10000x64xf32, #tpu.memory_space<vmem_shared>> -> memref<10000x64xf32, #tpu.memory_space<vmem_shared>>
      tpu.enqueue_indirect_dma source(%dma_start3A_277 : memref<10000x64xf32, #tpu.memory_space<vmem_shared>>) target(%arg13 : memref<128x64xf32, #tpu.memory_space<vmem>>) offsets(%dma_start3A_274 : memref<128xi32, #tpu.memory_space<vmem>>) semaphore(%arg18 : memref<!tpu.dma_semaphore, #tpu.memory_space<semaphore_mem>>)
    }
    %scan3A_84 = arith.constant 39 : i32
    %dma_wait3A_85 = arith.constant 78 : i32
    %dma_wait3A_86 = arith.constant 0 : i32
    %dma_wait3A_87 = tpu.memref_slice %arg10[%dma_wait3A_85, %dma_wait3A_86] : memref<80x128xi32, #tpu.memory_space<vmem>> -> memref<1x128xi32, #tpu.memory_space<vmem>>
    %dma_wait3A_88 = tpu.memref_squeeze %dma_wait3A_87 : memref<1x128xi32, #tpu.memory_space<vmem>> -> memref<128xi32, #tpu.memory_space<vmem>>
    %dma_wait3A_89 = arith.constant 0 : i32
    %dma_wait3A_90 = arith.constant 0 : i32
    %dma_wait3A_91 = tpu.memref_slice %arg15[%dma_wait3A_89, %dma_wait3A_90] : memref<10000x64xf32, #tpu.memory_space<vmem_shared>> -> memref<10000x64xf32, #tpu.memory_space<vmem_shared>>
    tpu.wait_indirect_dma semaphore(%arg17 : memref<!tpu.dma_semaphore, #tpu.memory_space<semaphore_mem>>) src(%dma_wait3A_91 : memref<10000x64xf32, #tpu.memory_space<vmem_shared>>) dst(%arg12 : memref<128x64xf32, #tpu.memory_space<vmem>>)
    %run_scoped3A = arith.constant 78 : i32
    "tpu.region"() ({
      %run_scoped3A_235 = tpu.sem_alloc : memref<!tpu.dma_semaphore, #tpu.memory_space<semaphore_mem>>
      %dma_start3A_236 = arith.constant 0 : i32
      %dma_start3A_237 = tpu.memref_slice %arg11[%run_scoped3A, %dma_start3A_236] : memref<80x128xi32, #tpu.memory_space<vmem>> -> memref<1x128xi32, #tpu.memory_space<vmem>>
      %dma_start3A_238 = tpu.memref_squeeze %dma_start3A_237 : memref<1x128xi32, #tpu.memory_space<vmem>> -> memref<128xi32, #tpu.memory_space<vmem>>
      %dma_start3A_239 = arith.constant 0 : i32
      %dma_start3A_240 = arith.constant 0 : i32
      %dma_start3A_241 = tpu.memref_slice %arg16[%dma_start3A_239, %dma_start3A_240] : memref<10240x64xf32, #tpu.memory_space<vmem_shared>> -> memref<10240x64xf32, #tpu.memory_space<vmem_shared>>
      tpu.enqueue_indirect_dma source(%arg12 : memref<128x64xf32, #tpu.memory_space<vmem>>) target(%dma_start3A_241 : memref<10240x64xf32, #tpu.memory_space<vmem_shared>>) offsets(%dma_start3A_238 : memref<128xi32, #tpu.memory_space<vmem>>) semaphore(%run_scoped3A_235 : memref<!tpu.dma_semaphore, #tpu.memory_space<semaphore_mem>>) {add = true}
      %dma_wait3A_242 = arith.constant 0 : i32
      %dma_wait3A_243 = tpu.memref_slice %arg11[%run_scoped3A, %dma_wait3A_242] : memref<80x128xi32, #tpu.memory_space<vmem>> -> memref<1x128xi32, #tpu.memory_space<vmem>>
      %dma_wait3A_244 = tpu.memref_squeeze %dma_wait3A_243 : memref<1x128xi32, #tpu.memory_space<vmem>> -> memref<128xi32, #tpu.memory_space<vmem>>
      %dma_wait3A_245 = arith.constant 0 : i32
      %dma_wait3A_246 = arith.constant 0 : i32
      %dma_wait3A_247 = tpu.memref_slice %arg16[%dma_wait3A_245, %dma_wait3A_246] : memref<10240x64xf32, #tpu.memory_space<vmem_shared>> -> memref<10240x64xf32, #tpu.memory_space<vmem_shared>>
      tpu.wait_indirect_dma semaphore(%run_scoped3A_235 : memref<!tpu.dma_semaphore, #tpu.memory_space<semaphore_mem>>) src(%arg12 : memref<128x64xf32, #tpu.memory_space<vmem>>) dst(%dma_wait3A_247 : memref<10240x64xf32, #tpu.memory_space<vmem_shared>>)
      tpu.yield
    }) : () -> ()
    %dma_wait3A_92 = arith.constant 79 : i32
    %dma_wait3A_93 = arith.constant 0 : i32
    %dma_wait3A_94 = tpu.memref_slice %arg10[%dma_wait3A_92, %dma_wait3A_93] : memref<80x128xi32, #tpu.memory_space<vmem>> -> memref<1x128xi32, #tpu.memory_space<vmem>>
    %dma_wait3A_95 = tpu.memref_squeeze %dma_wait3A_94 : memref<1x128xi32, #tpu.memory_space<vmem>> -> memref<128xi32, #tpu.memory_space<vmem>>
    %dma_wait3A_96 = arith.constant 0 : i32
    %dma_wait3A_97 = arith.constant 0 : i32
    %dma_wait3A_98 = tpu.memref_slice %arg15[%dma_wait3A_96, %dma_wait3A_97] : memref<10000x64xf32, #tpu.memory_space<vmem_shared>> -> memref<10000x64xf32, #tpu.memory_space<vmem_shared>>
    tpu.wait_indirect_dma semaphore(%arg18 : memref<!tpu.dma_semaphore, #tpu.memory_space<semaphore_mem>>) src(%dma_wait3A_98 : memref<10000x64xf32, #tpu.memory_space<vmem_shared>>) dst(%arg13 : memref<128x64xf32, #tpu.memory_space<vmem>>)
    %run_scoped3A_99 = arith.constant 79 : i32
    "tpu.region"() ({
      %run_scoped3A_235 = tpu.sem_alloc : memref<!tpu.dma_semaphore, #tpu.memory_space<semaphore_mem>>
      %dma_start3A_236 = arith.constant 0 : i32
      %dma_start3A_237 = tpu.memref_slice %arg11[%run_scoped3A_99, %dma_start3A_236] : memref<80x128xi32, #tpu.memory_space<vmem>> -> memref<1x128xi32, #tpu.memory_space<vmem>>
      %dma_start3A_238 = tpu.memref_squeeze %dma_start3A_237 : memref<1x128xi32, #tpu.memory_space<vmem>> -> memref<128xi32, #tpu.memory_space<vmem>>
      %dma_start3A_239 = arith.constant 0 : i32
      %dma_start3A_240 = arith.constant 0 : i32
      %dma_start3A_241 = tpu.memref_slice %arg16[%dma_start3A_239, %dma_start3A_240] : memref<10240x64xf32, #tpu.memory_space<vmem_shared>> -> memref<10240x64xf32, #tpu.memory_space<vmem_shared>>
      tpu.enqueue_indirect_dma source(%arg13 : memref<128x64xf32, #tpu.memory_space<vmem>>) target(%dma_start3A_241 : memref<10240x64xf32, #tpu.memory_space<vmem_shared>>) offsets(%dma_start3A_238 : memref<128xi32, #tpu.memory_space<vmem>>) semaphore(%run_scoped3A_235 : memref<!tpu.dma_semaphore, #tpu.memory_space<semaphore_mem>>) {add = true}
      %dma_wait3A_242 = arith.constant 0 : i32
      %dma_wait3A_243 = tpu.memref_slice %arg11[%run_scoped3A_99, %dma_wait3A_242] : memref<80x128xi32, #tpu.memory_space<vmem>> -> memref<1x128xi32, #tpu.memory_space<vmem>>
      %dma_wait3A_244 = tpu.memref_squeeze %dma_wait3A_243 : memref<1x128xi32, #tpu.memory_space<vmem>> -> memref<128xi32, #tpu.memory_space<vmem>>
      %dma_wait3A_245 = arith.constant 0 : i32
      %dma_wait3A_246 = arith.constant 0 : i32
      %dma_wait3A_247 = tpu.memref_slice %arg16[%dma_wait3A_245, %dma_wait3A_246] : memref<10240x64xf32, #tpu.memory_space<vmem_shared>> -> memref<10240x64xf32, #tpu.memory_space<vmem_shared>>
      tpu.wait_indirect_dma semaphore(%run_scoped3A_235 : memref<!tpu.dma_semaphore, #tpu.memory_space<semaphore_mem>>) src(%arg13 : memref<128x64xf32, #tpu.memory_space<vmem>>) dst(%dma_wait3A_247 : memref<10240x64xf32, #tpu.memory_space<vmem_shared>>)
      tpu.yield
    }) : () -> ()
    %barrier3A_100 = arith.constant 0 : index
    tpu.barrier barrier_id(%barrier3A_100)
    %mul3A_101 = arith.constant 640 : i32
    %mul3A_102 = arith.muli %arg1, %mul3A_101 : i32
    %add3A_103 = arith.constant 0 : i32
    %add3A_104 = arith.addi %mul3A_102, %add3A_103 : i32
    "tpu.region"() ({
      %run_scoped3A_235 = tpu.sem_alloc : memref<!tpu.dma_semaphore, #tpu.memory_space<semaphore_mem>>
      %dma_start3A_236 = arith.constant 0 : i32
      %dma_start3A_237 = tpu.memref_slice %arg16[%add3A_104, %dma_start3A_236] : memref<10240x64xf32, #tpu.memory_space<vmem_shared>> -> memref<128x64xf32, #tpu.memory_space<vmem_shared>>
      %dma_start3A_238 = arith.constant 0 : i32
      %dma_start3A_239 = tpu.memref_slice %arg16[%add3A_104, %dma_start3A_238] : memref<10240x64xf32, #tpu.memory_space<vmem_shared>> -> memref<128x64xf32, #tpu.memory_space<vmem_shared>>
      tpu.enqueue_dma source(%dma_start3A_239 : memref<128x64xf32, #tpu.memory_space<vmem_shared>>) target(%arg14 : memref<128x64xf32, #tpu.memory_space<vmem>>) target_semaphore(%run_scoped3A_235 : memref<!tpu.dma_semaphore, #tpu.memory_space<semaphore_mem>>)
      %dma_wait3A_240 = arith.constant 0 : i32
      %dma_wait3A_241 = tpu.memref_slice %arg16[%add3A_104, %dma_wait3A_240] : memref<10240x64xf32, #tpu.memory_space<vmem_shared>> -> memref<128x64xf32, #tpu.memory_space<vmem_shared>>
      %dma_wait3A_242 = arith.constant 0 : i32
      %dma_wait3A_243 = tpu.memref_slice %arg16[%add3A_104, %dma_wait3A_242] : memref<10240x64xf32, #tpu.memory_space<vmem_shared>> -> memref<128x64xf32, #tpu.memory_space<vmem_shared>>
      tpu.wait_dma2 semaphore(%run_scoped3A_235 : memref<!tpu.dma_semaphore, #tpu.memory_space<semaphore_mem>>) src(%dma_wait3A_243 : memref<128x64xf32, #tpu.memory_space<vmem_shared>>) dst(%arg14 : memref<128x64xf32, #tpu.memory_space<vmem>>)
      tpu.yield
    }) : () -> ()
    "tpu.region"() ({
      %run_scoped3A_235 = tpu.sem_alloc : memref<!tpu.dma_semaphore, #tpu.memory_space<semaphore_mem>>
      %dma_start3A_236 = arith.constant 0 : i32
      %dma_start3A_237 = arith.constant 0 : i32
      %dma_start3A_238 = tpu.memref_slice %arg8[%arg0, %dma_start3A_236, %dma_start3A_237] : memref<2x10240x64xf32, #tpu.memory_space<hbm>> -> memref<1x10240x64xf32, #tpu.memory_space<hbm>>
      %dma_start3A_239 = tpu.memref_squeeze %dma_start3A_238 : memref<1x10240x64xf32, #tpu.memory_space<hbm>> -> memref<10240x64xf32, #tpu.memory_space<hbm>>
      %dma_start3A_240 = arith.constant 0 : i32
      %dma_start3A_241 = tpu.memref_slice %dma_start3A_239[%add3A_104, %dma_start3A_240] : memref<10240x64xf32, #tpu.memory_space<hbm>> -> memref<128x64xf32, #tpu.memory_space<hbm>>
      %dma_start3A_242 = arith.constant 0 : i32
      %dma_start3A_243 = arith.constant 0 : i32
      %dma_start3A_244 = tpu.memref_slice %arg8[%arg0, %dma_start3A_242, %dma_start3A_243] : memref<2x10240x64xf32, #tpu.memory_space<hbm>> -> memref<1x10240x64xf32, #tpu.memory_space<hbm>>
      %dma_start3A_245 = tpu.memref_squeeze %dma_start3A_244 : memref<1x10240x64xf32, #tpu.memory_space<hbm>> -> memref<10240x64xf32, #tpu.memory_space<hbm>>
      %dma_start3A_246 = arith.constant 0 : i32
      %dma_start3A_247 = tpu.memref_slice %dma_start3A_245[%add3A_104, %dma_start3A_246] : memref<10240x64xf32, #tpu.memory_space<hbm>> -> memref<128x64xf32, #tpu.memory_space<hbm>>
      tpu.enqueue_dma source(%arg14 : memref<128x64xf32, #tpu.memory_space<vmem>>) target(%dma_start3A_247 : memref<128x64xf32, #tpu.memory_space<hbm>>) target_semaphore(%run_scoped3A_235 : memref<!tpu.dma_semaphore, #tpu.memory_space<semaphore_mem>>)
      %dma_wait3A_248 = arith.constant 0 : i32
      %dma_wait3A_249 = arith.constant 0 : i32
      %dma_wait3A_250 = tpu.memref_slice %arg8[%arg0, %dma_wait3A_248, %dma_wait3A_249] : memref<2x10240x64xf32, #tpu.memory_space<hbm>> -> memref<1x10240x64xf32, #tpu.memory_space<hbm>>
      %dma_wait3A_251 = tpu.memref_squeeze %dma_wait3A_250 : memref<1x10240x64xf32, #tpu.memory_space<hbm>> -> memref<10240x64xf32, #tpu.memory_space<hbm>>
      %dma_wait3A_252 = arith.constant 0 : i32
      %dma_wait3A_253 = tpu.memref_slice %dma_wait3A_251[%add3A_104, %dma_wait3A_252] : memref<10240x64xf32, #tpu.memory_space<hbm>> -> memref<128x64xf32, #tpu.memory_space<hbm>>
      %dma_wait3A_254 = arith.constant 0 : i32
      %dma_wait3A_255 = arith.constant 0 : i32
      %dma_wait3A_256 = tpu.memref_slice %arg8[%arg0, %dma_wait3A_254, %dma_wait3A_255] : memref<2x10240x64xf32, #tpu.memory_space<hbm>> -> memref<1x10240x64xf32, #tpu.memory_space<hbm>>
      %dma_wait3A_257 = tpu.memref_squeeze %dma_wait3A_256 : memref<1x10240x64xf32, #tpu.memory_space<hbm>> -> memref<10240x64xf32, #tpu.memory_space<hbm>>
      %dma_wait3A_258 = arith.constant 0 : i32
      %dma_wait3A_259 = tpu.memref_slice %dma_wait3A_257[%add3A_104, %dma_wait3A_258] : memref<10240x64xf32, #tpu.memory_space<hbm>> -> memref<128x64xf32, #tpu.memory_space<hbm>>
      tpu.wait_dma2 semaphore(%run_scoped3A_235 : memref<!tpu.dma_semaphore, #tpu.memory_space<semaphore_mem>>) src(%arg14 : memref<128x64xf32, #tpu.memory_space<vmem>>) dst(%dma_wait3A_259 : memref<128x64xf32, #tpu.memory_space<hbm>>)
      tpu.yield
    }) : () -> ()
    %mul3A_105 = arith.constant 640 : i32
    %mul3A_106 = arith.muli %arg1, %mul3A_105 : i32
    %add3A_107 = arith.constant 128 : i32
    %add3A_108 = arith.addi %mul3A_106, %add3A_107 : i32
    "tpu.region"() ({
      %run_scoped3A_235 = tpu.sem_alloc : memref<!tpu.dma_semaphore, #tpu.memory_space<semaphore_mem>>
      %dma_start3A_236 = arith.constant 0 : i32
      %dma_start3A_237 = tpu.memref_slice %arg16[%add3A_108, %dma_start3A_236] : memref<10240x64xf32, #tpu.memory_space<vmem_shared>> -> memref<128x64xf32, #tpu.memory_space<vmem_shared>>
      %dma_start3A_238 = arith.constant 0 : i32
      %dma_start3A_239 = tpu.memref_slice %arg16[%add3A_108, %dma_start3A_238] : memref<10240x64xf32, #tpu.memory_space<vmem_shared>> -> memref<128x64xf32, #tpu.memory_space<vmem_shared>>
      tpu.enqueue_dma source(%dma_start3A_239 : memref<128x64xf32, #tpu.memory_space<vmem_shared>>) target(%arg14 : memref<128x64xf32, #tpu.memory_space<vmem>>) target_semaphore(%run_scoped3A_235 : memref<!tpu.dma_semaphore, #tpu.memory_space<semaphore_mem>>)
      %dma_wait3A_240 = arith.constant 0 : i32
      %dma_wait3A_241 = tpu.memref_slice %arg16[%add3A_108, %dma_wait3A_240] : memref<10240x64xf32, #tpu.memory_space<vmem_shared>> -> memref<128x64xf32, #tpu.memory_space<vmem_shared>>
      %dma_wait3A_242 = arith.constant 0 : i32
      %dma_wait3A_243 = tpu.memref_slice %arg16[%add3A_108, %dma_wait3A_242] : memref<10240x64xf32, #tpu.memory_space<vmem_shared>> -> memref<128x64xf32, #tpu.memory_space<vmem_shared>>
      tpu.wait_dma2 semaphore(%run_scoped3A_235 : memref<!tpu.dma_semaphore, #tpu.memory_space<semaphore_mem>>) src(%dma_wait3A_243 : memref<128x64xf32, #tpu.memory_space<vmem_shared>>) dst(%arg14 : memref<128x64xf32, #tpu.memory_space<vmem>>)
      tpu.yield
    }) : () -> ()
    "tpu.region"() ({
      %run_scoped3A_235 = tpu.sem_alloc : memref<!tpu.dma_semaphore, #tpu.memory_space<semaphore_mem>>
      %dma_start3A_236 = arith.constant 0 : i32
      %dma_start3A_237 = arith.constant 0 : i32
      %dma_start3A_238 = tpu.memref_slice %arg8[%arg0, %dma_start3A_236, %dma_start3A_237] : memref<2x10240x64xf32, #tpu.memory_space<hbm>> -> memref<1x10240x64xf32, #tpu.memory_space<hbm>>
      %dma_start3A_239 = tpu.memref_squeeze %dma_start3A_238 : memref<1x10240x64xf32, #tpu.memory_space<hbm>> -> memref<10240x64xf32, #tpu.memory_space<hbm>>
      %dma_start3A_240 = arith.constant 0 : i32
      %dma_start3A_241 = tpu.memref_slice %dma_start3A_239[%add3A_108, %dma_start3A_240] : memref<10240x64xf32, #tpu.memory_space<hbm>> -> memref<128x64xf32, #tpu.memory_space<hbm>>
      %dma_start3A_242 = arith.constant 0 : i32
      %dma_start3A_243 = arith.constant 0 : i32
      %dma_start3A_244 = tpu.memref_slice %arg8[%arg0, %dma_start3A_242, %dma_start3A_243] : memref<2x10240x64xf32, #tpu.memory_space<hbm>> -> memref<1x10240x64xf32, #tpu.memory_space<hbm>>
      %dma_start3A_245 = tpu.memref_squeeze %dma_start3A_244 : memref<1x10240x64xf32, #tpu.memory_space<hbm>> -> memref<10240x64xf32, #tpu.memory_space<hbm>>
      %dma_start3A_246 = arith.constant 0 : i32
      %dma_start3A_247 = tpu.memref_slice %dma_start3A_245[%add3A_108, %dma_start3A_246] : memref<10240x64xf32, #tpu.memory_space<hbm>> -> memref<128x64xf32, #tpu.memory_space<hbm>>
      tpu.enqueue_dma source(%arg14 : memref<128x64xf32, #tpu.memory_space<vmem>>) target(%dma_start3A_247 : memref<128x64xf32, #tpu.memory_space<hbm>>) target_semaphore(%run_scoped3A_235 : memref<!tpu.dma_semaphore, #tpu.memory_space<semaphore_mem>>)
      %dma_wait3A_248 = arith.constant 0 : i32
      %dma_wait3A_249 = arith.constant 0 : i32
      %dma_wait3A_250 = tpu.memref_slice %arg8[%arg0, %dma_wait3A_248, %dma_wait3A_249] : memref<2x10240x64xf32, #tpu.memory_space<hbm>> -> memref<1x10240x64xf32, #tpu.memory_space<hbm>>
      %dma_wait3A_251 = tpu.memref_squeeze %dma_wait3A_250 : memref<1x10240x64xf32, #tpu.memory_space<hbm>> -> memref<10240x64xf32, #tpu.memory_space<hbm>>
      %dma_wait3A_252 = arith.constant 0 : i32
      %dma_wait3A_253 = tpu.memref_slice %dma_wait3A_251[%add3A_108, %dma_wait3A_252] : memref<10240x64xf32, #tpu.memory_space<hbm>> -> memref<128x64xf32, #tpu.memory_space<hbm>>
      %dma_wait3A_254 = arith.constant 0 : i32
      %dma_wait3A_255 = arith.constant 0 : i32
      %dma_wait3A_256 = tpu.memref_slice %arg8[%arg0, %dma_wait3A_254, %dma_wait3A_255] : memref<2x10240x64xf32, #tpu.memory_space<hbm>> -> memref<1x10240x64xf32, #tpu.memory_space<hbm>>
      %dma_wait3A_257 = tpu.memref_squeeze %dma_wait3A_256 : memref<1x10240x64xf32, #tpu.memory_space<hbm>> -> memref<10240x64xf32, #tpu.memory_space<hbm>>
      %dma_wait3A_258 = arith.constant 0 : i32
      %dma_wait3A_259 = tpu.memref_slice %dma_wait3A_257[%add3A_108, %dma_wait3A_258] : memref<10240x64xf32, #tpu.memory_space<hbm>> -> memref<128x64xf32, #tpu.memory_space<hbm>>
      tpu.wait_dma2 semaphore(%run_scoped3A_235 : memref<!tpu.dma_semaphore, #tpu.memory_space<semaphore_mem>>) src(%arg14 : memref<128x64xf32, #tpu.memory_space<vmem>>) dst(%dma_wait3A_259 : memref<128x64xf32, #tpu.memory_space<hbm>>)
      tpu.yield
    }) : () -> ()
    %mul3A_109 = arith.constant 640 : i32
    %mul3A_110 = arith.muli %arg1, %mul3A_109 : i32
    %add3A_111 = arith.constant 256 : i32
    %add3A_112 = arith.addi %mul3A_110, %add3A_111 : i32
    "tpu.region"() ({
      %run_scoped3A_235 = tpu.sem_alloc : memref<!tpu.dma_semaphore, #tpu.memory_space<semaphore_mem>>
      %dma_start3A_236 = arith.constant 0 : i32
      %dma_start3A_237 = tpu.memref_slice %arg16[%add3A_112, %dma_start3A_236] : memref<10240x64xf32, #tpu.memory_space<vmem_shared>> -> memref<128x64xf32, #tpu.memory_space<vmem_shared>>
      %dma_start3A_238 = arith.constant 0 : i32
      %dma_start3A_239 = tpu.memref_slice %arg16[%add3A_112, %dma_start3A_238] : memref<10240x64xf32, #tpu.memory_space<vmem_shared>> -> memref<128x64xf32, #tpu.memory_space<vmem_shared>>
      tpu.enqueue_dma source(%dma_start3A_239 : memref<128x64xf32, #tpu.memory_space<vmem_shared>>) target(%arg14 : memref<128x64xf32, #tpu.memory_space<vmem>>) target_semaphore(%run_scoped3A_235 : memref<!tpu.dma_semaphore, #tpu.memory_space<semaphore_mem>>)
      %dma_wait3A_240 = arith.constant 0 : i32
      %dma_wait3A_241 = tpu.memref_slice %arg16[%add3A_112, %dma_wait3A_240] : memref<10240x64xf32, #tpu.memory_space<vmem_shared>> -> memref<128x64xf32, #tpu.memory_space<vmem_shared>>
      %dma_wait3A_242 = arith.constant 0 : i32
      %dma_wait3A_243 = tpu.memref_slice %arg16[%add3A_112, %dma_wait3A_242] : memref<10240x64xf32, #tpu.memory_space<vmem_shared>> -> memref<128x64xf32, #tpu.memory_space<vmem_shared>>
      tpu.wait_dma2 semaphore(%run_scoped3A_235 : memref<!tpu.dma_semaphore, #tpu.memory_space<semaphore_mem>>) src(%dma_wait3A_243 : memref<128x64xf32, #tpu.memory_space<vmem_shared>>) dst(%arg14 : memref<128x64xf32, #tpu.memory_space<vmem>>)
      tpu.yield
    }) : () -> ()
    "tpu.region"() ({
      %run_scoped3A_235 = tpu.sem_alloc : memref<!tpu.dma_semaphore, #tpu.memory_space<semaphore_mem>>
      %dma_start3A_236 = arith.constant 0 : i32
      %dma_start3A_237 = arith.constant 0 : i32
      %dma_start3A_238 = tpu.memref_slice %arg8[%arg0, %dma_start3A_236, %dma_start3A_237] : memref<2x10240x64xf32, #tpu.memory_space<hbm>> -> memref<1x10240x64xf32, #tpu.memory_space<hbm>>
      %dma_start3A_239 = tpu.memref_squeeze %dma_start3A_238 : memref<1x10240x64xf32, #tpu.memory_space<hbm>> -> memref<10240x64xf32, #tpu.memory_space<hbm>>
      %dma_start3A_240 = arith.constant 0 : i32
      %dma_start3A_241 = tpu.memref_slice %dma_start3A_239[%add3A_112, %dma_start3A_240] : memref<10240x64xf32, #tpu.memory_space<hbm>> -> memref<128x64xf32, #tpu.memory_space<hbm>>
      %dma_start3A_242 = arith.constant 0 : i32
      %dma_start3A_243 = arith.constant 0 : i32
      %dma_start3A_244 = tpu.memref_slice %arg8[%arg0, %dma_start3A_242, %dma_start3A_243] : memref<2x10240x64xf32, #tpu.memory_space<hbm>> -> memref<1x10240x64xf32, #tpu.memory_space<hbm>>
      %dma_start3A_245 = tpu.memref_squeeze %dma_start3A_244 : memref<1x10240x64xf32, #tpu.memory_space<hbm>> -> memref<10240x64xf32, #tpu.memory_space<hbm>>
      %dma_start3A_246 = arith.constant 0 : i32
      %dma_start3A_247 = tpu.memref_slice %dma_start3A_245[%add3A_112, %dma_start3A_246] : memref<10240x64xf32, #tpu.memory_space<hbm>> -> memref<128x64xf32, #tpu.memory_space<hbm>>
      tpu.enqueue_dma source(%arg14 : memref<128x64xf32, #tpu.memory_space<vmem>>) target(%dma_start3A_247 : memref<128x64xf32, #tpu.memory_space<hbm>>) target_semaphore(%run_scoped3A_235 : memref<!tpu.dma_semaphore, #tpu.memory_space<semaphore_mem>>)
      %dma_wait3A_248 = arith.constant 0 : i32
      %dma_wait3A_249 = arith.constant 0 : i32
      %dma_wait3A_250 = tpu.memref_slice %arg8[%arg0, %dma_wait3A_248, %dma_wait3A_249] : memref<2x10240x64xf32, #tpu.memory_space<hbm>> -> memref<1x10240x64xf32, #tpu.memory_space<hbm>>
      %dma_wait3A_251 = tpu.memref_squeeze %dma_wait3A_250 : memref<1x10240x64xf32, #tpu.memory_space<hbm>> -> memref<10240x64xf32, #tpu.memory_space<hbm>>
      %dma_wait3A_252 = arith.constant 0 : i32
      %dma_wait3A_253 = tpu.memref_slice %dma_wait3A_251[%add3A_112, %dma_wait3A_252] : memref<10240x64xf32, #tpu.memory_space<hbm>> -> memref<128x64xf32, #tpu.memory_space<hbm>>
      %dma_wait3A_254 = arith.constant 0 : i32
      %dma_wait3A_255 = arith.constant 0 : i32
      %dma_wait3A_256 = tpu.memref_slice %arg8[%arg0, %dma_wait3A_254, %dma_wait3A_255] : memref<2x10240x64xf32, #tpu.memory_space<hbm>> -> memref<1x10240x64xf32, #tpu.memory_space<hbm>>
      %dma_wait3A_257 = tpu.memref_squeeze %dma_wait3A_256 : memref<1x10240x64xf32, #tpu.memory_space<hbm>> -> memref<10240x64xf32, #tpu.memory_space<hbm>>
      %dma_wait3A_258 = arith.constant 0 : i32
      %dma_wait3A_259 = tpu.memref_slice %dma_wait3A_257[%add3A_112, %dma_wait3A_258] : memref<10240x64xf32, #tpu.memory_space<hbm>> -> memref<128x64xf32, #tpu.memory_space<hbm>>
      tpu.wait_dma2 semaphore(%run_scoped3A_235 : memref<!tpu.dma_semaphore, #tpu.memory_space<semaphore_mem>>) src(%arg14 : memref<128x64xf32, #tpu.memory_space<vmem>>) dst(%dma_wait3A_259 : memref<128x64xf32, #tpu.memory_space<hbm>>)
      tpu.yield
    }) : () -> ()
    %mul3A_113 = arith.constant 640 : i32
    %mul3A_114 = arith.muli %arg1, %mul3A_113 : i32
    %add3A_115 = arith.constant 384 : i32
    %add3A_116 = arith.addi %mul3A_114, %add3A_115 : i32
    "tpu.region"() ({
      %run_scoped3A_235 = tpu.sem_alloc : memref<!tpu.dma_semaphore, #tpu.memory_space<semaphore_mem>>
      %dma_start3A_236 = arith.constant 0 : i32
      %dma_start3A_237 = tpu.memref_slice %arg16[%add3A_116, %dma_start3A_236] : memref<10240x64xf32, #tpu.memory_space<vmem_shared>> -> memref<128x64xf32, #tpu.memory_space<vmem_shared>>
      %dma_start3A_238 = arith.constant 0 : i32
      %dma_start3A_239 = tpu.memref_slice %arg16[%add3A_116, %dma_start3A_238] : memref<10240x64xf32, #tpu.memory_space<vmem_shared>> -> memref<128x64xf32, #tpu.memory_space<vmem_shared>>
      tpu.enqueue_dma source(%dma_start3A_239 : memref<128x64xf32, #tpu.memory_space<vmem_shared>>) target(%arg14 : memref<128x64xf32, #tpu.memory_space<vmem>>) target_semaphore(%run_scoped3A_235 : memref<!tpu.dma_semaphore, #tpu.memory_space<semaphore_mem>>)
      %dma_wait3A_240 = arith.constant 0 : i32
      %dma_wait3A_241 = tpu.memref_slice %arg16[%add3A_116, %dma_wait3A_240] : memref<10240x64xf32, #tpu.memory_space<vmem_shared>> -> memref<128x64xf32, #tpu.memory_space<vmem_shared>>
      %dma_wait3A_242 = arith.constant 0 : i32
      %dma_wait3A_243 = tpu.memref_slice %arg16[%add3A_116, %dma_wait3A_242] : memref<10240x64xf32, #tpu.memory_space<vmem_shared>> -> memref<128x64xf32, #tpu.memory_space<vmem_shared>>
      tpu.wait_dma2 semaphore(%run_scoped3A_235 : memref<!tpu.dma_semaphore, #tpu.memory_space<semaphore_mem>>) src(%dma_wait3A_243 : memref<128x64xf32, #tpu.memory_space<vmem_shared>>) dst(%arg14 : memref<128x64xf32, #tpu.memory_space<vmem>>)
      tpu.yield
    }) : () -> ()
    "tpu.region"() ({
      %run_scoped3A_235 = tpu.sem_alloc : memref<!tpu.dma_semaphore, #tpu.memory_space<semaphore_mem>>
      %dma_start3A_236 = arith.constant 0 : i32
      %dma_start3A_237 = arith.constant 0 : i32
      %dma_start3A_238 = tpu.memref_slice %arg8[%arg0, %dma_start3A_236, %dma_start3A_237] : memref<2x10240x64xf32, #tpu.memory_space<hbm>> -> memref<1x10240x64xf32, #tpu.memory_space<hbm>>
      %dma_start3A_239 = tpu.memref_squeeze %dma_start3A_238 : memref<1x10240x64xf32, #tpu.memory_space<hbm>> -> memref<10240x64xf32, #tpu.memory_space<hbm>>
      %dma_start3A_240 = arith.constant 0 : i32
      %dma_start3A_241 = tpu.memref_slice %dma_start3A_239[%add3A_116, %dma_start3A_240] : memref<10240x64xf32, #tpu.memory_space<hbm>> -> memref<128x64xf32, #tpu.memory_space<hbm>>
      %dma_start3A_242 = arith.constant 0 : i32
      %dma_start3A_243 = arith.constant 0 : i32
      %dma_start3A_244 = tpu.memref_slice %arg8[%arg0, %dma_start3A_242, %dma_start3A_243] : memref<2x10240x64xf32, #tpu.memory_space<hbm>> -> memref<1x10240x64xf32, #tpu.memory_space<hbm>>
      %dma_start3A_245 = tpu.memref_squeeze %dma_start3A_244 : memref<1x10240x64xf32, #tpu.memory_space<hbm>> -> memref<10240x64xf32, #tpu.memory_space<hbm>>
      %dma_start3A_246 = arith.constant 0 : i32
      %dma_start3A_247 = tpu.memref_slice %dma_start3A_245[%add3A_116, %dma_start3A_246] : memref<10240x64xf32, #tpu.memory_space<hbm>> -> memref<128x64xf32, #tpu.memory_space<hbm>>
      tpu.enqueue_dma source(%arg14 : memref<128x64xf32, #tpu.memory_space<vmem>>) target(%dma_start3A_247 : memref<128x64xf32, #tpu.memory_space<hbm>>) target_semaphore(%run_scoped3A_235 : memref<!tpu.dma_semaphore, #tpu.memory_space<semaphore_mem>>)
      %dma_wait3A_248 = arith.constant 0 : i32
      %dma_wait3A_249 = arith.constant 0 : i32
      %dma_wait3A_250 = tpu.memref_slice %arg8[%arg0, %dma_wait3A_248, %dma_wait3A_249] : memref<2x10240x64xf32, #tpu.memory_space<hbm>> -> memref<1x10240x64xf32, #tpu.memory_space<hbm>>
      %dma_wait3A_251 = tpu.memref_squeeze %dma_wait3A_250 : memref<1x10240x64xf32, #tpu.memory_space<hbm>> -> memref<10240x64xf32, #tpu.memory_space<hbm>>
      %dma_wait3A_252 = arith.constant 0 : i32
      %dma_wait3A_253 = tpu.memref_slice %dma_wait3A_251[%add3A_116, %dma_wait3A_252] : memref<10240x64xf32, #tpu.memory_space<hbm>> -> memref<128x64xf32, #tpu.memory_space<hbm>>
      %dma_wait3A_254 = arith.constant 0 : i32
      %dma_wait3A_255 = arith.constant 0 : i32
      %dma_wait3A_256 = tpu.memref_slice %arg8[%arg0, %dma_wait3A_254, %dma_wait3A_255] : memref<2x10240x64xf32, #tpu.memory_space<hbm>> -> memref<1x10240x64xf32, #tpu.memory_space<hbm>>
      %dma_wait3A_257 = tpu.memref_squeeze %dma_wait3A_256 : memref<1x10240x64xf32, #tpu.memory_space<hbm>> -> memref<10240x64xf32, #tpu.memory_space<hbm>>
      %dma_wait3A_258 = arith.constant 0 : i32
      %dma_wait3A_259 = tpu.memref_slice %dma_wait3A_257[%add3A_116, %dma_wait3A_258] : memref<10240x64xf32, #tpu.memory_space<hbm>> -> memref<128x64xf32, #tpu.memory_space<hbm>>
      tpu.wait_dma2 semaphore(%run_scoped3A_235 : memref<!tpu.dma_semaphore, #tpu.memory_space<semaphore_mem>>) src(%arg14 : memref<128x64xf32, #tpu.memory_space<vmem>>) dst(%dma_wait3A_259 : memref<128x64xf32, #tpu.memory_space<hbm>>)
      tpu.yield
    }) : () -> ()
    %mul3A_117 = arith.constant 640 : i32
    %mul3A_118 = arith.muli %arg1, %mul3A_117 : i32
    %add3A_119 = arith.constant 512 : i32
    %add3A_120 = arith.addi %mul3A_118, %add3A_119 : i32
    "tpu.region"() ({
      %run_scoped3A_235 = tpu.sem_alloc : memref<!tpu.dma_semaphore, #tpu.memory_space<semaphore_mem>>
      %dma_start3A_236 = arith.constant 0 : i32
      %dma_start3A_237 = tpu.memref_slice %arg16[%add3A_120, %dma_start3A_236] : memref<10240x64xf32, #tpu.memory_space<vmem_shared>> -> memref<128x64xf32, #tpu.memory_space<vmem_shared>>
      %dma_start3A_238 = arith.constant 0 : i32
      %dma_start3A_239 = tpu.memref_slice %arg16[%add3A_120, %dma_start3A_238] : memref<10240x64xf32, #tpu.memory_space<vmem_shared>> -> memref<128x64xf32, #tpu.memory_space<vmem_shared>>
      tpu.enqueue_dma source(%dma_start3A_239 : memref<128x64xf32, #tpu.memory_space<vmem_shared>>) target(%arg14 : memref<128x64xf32, #tpu.memory_space<vmem>>) target_semaphore(%run_scoped3A_235 : memref<!tpu.dma_semaphore, #tpu.memory_space<semaphore_mem>>)
      %dma_wait3A_240 = arith.constant 0 : i32
      %dma_wait3A_241 = tpu.memref_slice %arg16[%add3A_120, %dma_wait3A_240] : memref<10240x64xf32, #tpu.memory_space<vmem_shared>> -> memref<128x64xf32, #tpu.memory_space<vmem_shared>>
      %dma_wait3A_242 = arith.constant 0 : i32
      %dma_wait3A_243 = tpu.memref_slice %arg16[%add3A_120, %dma_wait3A_242] : memref<10240x64xf32, #tpu.memory_space<vmem_shared>> -> memref<128x64xf32, #tpu.memory_space<vmem_shared>>
      tpu.wait_dma2 semaphore(%run_scoped3A_235 : memref<!tpu.dma_semaphore, #tpu.memory_space<semaphore_mem>>) src(%dma_wait3A_243 : memref<128x64xf32, #tpu.memory_space<vmem_shared>>) dst(%arg14 : memref<128x64xf32, #tpu.memory_space<vmem>>)
      tpu.yield
    }) : () -> ()
    "tpu.region"() ({
      %run_scoped3A_235 = tpu.sem_alloc : memref<!tpu.dma_semaphore, #tpu.memory_space<semaphore_mem>>
      %dma_start3A_236 = arith.constant 0 : i32
      %dma_start3A_237 = arith.constant 0 : i32
      %dma_start3A_238 = tpu.memref_slice %arg8[%arg0, %dma_start3A_236, %dma_start3A_237] : memref<2x10240x64xf32, #tpu.memory_space<hbm>> -> memref<1x10240x64xf32, #tpu.memory_space<hbm>>
      %dma_start3A_239 = tpu.memref_squeeze %dma_start3A_238 : memref<1x10240x64xf32, #tpu.memory_space<hbm>> -> memref<10240x64xf32, #tpu.memory_space<hbm>>
      %dma_start3A_240 = arith.constant 0 : i32
      %dma_start3A_241 = tpu.memref_slice %dma_start3A_239[%add3A_120, %dma_start3A_240] : memref<10240x64xf32, #tpu.memory_space<hbm>> -> memref<128x64xf32, #tpu.memory_space<hbm>>
      %dma_start3A_242 = arith.constant 0 : i32
      %dma_start3A_243 = arith.constant 0 : i32
      %dma_start3A_244 = tpu.memref_slice %arg8[%arg0, %dma_start3A_242, %dma_start3A_243] : memref<2x10240x64xf32, #tpu.memory_space<hbm>> -> memref<1x10240x64xf32, #tpu.memory_space<hbm>>
      %dma_start3A_245 = tpu.memref_squeeze %dma_start3A_244 : memref<1x10240x64xf32, #tpu.memory_space<hbm>> -> memref<10240x64xf32, #tpu.memory_space<hbm>>
      %dma_start3A_246 = arith.constant 0 : i32
      %dma_start3A_247 = tpu.memref_slice %dma_start3A_245[%add3A_120, %dma_start3A_246] : memref<10240x64xf32, #tpu.memory_space<hbm>> -> memref<128x64xf32, #tpu.memory_space<hbm>>
      tpu.enqueue_dma source(%arg14 : memref<128x64xf32, #tpu.memory_space<vmem>>) target(%dma_start3A_247 : memref<128x64xf32, #tpu.memory_space<hbm>>) target_semaphore(%run_scoped3A_235 : memref<!tpu.dma_semaphore, #tpu.memory_space<semaphore_mem>>)
      %dma_wait3A_248 = arith.constant 0 : i32
      %dma_wait3A_249 = arith.constant 0 : i32
      %dma_wait3A_250 = tpu.memref_slice %arg8[%arg0, %dma_wait3A_248, %dma_wait3A_249] : memref<2x10240x64xf32, #tpu.memory_space<hbm>> -> memref<1x10240x64xf32, #tpu.memory_space<hbm>>
      %dma_wait3A_251 = tpu.memref_squeeze %dma_wait3A_250 : memref<1x10240x64xf32, #tpu.memory_space<hbm>> -> memref<10240x64xf32, #tpu.memory_space<hbm>>
      %dma_wait3A_252 = arith.constant 0 : i32
      %dma_wait3A_253 = tpu.memref_slice %dma_wait3A_251[%add3A_120, %dma_wait3A_252] : memref<10240x64xf32, #tpu.memory_space<hbm>> -> memref<128x64xf32, #tpu.memory_space<hbm>>
      %dma_wait3A_254 = arith.constant 0 : i32
      %dma_wait3A_255 = arith.constant 0 : i32
      %dma_wait3A_256 = tpu.memref_slice %arg8[%arg0, %dma_wait3A_254, %dma_wait3A_255] : memref<2x10240x64xf32, #tpu.memory_space<hbm>> -> memref<1x10240x64xf32, #tpu.memory_space<hbm>>
      %dma_wait3A_257 = tpu.memref_squeeze %dma_wait3A_256 : memref<1x10240x64xf32, #tpu.memory_space<hbm>> -> memref<10240x64xf32, #tpu.memory_space<hbm>>
      %dma_wait3A_258 = arith.constant 0 : i32
      %dma_wait3A_259 = tpu.memref_slice %dma_wait3A_257[%add3A_120, %dma_wait3A_258] : memref<10240x64xf32, #tpu.memory_space<hbm>> -> memref<128x64xf32, #tpu.memory_space<hbm>>
      tpu.wait_dma2 semaphore(%run_scoped3A_235 : memref<!tpu.dma_semaphore, #tpu.memory_space<semaphore_mem>>) src(%arg14 : memref<128x64xf32, #tpu.memory_space<vmem>>) dst(%dma_wait3A_259 : memref<128x64xf32, #tpu.memory_space<hbm>>)
      tpu.yield
    }) : () -> ()
    %dma_start3A_121 = arith.constant 0 : i32
    %dma_start3A_122 = arith.constant 0 : i32
    %dma_start3A_123 = tpu.memref_slice %arg6[%add3A, %dma_start3A_121, %dma_start3A_122] : memref<32x80x128xi32, #tpu.memory_space<hbm>> -> memref<1x80x128xi32, #tpu.memory_space<hbm>>
    %dma_start3A_124 = tpu.memref_squeeze %dma_start3A_123 : memref<1x80x128xi32, #tpu.memory_space<hbm>> -> memref<80x128xi32, #tpu.memory_space<hbm>>
    %dma_start3A_125 = arith.constant 0 : i32
    %dma_start3A_126 = arith.constant 0 : i32
    %dma_start3A_127 = tpu.memref_slice %arg6[%add3A, %dma_start3A_125, %dma_start3A_126] : memref<32x80x128xi32, #tpu.memory_space<hbm>> -> memref<1x80x128xi32, #tpu.memory_space<hbm>>
    %dma_start3A_128 = tpu.memref_squeeze %dma_start3A_127 : memref<1x80x128xi32, #tpu.memory_space<hbm>> -> memref<80x128xi32, #tpu.memory_space<hbm>>
    tpu.enqueue_dma source(%dma_start3A_128 : memref<80x128xi32, #tpu.memory_space<hbm>>) target(%arg10 : memref<80x128xi32, #tpu.memory_space<vmem>>) target_semaphore(%arg17 : memref<!tpu.dma_semaphore, #tpu.memory_space<semaphore_mem>>)
    %dma_start3A_129 = arith.constant 0 : i32
    %dma_start3A_130 = arith.constant 0 : i32
    %dma_start3A_131 = tpu.memref_slice %arg7[%add3A, %dma_start3A_129, %dma_start3A_130] : memref<32x80x128xi32, #tpu.memory_space<hbm>> -> memref<1x80x128xi32, #tpu.memory_space<hbm>>
    %dma_start3A_132 = tpu.memref_squeeze %dma_start3A_131 : memref<1x80x128xi32, #tpu.memory_space<hbm>> -> memref<80x128xi32, #tpu.memory_space<hbm>>
    %dma_start3A_133 = arith.constant 0 : i32
    %dma_start3A_134 = arith.constant 0 : i32
    %dma_start3A_135 = tpu.memref_slice %arg7[%add3A, %dma_start3A_133, %dma_start3A_134] : memref<32x80x128xi32, #tpu.memory_space<hbm>> -> memref<1x80x128xi32, #tpu.memory_space<hbm>>
    %dma_start3A_136 = tpu.memref_squeeze %dma_start3A_135 : memref<1x80x128xi32, #tpu.memory_space<hbm>> -> memref<80x128xi32, #tpu.memory_space<hbm>>
    tpu.enqueue_dma source(%dma_start3A_136 : memref<80x128xi32, #tpu.memory_space<hbm>>) target(%arg11 : memref<80x128xi32, #tpu.memory_space<vmem>>) target_semaphore(%arg18 : memref<!tpu.dma_semaphore, #tpu.memory_space<semaphore_mem>>)
    %scan3A_137 = arith.constant 0 : i32
    %scan3A_138 = arith.constant 128 : i32
    %scan3A_139 = arith.addi %scan3A_137, %scan3A_138 : i32
    %scan3A_140 = arith.constant 1 : i32
    scf.for %scan3A_235 = %scan3A_137 to %scan3A_139 step %scan3A_140  : i32 {
      %swap3A = arith.index_cast %scan3A_235 : i32 to index
      %swap3A_236 = arith.constant 0 : index
      %swap3A_237 = tpu.vector_load %arg14[%swap3A, %swap3A_236] {strides = array<i32>} : memref<128x64xf32, #tpu.memory_space<vmem>>, vector<16xf32>,
      tpu.vector_store %arg14[%swap3A, %swap3A_236], %broadcast_in_dim3A_1 {strides = array<i32>} : memref<128x64xf32, #tpu.memory_space<vmem>>, vector<16xf32>,
      %swap3A_238 = arith.index_cast %scan3A_235 : i32 to index
      %swap3A_239 = arith.constant 16 : index
      %swap3A_240 = tpu.vector_load %arg14[%swap3A_238, %swap3A_239] {strides = array<i32>} : memref<128x64xf32, #tpu.memory_space<vmem>>, vector<16xf32>,
      tpu.vector_store %arg14[%swap3A_238, %swap3A_239], %broadcast_in_dim3A_1 {strides = array<i32>} : memref<128x64xf32, #tpu.memory_space<vmem>>, vector<16xf32>,
      %swap3A_241 = arith.index_cast %scan3A_235 : i32 to index
      %swap3A_242 = arith.constant 32 : index
      %swap3A_243 = tpu.vector_load %arg14[%swap3A_241, %swap3A_242] {strides = array<i32>} : memref<128x64xf32, #tpu.memory_space<vmem>>, vector<16xf32>,
      tpu.vector_store %arg14[%swap3A_241, %swap3A_242], %broadcast_in_dim3A_1 {strides = array<i32>} : memref<128x64xf32, #tpu.memory_space<vmem>>, vector<16xf32>,
      %swap3A_244 = arith.index_cast %scan3A_235 : i32 to index
      %swap3A_245 = arith.constant 48 : index
      %swap3A_246 = tpu.vector_load %arg14[%swap3A_244, %swap3A_245] {strides = array<i32>} : memref<128x64xf32, #tpu.memory_space<vmem>>, vector<16xf32>,
      tpu.vector_store %arg14[%swap3A_244, %swap3A_245], %broadcast_in_dim3A_1 {strides = array<i32>} : memref<128x64xf32, #tpu.memory_space<vmem>>, vector<16xf32>,
    }
    %scan3A_141 = arith.constant 128 : i32
    %mul3A_142 = arith.constant 640 : i32
    %mul3A_143 = arith.muli %arg1, %mul3A_142 : i32
    %add3A_144 = arith.constant 0 : i32
    %add3A_145 = arith.addi %mul3A_143, %add3A_144 : i32
    "tpu.region"() ({
      %run_scoped3A_235 = tpu.sem_alloc : memref<!tpu.dma_semaphore, #tpu.memory_space<semaphore_mem>>
      %dma_start3A_236 = arith.constant 0 : i32
      %dma_start3A_237 = tpu.memref_slice %arg16[%add3A_145, %dma_start3A_236] : memref<10240x64xf32, #tpu.memory_space<vmem_shared>> -> memref<128x64xf32, #tpu.memory_space<vmem_shared>>
      %dma_start3A_238 = arith.constant 0 : i32
      %dma_start3A_239 = tpu.memref_slice %arg16[%add3A_145, %dma_start3A_238] : memref<10240x64xf32, #tpu.memory_space<vmem_shared>> -> memref<128x64xf32, #tpu.memory_space<vmem_shared>>
      tpu.enqueue_dma source(%arg14 : memref<128x64xf32, #tpu.memory_space<vmem>>) target(%dma_start3A_239 : memref<128x64xf32, #tpu.memory_space<vmem_shared>>) target_semaphore(%run_scoped3A_235 : memref<!tpu.dma_semaphore, #tpu.memory_space<semaphore_mem>>)
      %dma_wait3A_240 = arith.constant 0 : i32
      %dma_wait3A_241 = tpu.memref_slice %arg16[%add3A_145, %dma_wait3A_240] : memref<10240x64xf32, #tpu.memory_space<vmem_shared>> -> memref<128x64xf32, #tpu.memory_space<vmem_shared>>
      %dma_wait3A_242 = arith.constant 0 : i32
      %dma_wait3A_243 = tpu.memref_slice %arg16[%add3A_145, %dma_wait3A_242] : memref<10240x64xf32, #tpu.memory_space<vmem_shared>> -> memref<128x64xf32, #tpu.memory_space<vmem_shared>>
      tpu.wait_dma2 semaphore(%run_scoped3A_235 : memref<!tpu.dma_semaphore, #tpu.memory_space<semaphore_mem>>) src(%arg14 : memref<128x64xf32, #tpu.memory_space<vmem>>) dst(%dma_wait3A_243 : memref<128x64xf32, #tpu.memory_space<vmem_shared>>)
      tpu.yield
    }) : () -> ()
    %mul3A_146 = arith.constant 640 : i32
    %mul3A_147 = arith.muli %arg1, %mul3A_146 : i32
    %add3A_148 = arith.constant 128 : i32
    %add3A_149 = arith.addi %mul3A_147, %add3A_148 : i32
    "tpu.region"() ({
      %run_scoped3A_235 = tpu.sem_alloc : memref<!tpu.dma_semaphore, #tpu.memory_space<semaphore_mem>>
      %dma_start3A_236 = arith.constant 0 : i32
      %dma_start3A_237 = tpu.memref_slice %arg16[%add3A_149, %dma_start3A_236] : memref<10240x64xf32, #tpu.memory_space<vmem_shared>> -> memref<128x64xf32, #tpu.memory_space<vmem_shared>>
      %dma_start3A_238 = arith.constant 0 : i32
      %dma_start3A_239 = tpu.memref_slice %arg16[%add3A_149, %dma_start3A_238] : memref<10240x64xf32, #tpu.memory_space<vmem_shared>> -> memref<128x64xf32, #tpu.memory_space<vmem_shared>>
      tpu.enqueue_dma source(%arg14 : memref<128x64xf32, #tpu.memory_space<vmem>>) target(%dma_start3A_239 : memref<128x64xf32, #tpu.memory_space<vmem_shared>>) target_semaphore(%run_scoped3A_235 : memref<!tpu.dma_semaphore, #tpu.memory_space<semaphore_mem>>)
      %dma_wait3A_240 = arith.constant 0 : i32
      %dma_wait3A_241 = tpu.memref_slice %arg16[%add3A_149, %dma_wait3A_240] : memref<10240x64xf32, #tpu.memory_space<vmem_shared>> -> memref<128x64xf32, #tpu.memory_space<vmem_shared>>
      %dma_wait3A_242 = arith.constant 0 : i32
      %dma_wait3A_243 = tpu.memref_slice %arg16[%add3A_149, %dma_wait3A_242] : memref<10240x64xf32, #tpu.memory_space<vmem_shared>> -> memref<128x64xf32, #tpu.memory_space<vmem_shared>>
      tpu.wait_dma2 semaphore(%run_scoped3A_235 : memref<!tpu.dma_semaphore, #tpu.memory_space<semaphore_mem>>) src(%arg14 : memref<128x64xf32, #tpu.memory_space<vmem>>) dst(%dma_wait3A_243 : memref<128x64xf32, #tpu.memory_space<vmem_shared>>)
      tpu.yield
    }) : () -> ()
    %mul3A_150 = arith.constant 640 : i32
    %mul3A_151 = arith.muli %arg1, %mul3A_150 : i32
    %add3A_152 = arith.constant 256 : i32
    %add3A_153 = arith.addi %mul3A_151, %add3A_152 : i32
    "tpu.region"() ({
      %run_scoped3A_235 = tpu.sem_alloc : memref<!tpu.dma_semaphore, #tpu.memory_space<semaphore_mem>>
      %dma_start3A_236 = arith.constant 0 : i32
      %dma_start3A_237 = tpu.memref_slice %arg16[%add3A_153, %dma_start3A_236] : memref<10240x64xf32, #tpu.memory_space<vmem_shared>> -> memref<128x64xf32, #tpu.memory_space<vmem_shared>>
      %dma_start3A_238 = arith.constant 0 : i32
      %dma_start3A_239 = tpu.memref_slice %arg16[%add3A_153, %dma_start3A_238] : memref<10240x64xf32, #tpu.memory_space<vmem_shared>> -> memref<128x64xf32, #tpu.memory_space<vmem_shared>>
      tpu.enqueue_dma source(%arg14 : memref<128x64xf32, #tpu.memory_space<vmem>>) target(%dma_start3A_239 : memref<128x64xf32, #tpu.memory_space<vmem_shared>>) target_semaphore(%run_scoped3A_235 : memref<!tpu.dma_semaphore, #tpu.memory_space<semaphore_mem>>)
      %dma_wait3A_240 = arith.constant 0 : i32
      %dma_wait3A_241 = tpu.memref_slice %arg16[%add3A_153, %dma_wait3A_240] : memref<10240x64xf32, #tpu.memory_space<vmem_shared>> -> memref<128x64xf32, #tpu.memory_space<vmem_shared>>
      %dma_wait3A_242 = arith.constant 0 : i32
      %dma_wait3A_243 = tpu.memref_slice %arg16[%add3A_153, %dma_wait3A_242] : memref<10240x64xf32, #tpu.memory_space<vmem_shared>> -> memref<128x64xf32, #tpu.memory_space<vmem_shared>>
      tpu.wait_dma2 semaphore(%run_scoped3A_235 : memref<!tpu.dma_semaphore, #tpu.memory_space<semaphore_mem>>) src(%arg14 : memref<128x64xf32, #tpu.memory_space<vmem>>) dst(%dma_wait3A_243 : memref<128x64xf32, #tpu.memory_space<vmem_shared>>)
      tpu.yield
    }) : () -> ()
    %mul3A_154 = arith.constant 640 : i32
    %mul3A_155 = arith.muli %arg1, %mul3A_154 : i32
    %add3A_156 = arith.constant 384 : i32
    %add3A_157 = arith.addi %mul3A_155, %add3A_156 : i32
    "tpu.region"() ({
      %run_scoped3A_235 = tpu.sem_alloc : memref<!tpu.dma_semaphore, #tpu.memory_space<semaphore_mem>>
      %dma_start3A_236 = arith.constant 0 : i32
      %dma_start3A_237 = tpu.memref_slice %arg16[%add3A_157, %dma_start3A_236] : memref<10240x64xf32, #tpu.memory_space<vmem_shared>> -> memref<128x64xf32, #tpu.memory_space<vmem_shared>>
      %dma_start3A_238 = arith.constant 0 : i32
      %dma_start3A_239 = tpu.memref_slice %arg16[%add3A_157, %dma_start3A_238] : memref<10240x64xf32, #tpu.memory_space<vmem_shared>> -> memref<128x64xf32, #tpu.memory_space<vmem_shared>>
      tpu.enqueue_dma source(%arg14 : memref<128x64xf32, #tpu.memory_space<vmem>>) target(%dma_start3A_239 : memref<128x64xf32, #tpu.memory_space<vmem_shared>>) target_semaphore(%run_scoped3A_235 : memref<!tpu.dma_semaphore, #tpu.memory_space<semaphore_mem>>)
      %dma_wait3A_240 = arith.constant 0 : i32
      %dma_wait3A_241 = tpu.memref_slice %arg16[%add3A_157, %dma_wait3A_240] : memref<10240x64xf32, #tpu.memory_space<vmem_shared>> -> memref<128x64xf32, #tpu.memory_space<vmem_shared>>
      %dma_wait3A_242 = arith.constant 0 : i32
      %dma_wait3A_243 = tpu.memref_slice %arg16[%add3A_157, %dma_wait3A_242] : memref<10240x64xf32, #tpu.memory_space<vmem_shared>> -> memref<128x64xf32, #tpu.memory_space<vmem_shared>>
      tpu.wait_dma2 semaphore(%run_scoped3A_235 : memref<!tpu.dma_semaphore, #tpu.memory_space<semaphore_mem>>) src(%arg14 : memref<128x64xf32, #tpu.memory_space<vmem>>) dst(%dma_wait3A_243 : memref<128x64xf32, #tpu.memory_space<vmem_shared>>)
      tpu.yield
    }) : () -> ()
    %mul3A_158 = arith.constant 640 : i32
    %mul3A_159 = arith.muli %arg1, %mul3A_158 : i32
    %add3A_160 = arith.constant 512 : i32
    %add3A_161 = arith.addi %mul3A_159, %add3A_160 : i32
    "tpu.region"() ({
      %run_scoped3A_235 = tpu.sem_alloc : memref<!tpu.dma_semaphore, #tpu.memory_space<semaphore_mem>>
      %dma_start3A_236 = arith.constant 0 : i32
      %dma_start3A_237 = tpu.memref_slice %arg16[%add3A_161, %dma_start3A_236] : memref<10240x64xf32, #tpu.memory_space<vmem_shared>> -> memref<128x64xf32, #tpu.memory_space<vmem_shared>>
      %dma_start3A_238 = arith.constant 0 : i32
      %dma_start3A_239 = tpu.memref_slice %arg16[%add3A_161, %dma_start3A_238] : memref<10240x64xf32, #tpu.memory_space<vmem_shared>> -> memref<128x64xf32, #tpu.memory_space<vmem_shared>>
      tpu.enqueue_dma source(%arg14 : memref<128x64xf32, #tpu.memory_space<vmem>>) target(%dma_start3A_239 : memref<128x64xf32, #tpu.memory_space<vmem_shared>>) target_semaphore(%run_scoped3A_235 : memref<!tpu.dma_semaphore, #tpu.memory_space<semaphore_mem>>)
      %dma_wait3A_240 = arith.constant 0 : i32
      %dma_wait3A_241 = tpu.memref_slice %arg16[%add3A_161, %dma_wait3A_240] : memref<10240x64xf32, #tpu.memory_space<vmem_shared>> -> memref<128x64xf32, #tpu.memory_space<vmem_shared>>
      %dma_wait3A_242 = arith.constant 0 : i32
      %dma_wait3A_243 = tpu.memref_slice %arg16[%add3A_161, %dma_wait3A_242] : memref<10240x64xf32, #tpu.memory_space<vmem_shared>> -> memref<128x64xf32, #tpu.memory_space<vmem_shared>>
      tpu.wait_dma2 semaphore(%run_scoped3A_235 : memref<!tpu.dma_semaphore, #tpu.memory_space<semaphore_mem>>) src(%arg14 : memref<128x64xf32, #tpu.memory_space<vmem>>) dst(%dma_wait3A_243 : memref<128x64xf32, #tpu.memory_space<vmem_shared>>)
      tpu.yield
    }) : () -> ()
    "tpu.region"() ({
      %run_scoped3A_235 = tpu.sem_alloc : memref<!tpu.dma_semaphore, #tpu.memory_space<semaphore_mem>>
      %dma_start3A_236 = arith.constant 0 : i32
      %dma_start3A_237 = tpu.memref_slice %arg15[%mul3A_3, %dma_start3A_236] : memref<10000x64xf32, #tpu.memory_space<vmem_shared>> -> memref<625x64xf32, #tpu.memory_space<vmem_shared>>
      %dma_start3A_238 = arith.constant 0 : i32
      %dma_start3A_239 = tpu.memref_slice %arg3[%mul3A_3, %dma_start3A_238] : memref<10000x64xf32, #tpu.memory_space<hbm>> -> memref<625x64xf32, #tpu.memory_space<hbm>>
      tpu.enqueue_dma source(%dma_start3A_239 : memref<625x64xf32, #tpu.memory_space<hbm>>) target(%dma_start3A_237 : memref<625x64xf32, #tpu.memory_space<vmem_shared>>) target_semaphore(%run_scoped3A_235 : memref<!tpu.dma_semaphore, #tpu.memory_space<semaphore_mem>>)
      %dma_wait3A_240 = arith.constant 0 : i32
      %dma_wait3A_241 = tpu.memref_slice %arg15[%mul3A_3, %dma_wait3A_240] : memref<10000x64xf32, #tpu.memory_space<vmem_shared>> -> memref<625x64xf32, #tpu.memory_space<vmem_shared>>
      %dma_wait3A_242 = arith.constant 0 : i32
      %dma_wait3A_243 = tpu.memref_slice %arg3[%mul3A_3, %dma_wait3A_242] : memref<10000x64xf32, #tpu.memory_space<hbm>> -> memref<625x64xf32, #tpu.memory_space<hbm>>
      tpu.wait_dma2 semaphore(%run_scoped3A_235 : memref<!tpu.dma_semaphore, #tpu.memory_space<semaphore_mem>>) src(%dma_wait3A_243 : memref<625x64xf32, #tpu.memory_space<hbm>>) dst(%dma_wait3A_241 : memref<625x64xf32, #tpu.memory_space<vmem_shared>>)
      tpu.yield
    }) : () -> ()
    %dma_wait3A_162 = arith.constant 0 : i32
    %dma_wait3A_163 = arith.constant 0 : i32
    %dma_wait3A_164 = tpu.memref_slice %arg6[%add3A, %dma_wait3A_162, %dma_wait3A_163] : memref<32x80x128xi32, #tpu.memory_space<hbm>> -> memref<1x80x128xi32, #tpu.memory_space<hbm>>
    %dma_wait3A_165 = tpu.memref_squeeze %dma_wait3A_164 : memref<1x80x128xi32, #tpu.memory_space<hbm>> -> memref<80x128xi32, #tpu.memory_space<hbm>>
    %dma_wait3A_166 = arith.constant 0 : i32
    %dma_wait3A_167 = arith.constant 0 : i32
    %dma_wait3A_168 = tpu.memref_slice %arg6[%add3A, %dma_wait3A_166, %dma_wait3A_167] : memref<32x80x128xi32, #tpu.memory_space<hbm>> -> memref<1x80x128xi32, #tpu.memory_space<hbm>>
    %dma_wait3A_169 = tpu.memref_squeeze %dma_wait3A_168 : memref<1x80x128xi32, #tpu.memory_space<hbm>> -> memref<80x128xi32, #tpu.memory_space<hbm>>
    tpu.wait_dma2 semaphore(%arg17 : memref<!tpu.dma_semaphore, #tpu.memory_space<semaphore_mem>>) src(%dma_wait3A_169 : memref<80x128xi32, #tpu.memory_space<hbm>>) dst(%arg10 : memref<80x128xi32, #tpu.memory_space<vmem>>)
    %dma_wait3A_170 = arith.constant 0 : i32
    %dma_wait3A_171 = arith.constant 0 : i32
    %dma_wait3A_172 = tpu.memref_slice %arg7[%add3A, %dma_wait3A_170, %dma_wait3A_171] : memref<32x80x128xi32, #tpu.memory_space<hbm>> -> memref<1x80x128xi32, #tpu.memory_space<hbm>>
    %dma_wait3A_173 = tpu.memref_squeeze %dma_wait3A_172 : memref<1x80x128xi32, #tpu.memory_space<hbm>> -> memref<80x128xi32, #tpu.memory_space<hbm>>
    %dma_wait3A_174 = arith.constant 0 : i32
    %dma_wait3A_175 = arith.constant 0 : i32
    %dma_wait3A_176 = tpu.memref_slice %arg7[%add3A, %dma_wait3A_174, %dma_wait3A_175] : memref<32x80x128xi32, #tpu.memory_space<hbm>> -> memref<1x80x128xi32, #tpu.memory_space<hbm>>
    %dma_wait3A_177 = tpu.memref_squeeze %dma_wait3A_176 : memref<1x80x128xi32, #tpu.memory_space<hbm>> -> memref<80x128xi32, #tpu.memory_space<hbm>>
    tpu.wait_dma2 semaphore(%arg18 : memref<!tpu.dma_semaphore, #tpu.memory_space<semaphore_mem>>) src(%dma_wait3A_177 : memref<80x128xi32, #tpu.memory_space<hbm>>) dst(%arg11 : memref<80x128xi32, #tpu.memory_space<vmem>>)
    %barrier3A_178 = arith.constant 0 : index
    tpu.barrier barrier_id(%barrier3A_178)
    %dma_start3A_179 = arith.constant 0 : i32
    %dma_start3A_180 = arith.constant 0 : i32
    %dma_start3A_181 = tpu.memref_slice %arg10[%dma_start3A_179, %dma_start3A_180] : memref<80x128xi32, #tpu.memory_space<vmem>> -> memref<1x128xi32, #tpu.memory_space<vmem>>
    %dma_start3A_182 = tpu.memref_squeeze %dma_start3A_181 : memref<1x128xi32, #tpu.memory_space<vmem>> -> memref<128xi32, #tpu.memory_space<vmem>>
    %dma_start3A_183 = arith.constant 0 : i32
    %dma_start3A_184 = arith.constant 0 : i32
    %dma_start3A_185 = tpu.memref_slice %arg15[%dma_start3A_183, %dma_start3A_184] : memref<10000x64xf32, #tpu.memory_space<vmem_shared>> -> memref<10000x64xf32, #tpu.memory_space<vmem_shared>>
    tpu.enqueue_indirect_dma source(%dma_start3A_185 : memref<10000x64xf32, #tpu.memory_space<vmem_shared>>) target(%arg12 : memref<128x64xf32, #tpu.memory_space<vmem>>) offsets(%dma_start3A_182 : memref<128xi32, #tpu.memory_space<vmem>>) semaphore(%arg17 : memref<!tpu.dma_semaphore, #tpu.memory_space<semaphore_mem>>)
    %dma_start3A_186 = arith.constant 1 : i32
    %dma_start3A_187 = arith.constant 0 : i32
    %dma_start3A_188 = tpu.memref_slice %arg10[%dma_start3A_186, %dma_start3A_187] : memref<80x128xi32, #tpu.memory_space<vmem>> -> memref<1x128xi32, #tpu.memory_space<vmem>>
    %dma_start3A_189 = tpu.memref_squeeze %dma_start3A_188 : memref<1x128xi32, #tpu.memory_space<vmem>> -> memref<128xi32, #tpu.memory_space<vmem>>
    %dma_start3A_190 = arith.constant 0 : i32
    %dma_start3A_191 = arith.constant 0 : i32
    %dma_start3A_192 = tpu.memref_slice %arg15[%dma_start3A_190, %dma_start3A_191] : memref<10000x64xf32, #tpu.memory_space<vmem_shared>> -> memref<10000x64xf32, #tpu.memory_space<vmem_shared>>
    tpu.enqueue_indirect_dma source(%dma_start3A_192 : memref<10000x64xf32, #tpu.memory_space<vmem_shared>>) target(%arg13 : memref<128x64xf32, #tpu.memory_space<vmem>>) offsets(%dma_start3A_189 : memref<128xi32, #tpu.memory_space<vmem>>) semaphore(%arg18 : memref<!tpu.dma_semaphore, #tpu.memory_space<semaphore_mem>>)
    %scan3A_193 = arith.constant 0 : i32
    %scan3A_194 = arith.constant 39 : i32
    %scan3A_195 = arith.addi %scan3A_193, %scan3A_194 : i32
    %scan3A_196 = arith.constant 1 : i32
    scf.for %scan3A_235 = %scan3A_193 to %scan3A_195 step %scan3A_196  : i32 {
      %mul3A_236 = arith.constant 2 : i32
      %mul3A_237 = arith.muli %mul3A_236, %scan3A_235 : i32
      %add3A_238 = arith.constant 0 : i32
      %add3A_239 = arith.addi %mul3A_237, %add3A_238 : i32
      %dma_wait3A_240 = arith.constant 0 : i32
      %dma_wait3A_241 = tpu.memref_slice %arg10[%add3A_239, %dma_wait3A_240] : memref<80x128xi32, #tpu.memory_space<vmem>> -> memref<1x128xi32, #tpu.memory_space<vmem>>
      %dma_wait3A_242 = tpu.memref_squeeze %dma_wait3A_241 : memref<1x128xi32, #tpu.memory_space<vmem>> -> memref<128xi32, #tpu.memory_space<vmem>>
      %dma_wait3A_243 = arith.constant 0 : i32
      %dma_wait3A_244 = arith.constant 0 : i32
      %dma_wait3A_245 = tpu.memref_slice %arg15[%dma_wait3A_243, %dma_wait3A_244] : memref<10000x64xf32, #tpu.memory_space<vmem_shared>> -> memref<10000x64xf32, #tpu.memory_space<vmem_shared>>
      tpu.wait_indirect_dma semaphore(%arg17 : memref<!tpu.dma_semaphore, #tpu.memory_space<semaphore_mem>>) src(%dma_wait3A_245 : memref<10000x64xf32, #tpu.memory_space<vmem_shared>>) dst(%arg12 : memref<128x64xf32, #tpu.memory_space<vmem>>)
      %add3A_246 = arith.constant 0 : i32
      %add3A_247 = arith.addi %mul3A_237, %add3A_246 : i32
      "tpu.region"() ({
        %run_scoped3A_278 = tpu.sem_alloc : memref<!tpu.dma_semaphore, #tpu.memory_space<semaphore_mem>>
        %dma_start3A_279 = arith.constant 0 : i32
        %dma_start3A_280 = tpu.memref_slice %arg11[%add3A_247, %dma_start3A_279] : memref<80x128xi32, #tpu.memory_space<vmem>> -> memref<1x128xi32, #tpu.memory_space<vmem>>
        %dma_start3A_281 = tpu.memref_squeeze %dma_start3A_280 : memref<1x128xi32, #tpu.memory_space<vmem>> -> memref<128xi32, #tpu.memory_space<vmem>>
        %dma_start3A_282 = arith.constant 0 : i32
        %dma_start3A_283 = arith.constant 0 : i32
        %dma_start3A_284 = tpu.memref_slice %arg16[%dma_start3A_282, %dma_start3A_283] : memref<10240x64xf32, #tpu.memory_space<vmem_shared>> -> memref<10240x64xf32, #tpu.memory_space<vmem_shared>>
        tpu.enqueue_indirect_dma source(%arg12 : memref<128x64xf32, #tpu.memory_space<vmem>>) target(%dma_start3A_284 : memref<10240x64xf32, #tpu.memory_space<vmem_shared>>) offsets(%dma_start3A_281 : memref<128xi32, #tpu.memory_space<vmem>>) semaphore(%run_scoped3A_278 : memref<!tpu.dma_semaphore, #tpu.memory_space<semaphore_mem>>) {add = true}
        %dma_wait3A_285 = arith.constant 0 : i32
        %dma_wait3A_286 = tpu.memref_slice %arg11[%add3A_247, %dma_wait3A_285] : memref<80x128xi32, #tpu.memory_space<vmem>> -> memref<1x128xi32, #tpu.memory_space<vmem>>
        %dma_wait3A_287 = tpu.memref_squeeze %dma_wait3A_286 : memref<1x128xi32, #tpu.memory_space<vmem>> -> memref<128xi32, #tpu.memory_space<vmem>>
        %dma_wait3A_288 = arith.constant 0 : i32
        %dma_wait3A_289 = arith.constant 0 : i32
        %dma_wait3A_290 = tpu.memref_slice %arg16[%dma_wait3A_288, %dma_wait3A_289] : memref<10240x64xf32, #tpu.memory_space<vmem_shared>> -> memref<10240x64xf32, #tpu.memory_space<vmem_shared>>
        tpu.wait_indirect_dma semaphore(%run_scoped3A_278 : memref<!tpu.dma_semaphore, #tpu.memory_space<semaphore_mem>>) src(%arg12 : memref<128x64xf32, #tpu.memory_space<vmem>>) dst(%dma_wait3A_290 : memref<10240x64xf32, #tpu.memory_space<vmem_shared>>)
        tpu.yield
      }) : () -> ()
      %add3A_248 = arith.constant 0 : i32
      %add3A_249 = arith.addi %mul3A_237, %add3A_248 : i32
      %add3A_250 = arith.constant 2 : i32
      %add3A_251 = arith.addi %add3A_249, %add3A_250 : i32
      %dma_start3A_252 = arith.constant 0 : i32
      %dma_start3A_253 = tpu.memref_slice %arg10[%add3A_251, %dma_start3A_252] : memref<80x128xi32, #tpu.memory_space<vmem>> -> memref<1x128xi32, #tpu.memory_space<vmem>>
      %dma_start3A_254 = tpu.memref_squeeze %dma_start3A_253 : memref<1x128xi32, #tpu.memory_space<vmem>> -> memref<128xi32, #tpu.memory_space<vmem>>
      %dma_start3A_255 = arith.constant 0 : i32
      %dma_start3A_256 = arith.constant 0 : i32
      %dma_start3A_257 = tpu.memref_slice %arg15[%dma_start3A_255, %dma_start3A_256] : memref<10000x64xf32, #tpu.memory_space<vmem_shared>> -> memref<10000x64xf32, #tpu.memory_space<vmem_shared>>
      tpu.enqueue_indirect_dma source(%dma_start3A_257 : memref<10000x64xf32, #tpu.memory_space<vmem_shared>>) target(%arg12 : memref<128x64xf32, #tpu.memory_space<vmem>>) offsets(%dma_start3A_254 : memref<128xi32, #tpu.memory_space<vmem>>) semaphore(%arg17 : memref<!tpu.dma_semaphore, #tpu.memory_space<semaphore_mem>>)
      %add3A_258 = arith.constant 1 : i32
      %add3A_259 = arith.addi %mul3A_237, %add3A_258 : i32
      %dma_wait3A_260 = arith.constant 0 : i32
      %dma_wait3A_261 = tpu.memref_slice %arg10[%add3A_259, %dma_wait3A_260] : memref<80x128xi32, #tpu.memory_space<vmem>> -> memref<1x128xi32, #tpu.memory_space<vmem>>
      %dma_wait3A_262 = tpu.memref_squeeze %dma_wait3A_261 : memref<1x128xi32, #tpu.memory_space<vmem>> -> memref<128xi32, #tpu.memory_space<vmem>>
      %dma_wait3A_263 = arith.constant 0 : i32
      %dma_wait3A_264 = arith.constant 0 : i32
      %dma_wait3A_265 = tpu.memref_slice %arg15[%dma_wait3A_263, %dma_wait3A_264] : memref<10000x64xf32, #tpu.memory_space<vmem_shared>> -> memref<10000x64xf32, #tpu.memory_space<vmem_shared>>
      tpu.wait_indirect_dma semaphore(%arg18 : memref<!tpu.dma_semaphore, #tpu.memory_space<semaphore_mem>>) src(%dma_wait3A_265 : memref<10000x64xf32, #tpu.memory_space<vmem_shared>>) dst(%arg13 : memref<128x64xf32, #tpu.memory_space<vmem>>)
      %add3A_266 = arith.constant 1 : i32
      %add3A_267 = arith.addi %mul3A_237, %add3A_266 : i32
      "tpu.region"() ({
        %run_scoped3A_278 = tpu.sem_alloc : memref<!tpu.dma_semaphore, #tpu.memory_space<semaphore_mem>>
        %dma_start3A_279 = arith.constant 0 : i32
        %dma_start3A_280 = tpu.memref_slice %arg11[%add3A_267, %dma_start3A_279] : memref<80x128xi32, #tpu.memory_space<vmem>> -> memref<1x128xi32, #tpu.memory_space<vmem>>
        %dma_start3A_281 = tpu.memref_squeeze %dma_start3A_280 : memref<1x128xi32, #tpu.memory_space<vmem>> -> memref<128xi32, #tpu.memory_space<vmem>>
        %dma_start3A_282 = arith.constant 0 : i32
        %dma_start3A_283 = arith.constant 0 : i32
        %dma_start3A_284 = tpu.memref_slice %arg16[%dma_start3A_282, %dma_start3A_283] : memref<10240x64xf32, #tpu.memory_space<vmem_shared>> -> memref<10240x64xf32, #tpu.memory_space<vmem_shared>>
        tpu.enqueue_indirect_dma source(%arg13 : memref<128x64xf32, #tpu.memory_space<vmem>>) target(%dma_start3A_284 : memref<10240x64xf32, #tpu.memory_space<vmem_shared>>) offsets(%dma_start3A_281 : memref<128xi32, #tpu.memory_space<vmem>>) semaphore(%run_scoped3A_278 : memref<!tpu.dma_semaphore, #tpu.memory_space<semaphore_mem>>) {add = true}
        %dma_wait3A_285 = arith.constant 0 : i32
        %dma_wait3A_286 = tpu.memref_slice %arg11[%add3A_267, %dma_wait3A_285] : memref<80x128xi32, #tpu.memory_space<vmem>> -> memref<1x128xi32, #tpu.memory_space<vmem>>
        %dma_wait3A_287 = tpu.memref_squeeze %dma_wait3A_286 : memref<1x128xi32, #tpu.memory_space<vmem>> -> memref<128xi32, #tpu.memory_space<vmem>>
        %dma_wait3A_288 = arith.constant 0 : i32
        %dma_wait3A_289 = arith.constant 0 : i32
        %dma_wait3A_290 = tpu.memref_slice %arg16[%dma_wait3A_288, %dma_wait3A_289] : memref<10240x64xf32, #tpu.memory_space<vmem_shared>> -> memref<10240x64xf32, #tpu.memory_space<vmem_shared>>
        tpu.wait_indirect_dma semaphore(%run_scoped3A_278 : memref<!tpu.dma_semaphore, #tpu.memory_space<semaphore_mem>>) src(%arg13 : memref<128x64xf32, #tpu.memory_space<vmem>>) dst(%dma_wait3A_290 : memref<10240x64xf32, #tpu.memory_space<vmem_shared>>)
        tpu.yield
      }) : () -> ()
      %add3A_268 = arith.constant 1 : i32
      %add3A_269 = arith.addi %mul3A_237, %add3A_268 : i32
      %add3A_270 = arith.constant 2 : i32
      %add3A_271 = arith.addi %add3A_269, %add3A_270 : i32
      %dma_start3A_272 = arith.constant 0 : i32
      %dma_start3A_273 = tpu.memref_slice %arg10[%add3A_271, %dma_start3A_272] : memref<80x128xi32, #tpu.memory_space<vmem>> -> memref<1x128xi32, #tpu.memory_space<vmem>>
      %dma_start3A_274 = tpu.memref_squeeze %dma_start3A_273 : memref<1x128xi32, #tpu.memory_space<vmem>> -> memref<128xi32, #tpu.memory_space<vmem>>
      %dma_start3A_275 = arith.constant 0 : i32
      %dma_start3A_276 = arith.constant 0 : i32
      %dma_start3A_277 = tpu.memref_slice %arg15[%dma_start3A_275, %dma_start3A_276] : memref<10000x64xf32, #tpu.memory_space<vmem_shared>> -> memref<10000x64xf32, #tpu.memory_space<vmem_shared>>
      tpu.enqueue_indirect_dma source(%dma_start3A_277 : memref<10000x64xf32, #tpu.memory_space<vmem_shared>>) target(%arg13 : memref<128x64xf32, #tpu.memory_space<vmem>>) offsets(%dma_start3A_274 : memref<128xi32, #tpu.memory_space<vmem>>) semaphore(%arg18 : memref<!tpu.dma_semaphore, #tpu.memory_space<semaphore_mem>>)
    }
    %scan3A_197 = arith.constant 39 : i32
    %dma_wait3A_198 = arith.constant 78 : i32
    %dma_wait3A_199 = arith.constant 0 : i32
    %dma_wait3A_200 = tpu.memref_slice %arg10[%dma_wait3A_198, %dma_wait3A_199] : memref<80x128xi32, #tpu.memory_space<vmem>> -> memref<1x128xi32, #tpu.memory_space<vmem>>
    %dma_wait3A_201 = tpu.memref_squeeze %dma_wait3A_200 : memref<1x128xi32, #tpu.memory_space<vmem>> -> memref<128xi32, #tpu.memory_space<vmem>>
    %dma_wait3A_202 = arith.constant 0 : i32
    %dma_wait3A_203 = arith.constant 0 : i32
    %dma_wait3A_204 = tpu.memref_slice %arg15[%dma_wait3A_202, %dma_wait3A_203] : memref<10000x64xf32, #tpu.memory_space<vmem_shared>> -> memref<10000x64xf32, #tpu.memory_space<vmem_shared>>
    tpu.wait_indirect_dma semaphore(%arg17 : memref<!tpu.dma_semaphore, #tpu.memory_space<semaphore_mem>>) src(%dma_wait3A_204 : memref<10000x64xf32, #tpu.memory_space<vmem_shared>>) dst(%arg12 : memref<128x64xf32, #tpu.memory_space<vmem>>)
    %run_scoped3A_205 = arith.constant 78 : i32
    "tpu.region"() ({
      %run_scoped3A_235 = tpu.sem_alloc : memref<!tpu.dma_semaphore, #tpu.memory_space<semaphore_mem>>
      %dma_start3A_236 = arith.constant 0 : i32
      %dma_start3A_237 = tpu.memref_slice %arg11[%run_scoped3A_205, %dma_start3A_236] : memref<80x128xi32, #tpu.memory_space<vmem>> -> memref<1x128xi32, #tpu.memory_space<vmem>>
      %dma_start3A_238 = tpu.memref_squeeze %dma_start3A_237 : memref<1x128xi32, #tpu.memory_space<vmem>> -> memref<128xi32, #tpu.memory_space<vmem>>
      %dma_start3A_239 = arith.constant 0 : i32
      %dma_start3A_240 = arith.constant 0 : i32
      %dma_start3A_241 = tpu.memref_slice %arg16[%dma_start3A_239, %dma_start3A_240] : memref<10240x64xf32, #tpu.memory_space<vmem_shared>> -> memref<10240x64xf32, #tpu.memory_space<vmem_shared>>
      tpu.enqueue_indirect_dma source(%arg12 : memref<128x64xf32, #tpu.memory_space<vmem>>) target(%dma_start3A_241 : memref<10240x64xf32, #tpu.memory_space<vmem_shared>>) offsets(%dma_start3A_238 : memref<128xi32, #tpu.memory_space<vmem>>) semaphore(%run_scoped3A_235 : memref<!tpu.dma_semaphore, #tpu.memory_space<semaphore_mem>>) {add = true}
      %dma_wait3A_242 = arith.constant 0 : i32
      %dma_wait3A_243 = tpu.memref_slice %arg11[%run_scoped3A_205, %dma_wait3A_242] : memref<80x128xi32, #tpu.memory_space<vmem>> -> memref<1x128xi32, #tpu.memory_space<vmem>>
      %dma_wait3A_244 = tpu.memref_squeeze %dma_wait3A_243 : memref<1x128xi32, #tpu.memory_space<vmem>> -> memref<128xi32, #tpu.memory_space<vmem>>
      %dma_wait3A_245 = arith.constant 0 : i32
      %dma_wait3A_246 = arith.constant 0 : i32
      %dma_wait3A_247 = tpu.memref_slice %arg16[%dma_wait3A_245, %dma_wait3A_246] : memref<10240x64xf32, #tpu.memory_space<vmem_shared>> -> memref<10240x64xf32, #tpu.memory_space<vmem_shared>>
      tpu.wait_indirect_dma semaphore(%run_scoped3A_235 : memref<!tpu.dma_semaphore, #tpu.memory_space<semaphore_mem>>) src(%arg12 : memref<128x64xf32, #tpu.memory_space<vmem>>) dst(%dma_wait3A_247 : memref<10240x64xf32, #tpu.memory_space<vmem_shared>>)
      tpu.yield
    }) : () -> ()
    %dma_wait3A_206 = arith.constant 79 : i32
    %dma_wait3A_207 = arith.constant 0 : i32
    %dma_wait3A_208 = tpu.memref_slice %arg10[%dma_wait3A_206, %dma_wait3A_207] : memref<80x128xi32, #tpu.memory_space<vmem>> -> memref<1x128xi32, #tpu.memory_space<vmem>>
    %dma_wait3A_209 = tpu.memref_squeeze %dma_wait3A_208 : memref<1x128xi32, #tpu.memory_space<vmem>> -> memref<128xi32, #tpu.memory_space<vmem>>
    %dma_wait3A_210 = arith.constant 0 : i32
    %dma_wait3A_211 = arith.constant 0 : i32
    %dma_wait3A_212 = tpu.memref_slice %arg15[%dma_wait3A_210, %dma_wait3A_211] : memref<10000x64xf32, #tpu.memory_space<vmem_shared>> -> memref<10000x64xf32, #tpu.memory_space<vmem_shared>>
    tpu.wait_indirect_dma semaphore(%arg18 : memref<!tpu.dma_semaphore, #tpu.memory_space<semaphore_mem>>) src(%dma_wait3A_212 : memref<10000x64xf32, #tpu.memory_space<vmem_shared>>) dst(%arg13 : memref<128x64xf32, #tpu.memory_space<vmem>>)
    %run_scoped3A_213 = arith.constant 79 : i32
    "tpu.region"() ({
      %run_scoped3A_235 = tpu.sem_alloc : memref<!tpu.dma_semaphore, #tpu.memory_space<semaphore_mem>>
      %dma_start3A_236 = arith.constant 0 : i32
      %dma_start3A_237 = tpu.memref_slice %arg11[%run_scoped3A_213, %dma_start3A_236] : memref<80x128xi32, #tpu.memory_space<vmem>> -> memref<1x128xi32, #tpu.memory_space<vmem>>
      %dma_start3A_238 = tpu.memref_squeeze %dma_start3A_237 : memref<1x128xi32, #tpu.memory_space<vmem>> -> memref<128xi32, #tpu.memory_space<vmem>>
      %dma_start3A_239 = arith.constant 0 : i32
      %dma_start3A_240 = arith.constant 0 : i32
      %dma_start3A_241 = tpu.memref_slice %arg16[%dma_start3A_239, %dma_start3A_240] : memref<10240x64xf32, #tpu.memory_space<vmem_shared>> -> memref<10240x64xf32, #tpu.memory_space<vmem_shared>>
      tpu.enqueue_indirect_dma source(%arg13 : memref<128x64xf32, #tpu.memory_space<vmem>>) target(%dma_start3A_241 : memref<10240x64xf32, #tpu.memory_space<vmem_shared>>) offsets(%dma_start3A_238 : memref<128xi32, #tpu.memory_space<vmem>>) semaphore(%run_scoped3A_235 : memref<!tpu.dma_semaphore, #tpu.memory_space<semaphore_mem>>) {add = true}
      %dma_wait3A_242 = arith.constant 0 : i32
      %dma_wait3A_243 = tpu.memref_slice %arg11[%run_scoped3A_213, %dma_wait3A_242] : memref<80x128xi32, #tpu.memory_space<vmem>> -> memref<1x128xi32, #tpu.memory_space<vmem>>
      %dma_wait3A_244 = tpu.memref_squeeze %dma_wait3A_243 : memref<1x128xi32, #tpu.memory_space<vmem>> -> memref<128xi32, #tpu.memory_space<vmem>>
      %dma_wait3A_245 = arith.constant 0 : i32
      %dma_wait3A_246 = arith.constant 0 : i32
      %dma_wait3A_247 = tpu.memref_slice %arg16[%dma_wait3A_245, %dma_wait3A_246] : memref<10240x64xf32, #tpu.memory_space<vmem_shared>> -> memref<10240x64xf32, #tpu.memory_space<vmem_shared>>
      tpu.wait_indirect_dma semaphore(%run_scoped3A_235 : memref<!tpu.dma_semaphore, #tpu.memory_space<semaphore_mem>>) src(%arg13 : memref<128x64xf32, #tpu.memory_space<vmem>>) dst(%dma_wait3A_247 : memref<10240x64xf32, #tpu.memory_space<vmem_shared>>)
      tpu.yield
    }) : () -> ()
    %barrier3A_214 = arith.constant 0 : index
    tpu.barrier barrier_id(%barrier3A_214)
    %mul3A_215 = arith.constant 640 : i32
    %mul3A_216 = arith.muli %arg1, %mul3A_215 : i32
    %add3A_217 = arith.constant 0 : i32
    %add3A_218 = arith.addi %mul3A_216, %add3A_217 : i32
    "tpu.region"() ({
      %run_scoped3A_235 = tpu.sem_alloc : memref<!tpu.dma_semaphore, #tpu.memory_space<semaphore_mem>>
      %dma_start3A_236 = arith.constant 0 : i32
      %dma_start3A_237 = tpu.memref_slice %arg16[%add3A_218, %dma_start3A_236] : memref<10240x64xf32, #tpu.memory_space<vmem_shared>> -> memref<128x64xf32, #tpu.memory_space<vmem_shared>>
      %dma_start3A_238 = arith.constant 0 : i32
      %dma_start3A_239 = tpu.memref_slice %arg16[%add3A_218, %dma_start3A_238] : memref<10240x64xf32, #tpu.memory_space<vmem_shared>> -> memref<128x64xf32, #tpu.memory_space<vmem_shared>>
      tpu.enqueue_dma source(%dma_start3A_239 : memref<128x64xf32, #tpu.memory_space<vmem_shared>>) target(%arg14 : memref<128x64xf32, #tpu.memory_space<vmem>>) target_semaphore(%run_scoped3A_235 : memref<!tpu.dma_semaphore, #tpu.memory_space<semaphore_mem>>)
      %dma_wait3A_240 = arith.constant 0 : i32
      %dma_wait3A_241 = tpu.memref_slice %arg16[%add3A_218, %dma_wait3A_240] : memref<10240x64xf32, #tpu.memory_space<vmem_shared>> -> memref<128x64xf32, #tpu.memory_space<vmem_shared>>
      %dma_wait3A_242 = arith.constant 0 : i32
      %dma_wait3A_243 = tpu.memref_slice %arg16[%add3A_218, %dma_wait3A_242] : memref<10240x64xf32, #tpu.memory_space<vmem_shared>> -> memref<128x64xf32, #tpu.memory_space<vmem_shared>>
      tpu.wait_dma2 semaphore(%run_scoped3A_235 : memref<!tpu.dma_semaphore, #tpu.memory_space<semaphore_mem>>) src(%dma_wait3A_243 : memref<128x64xf32, #tpu.memory_space<vmem_shared>>) dst(%arg14 : memref<128x64xf32, #tpu.memory_space<vmem>>)
      tpu.yield
    }) : () -> ()
    "tpu.region"() ({
      %run_scoped3A_235 = tpu.sem_alloc : memref<!tpu.dma_semaphore, #tpu.memory_space<semaphore_mem>>
      %dma_start3A_236 = arith.constant 0 : i32
      %dma_start3A_237 = arith.constant 0 : i32
      %dma_start3A_238 = tpu.memref_slice %arg9[%arg0, %dma_start3A_236, %dma_start3A_237] : memref<2x10240x64xf32, #tpu.memory_space<hbm>> -> memref<1x10240x64xf32, #tpu.memory_space<hbm>>
      %dma_start3A_239 = tpu.memref_squeeze %dma_start3A_238 : memref<1x10240x64xf32, #tpu.memory_space<hbm>> -> memref<10240x64xf32, #tpu.memory_space<hbm>>
      %dma_start3A_240 = arith.constant 0 : i32
      %dma_start3A_241 = tpu.memref_slice %dma_start3A_239[%add3A_218, %dma_start3A_240] : memref<10240x64xf32, #tpu.memory_space<hbm>> -> memref<128x64xf32, #tpu.memory_space<hbm>>
      %dma_start3A_242 = arith.constant 0 : i32
      %dma_start3A_243 = arith.constant 0 : i32
      %dma_start3A_244 = tpu.memref_slice %arg9[%arg0, %dma_start3A_242, %dma_start3A_243] : memref<2x10240x64xf32, #tpu.memory_space<hbm>> -> memref<1x10240x64xf32, #tpu.memory_space<hbm>>
      %dma_start3A_245 = tpu.memref_squeeze %dma_start3A_244 : memref<1x10240x64xf32, #tpu.memory_space<hbm>> -> memref<10240x64xf32, #tpu.memory_space<hbm>>
      %dma_start3A_246 = arith.constant 0 : i32
      %dma_start3A_247 = tpu.memref_slice %dma_start3A_245[%add3A_218, %dma_start3A_246] : memref<10240x64xf32, #tpu.memory_space<hbm>> -> memref<128x64xf32, #tpu.memory_space<hbm>>
      tpu.enqueue_dma source(%arg14 : memref<128x64xf32, #tpu.memory_space<vmem>>) target(%dma_start3A_247 : memref<128x64xf32, #tpu.memory_space<hbm>>) target_semaphore(%run_scoped3A_235 : memref<!tpu.dma_semaphore, #tpu.memory_space<semaphore_mem>>)
      %dma_wait3A_248 = arith.constant 0 : i32
      %dma_wait3A_249 = arith.constant 0 : i32
      %dma_wait3A_250 = tpu.memref_slice %arg9[%arg0, %dma_wait3A_248, %dma_wait3A_249] : memref<2x10240x64xf32, #tpu.memory_space<hbm>> -> memref<1x10240x64xf32, #tpu.memory_space<hbm>>
      %dma_wait3A_251 = tpu.memref_squeeze %dma_wait3A_250 : memref<1x10240x64xf32, #tpu.memory_space<hbm>> -> memref<10240x64xf32, #tpu.memory_space<hbm>>
      %dma_wait3A_252 = arith.constant 0 : i32
      %dma_wait3A_253 = tpu.memref_slice %dma_wait3A_251[%add3A_218, %dma_wait3A_252] : memref<10240x64xf32, #tpu.memory_space<hbm>> -> memref<128x64xf32, #tpu.memory_space<hbm>>
      %dma_wait3A_254 = arith.constant 0 : i32
      %dma_wait3A_255 = arith.constant 0 : i32
      %dma_wait3A_256 = tpu.memref_slice %arg9[%arg0, %dma_wait3A_254, %dma_wait3A_255] : memref<2x10240x64xf32, #tpu.memory_space<hbm>> -> memref<1x10240x64xf32, #tpu.memory_space<hbm>>
      %dma_wait3A_257 = tpu.memref_squeeze %dma_wait3A_256 : memref<1x10240x64xf32, #tpu.memory_space<hbm>> -> memref<10240x64xf32, #tpu.memory_space<hbm>>
      %dma_wait3A_258 = arith.constant 0 : i32
      %dma_wait3A_259 = tpu.memref_slice %dma_wait3A_257[%add3A_218, %dma_wait3A_258] : memref<10240x64xf32, #tpu.memory_space<hbm>> -> memref<128x64xf32, #tpu.memory_space<hbm>>
      tpu.wait_dma2 semaphore(%run_scoped3A_235 : memref<!tpu.dma_semaphore, #tpu.memory_space<semaphore_mem>>) src(%arg14 : memref<128x64xf32, #tpu.memory_space<vmem>>) dst(%dma_wait3A_259 : memref<128x64xf32, #tpu.memory_space<hbm>>)
      tpu.yield
    }) : () -> ()
    %mul3A_219 = arith.constant 640 : i32
    %mul3A_220 = arith.muli %arg1, %mul3A_219 : i32
    %add3A_221 = arith.constant 128 : i32
    %add3A_222 = arith.addi %mul3A_220, %add3A_221 : i32
    "tpu.region"() ({
      %run_scoped3A_235 = tpu.sem_alloc : memref<!tpu.dma_semaphore, #tpu.memory_space<semaphore_mem>>
      %dma_start3A_236 = arith.constant 0 : i32
      %dma_start3A_237 = tpu.memref_slice %arg16[%add3A_222, %dma_start3A_236] : memref<10240x64xf32, #tpu.memory_space<vmem_shared>> -> memref<128x64xf32, #tpu.memory_space<vmem_shared>>
      %dma_start3A_238 = arith.constant 0 : i32
      %dma_start3A_239 = tpu.memref_slice %arg16[%add3A_222, %dma_start3A_238] : memref<10240x64xf32, #tpu.memory_space<vmem_shared>> -> memref<128x64xf32, #tpu.memory_space<vmem_shared>>
      tpu.enqueue_dma source(%dma_start3A_239 : memref<128x64xf32, #tpu.memory_space<vmem_shared>>) target(%arg14 : memref<128x64xf32, #tpu.memory_space<vmem>>) target_semaphore(%run_scoped3A_235 : memref<!tpu.dma_semaphore, #tpu.memory_space<semaphore_mem>>)
      %dma_wait3A_240 = arith.constant 0 : i32
      %dma_wait3A_241 = tpu.memref_slice %arg16[%add3A_222, %dma_wait3A_240] : memref<10240x64xf32, #tpu.memory_space<vmem_shared>> -> memref<128x64xf32, #tpu.memory_space<vmem_shared>>
      %dma_wait3A_242 = arith.constant 0 : i32
      %dma_wait3A_243 = tpu.memref_slice %arg16[%add3A_222, %dma_wait3A_242] : memref<10240x64xf32, #tpu.memory_space<vmem_shared>> -> memref<128x64xf32, #tpu.memory_space<vmem_shared>>
      tpu.wait_dma2 semaphore(%run_scoped3A_235 : memref<!tpu.dma_semaphore, #tpu.memory_space<semaphore_mem>>) src(%dma_wait3A_243 : memref<128x64xf32, #tpu.memory_space<vmem_shared>>) dst(%arg14 : memref<128x64xf32, #tpu.memory_space<vmem>>)
      tpu.yield
    }) : () -> ()
    "tpu.region"() ({
      %run_scoped3A_235 = tpu.sem_alloc : memref<!tpu.dma_semaphore, #tpu.memory_space<semaphore_mem>>
      %dma_start3A_236 = arith.constant 0 : i32
      %dma_start3A_237 = arith.constant 0 : i32
      %dma_start3A_238 = tpu.memref_slice %arg9[%arg0, %dma_start3A_236, %dma_start3A_237] : memref<2x10240x64xf32, #tpu.memory_space<hbm>> -> memref<1x10240x64xf32, #tpu.memory_space<hbm>>
      %dma_start3A_239 = tpu.memref_squeeze %dma_start3A_238 : memref<1x10240x64xf32, #tpu.memory_space<hbm>> -> memref<10240x64xf32, #tpu.memory_space<hbm>>
      %dma_start3A_240 = arith.constant 0 : i32
      %dma_start3A_241 = tpu.memref_slice %dma_start3A_239[%add3A_222, %dma_start3A_240] : memref<10240x64xf32, #tpu.memory_space<hbm>> -> memref<128x64xf32, #tpu.memory_space<hbm>>
      %dma_start3A_242 = arith.constant 0 : i32
      %dma_start3A_243 = arith.constant 0 : i32
      %dma_start3A_244 = tpu.memref_slice %arg9[%arg0, %dma_start3A_242, %dma_start3A_243] : memref<2x10240x64xf32, #tpu.memory_space<hbm>> -> memref<1x10240x64xf32, #tpu.memory_space<hbm>>
      %dma_start3A_245 = tpu.memref_squeeze %dma_start3A_244 : memref<1x10240x64xf32, #tpu.memory_space<hbm>> -> memref<10240x64xf32, #tpu.memory_space<hbm>>
      %dma_start3A_246 = arith.constant 0 : i32
      %dma_start3A_247 = tpu.memref_slice %dma_start3A_245[%add3A_222, %dma_start3A_246] : memref<10240x64xf32, #tpu.memory_space<hbm>> -> memref<128x64xf32, #tpu.memory_space<hbm>>
      tpu.enqueue_dma source(%arg14 : memref<128x64xf32, #tpu.memory_space<vmem>>) target(%dma_start3A_247 : memref<128x64xf32, #tpu.memory_space<hbm>>) target_semaphore(%run_scoped3A_235 : memref<!tpu.dma_semaphore, #tpu.memory_space<semaphore_mem>>)
      %dma_wait3A_248 = arith.constant 0 : i32
      %dma_wait3A_249 = arith.constant 0 : i32
      %dma_wait3A_250 = tpu.memref_slice %arg9[%arg0, %dma_wait3A_248, %dma_wait3A_249] : memref<2x10240x64xf32, #tpu.memory_space<hbm>> -> memref<1x10240x64xf32, #tpu.memory_space<hbm>>
      %dma_wait3A_251 = tpu.memref_squeeze %dma_wait3A_250 : memref<1x10240x64xf32, #tpu.memory_space<hbm>> -> memref<10240x64xf32, #tpu.memory_space<hbm>>
      %dma_wait3A_252 = arith.constant 0 : i32
      %dma_wait3A_253 = tpu.memref_slice %dma_wait3A_251[%add3A_222, %dma_wait3A_252] : memref<10240x64xf32, #tpu.memory_space<hbm>> -> memref<128x64xf32, #tpu.memory_space<hbm>>
      %dma_wait3A_254 = arith.constant 0 : i32
      %dma_wait3A_255 = arith.constant 0 : i32
      %dma_wait3A_256 = tpu.memref_slice %arg9[%arg0, %dma_wait3A_254, %dma_wait3A_255] : memref<2x10240x64xf32, #tpu.memory_space<hbm>> -> memref<1x10240x64xf32, #tpu.memory_space<hbm>>
      %dma_wait3A_257 = tpu.memref_squeeze %dma_wait3A_256 : memref<1x10240x64xf32, #tpu.memory_space<hbm>> -> memref<10240x64xf32, #tpu.memory_space<hbm>>
      %dma_wait3A_258 = arith.constant 0 : i32
      %dma_wait3A_259 = tpu.memref_slice %dma_wait3A_257[%add3A_222, %dma_wait3A_258] : memref<10240x64xf32, #tpu.memory_space<hbm>> -> memref<128x64xf32, #tpu.memory_space<hbm>>
      tpu.wait_dma2 semaphore(%run_scoped3A_235 : memref<!tpu.dma_semaphore, #tpu.memory_space<semaphore_mem>>) src(%arg14 : memref<128x64xf32, #tpu.memory_space<vmem>>) dst(%dma_wait3A_259 : memref<128x64xf32, #tpu.memory_space<hbm>>)
      tpu.yield
    }) : () -> ()
    %mul3A_223 = arith.constant 640 : i32
    %mul3A_224 = arith.muli %arg1, %mul3A_223 : i32
    %add3A_225 = arith.constant 256 : i32
    %add3A_226 = arith.addi %mul3A_224, %add3A_225 : i32
    "tpu.region"() ({
      %run_scoped3A_235 = tpu.sem_alloc : memref<!tpu.dma_semaphore, #tpu.memory_space<semaphore_mem>>
      %dma_start3A_236 = arith.constant 0 : i32
      %dma_start3A_237 = tpu.memref_slice %arg16[%add3A_226, %dma_start3A_236] : memref<10240x64xf32, #tpu.memory_space<vmem_shared>> -> memref<128x64xf32, #tpu.memory_space<vmem_shared>>
      %dma_start3A_238 = arith.constant 0 : i32
      %dma_start3A_239 = tpu.memref_slice %arg16[%add3A_226, %dma_start3A_238] : memref<10240x64xf32, #tpu.memory_space<vmem_shared>> -> memref<128x64xf32, #tpu.memory_space<vmem_shared>>
      tpu.enqueue_dma source(%dma_start3A_239 : memref<128x64xf32, #tpu.memory_space<vmem_shared>>) target(%arg14 : memref<128x64xf32, #tpu.memory_space<vmem>>) target_semaphore(%run_scoped3A_235 : memref<!tpu.dma_semaphore, #tpu.memory_space<semaphore_mem>>)
      %dma_wait3A_240 = arith.constant 0 : i32
      %dma_wait3A_241 = tpu.memref_slice %arg16[%add3A_226, %dma_wait3A_240] : memref<10240x64xf32, #tpu.memory_space<vmem_shared>> -> memref<128x64xf32, #tpu.memory_space<vmem_shared>>
      %dma_wait3A_242 = arith.constant 0 : i32
      %dma_wait3A_243 = tpu.memref_slice %arg16[%add3A_226, %dma_wait3A_242] : memref<10240x64xf32, #tpu.memory_space<vmem_shared>> -> memref<128x64xf32, #tpu.memory_space<vmem_shared>>
      tpu.wait_dma2 semaphore(%run_scoped3A_235 : memref<!tpu.dma_semaphore, #tpu.memory_space<semaphore_mem>>) src(%dma_wait3A_243 : memref<128x64xf32, #tpu.memory_space<vmem_shared>>) dst(%arg14 : memref<128x64xf32, #tpu.memory_space<vmem>>)
      tpu.yield
    }) : () -> ()
    "tpu.region"() ({
      %run_scoped3A_235 = tpu.sem_alloc : memref<!tpu.dma_semaphore, #tpu.memory_space<semaphore_mem>>
      %dma_start3A_236 = arith.constant 0 : i32
      %dma_start3A_237 = arith.constant 0 : i32
      %dma_start3A_238 = tpu.memref_slice %arg9[%arg0, %dma_start3A_236, %dma_start3A_237] : memref<2x10240x64xf32, #tpu.memory_space<hbm>> -> memref<1x10240x64xf32, #tpu.memory_space<hbm>>
      %dma_start3A_239 = tpu.memref_squeeze %dma_start3A_238 : memref<1x10240x64xf32, #tpu.memory_space<hbm>> -> memref<10240x64xf32, #tpu.memory_space<hbm>>
      %dma_start3A_240 = arith.constant 0 : i32
      %dma_start3A_241 = tpu.memref_slice %dma_start3A_239[%add3A_226, %dma_start3A_240] : memref<10240x64xf32, #tpu.memory_space<hbm>> -> memref<128x64xf32, #tpu.memory_space<hbm>>
      %dma_start3A_242 = arith.constant 0 : i32
      %dma_start3A_243 = arith.constant 0 : i32
      %dma_start3A_244 = tpu.memref_slice %arg9[%arg0, %dma_start3A_242, %dma_start3A_243] : memref<2x10240x64xf32, #tpu.memory_space<hbm>> -> memref<1x10240x64xf32, #tpu.memory_space<hbm>>
      %dma_start3A_245 = tpu.memref_squeeze %dma_start3A_244 : memref<1x10240x64xf32, #tpu.memory_space<hbm>> -> memref<10240x64xf32, #tpu.memory_space<hbm>>
      %dma_start3A_246 = arith.constant 0 : i32
      %dma_start3A_247 = tpu.memref_slice %dma_start3A_245[%add3A_226, %dma_start3A_246] : memref<10240x64xf32, #tpu.memory_space<hbm>> -> memref<128x64xf32, #tpu.memory_space<hbm>>
      tpu.enqueue_dma source(%arg14 : memref<128x64xf32, #tpu.memory_space<vmem>>) target(%dma_start3A_247 : memref<128x64xf32, #tpu.memory_space<hbm>>) target_semaphore(%run_scoped3A_235 : memref<!tpu.dma_semaphore, #tpu.memory_space<semaphore_mem>>)
      %dma_wait3A_248 = arith.constant 0 : i32
      %dma_wait3A_249 = arith.constant 0 : i32
      %dma_wait3A_250 = tpu.memref_slice %arg9[%arg0, %dma_wait3A_248, %dma_wait3A_249] : memref<2x10240x64xf32, #tpu.memory_space<hbm>> -> memref<1x10240x64xf32, #tpu.memory_space<hbm>>
      %dma_wait3A_251 = tpu.memref_squeeze %dma_wait3A_250 : memref<1x10240x64xf32, #tpu.memory_space<hbm>> -> memref<10240x64xf32, #tpu.memory_space<hbm>>
      %dma_wait3A_252 = arith.constant 0 : i32
      %dma_wait3A_253 = tpu.memref_slice %dma_wait3A_251[%add3A_226, %dma_wait3A_252] : memref<10240x64xf32, #tpu.memory_space<hbm>> -> memref<128x64xf32, #tpu.memory_space<hbm>>
      %dma_wait3A_254 = arith.constant 0 : i32
      %dma_wait3A_255 = arith.constant 0 : i32
      %dma_wait3A_256 = tpu.memref_slice %arg9[%arg0, %dma_wait3A_254, %dma_wait3A_255] : memref<2x10240x64xf32, #tpu.memory_space<hbm>> -> memref<1x10240x64xf32, #tpu.memory_space<hbm>>
      %dma_wait3A_257 = tpu.memref_squeeze %dma_wait3A_256 : memref<1x10240x64xf32, #tpu.memory_space<hbm>> -> memref<10240x64xf32, #tpu.memory_space<hbm>>
      %dma_wait3A_258 = arith.constant 0 : i32
      %dma_wait3A_259 = tpu.memref_slice %dma_wait3A_257[%add3A_226, %dma_wait3A_258] : memref<10240x64xf32, #tpu.memory_space<hbm>> -> memref<128x64xf32, #tpu.memory_space<hbm>>
      tpu.wait_dma2 semaphore(%run_scoped3A_235 : memref<!tpu.dma_semaphore, #tpu.memory_space<semaphore_mem>>) src(%arg14 : memref<128x64xf32, #tpu.memory_space<vmem>>) dst(%dma_wait3A_259 : memref<128x64xf32, #tpu.memory_space<hbm>>)
      tpu.yield
    }) : () -> ()
    %mul3A_227 = arith.constant 640 : i32
    %mul3A_228 = arith.muli %arg1, %mul3A_227 : i32
    %add3A_229 = arith.constant 384 : i32
    %add3A_230 = arith.addi %mul3A_228, %add3A_229 : i32
    "tpu.region"() ({
      %run_scoped3A_235 = tpu.sem_alloc : memref<!tpu.dma_semaphore, #tpu.memory_space<semaphore_mem>>
      %dma_start3A_236 = arith.constant 0 : i32
      %dma_start3A_237 = tpu.memref_slice %arg16[%add3A_230, %dma_start3A_236] : memref<10240x64xf32, #tpu.memory_space<vmem_shared>> -> memref<128x64xf32, #tpu.memory_space<vmem_shared>>
      %dma_start3A_238 = arith.constant 0 : i32
      %dma_start3A_239 = tpu.memref_slice %arg16[%add3A_230, %dma_start3A_238] : memref<10240x64xf32, #tpu.memory_space<vmem_shared>> -> memref<128x64xf32, #tpu.memory_space<vmem_shared>>
      tpu.enqueue_dma source(%dma_start3A_239 : memref<128x64xf32, #tpu.memory_space<vmem_shared>>) target(%arg14 : memref<128x64xf32, #tpu.memory_space<vmem>>) target_semaphore(%run_scoped3A_235 : memref<!tpu.dma_semaphore, #tpu.memory_space<semaphore_mem>>)
      %dma_wait3A_240 = arith.constant 0 : i32
      %dma_wait3A_241 = tpu.memref_slice %arg16[%add3A_230, %dma_wait3A_240] : memref<10240x64xf32, #tpu.memory_space<vmem_shared>> -> memref<128x64xf32, #tpu.memory_space<vmem_shared>>
      %dma_wait3A_242 = arith.constant 0 : i32
      %dma_wait3A_243 = tpu.memref_slice %arg16[%add3A_230, %dma_wait3A_242] : memref<10240x64xf32, #tpu.memory_space<vmem_shared>> -> memref<128x64xf32, #tpu.memory_space<vmem_shared>>
      tpu.wait_dma2 semaphore(%run_scoped3A_235 : memref<!tpu.dma_semaphore, #tpu.memory_space<semaphore_mem>>) src(%dma_wait3A_243 : memref<128x64xf32, #tpu.memory_space<vmem_shared>>) dst(%arg14 : memref<128x64xf32, #tpu.memory_space<vmem>>)
      tpu.yield
    }) : () -> ()
    "tpu.region"() ({
      %run_scoped3A_235 = tpu.sem_alloc : memref<!tpu.dma_semaphore, #tpu.memory_space<semaphore_mem>>
      %dma_start3A_236 = arith.constant 0 : i32
      %dma_start3A_237 = arith.constant 0 : i32
      %dma_start3A_238 = tpu.memref_slice %arg9[%arg0, %dma_start3A_236, %dma_start3A_237] : memref<2x10240x64xf32, #tpu.memory_space<hbm>> -> memref<1x10240x64xf32, #tpu.memory_space<hbm>>
      %dma_start3A_239 = tpu.memref_squeeze %dma_start3A_238 : memref<1x10240x64xf32, #tpu.memory_space<hbm>> -> memref<10240x64xf32, #tpu.memory_space<hbm>>
      %dma_start3A_240 = arith.constant 0 : i32
      %dma_start3A_241 = tpu.memref_slice %dma_start3A_239[%add3A_230, %dma_start3A_240] : memref<10240x64xf32, #tpu.memory_space<hbm>> -> memref<128x64xf32, #tpu.memory_space<hbm>>
      %dma_start3A_242 = arith.constant 0 : i32
      %dma_start3A_243 = arith.constant 0 : i32
      %dma_start3A_244 = tpu.memref_slice %arg9[%arg0, %dma_start3A_242, %dma_start3A_243] : memref<2x10240x64xf32, #tpu.memory_space<hbm>> -> memref<1x10240x64xf32, #tpu.memory_space<hbm>>
      %dma_start3A_245 = tpu.memref_squeeze %dma_start3A_244 : memref<1x10240x64xf32, #tpu.memory_space<hbm>> -> memref<10240x64xf32, #tpu.memory_space<hbm>>
      %dma_start3A_246 = arith.constant 0 : i32
      %dma_start3A_247 = tpu.memref_slice %dma_start3A_245[%add3A_230, %dma_start3A_246] : memref<10240x64xf32, #tpu.memory_space<hbm>> -> memref<128x64xf32, #tpu.memory_space<hbm>>
      tpu.enqueue_dma source(%arg14 : memref<128x64xf32, #tpu.memory_space<vmem>>) target(%dma_start3A_247 : memref<128x64xf32, #tpu.memory_space<hbm>>) target_semaphore(%run_scoped3A_235 : memref<!tpu.dma_semaphore, #tpu.memory_space<semaphore_mem>>)
      %dma_wait3A_248 = arith.constant 0 : i32
      %dma_wait3A_249 = arith.constant 0 : i32
      %dma_wait3A_250 = tpu.memref_slice %arg9[%arg0, %dma_wait3A_248, %dma_wait3A_249] : memref<2x10240x64xf32, #tpu.memory_space<hbm>> -> memref<1x10240x64xf32, #tpu.memory_space<hbm>>
      %dma_wait3A_251 = tpu.memref_squeeze %dma_wait3A_250 : memref<1x10240x64xf32, #tpu.memory_space<hbm>> -> memref<10240x64xf32, #tpu.memory_space<hbm>>
      %dma_wait3A_252 = arith.constant 0 : i32
      %dma_wait3A_253 = tpu.memref_slice %dma_wait3A_251[%add3A_230, %dma_wait3A_252] : memref<10240x64xf32, #tpu.memory_space<hbm>> -> memref<128x64xf32, #tpu.memory_space<hbm>>
      %dma_wait3A_254 = arith.constant 0 : i32
      %dma_wait3A_255 = arith.constant 0 : i32
      %dma_wait3A_256 = tpu.memref_slice %arg9[%arg0, %dma_wait3A_254, %dma_wait3A_255] : memref<2x10240x64xf32, #tpu.memory_space<hbm>> -> memref<1x10240x64xf32, #tpu.memory_space<hbm>>
      %dma_wait3A_257 = tpu.memref_squeeze %dma_wait3A_256 : memref<1x10240x64xf32, #tpu.memory_space<hbm>> -> memref<10240x64xf32, #tpu.memory_space<hbm>>
      %dma_wait3A_258 = arith.constant 0 : i32
      %dma_wait3A_259 = tpu.memref_slice %dma_wait3A_257[%add3A_230, %dma_wait3A_258] : memref<10240x64xf32, #tpu.memory_space<hbm>> -> memref<128x64xf32, #tpu.memory_space<hbm>>
      tpu.wait_dma2 semaphore(%run_scoped3A_235 : memref<!tpu.dma_semaphore, #tpu.memory_space<semaphore_mem>>) src(%arg14 : memref<128x64xf32, #tpu.memory_space<vmem>>) dst(%dma_wait3A_259 : memref<128x64xf32, #tpu.memory_space<hbm>>)
      tpu.yield
    }) : () -> ()
    %mul3A_231 = arith.constant 640 : i32
    %mul3A_232 = arith.muli %arg1, %mul3A_231 : i32
    %add3A_233 = arith.constant 512 : i32
    %add3A_234 = arith.addi %mul3A_232, %add3A_233 : i32
    "tpu.region"() ({
      %run_scoped3A_235 = tpu.sem_alloc : memref<!tpu.dma_semaphore, #tpu.memory_space<semaphore_mem>>
      %dma_start3A_236 = arith.constant 0 : i32
      %dma_start3A_237 = tpu.memref_slice %arg16[%add3A_234, %dma_start3A_236] : memref<10240x64xf32, #tpu.memory_space<vmem_shared>> -> memref<128x64xf32, #tpu.memory_space<vmem_shared>>
      %dma_start3A_238 = arith.constant 0 : i32
      %dma_start3A_239 = tpu.memref_slice %arg16[%add3A_234, %dma_start3A_238] : memref<10240x64xf32, #tpu.memory_space<vmem_shared>> -> memref<128x64xf32, #tpu.memory_space<vmem_shared>>
      tpu.enqueue_dma source(%dma_start3A_239 : memref<128x64xf32, #tpu.memory_space<vmem_shared>>) target(%arg14 : memref<128x64xf32, #tpu.memory_space<vmem>>) target_semaphore(%run_scoped3A_235 : memref<!tpu.dma_semaphore, #tpu.memory_space<semaphore_mem>>)
      %dma_wait3A_240 = arith.constant 0 : i32
      %dma_wait3A_241 = tpu.memref_slice %arg16[%add3A_234, %dma_wait3A_240] : memref<10240x64xf32, #tpu.memory_space<vmem_shared>> -> memref<128x64xf32, #tpu.memory_space<vmem_shared>>
      %dma_wait3A_242 = arith.constant 0 : i32
      %dma_wait3A_243 = tpu.memref_slice %arg16[%add3A_234, %dma_wait3A_242] : memref<10240x64xf32, #tpu.memory_space<vmem_shared>> -> memref<128x64xf32, #tpu.memory_space<vmem_shared>>
      tpu.wait_dma2 semaphore(%run_scoped3A_235 : memref<!tpu.dma_semaphore, #tpu.memory_space<semaphore_mem>>) src(%dma_wait3A_243 : memref<128x64xf32, #tpu.memory_space<vmem_shared>>) dst(%arg14 : memref<128x64xf32, #tpu.memory_space<vmem>>)
      tpu.yield
    }) : () -> ()
    "tpu.region"() ({
      %run_scoped3A_235 = tpu.sem_alloc : memref<!tpu.dma_semaphore, #tpu.memory_space<semaphore_mem>>
      %dma_start3A_236 = arith.constant 0 : i32
      %dma_start3A_237 = arith.constant 0 : i32
      %dma_start3A_238 = tpu.memref_slice %arg9[%arg0, %dma_start3A_236, %dma_start3A_237] : memref<2x10240x64xf32, #tpu.memory_space<hbm>> -> memref<1x10240x64xf32, #tpu.memory_space<hbm>>
      %dma_start3A_239 = tpu.memref_squeeze %dma_start3A_238 : memref<1x10240x64xf32, #tpu.memory_space<hbm>> -> memref<10240x64xf32, #tpu.memory_space<hbm>>
      %dma_start3A_240 = arith.constant 0 : i32
      %dma_start3A_241 = tpu.memref_slice %dma_start3A_239[%add3A_234, %dma_start3A_240] : memref<10240x64xf32, #tpu.memory_space<hbm>> -> memref<128x64xf32, #tpu.memory_space<hbm>>
      %dma_start3A_242 = arith.constant 0 : i32
      %dma_start3A_243 = arith.constant 0 : i32
      %dma_start3A_244 = tpu.memref_slice %arg9[%arg0, %dma_start3A_242, %dma_start3A_243] : memref<2x10240x64xf32, #tpu.memory_space<hbm>> -> memref<1x10240x64xf32, #tpu.memory_space<hbm>>
      %dma_start3A_245 = tpu.memref_squeeze %dma_start3A_244 : memref<1x10240x64xf32, #tpu.memory_space<hbm>> -> memref<10240x64xf32, #tpu.memory_space<hbm>>
      %dma_start3A_246 = arith.constant 0 : i32
      %dma_start3A_247 = tpu.memref_slice %dma_start3A_245[%add3A_234, %dma_start3A_246] : memref<10240x64xf32, #tpu.memory_space<hbm>> -> memref<128x64xf32, #tpu.memory_space<hbm>>
      tpu.enqueue_dma source(%arg14 : memref<128x64xf32, #tpu.memory_space<vmem>>) target(%dma_start3A_247 : memref<128x64xf32, #tpu.memory_space<hbm>>) target_semaphore(%run_scoped3A_235 : memref<!tpu.dma_semaphore, #tpu.memory_space<semaphore_mem>>)
      %dma_wait3A_248 = arith.constant 0 : i32
      %dma_wait3A_249 = arith.constant 0 : i32
      %dma_wait3A_250 = tpu.memref_slice %arg9[%arg0, %dma_wait3A_248, %dma_wait3A_249] : memref<2x10240x64xf32, #tpu.memory_space<hbm>> -> memref<1x10240x64xf32, #tpu.memory_space<hbm>>
      %dma_wait3A_251 = tpu.memref_squeeze %dma_wait3A_250 : memref<1x10240x64xf32, #tpu.memory_space<hbm>> -> memref<10240x64xf32, #tpu.memory_space<hbm>>
      %dma_wait3A_252 = arith.constant 0 : i32
      %dma_wait3A_253 = tpu.memref_slice %dma_wait3A_251[%add3A_234, %dma_wait3A_252] : memref<10240x64xf32, #tpu.memory_space<hbm>> -> memref<128x64xf32, #tpu.memory_space<hbm>>
      %dma_wait3A_254 = arith.constant 0 : i32
      %dma_wait3A_255 = arith.constant 0 : i32
      %dma_wait3A_256 = tpu.memref_slice %arg9[%arg0, %dma_wait3A_254, %dma_wait3A_255] : memref<2x10240x64xf32, #tpu.memory_space<hbm>> -> memref<1x10240x64xf32, #tpu.memory_space<hbm>>
      %dma_wait3A_257 = tpu.memref_squeeze %dma_wait3A_256 : memref<1x10240x64xf32, #tpu.memory_space<hbm>> -> memref<10240x64xf32, #tpu.memory_space<hbm>>
      %dma_wait3A_258 = arith.constant 0 : i32
      %dma_wait3A_259 = tpu.memref_slice %dma_wait3A_257[%add3A_234, %dma_wait3A_258] : memref<10240x64xf32, #tpu.memory_space<hbm>> -> memref<128x64xf32, #tpu.memory_space<hbm>>
      tpu.wait_dma2 semaphore(%run_scoped3A_235 : memref<!tpu.dma_semaphore, #tpu.memory_space<semaphore_mem>>) src(%arg14 : memref<128x64xf32, #tpu.memory_space<vmem>>) dst(%dma_wait3A_259 : memref<128x64xf32, #tpu.memory_space<hbm>>)
      tpu.yield
    }) : () -> ()
    return
  }
}

module attributes {stable_mosaic.version = 14 : i64} {
  func.func @body(%arg0: memref<10000x128xf32, #tpu.memory_space<vmem>>, %arg1: memref<128x64xf32, #tpu.memory_space<vmem>>, %arg2: memref<128x64xf32, #tpu.memory_space<vmem>>, %arg3: memref<2x10240x32xf32, #tpu.memory_space<vmem>>, %arg4: memref<10000x64xf32, #tpu.memory_space<vmem>>, %arg5: memref<10000x64xf32, #tpu.memory_space<vmem>>, %arg6: memref<10240x2xf32, #tpu.memory_space<vmem>>) attributes {dimension_semantics = [], scalar_prefetch = 0 : i64, scratch_operands = 0 : i64, tpu.core_type = #tpu.core_type<tc>} {
    %get3A = arith.constant 0 : index
    %get3A_0 = arith.constant 0 : index
    %get3A_1 = arith.constant 0 : index
    %get3A_2 = vector.load %arg3[%get3A, %get3A_0, %get3A_1] : memref<2x10240x32xf32, #tpu.memory_space<vmem>>, vector<1x10240x32xf32>
    %get3A_3 = vector.shape_cast %get3A_2 : vector<1x10240x32xf32> to vector<10240x32xf32>
    %reduce_sum3A = arith.constant dense<0.000000e+00> : vector<10240xf32>
    %reduce_sum3A_4 = vector.multi_reduction <add>, %get3A_3, %reduce_sum3A [1] : vector<10240x32xf32> to vector<10240xf32>
    %reshape3A = vector.shape_cast %reduce_sum3A_4 : vector<10240xf32> to vector<10240x1xf32>
    %add3A = arith.constant 1.000000e+00 : f32
    %add3A_5 = vector.broadcast %add3A : f32 to vector<10240x1xf32>
    %add3A_6 = arith.addf %reshape3A, %add3A_5 : vector<10240x1xf32>
    %get3A_7 = arith.constant 1 : index
    %get3A_8 = arith.constant 0 : index
    %get3A_9 = arith.constant 0 : index
    %get3A_10 = vector.load %arg3[%get3A_7, %get3A_8, %get3A_9] : memref<2x10240x32xf32, #tpu.memory_space<vmem>>, vector<1x10240x32xf32>
    %get3A_11 = vector.shape_cast %get3A_10 : vector<1x10240x32xf32> to vector<10240x32xf32>
    %reduce_sum3A_12 = arith.constant dense<0.000000e+00> : vector<10240xf32>
    %reduce_sum3A_13 = vector.multi_reduction <add>, %get3A_11, %reduce_sum3A_12 [1] : vector<10240x32xf32> to vector<10240xf32>
    %reshape3A_14 = vector.shape_cast %reduce_sum3A_13 : vector<10240xf32> to vector<10240x1xf32>
    %add3A_15 = arith.constant 1.000000e+00 : f32
    %add3A_16 = vector.broadcast %add3A_15 : f32 to vector<10240x1xf32>
    %add3A_17 = arith.addf %reshape3A_14, %add3A_16 : vector<10240x1xf32>
    %concatenate3A = tpu.concatenate %add3A_6, %add3A_17 in 1 : vector<10240x1xf32>, vector<10240x1xf32> -> vector<10240x2xf32>
    %rsqrt3A = math.rsqrt %concatenate3A : vector<10240x2xf32>
    %swap3A = arith.constant 0 : index
    %swap3A_18 = arith.constant 0 : index
    %swap3A_19 = vector.load %arg6[%swap3A, %swap3A_18] : memref<10240x2xf32, #tpu.memory_space<vmem>>, vector<10240x2xf32>
    tpu.vector_store %arg6[%swap3A, %swap3A_18], %rsqrt3A {strides = array<i32>} : memref<10240x2xf32, #tpu.memory_space<vmem>>, vector<10240x2xf32>,
    %get3A_20 = arith.constant 0 : index
    %get3A_21 = arith.constant 0 : index
    %get3A_22 = vector.load %arg0[%get3A_20, %get3A_21] : memref<10000x128xf32, #tpu.memory_space<vmem>>, vector<10000x128xf32>
    %slice3A = vector.extract_strided_slice %rsqrt3A {offsets = [0, 0], sizes = [10000, 1], strides = [1, 1]} : vector<10240x2xf32> to vector<10000x1xf32>
    %get3A_23 = arith.constant 0 : index
    %get3A_24 = arith.constant 0 : index
    %get3A_25 = vector.load %arg1[%get3A_23, %get3A_24] : memref<128x64xf32, #tpu.memory_space<vmem>>, vector<128x64xf32>
    %dot_general3A = arith.constant dense<0.000000e+00> : vector<10000x64xf32>
    %dot_general3A_26 = tpu.matmul %get3A_22, %get3A_25, %dot_general3A {dimension_numbers = #tpu.dot_dimension_numbers<[1], [0], [0], [1], [0, 0, 1, 1], [], []>, transpose_lhs_hint = false} : vector<10000x128xf32>, vector<128x64xf32>, vector<10000x64xf32> -> vector<10000x64xf32>
    %mul3A = vector.broadcast %slice3A : vector<10000x1xf32> to vector<10000x64xf32>
    %mul3A_27 = arith.mulf %mul3A, %dot_general3A_26 : vector<10000x64xf32>
    %swap3A_28 = arith.constant 0 : index
    %swap3A_29 = arith.constant 0 : index
    %swap3A_30 = vector.load %arg4[%swap3A_28, %swap3A_29] : memref<10000x64xf32, #tpu.memory_space<vmem>>, vector<10000x64xf32>
    tpu.vector_store %arg4[%swap3A_28, %swap3A_29], %mul3A_27 {strides = array<i32>} : memref<10000x64xf32, #tpu.memory_space<vmem>>, vector<10000x64xf32>,
    %slice3A_31 = vector.extract_strided_slice %rsqrt3A {offsets = [0, 1], sizes = [10000, 1], strides = [1, 1]} : vector<10240x2xf32> to vector<10000x1xf32>
    %get3A_32 = arith.constant 0 : index
    %get3A_33 = arith.constant 0 : index
    %get3A_34 = vector.load %arg2[%get3A_32, %get3A_33] : memref<128x64xf32, #tpu.memory_space<vmem>>, vector<128x64xf32>
    %dot_general3A_35 = arith.constant dense<0.000000e+00> : vector<10000x64xf32>
    %dot_general3A_36 = tpu.matmul %get3A_22, %get3A_34, %dot_general3A_35 {dimension_numbers = #tpu.dot_dimension_numbers<[1], [0], [0], [1], [0, 0, 1, 1], [], []>, transpose_lhs_hint = false} : vector<10000x128xf32>, vector<128x64xf32>, vector<10000x64xf32> -> vector<10000x64xf32>
    %mul3A_37 = vector.broadcast %slice3A_31 : vector<10000x1xf32> to vector<10000x64xf32>
    %mul3A_38 = arith.mulf %mul3A_37, %dot_general3A_36 : vector<10000x64xf32>
    %swap3A_39 = arith.constant 0 : index
    %swap3A_40 = arith.constant 0 : index
    %swap3A_41 = vector.load %arg5[%swap3A_39, %swap3A_40] : memref<10000x64xf32, #tpu.memory_space<vmem>>, vector<10000x64xf32>
    tpu.vector_store %arg5[%swap3A_39, %swap3A_40], %mul3A_38 {strides = array<i32>} : memref<10000x64xf32, #tpu.memory_space<vmem>>, vector<10000x64xf32>,
    return
  }
}

module attributes {stable_mosaic.version = 14 : i64} {
  func.func @body(%arg0: i32, %arg1: memref<2x1000x64xf32, #tpu.memory_space<vmem>>, %arg2: memref<2x1000x64xf32, #tpu.memory_space<vmem>>, %arg3: memref<1000x64xf32, #tpu.memory_space<vmem>>, %arg4: memref<1000x64xf32, #tpu.memory_space<vmem>>, %arg5: memref<1000x2xf32, #tpu.memory_space<vmem>>, %arg6: memref<1x64xf32, #tpu.memory_space<vmem>>, %arg7: memref<1x64xf32, #tpu.memory_space<vmem>>, %arg8: memref<1x64xf32, #tpu.memory_space<vmem>>, %arg9: memref<1x64xf32, #tpu.memory_space<vmem>>, %arg10: memref<1x1xf32, #tpu.memory_space<vmem>>, %arg11: memref<64x64xf32, #tpu.memory_space<vmem>>, %arg12: memref<64x64xf32, #tpu.memory_space<vmem>>, %arg13: memref<1000x64xf32, #tpu.memory_space<vmem>>, %arg14: memref<1000x64xf32, #tpu.memory_space<vmem>>) attributes {dimension_semantics = [#tpu.dimension_semantics<arbitrary>], iteration_bounds = array<i64: 10>, scalar_prefetch = 0 : i64, scratch_operands = 0 : i64, tpu.core_type = #tpu.core_type<tc>, window_params = [{transform_indices = @transform_0, window_bounds = array<i64: 2, 1000, 64>}, {transform_indices = @transform_1, window_bounds = array<i64: 2, 1000, 64>}, {transform_indices = @transform_2, window_bounds = array<i64: 1000, 64>}, {transform_indices = @transform_3, window_bounds = array<i64: 1000, 64>}, {transform_indices = @transform_4, window_bounds = array<i64: 1000, 2>}, {pipeline_mode = #tpu.pipeline_mode<synchronous>, transform_indices = @transform_5, window_bounds = array<i64: 1, 64>}, {pipeline_mode = #tpu.pipeline_mode<synchronous>, transform_indices = @transform_6, window_bounds = array<i64: 1, 64>}, {pipeline_mode = #tpu.pipeline_mode<synchronous>, transform_indices = @transform_7, window_bounds = array<i64: 1, 64>}, {pipeline_mode = #tpu.pipeline_mode<synchronous>, transform_indices = @transform_8, window_bounds = array<i64: 1, 64>}, {pipeline_mode = #tpu.pipeline_mode<synchronous>, transform_indices = @transform_9, window_bounds = array<i64: 1, 1>}, {pipeline_mode = #tpu.pipeline_mode<synchronous>, transform_indices = @transform_10, window_bounds = array<i64: 64, 64>}, {pipeline_mode = #tpu.pipeline_mode<synchronous>, transform_indices = @transform_11, window_bounds = array<i64: 64, 64>}, {transform_indices = @transform_12, window_bounds = array<i64: 1000, 64>}, {transform_indices = @transform_13, window_bounds = array<i64: 1000, 64>}]} {
    %get3A = arith.constant 0 : index
    %get3A_0 = arith.constant 0 : index
    %get3A_1 = vector.load %arg5[%get3A, %get3A_0] : memref<1000x2xf32, #tpu.memory_space<vmem>>, vector<1000x2xf32>
    %slice3A = vector.extract_strided_slice %get3A_1 {offsets = [0, 0], sizes = [1000, 1], strides = [1, 1]} : vector<1000x2xf32> to vector<1000x1xf32>
    %slice3A_2 = vector.extract_strided_slice %get3A_1 {offsets = [0, 1], sizes = [1000, 1], strides = [1, 1]} : vector<1000x2xf32> to vector<1000x1xf32>
    %get3A_3 = arith.constant 0 : index
    %get3A_4 = arith.constant 0 : index
    %get3A_5 = arith.constant 0 : index
    %get3A_6 = vector.load %arg1[%get3A_3, %get3A_4, %get3A_5] : memref<2x1000x64xf32, #tpu.memory_space<vmem>>, vector<1x1000x64xf32>
    %get3A_7 = vector.shape_cast %get3A_6 : vector<1x1000x64xf32> to vector<1000x64xf32>
    %get3A_8 = arith.constant 1 : index
    %get3A_9 = arith.constant 0 : index
    %get3A_10 = arith.constant 0 : index
    %get3A_11 = vector.load %arg1[%get3A_8, %get3A_9, %get3A_10] : memref<2x1000x64xf32, #tpu.memory_space<vmem>>, vector<1x1000x64xf32>
    %get3A_12 = vector.shape_cast %get3A_11 : vector<1x1000x64xf32> to vector<1000x64xf32>
    %add3A = arith.addf %get3A_7, %get3A_12 : vector<1000x64xf32>
    %get3A_13 = arith.constant 0 : index
    %get3A_14 = arith.constant 0 : index
    %get3A_15 = arith.constant 0 : index
    %get3A_16 = vector.load %arg2[%get3A_13, %get3A_14, %get3A_15] : memref<2x1000x64xf32, #tpu.memory_space<vmem>>, vector<1x1000x64xf32>
    %get3A_17 = vector.shape_cast %get3A_16 : vector<1x1000x64xf32> to vector<1000x64xf32>
    %get3A_18 = arith.constant 1 : index
    %get3A_19 = arith.constant 0 : index
    %get3A_20 = arith.constant 0 : index
    %get3A_21 = vector.load %arg2[%get3A_18, %get3A_19, %get3A_20] : memref<2x1000x64xf32, #tpu.memory_space<vmem>>, vector<1x1000x64xf32>
    %get3A_22 = vector.shape_cast %get3A_21 : vector<1x1000x64xf32> to vector<1000x64xf32>
    %add3A_23 = arith.addf %get3A_17, %get3A_22 : vector<1000x64xf32>
    %get3A_24 = arith.constant 0 : index
    %get3A_25 = arith.constant 0 : index
    %get3A_26 = vector.load %arg3[%get3A_24, %get3A_25] : memref<1000x64xf32, #tpu.memory_space<vmem>>, vector<1000x64xf32>
    %add3A_27 = arith.addf %add3A, %get3A_26 : vector<1000x64xf32>
    %mul3A = vector.broadcast %slice3A : vector<1000x1xf32> to vector<1000x64xf32>
    %mul3A_28 = arith.mulf %mul3A, %add3A_27 : vector<1000x64xf32>
    %get3A_29 = arith.constant 0 : index
    %get3A_30 = arith.constant 0 : index
    %get3A_31 = vector.load %arg6[%get3A_29, %get3A_30] : memref<1x64xf32, #tpu.memory_space<vmem>>, vector<1x64xf32>
    %add3A_32 = vector.broadcast %get3A_31 : vector<1x64xf32> to vector<1000x64xf32>
    %add3A_33 = arith.addf %mul3A_28, %add3A_32 : vector<1000x64xf32>
    %gt3A = arith.constant 0.000000e+00 : f32
    %gt3A_34 = vector.broadcast %gt3A : f32 to vector<1000x64xf32>
    %gt3A_35 = arith.cmpf ogt, %add3A_33, %gt3A_34 : vector<1000x64xf32>
    %min3A = arith.constant 0.000000e+00 : f32
    %min3A_36 = vector.broadcast %min3A : f32 to vector<1000x64xf32>
    %min3A_37 = arith.minimumf %add3A_33, %min3A_36 : vector<1000x64xf32>
    %exp3A = math.exp %min3A_37 : vector<1000x64xf32>
    %sub3A = arith.constant 1.000000e+00 : f32
    %sub3A_38 = vector.broadcast %sub3A : f32 to vector<1000x64xf32>
    %sub3A_39 = arith.subf %exp3A, %sub3A_38 : vector<1000x64xf32>
    %select_n3A = arith.select %gt3A_35, %add3A_33, %sub3A_39 : vector<1000x64xi1>, vector<1000x64xf32>
    %get3A_40 = arith.constant 0 : index
    %get3A_41 = arith.constant 0 : index
    %get3A_42 = vector.load %arg4[%get3A_40, %get3A_41] : memref<1000x64xf32, #tpu.memory_space<vmem>>, vector<1000x64xf32>
    %add3A_43 = arith.addf %add3A_23, %get3A_42 : vector<1000x64xf32>
    %mul3A_44 = vector.broadcast %slice3A_2 : vector<1000x1xf32> to vector<1000x64xf32>
    %mul3A_45 = arith.mulf %mul3A_44, %add3A_43 : vector<1000x64xf32>
    %get3A_46 = arith.constant 0 : index
    %get3A_47 = arith.constant 0 : index
    %get3A_48 = vector.load %arg7[%get3A_46, %get3A_47] : memref<1x64xf32, #tpu.memory_space<vmem>>, vector<1x64xf32>
    %add3A_49 = vector.broadcast %get3A_48 : vector<1x64xf32> to vector<1000x64xf32>
    %add3A_50 = arith.addf %mul3A_45, %add3A_49 : vector<1000x64xf32>
    %gt3A_51 = arith.constant 0.000000e+00 : f32
    %gt3A_52 = vector.broadcast %gt3A_51 : f32 to vector<1000x64xf32>
    %gt3A_53 = arith.cmpf ogt, %add3A_50, %gt3A_52 : vector<1000x64xf32>
    %min3A_54 = arith.constant 0.000000e+00 : f32
    %min3A_55 = vector.broadcast %min3A_54 : f32 to vector<1000x64xf32>
    %min3A_56 = arith.minimumf %add3A_50, %min3A_55 : vector<1000x64xf32>
    %exp3A_57 = math.exp %min3A_56 : vector<1000x64xf32>
    %sub3A_58 = arith.constant 1.000000e+00 : f32
    %sub3A_59 = vector.broadcast %sub3A_58 : f32 to vector<1000x64xf32>
    %sub3A_60 = arith.subf %exp3A_57, %sub3A_59 : vector<1000x64xf32>
    %select_n3A_61 = arith.select %gt3A_53, %add3A_50, %sub3A_60 : vector<1000x64xi1>, vector<1000x64xf32>
    %get3A_62 = arith.constant 0 : index
    %get3A_63 = arith.constant 0 : index
    %get3A_64 = vector.load %arg8[%get3A_62, %get3A_63] : memref<1x64xf32, #tpu.memory_space<vmem>>, vector<1x64xf32>
    %mul3A_65 = vector.broadcast %get3A_64 : vector<1x64xf32> to vector<1000x64xf32>
    %mul3A_66 = arith.mulf %select_n3A, %mul3A_65 : vector<1000x64xf32>
    %reduce_sum3A = arith.constant dense<0.000000e+00> : vector<1000xf32>
    %reduce_sum3A_67 = vector.multi_reduction <add>, %mul3A_66, %reduce_sum3A [1] : vector<1000x64xf32> to vector<1000xf32>
    %broadcast_in_dim3A = vector.shape_cast %reduce_sum3A_67 : vector<1000xf32> to vector<1000x1xf32>
    %get3A_68 = arith.constant 0 : index
    %get3A_69 = arith.constant 0 : index
    %get3A_70 = vector.load %arg9[%get3A_68, %get3A_69] : memref<1x64xf32, #tpu.memory_space<vmem>>, vector<1x64xf32>
    %mul3A_71 = vector.broadcast %get3A_70 : vector<1x64xf32> to vector<1000x64xf32>
    %mul3A_72 = arith.mulf %select_n3A_61, %mul3A_71 : vector<1000x64xf32>
    %reduce_sum3A_73 = arith.constant dense<0.000000e+00> : vector<1000xf32>
    %reduce_sum3A_74 = vector.multi_reduction <add>, %mul3A_72, %reduce_sum3A_73 [1] : vector<1000x64xf32> to vector<1000xf32>
    %broadcast_in_dim3A_75 = vector.shape_cast %reduce_sum3A_74 : vector<1000xf32> to vector<1000x1xf32>
    %add3A_76 = arith.addf %broadcast_in_dim3A, %broadcast_in_dim3A_75 : vector<1000x1xf32>
    %get3A_77 = arith.constant 0 : index
    %get3A_78 = arith.constant 0 : index
    %get3A_79 = vector.load %arg10[%get3A_77, %get3A_78] : memref<1x1xf32, #tpu.memory_space<vmem>>, vector<1x1xf32>
    %add3A_80 = vector.broadcast %get3A_79 : vector<1x1xf32> to vector<1000x1xf32>
    %add3A_81 = arith.addf %add3A_76, %add3A_80 : vector<1000x1xf32>
    %logistic3A = arith.negf %add3A_81 : vector<1000x1xf32>
    %logistic3A_82 = math.exp %logistic3A : vector<1000x1xf32>
    %logistic3A_83 = arith.constant 1.000000e+00 : f32
    %logistic3A_84 = vector.broadcast %logistic3A_83 : f32 to vector<1000x1xf32>
    %logistic3A_85 = arith.addf %logistic3A_84, %logistic3A_82 : vector<1000x1xf32>
    %logistic3A_86 = arith.divf %logistic3A_84, %logistic3A_85 : vector<1000x1xf32>
    %mul3A_87 = vector.broadcast %logistic3A_86 : vector<1000x1xf32> to vector<1000x64xf32>
    %mul3A_88 = arith.mulf %mul3A_87, %select_n3A : vector<1000x64xf32>
    %sub3A_89 = arith.constant 1.000000e+00 : f32
    %sub3A_90 = vector.broadcast %sub3A_89 : f32 to vector<1000x1xf32>
    %sub3A_91 = arith.subf %sub3A_90, %logistic3A_86 : vector<1000x1xf32>
    %mul3A_92 = vector.broadcast %sub3A_91 : vector<1000x1xf32> to vector<1000x64xf32>
    %mul3A_93 = arith.mulf %mul3A_92, %select_n3A_61 : vector<1000x64xf32>
    %add3A_94 = arith.addf %mul3A_88, %mul3A_93 : vector<1000x64xf32>
    %get3A_95 = arith.constant 0 : index
    %get3A_96 = arith.constant 0 : index
    %get3A_97 = vector.load %arg11[%get3A_95, %get3A_96] : memref<64x64xf32, #tpu.memory_space<vmem>>, vector<64x64xf32>
    %dot_general3A = arith.constant dense<0.000000e+00> : vector<1000x64xf32>
    %dot_general3A_98 = tpu.matmul %add3A_94, %get3A_97, %dot_general3A {dimension_numbers = #tpu.dot_dimension_numbers<[1], [0], [0], [1], [0, 0, 1, 1], [], []>, transpose_lhs_hint = false} : vector<1000x64xf32>, vector<64x64xf32>, vector<1000x64xf32> -> vector<1000x64xf32>
    %mul3A_99 = vector.broadcast %slice3A : vector<1000x1xf32> to vector<1000x64xf32>
    %mul3A_100 = arith.mulf %mul3A_99, %dot_general3A_98 : vector<1000x64xf32>
    %swap3A = arith.constant 0 : index
    %swap3A_101 = arith.constant 0 : index
    %swap3A_102 = vector.load %arg13[%swap3A, %swap3A_101] : memref<1000x64xf32, #tpu.memory_space<vmem>>, vector<1000x64xf32>
    tpu.vector_store %arg13[%swap3A, %swap3A_101], %mul3A_100 {strides = array<i32>} : memref<1000x64xf32, #tpu.memory_space<vmem>>, vector<1000x64xf32>,
    %get3A_103 = arith.constant 0 : index
    %get3A_104 = arith.constant 0 : index
    %get3A_105 = vector.load %arg12[%get3A_103, %get3A_104] : memref<64x64xf32, #tpu.memory_space<vmem>>, vector<64x64xf32>
    %dot_general3A_106 = arith.constant dense<0.000000e+00> : vector<1000x64xf32>
    %dot_general3A_107 = tpu.matmul %add3A_94, %get3A_105, %dot_general3A_106 {dimension_numbers = #tpu.dot_dimension_numbers<[1], [0], [0], [1], [0, 0, 1, 1], [], []>, transpose_lhs_hint = false} : vector<1000x64xf32>, vector<64x64xf32>, vector<1000x64xf32> -> vector<1000x64xf32>
    %mul3A_108 = vector.broadcast %slice3A_2 : vector<1000x1xf32> to vector<1000x64xf32>
    %mul3A_109 = arith.mulf %mul3A_108, %dot_general3A_107 : vector<1000x64xf32>
    %swap3A_110 = arith.constant 0 : index
    %swap3A_111 = arith.constant 0 : index
    %swap3A_112 = vector.load %arg14[%swap3A_110, %swap3A_111] : memref<1000x64xf32, #tpu.memory_space<vmem>>, vector<1000x64xf32>
    tpu.vector_store %arg14[%swap3A_110, %swap3A_111], %mul3A_109 {strides = array<i32>} : memref<1000x64xf32, #tpu.memory_space<vmem>>, vector<1000x64xf32>,
    return
  }
  func.func @transform_0(%arg0: i32) -> (i32, i32, i32) {
    %c0_i32 = arith.constant 0 : i32
    %c0_i32_0 = arith.constant 0 : i32
    %c0_i32_1 = arith.constant 0 : i32
    return %c0_i32, %arg0, %c0_i32_0 : i32, i32, i32
  }
  func.func @transform_1(%arg0: i32) -> (i32, i32, i32) {
    %c0_i32 = arith.constant 0 : i32
    %c0_i32_0 = arith.constant 0 : i32
    %c0_i32_1 = arith.constant 0 : i32
    return %c0_i32, %arg0, %c0_i32_0 : i32, i32, i32
  }
  func.func @transform_2(%arg0: i32) -> (i32, i32) {
    %c0_i32 = arith.constant 0 : i32
    %c0_i32_0 = arith.constant 0 : i32
    return %arg0, %c0_i32 : i32, i32
  }
  func.func @transform_3(%arg0: i32) -> (i32, i32) {
    %c0_i32 = arith.constant 0 : i32
    %c0_i32_0 = arith.constant 0 : i32
    return %arg0, %c0_i32 : i32, i32
  }
  func.func @transform_4(%arg0: i32) -> (i32, i32) {
    %c0_i32 = arith.constant 0 : i32
    %c0_i32_0 = arith.constant 0 : i32
    return %arg0, %c0_i32 : i32, i32
  }
  func.func @transform_5(%arg0: i32) -> (i32, i32) {
    %c0_i32 = arith.constant 0 : i32
    %c0_i32_0 = arith.constant 0 : i32
    %c0_i32_1 = arith.constant 0 : i32
    return %c0_i32, %c0_i32_0 : i32, i32
  }
  func.func @transform_6(%arg0: i32) -> (i32, i32) {
    %c0_i32 = arith.constant 0 : i32
    %c0_i32_0 = arith.constant 0 : i32
    %c0_i32_1 = arith.constant 0 : i32
    return %c0_i32, %c0_i32_0 : i32, i32
  }
  func.func @transform_7(%arg0: i32) -> (i32, i32) {
    %c0_i32 = arith.constant 0 : i32
    %c0_i32_0 = arith.constant 0 : i32
    %c0_i32_1 = arith.constant 0 : i32
    return %c0_i32, %c0_i32_0 : i32, i32
  }
  func.func @transform_8(%arg0: i32) -> (i32, i32) {
    %c0_i32 = arith.constant 0 : i32
    %c0_i32_0 = arith.constant 0 : i32
    %c0_i32_1 = arith.constant 0 : i32
    return %c0_i32, %c0_i32_0 : i32, i32
  }
  func.func @transform_9(%arg0: i32) -> (i32, i32) {
    %c0_i32 = arith.constant 0 : i32
    %c0_i32_0 = arith.constant 0 : i32
    %c0_i32_1 = arith.constant 0 : i32
    return %c0_i32, %c0_i32_0 : i32, i32
  }
  func.func @transform_10(%arg0: i32) -> (i32, i32) {
    %c0_i32 = arith.constant 0 : i32
    %c0_i32_0 = arith.constant 0 : i32
    %c0_i32_1 = arith.constant 0 : i32
    return %c0_i32, %c0_i32_0 : i32, i32
  }
  func.func @transform_11(%arg0: i32) -> (i32, i32) {
    %c0_i32 = arith.constant 0 : i32
    %c0_i32_0 = arith.constant 0 : i32
    %c0_i32_1 = arith.constant 0 : i32
    return %c0_i32, %c0_i32_0 : i32, i32
  }
  func.func @transform_12(%arg0: i32) -> (i32, i32) {
    %c0_i32 = arith.constant 0 : i32
    %c0_i32_0 = arith.constant 0 : i32
    return %arg0, %c0_i32 : i32, i32
  }
  func.func @transform_13(%arg0: i32) -> (i32, i32) {
    %c0_i32 = arith.constant 0 : i32
    %c0_i32_0 = arith.constant 0 : i32
    return %arg0, %c0_i32 : i32, i32
  }
}

module attributes {stable_mosaic.version = 14 : i64} {
  func.func @body(%arg0: i32, %arg1: memref<2x1000x64xf32, #tpu.memory_space<vmem>>, %arg2: memref<2x1000x64xf32, #tpu.memory_space<vmem>>, %arg3: memref<1000x64xf32, #tpu.memory_space<vmem>>, %arg4: memref<1000x64xf32, #tpu.memory_space<vmem>>, %arg5: memref<1000x2xf32, #tpu.memory_space<vmem>>, %arg6: memref<1x64xf32, #tpu.memory_space<vmem>>, %arg7: memref<1x64xf32, #tpu.memory_space<vmem>>, %arg8: memref<1x64xf32, #tpu.memory_space<vmem>>, %arg9: memref<1x64xf32, #tpu.memory_space<vmem>>, %arg10: memref<1x1xf32, #tpu.memory_space<vmem>>, %arg11: memref<64x64xf32, #tpu.memory_space<vmem>>, %arg12: memref<1x64xf32, #tpu.memory_space<vmem>>, %arg13: memref<1000x64xf32, #tpu.memory_space<vmem>>) attributes {dimension_semantics = [#tpu.dimension_semantics<arbitrary>], iteration_bounds = array<i64: 10>, scalar_prefetch = 0 : i64, scratch_operands = 0 : i64, tpu.core_type = #tpu.core_type<tc>, window_params = [{transform_indices = @transform_0, window_bounds = array<i64: 2, 1000, 64>}, {transform_indices = @transform_1, window_bounds = array<i64: 2, 1000, 64>}, {transform_indices = @transform_2, window_bounds = array<i64: 1000, 64>}, {transform_indices = @transform_3, window_bounds = array<i64: 1000, 64>}, {transform_indices = @transform_4, window_bounds = array<i64: 1000, 2>}, {pipeline_mode = #tpu.pipeline_mode<synchronous>, transform_indices = @transform_5, window_bounds = array<i64: 1, 64>}, {pipeline_mode = #tpu.pipeline_mode<synchronous>, transform_indices = @transform_6, window_bounds = array<i64: 1, 64>}, {pipeline_mode = #tpu.pipeline_mode<synchronous>, transform_indices = @transform_7, window_bounds = array<i64: 1, 64>}, {pipeline_mode = #tpu.pipeline_mode<synchronous>, transform_indices = @transform_8, window_bounds = array<i64: 1, 64>}, {pipeline_mode = #tpu.pipeline_mode<synchronous>, transform_indices = @transform_9, window_bounds = array<i64: 1, 1>}, {pipeline_mode = #tpu.pipeline_mode<synchronous>, transform_indices = @transform_10, window_bounds = array<i64: 64, 64>}, {pipeline_mode = #tpu.pipeline_mode<synchronous>, transform_indices = @transform_11, window_bounds = array<i64: 1, 64>}, {transform_indices = @transform_12, window_bounds = array<i64: 1000, 64>}]} {
    %get3A = arith.constant 0 : index
    %get3A_0 = arith.constant 0 : index
    %get3A_1 = vector.load %arg5[%get3A, %get3A_0] : memref<1000x2xf32, #tpu.memory_space<vmem>>, vector<1000x2xf32>
    %slice3A = vector.extract_strided_slice %get3A_1 {offsets = [0, 0], sizes = [1000, 1], strides = [1, 1]} : vector<1000x2xf32> to vector<1000x1xf32>
    %slice3A_2 = vector.extract_strided_slice %get3A_1 {offsets = [0, 1], sizes = [1000, 1], strides = [1, 1]} : vector<1000x2xf32> to vector<1000x1xf32>
    %get3A_3 = arith.constant 0 : index
    %get3A_4 = arith.constant 0 : index
    %get3A_5 = arith.constant 0 : index
    %get3A_6 = vector.load %arg1[%get3A_3, %get3A_4, %get3A_5] : memref<2x1000x64xf32, #tpu.memory_space<vmem>>, vector<1x1000x64xf32>
    %get3A_7 = vector.shape_cast %get3A_6 : vector<1x1000x64xf32> to vector<1000x64xf32>
    %get3A_8 = arith.constant 1 : index
    %get3A_9 = arith.constant 0 : index
    %get3A_10 = arith.constant 0 : index
    %get3A_11 = vector.load %arg1[%get3A_8, %get3A_9, %get3A_10] : memref<2x1000x64xf32, #tpu.memory_space<vmem>>, vector<1x1000x64xf32>
    %get3A_12 = vector.shape_cast %get3A_11 : vector<1x1000x64xf32> to vector<1000x64xf32>
    %add3A = arith.addf %get3A_7, %get3A_12 : vector<1000x64xf32>
    %get3A_13 = arith.constant 0 : index
    %get3A_14 = arith.constant 0 : index
    %get3A_15 = vector.load %arg3[%get3A_13, %get3A_14] : memref<1000x64xf32, #tpu.memory_space<vmem>>, vector<1000x64xf32>
    %add3A_16 = arith.addf %add3A, %get3A_15 : vector<1000x64xf32>
    %mul3A = vector.broadcast %slice3A : vector<1000x1xf32> to vector<1000x64xf32>
    %mul3A_17 = arith.mulf %mul3A, %add3A_16 : vector<1000x64xf32>
    %get3A_18 = arith.constant 0 : index
    %get3A_19 = arith.constant 0 : index
    %get3A_20 = vector.load %arg6[%get3A_18, %get3A_19] : memref<1x64xf32, #tpu.memory_space<vmem>>, vector<1x64xf32>
    %add3A_21 = vector.broadcast %get3A_20 : vector<1x64xf32> to vector<1000x64xf32>
    %add3A_22 = arith.addf %mul3A_17, %add3A_21 : vector<1000x64xf32>
    %get3A_23 = arith.constant 0 : index
    %get3A_24 = arith.constant 0 : index
    %get3A_25 = arith.constant 0 : index
    %get3A_26 = vector.load %arg2[%get3A_23, %get3A_24, %get3A_25] : memref<2x1000x64xf32, #tpu.memory_space<vmem>>, vector<1x1000x64xf32>
    %get3A_27 = vector.shape_cast %get3A_26 : vector<1x1000x64xf32> to vector<1000x64xf32>
    %get3A_28 = arith.constant 1 : index
    %get3A_29 = arith.constant 0 : index
    %get3A_30 = arith.constant 0 : index
    %get3A_31 = vector.load %arg2[%get3A_28, %get3A_29, %get3A_30] : memref<2x1000x64xf32, #tpu.memory_space<vmem>>, vector<1x1000x64xf32>
    %get3A_32 = vector.shape_cast %get3A_31 : vector<1x1000x64xf32> to vector<1000x64xf32>
    %add3A_33 = arith.addf %get3A_27, %get3A_32 : vector<1000x64xf32>
    %get3A_34 = arith.constant 0 : index
    %get3A_35 = arith.constant 0 : index
    %get3A_36 = vector.load %arg4[%get3A_34, %get3A_35] : memref<1000x64xf32, #tpu.memory_space<vmem>>, vector<1000x64xf32>
    %add3A_37 = arith.addf %add3A_33, %get3A_36 : vector<1000x64xf32>
    %mul3A_38 = vector.broadcast %slice3A_2 : vector<1000x1xf32> to vector<1000x64xf32>
    %mul3A_39 = arith.mulf %mul3A_38, %add3A_37 : vector<1000x64xf32>
    %get3A_40 = arith.constant 0 : index
    %get3A_41 = arith.constant 0 : index
    %get3A_42 = vector.load %arg7[%get3A_40, %get3A_41] : memref<1x64xf32, #tpu.memory_space<vmem>>, vector<1x64xf32>
    %add3A_43 = vector.broadcast %get3A_42 : vector<1x64xf32> to vector<1000x64xf32>
    %add3A_44 = arith.addf %mul3A_39, %add3A_43 : vector<1000x64xf32>
    %get3A_45 = arith.constant 0 : index
    %get3A_46 = arith.constant 0 : index
    %get3A_47 = vector.load %arg8[%get3A_45, %get3A_46] : memref<1x64xf32, #tpu.memory_space<vmem>>, vector<1x64xf32>
    %mul3A_48 = vector.broadcast %get3A_47 : vector<1x64xf32> to vector<1000x64xf32>
    %mul3A_49 = arith.mulf %add3A_22, %mul3A_48 : vector<1000x64xf32>
    %reduce_sum3A = arith.constant dense<0.000000e+00> : vector<1000xf32>
    %reduce_sum3A_50 = vector.multi_reduction <add>, %mul3A_49, %reduce_sum3A [1] : vector<1000x64xf32> to vector<1000xf32>
    %broadcast_in_dim3A = vector.shape_cast %reduce_sum3A_50 : vector<1000xf32> to vector<1000x1xf32>
    %get3A_51 = arith.constant 0 : index
    %get3A_52 = arith.constant 0 : index
    %get3A_53 = vector.load %arg9[%get3A_51, %get3A_52] : memref<1x64xf32, #tpu.memory_space<vmem>>, vector<1x64xf32>
    %mul3A_54 = vector.broadcast %get3A_53 : vector<1x64xf32> to vector<1000x64xf32>
    %mul3A_55 = arith.mulf %add3A_44, %mul3A_54 : vector<1000x64xf32>
    %reduce_sum3A_56 = arith.constant dense<0.000000e+00> : vector<1000xf32>
    %reduce_sum3A_57 = vector.multi_reduction <add>, %mul3A_55, %reduce_sum3A_56 [1] : vector<1000x64xf32> to vector<1000xf32>
    %broadcast_in_dim3A_58 = vector.shape_cast %reduce_sum3A_57 : vector<1000xf32> to vector<1000x1xf32>
    %add3A_59 = arith.addf %broadcast_in_dim3A, %broadcast_in_dim3A_58 : vector<1000x1xf32>
    %get3A_60 = arith.constant 0 : index
    %get3A_61 = arith.constant 0 : index
    %get3A_62 = vector.load %arg10[%get3A_60, %get3A_61] : memref<1x1xf32, #tpu.memory_space<vmem>>, vector<1x1xf32>
    %add3A_63 = vector.broadcast %get3A_62 : vector<1x1xf32> to vector<1000x1xf32>
    %add3A_64 = arith.addf %add3A_59, %add3A_63 : vector<1000x1xf32>
    %logistic3A = arith.negf %add3A_64 : vector<1000x1xf32>
    %logistic3A_65 = math.exp %logistic3A : vector<1000x1xf32>
    %logistic3A_66 = arith.constant 1.000000e+00 : f32
    %logistic3A_67 = vector.broadcast %logistic3A_66 : f32 to vector<1000x1xf32>
    %logistic3A_68 = arith.addf %logistic3A_67, %logistic3A_65 : vector<1000x1xf32>
    %logistic3A_69 = arith.divf %logistic3A_67, %logistic3A_68 : vector<1000x1xf32>
    %mul3A_70 = vector.broadcast %logistic3A_69 : vector<1000x1xf32> to vector<1000x64xf32>
    %mul3A_71 = arith.mulf %mul3A_70, %add3A_22 : vector<1000x64xf32>
    %sub3A = arith.constant 1.000000e+00 : f32
    %sub3A_72 = vector.broadcast %sub3A : f32 to vector<1000x1xf32>
    %sub3A_73 = arith.subf %sub3A_72, %logistic3A_69 : vector<1000x1xf32>
    %mul3A_74 = vector.broadcast %sub3A_73 : vector<1000x1xf32> to vector<1000x64xf32>
    %mul3A_75 = arith.mulf %mul3A_74, %add3A_44 : vector<1000x64xf32>
    %add3A_76 = arith.addf %mul3A_71, %mul3A_75 : vector<1000x64xf32>
    %get3A_77 = arith.constant 0 : index
    %get3A_78 = arith.constant 0 : index
    %get3A_79 = vector.load %arg11[%get3A_77, %get3A_78] : memref<64x64xf32, #tpu.memory_space<vmem>>, vector<64x64xf32>
    %dot_general3A = arith.constant dense<0.000000e+00> : vector<1000x64xf32>
    %dot_general3A_80 = tpu.matmul %add3A_76, %get3A_79, %dot_general3A {dimension_numbers = #tpu.dot_dimension_numbers<[1], [0], [0], [1], [0, 0, 1, 1], [], []>, transpose_lhs_hint = false} : vector<1000x64xf32>, vector<64x64xf32>, vector<1000x64xf32> -> vector<1000x64xf32>
    %get3A_81 = arith.constant 0 : index
    %get3A_82 = arith.constant 0 : index
    %get3A_83 = vector.load %arg12[%get3A_81, %get3A_82] : memref<1x64xf32, #tpu.memory_space<vmem>>, vector<1x64xf32>
    %add3A_84 = vector.broadcast %get3A_83 : vector<1x64xf32> to vector<1000x64xf32>
    %add3A_85 = arith.addf %dot_general3A_80, %add3A_84 : vector<1000x64xf32>
    %reduce_max3A = arith.constant dense<0xFF800000> : vector<1000xf32>
    %reduce_max3A_86 = vector.multi_reduction <maximumf>, %add3A_85, %reduce_max3A [1] : vector<1000x64xf32> to vector<1000xf32>
    %broadcast_in_dim3A_87 = vector.shape_cast %reduce_max3A_86 : vector<1000xf32> to vector<1000x1xf32>
    %sub3A_88 = vector.broadcast %broadcast_in_dim3A_87 : vector<1000x1xf32> to vector<1000x64xf32>
    %sub3A_89 = arith.subf %add3A_85, %sub3A_88 : vector<1000x64xf32>
    %exp3A = math.exp %sub3A_89 : vector<1000x64xf32>
    %reduce_sum3A_90 = arith.constant dense<0.000000e+00> : vector<1000xf32>
    %reduce_sum3A_91 = vector.multi_reduction <add>, %exp3A, %reduce_sum3A_90 [1] : vector<1000x64xf32> to vector<1000xf32>
    %broadcast_in_dim3A_92 = vector.shape_cast %reduce_sum3A_91 : vector<1000xf32> to vector<1000x1xf32>
    %log3A = math.log %broadcast_in_dim3A_92 : vector<1000x1xf32>
    %sub3A_93 = vector.broadcast %log3A : vector<1000x1xf32> to vector<1000x64xf32>
    %sub3A_94 = arith.subf %sub3A_89, %sub3A_93 : vector<1000x64xf32>
    %swap3A = arith.constant 0 : index
    %swap3A_95 = arith.constant 0 : index
    %swap3A_96 = vector.load %arg13[%swap3A, %swap3A_95] : memref<1000x64xf32, #tpu.memory_space<vmem>>, vector<1000x64xf32>
    tpu.vector_store %arg13[%swap3A, %swap3A_95], %sub3A_94 {strides = array<i32>} : memref<1000x64xf32, #tpu.memory_space<vmem>>, vector<1000x64xf32>,
    return
  }
  func.func @transform_0(%arg0: i32) -> (i32, i32, i32) {
    %c0_i32 = arith.constant 0 : i32
    %c0_i32_0 = arith.constant 0 : i32
    %c0_i32_1 = arith.constant 0 : i32
    return %c0_i32, %arg0, %c0_i32_0 : i32, i32, i32
  }
  func.func @transform_1(%arg0: i32) -> (i32, i32, i32) {
    %c0_i32 = arith.constant 0 : i32
    %c0_i32_0 = arith.constant 0 : i32
    %c0_i32_1 = arith.constant 0 : i32
    return %c0_i32, %arg0, %c0_i32_0 : i32, i32, i32
  }
  func.func @transform_2(%arg0: i32) -> (i32, i32) {
    %c0_i32 = arith.constant 0 : i32
    %c0_i32_0 = arith.constant 0 : i32
    return %arg0, %c0_i32 : i32, i32
  }
  func.func @transform_3(%arg0: i32) -> (i32, i32) {
    %c0_i32 = arith.constant 0 : i32
    %c0_i32_0 = arith.constant 0 : i32
    return %arg0, %c0_i32 : i32, i32
  }
  func.func @transform_4(%arg0: i32) -> (i32, i32) {
    %c0_i32 = arith.constant 0 : i32
    %c0_i32_0 = arith.constant 0 : i32
    return %arg0, %c0_i32 : i32, i32
  }
  func.func @transform_5(%arg0: i32) -> (i32, i32) {
    %c0_i32 = arith.constant 0 : i32
    %c0_i32_0 = arith.constant 0 : i32
    %c0_i32_1 = arith.constant 0 : i32
    return %c0_i32, %c0_i32_0 : i32, i32
  }
  func.func @transform_6(%arg0: i32) -> (i32, i32) {
    %c0_i32 = arith.constant 0 : i32
    %c0_i32_0 = arith.constant 0 : i32
    %c0_i32_1 = arith.constant 0 : i32
    return %c0_i32, %c0_i32_0 : i32, i32
  }
  func.func @transform_7(%arg0: i32) -> (i32, i32) {
    %c0_i32 = arith.constant 0 : i32
    %c0_i32_0 = arith.constant 0 : i32
    %c0_i32_1 = arith.constant 0 : i32
    return %c0_i32, %c0_i32_0 : i32, i32
  }
  func.func @transform_8(%arg0: i32) -> (i32, i32) {
    %c0_i32 = arith.constant 0 : i32
    %c0_i32_0 = arith.constant 0 : i32
    %c0_i32_1 = arith.constant 0 : i32
    return %c0_i32, %c0_i32_0 : i32, i32
  }
  func.func @transform_9(%arg0: i32) -> (i32, i32) {
    %c0_i32 = arith.constant 0 : i32
    %c0_i32_0 = arith.constant 0 : i32
    %c0_i32_1 = arith.constant 0 : i32
    return %c0_i32, %c0_i32_0 : i32, i32
  }
  func.func @transform_10(%arg0: i32) -> (i32, i32) {
    %c0_i32 = arith.constant 0 : i32
    %c0_i32_0 = arith.constant 0 : i32
    %c0_i32_1 = arith.constant 0 : i32
    return %c0_i32, %c0_i32_0 : i32, i32
  }
  func.func @transform_11(%arg0: i32) -> (i32, i32) {
    %c0_i32 = arith.constant 0 : i32
    %c0_i32_0 = arith.constant 0 : i32
    %c0_i32_1 = arith.constant 0 : i32
    return %c0_i32, %c0_i32_0 : i32, i32
  }
  func.func @transform_12(%arg0: i32) -> (i32, i32) {
    %c0_i32 = arith.constant 0 : i32
    %c0_i32_0 = arith.constant 0 : i32
    return %arg0, %c0_i32 : i32, i32
  }
}

</mosaic_0001>

<sc_bundles>
// kernel: kernel.11.cloned.1.call-start
scs
__scs_entry_jumppad:
0x0: {  	(pc) =	sbr.rel $0x88, $3  }
0x1: {  	(tag) =	ssettag $0x0;
	lr =	simm.s32 $0x1  }
0x2: {  	[smem:$0x3F90] =	sst lr;
	_ =	strace $0xD0000000  }
0x3: {  	_ = 	snop  }
0x4: {  	_ = 	snop  }
0x5: {  	_ = 	snop  }
0x6: {  	_ = 	snop  }
0x7: {  	_ = 	snop  }
__scs_overlays_trampoline_lowered:
0x8: {  	[smem:$0x3F9F] =	sst s0  }
0x9: {  	[smem:$0x3FA0] =	sst s1  }
0xa: {  	[smem:$0x3FA1] =	sst s2  }
0xb: {  	[smem:$0x3FA2] =	sst s3  }
0xc: {  	[smem:$0x3FA3] =	sst s4  }
0xd: {  	[smem:$0x3FA4] =	sst s5  }
0xe: {  	[smem:$0x3FA5] =	sst s6  }
0xf: {  	[smem:$0x3FA6] =	sst s7  }
0x10: {  	[smem:$0x3FA7] =	sst s8  }
0x11: {  	[smem:$0x3FA8] =	sst s9;
	s0 =	simm.s32 @!p0 $0x0  }
0x12: {  	s1 =	sld [smem:$0x3F8E];
	s0 =	simm.s32 @p0 $0x1  }
0x13: {  	[smem:$0x3FA9] =	sst s0;
	s0 =	simm.s32 @!p1 $0x0  }
0x14: {  	s2 =	sld [smem:$0x3F8D];
	s0 =	simm.s32 @p1 $0x1  }
0x15: {  	[smem:$0x3FAA] =	sst s0;
	s0 =	simm.s32 @!p2 $0x0  }
0x16: {  	s3 =	sld [smem:$0x3FDB];
	s0 =	simm.s32 @p2 $0x1  }
0x17: {  	s4 =	simm.s32 $0x1BF5;
	[smem:$0x3FAC] =	sst s0  }
0x18: {  	s0 =	sld [smem:$0x3F8F];
	_ =	swait.ge [sflag:s4], $0x0  }
0x19: {  	s7 =	sld [smem:$0x3F90]  }
0x1a: {  	s8 =	sadd.s32 $0xFFFFE003, lr  }
0x1b: {  	s9 =	sadd.s32 $0xFFFFFEF7, lr;
	s5 =	simm.s32 $0xFFFFFFFF;
	p2 =	slt.u32 s8, $0xFFFFF086  }
0x1c: {  	p1 =	slt.u32 s9, $0xF7A;
	s5 =	simm.s32 @!p2 $0x0  }
0x1d: {  	s5 =	simm.s32 @p1 $0x1;
	p0 =	seq.s32 s7, s2  }
0x1e: {  	s7 =	smul.u32 @!p0 $0xF7A, s2;
	p2 =	seq.s32 @!p0 s5, $0x0  }
0x1f: {  	s9 =	smul.u32 $0xF7A, s1;
	s8 =	simm.s32 @!p0 $0x1BF5;
	p2 =	por !p2, p0  }
0x20: {  	[sflag:s8] =	ssyncset.s32 @!p0 $0xFFFFF086;
	s6 =	sadd.s32 @!p0 s3, s7;
	s7 =	simm.s32 @!p0 $0x108  }
0x21: {  	s3 =	sadd.s32 s3, s9;
	s6 =	sadd.s32 @!p0 $0x88, s6;
	s7 =	simm.s32 @p2 $0x1082  }
0x22: {  	[simem:s7], [sflag:s8] =	dma.local @!p0 [hbm:s6], $0xF7A  }
0x23: {  	s9 =	sor.u32 $0xD0000000, s2;
	s6 =	simm.s32 $0x108;
	_ =	swait.ge @!p0 [sflag:s8], $0x0  }
0x24: {  	s3 =	sadd.s32 $0x88, s3;
	s6 =	simm.s32 @!p1 $0x1082;
	[sflag:s4] =	ssyncset.s32 $0xFFFFF086  }
0x25: {  	[simem:s6], [sflag:s4] =	dma.local [hbm:s3], $0xF7A  }
0x26: {  	[smem:$0x3F90] =	sst s1;
	(tag) =	ssettag s2;
	_ =	strace s9  }
0x27: {  	s1 =	sld [smem:$0x3FA0]  }
0x28: {  	s2 =	sld [smem:$0x3FA1]  }
0x29: {  	s4 =	sld [smem:$0x3FA3]  }
0x2a: {  	p0 =	seq.s32 s5, $0x0;
	s5 =	sld [smem:$0x3FA4]  }
0x2b: {  	s6 =	sld [smem:$0x3FA5]  }
0x2c: {  	s7 =	sld [smem:$0x3FA6]  }
0x2d: {  	s3 =	simm.s32 $0x108;
	s8 =	sld [smem:$0x3FA7]  }
0x2e: {  	s3 =	simm.s32 @!p0 $0x1082;
	s9 =	sld [smem:$0x3FA8]  }
0x2f: {  	lr =	sadd.s32 s0, s3;
	s0 =	sld [smem:$0x3F9F]  }
0x30: {  	s3 =	sld [smem:$0x3FA2]  }
0x31: {  	[smem:$0x3FAB] =	sst s10  }
0x32: {  	s10 =	sld [smem:$0x3FA9];
	_ =	sdelay $0x3  }
0x33: {  	p0 =	seq.s32 s10, $0x1;
	s10 =	sld [smem:$0x3FAB];
	_ =	sdelay $0x3  }
0x34: {  	[smem:$0x3FAB] =	sst s10  }
0x35: {  	s10 =	sld [smem:$0x3FAA];
	_ =	sdelay $0x3  }
0x36: {  	p1 =	seq.s32 s10, $0x1;
	s10 =	sld [smem:$0x3FAB];
	_ =	sdelay $0x3  }
0x37: {  	[smem:$0x3FAB] =	sst s10  }
0x38: {  	s10 =	sld [smem:$0x3FAC]  }
0x39: {  	_ = 	snop;
	(pc) =	sbr.ind lr, $3  }
0x3a: {  	_ = 	snop  }
0x3b: {  	_ = 	snop  }
0x3c: {  	p2 =	seq.s32 s10, $0x1;
	s10 =	sld [smem:$0x3FAB]  }
0x3d: {  	_ =	shalt  }
0x3e: {  	_ =	shalt  }
0x3f: {  	_ =	shalt  }
0x40: {  	_ =	shalt  }
0x41: {  	_ =	shalt  }
0x42: {  	_ =	shalt  }
0x43: {  	_ =	shalt  }
0x44: {  	_ =	shalt  }
0x45: {  	_ =	shalt  }
0x46: {  	_ =	shalt  }
0x47: {  	_ =	shalt  }
0x48: {  	_ =	shalt  }
0x49: {  	_ =	shalt  }
0x4a: {  	_ =	shalt  }
0x4b: {  	_ =	shalt  }
0x4c: {  	_ =	shalt  }
0x4d: {  	_ =	shalt  }
0x4e: {  	_ =	shalt  }
0x4f: {  	_ =	shalt  }
0x50: {  	_ =	shalt  }
0x51: {  	_ =	shalt  }
0x52: {  	_ =	shalt  }
0x53: {  	_ =	shalt  }
0x54: {  	_ =	shalt  }
0x55: {  	_ =	shalt  }
0x56: {  	_ =	shalt  }
0x57: {  	_ =	shalt  }
0x58: {  	_ =	shalt  }
0x59: {  	_ =	shalt  }
0x5a: {  	_ =	shalt  }
0x5b: {  	_ =	shalt  }
0x5c: {  	_ =	shalt  }
0x5d: {  	_ =	shalt  }
0x5e: {  	_ =	shalt  }
0x5f: {  	_ =	shalt  }
0x60: {  	_ =	shalt  }
0x61: {  	_ =	shalt  }
0x62: {  	_ =	shalt  }
0x63: {  	_ =	shalt  }
0x64: {  	_ =	shalt  }
0x65: {  	_ =	shalt  }
0x66: {  	_ =	shalt  }
0x67: {  	_ =	shalt  }
0x68: {  	_ =	shalt  }
0x69: {  	_ =	shalt  }
0x6a: {  	_ =	shalt  }
0x6b: {  	_ =	shalt  }
0x6c: {  	_ =	shalt  }
0x6d: {  	_ =	shalt  }
0x6e: {  	_ =	shalt  }
0x6f: {  	_ =	shalt  }
0x70: {  	_ =	shalt  }
0x71: {  	_ =	shalt  }
0x72: {  	_ =	shalt  }
0x73: {  	_ =	shalt  }
0x74: {  	_ =	shalt  }
0x75: {  	_ =	shalt  }
0x76: {  	_ =	shalt  }
0x77: {  	_ =	shalt  }
0x78: {  	_ =	shalt  }
0x79: {  	_ =	shalt  }
0x7a: {  	_ =	shalt  }
0x7b: {  	_ =	shalt  }
0x7c: {  	_ =	shalt  }
0x7d: {  	_ =	shalt  }
0x7e: {  	_ =	shalt  }
0x7f: {  	_ =	shalt  }
0x80: {  	_ =	shalt  }
0x81: {  	_ =	shalt  }
0x82: {  	_ =	shalt  }
0x83: {  	_ =	shalt  }
0x84: {  	_ =	shalt  }
0x85: {  	_ =	shalt  }
0x86: {  	_ =	shalt  }
0x87: {  	_ =	shalt  }
.Lfunc_end0:
.L_simem_size_0:
called_computation.1_lowered:
.L_overlay_start_0:
0x88: {  	s2 =	sld [smem:$0x3FD9]  }
0x89: {  	s3 =	sld [smem:$0x3FFE];
	_ =	sdelay $0x1  }
0x8a: {  	s1 =	srdreg.scid  }
0x8b: {  	s0 =	sand.u32 $0x1, s1  }
0x8c: {  	s17 =	sshll.u32 s0, $0xA;
	s2 =	sadd.s32 s3, s2  }
0x8d: {  	s2 =	sadd.s32 s2, s17  }
0x8e: {  	[smem:$0x3FB7] =	sst s2  }
0x8f: {  	_ = 	snop  }
0x90: {  	s2 =	sld [smem:$0x3FD0];
	(tm) =	ssettm $0x1  }
0x91: {  	s18 =	sld [smem:$0x3FFB];
	_ =	sdelay $0x3  }
0x92: {  	_ =	strace s18  }
0x93: {  	s3 =	sld [smem:$0x3FFC];
	_ =	sdelay $0x3  }
0x94: {  	_ =	strace s3  }
0x95: {  	s3 =	sld [smem:$0x3FFD];
	_ =	sdelay $0x3  }
0x96: {  	_ =	strace s3  }
0x97: {  	_ =	strace $0x8FFFFFFF  }
0x98: {  	s19 =	sld [smem:$0x3FDB];
	_ =	sdelay $0x1  }
0x99: {  	s4 =	simm.s32 $_scs_section_size  }
0x9a: {  	s5 =	simm.s32 $_size__tile_overlayer_lowered;
	s6 =	simm.s32 $_tile_overlayer_lowered  }
0x9b: {  	s22 =	simm.s32 $0x1BFF;
	s21 =	sshll.u32 s6, $0x1;
	s3 =	sadd.s32 s4, s19  }
0x9c: {  	s7 =	simm.s32 $0x0;
	s20 =	sshll.u32 s5, $0x1;
	s5 =	sadd.s32 s21, s3  }
0x9d: {  	[timem:s7], [sflag:s22] =	dma.local [hbm:s5], s20  }
0x9e: {  	_ =	swait.ge [sflag:s22], s20  }
0x9f: {  	s4 =	ssub.s32 $0x0, s20;
	[sflag:s22] =	ssyncset.done $0x0  }
0xa0: {  	[sflag:s22] =	ssyncadd.s32 s4;
	_ =	sdelay $0x1  }
0xa1: {  	s23 =	simm.s32 $0x1B8B  }
0xa2: {  	_ =	swait.ge [sflag:s23], $0x1  }
0xa3: {  	[sflag:s23] =	ssyncset.done $0x0  }
0xa4: {  	s25 =	simm.s32 $0x1B8E;
	s24 =	sld [smem:$0x3FFE];
	[sflag:s23] =	ssyncadd.s32 $0xFFFFFFFF  }
0xa5: {  	s26 =	simm.s32 $execute0_lowered;
	[smem:$0x3FD2] =	sst s25  }
0xa6: {  	s5 =	sshll.u32 s26, $0x1;
	_ =	strace $0x80000049;
	[dreg:$0x1] =	wrdreg $0xFFFFFFFF  }
0xa7: {  	s28 =	simm.s32 $_size_execute0_lowered;
	s3 =	sadd.s32 s3, s5;
	[dreg:$0x0] =	wrdreg $0x0  }
0xa8: {  	s5 =	sshll.u32 s28, $0x1;
	[dreg:$0x2] =	wrdreg s3  }
0xa9: {  	[dreg:$0x3] =	wrdreg s5  }
0xaa: {  	[dreg:$0x4] =	wrdreg $0xC0  }
0xab: {  	_ =	task [dreg:s7], $0x5FFFF  }
0xac: {  	[dreg:$0x1] =	wrdreg $0xFFFFFFFF  }
0xad: {  	[dreg:$0x0] =	wrdreg $0x60  }
0xae: {  	[dreg:$0x2] =	wrdreg s2  }
0xaf: {  	[dreg:$0x3] =	wrdreg s24  }
0xb0: {  	[dreg:$0x4] =	wrdreg $0xB0000  }
0xb1: {  	[dreg:$0x5] =	wrdreg $0x14C400  }
0xb2: {  	[dreg:$0x6] =	wrdreg $0x9  }
0xb3: {  	_ =	task.clear_ibuf [dreg:s7], $0x7FFFF;
	_ =	strace $0x90000049  }
0xb4: {  	s29 =	simm.s32 $0x9;
	_ =	strace $0x8000004B  }
0xb5: {  	_ =	swait.ge [sflag:s29], $0x1  }
0xb6: {  	[sflag:s29] =	ssyncadd.s32 $0xFFFFFFFF  }
0xb7: {  	_ =	strace $0x9000004B  }
0xb8: {  	_ =	sfence  }
0xb9: {  	s30 =	sld [smem:$0x0];
	_ =	sdelay $0x2  }
0xba: {  	s31 =	sshll.u32 s1, $0xD;
	s1 =	sshrl.u32 s1, $0x2  }
0xbb: {  	s3 =	sand.u32 $0x4000, s31;
	s1 =	sadd.s32 s1, s30  }
0xbc: {  	s0 =	sor.u32 s3, s0;
	s1 =	sshll.u32 s1, $0x11  }
0xbd: {  	s0 =	sor.u32 s1, s0  }
0xbe: {  	s0 =	sadd.s32 $0x8F2B, s0  }
0xbf: {  	[sflag:s0] =	ssyncadd.remote.s32 $0x1  }
0xc0: {  	_ =	sfence.sel $0xFFFF  }
0xc1: {  	[dreg:$0x0] =	wrdreg $0xFFFFFFFF;
	(pc) =	sbr.abs _section_cstart, $3  }
0xc2: {  	[dreg:$0x1] =	wrdreg $0xFFFFFFFF  }
0xc3: {  	_ =	task.clear_ibuf [dreg:s7], $0x2FFFF;
	_ =	strace $0x9FFFFFFF  }
0xc4: {  	(tm) =	ssettm $0x7FFFFFFF  }
0xc5: {  	_ =	shalt  }
tec
execute0_lowered:
.L_overlay_start_1:
0x0: {  	(tag) =	ssettag $0x1  }
0x1: {  	s0 =	rddreg [dreg:$0x0]  }
0x2: {  	s2 =	rddreg [dreg:$0x1]  }
0x3: {  	s1 =	rddreg [dreg:$0x2];
	s4 =	srdreg.scid  }
0x4: {  	s3 =	rddreg [dreg:$0x3];
	s10 =	stileid.u32;
	s29 =	simm.s32 $0x9000  }
0x5: {  	s30 =	simm.s32 $0x4;
	s31 =	simm.s32 $0x3;
	s28 =	simm.s32 $0x0  }
0x6: {  	s5 =	sand.u32 $0x1, s4;
	s4 =	simm.s32 $0x0;
	s7 =	smul.u32 $0x9C40, s10  }
0x7: {  	s16 =	smul.u32 $0xA000, s10;
	s22 =	sshll.u32 s10, $0x6;
	s6 =	sshll.u32 s5, $0x4  }
0x8: {  	[smem:$0x7FF] =	sst s4;
	s9 =	smul.u32 $0x14000, s5;
	s5 =	ssub.s32 $0x2, s5  }
0x9: {  	s6 =	sor.u32 s10, s6;
	_ =	strace $0x8000004A;
	s8 =	sshrl.u32 s7, $0x3  }
0xa: {  	s18 =	sshrl.u32 s5, $0x1;
	s7 =	sadd.s32 s7, s1;
	s20 =	sadd.s32 $0x2000, s16  }
0xb: {  	s10 =	sadd.s32 s16, s3;
	s24 =	sadd.s32 $0x4000, s16;
	s25 =	sadd.s32 $0x6000, s16  }
0xc: {  	s26 =	sadd.s32 $0x8000, s16;
	s16 =	sshrl.u32 s16, $0x3;
	s6 =	smul.u32 $0x500, s6  }
0xd: {  	s21 =	sadd.s32 s8, s2;
	s5 =	ssub.s32 s5, s18;
	[dreg:$0x5] =	wrdreg s7  }
0xe: {  	s0 =	sadd.s32 s0, s8;
	s11 =	sadd.s32 s20, s3;
	s12 =	sadd.s32 s24, s3  }
0xf: {  	s13 =	sadd.s32 s25, s3;
	s14 =	sadd.s32 s26, s3;
	s17 =	sshrl.u32 s20, $0x3  }
0x10: {  	s18 =	sshrl.u32 s24, $0x3;
	s20 =	sshrl.u32 s26, $0x3;
	s26 =	smov.u32 s22  }
0x11: {  	s7 =	simm.s32 $0x4F80;
	[dreg:$0x6] =	wrdreg s0;
	s21 =	sadd.s32 $0x18400, s21  }
0x12: {  	s0 =	simm.s32 $0x1;
	s6 =	sadd.s32 s6, s2;
	s2 =	sadd.s32 s9, s2  }
0x13: {  	[dreg:$0xb] =	wrdreg s21;
	s19 =	sadd.s32 $0x36400, s6;
	s23 =	sadd.s32 $0xE400, s6  }
0x14: {  	s15 =	sadd.s32 $0xB7600, s2;
	s8 =	sadd.s32 $0x2C400, s6;
	[dreg:$0x7] =	wrdreg s19  }
0x15: {  	s9 =	sadd.s32 $0x4400, s6;
	s24 =	sadd.s32 $0x8F600, s2;
	[dreg:$0x8] =	wrdreg s23  }
0x16: {  	s2 =	simm.s32 $0x2;
	s6 =	simm.s32 $0x5000;
	[dreg:$0x9] =	wrdreg s8  }
0x17: {  	s19 =	sshrl.u32 s25, $0x3;
	[dreg:$0xa] =	wrdreg s9;
	s23 =	smax.u32 s5, $0x1  }
0x18: {  	s25 =	sor.u32 $0x1C03, s22;
	s5 =	simm.s32 $0x80;
	[dreg:$0xc] =	wrdreg s23  }
0x19: {  	v0 =	vimm.f32 $0.0e+00;
	s8 =	simm.s32 $0x7000;
	s9 =	simm.s32 $0x4F00;
	[dreg:$0xd] =	wrdreg s25  }
.LBB2_1:
0x1a: {  	s21 =	rddreg [dreg:$0x5]  }
0x1b: {  	s22 =	rddreg [dreg:$0x6]  }
0x1c: {  	s23 =	rddreg [dreg:$0xd];
	s21 =	sshrl.u32 s21, $0x3  }
0x1d: {  	[spmem:s21], [sflag:s23] =	dma.local [hbm:s22], $0x1388  }
0x1e: {  	s22 =	rddreg [dreg:$0x7]  }
0x1f: {  	[tilespmem:s4], [sflag:$0x1] =	stream.linear.gather [hbm4b:s22+s4], $0x2800, $0x38;
	[tilespmem:$0x1EC40] =	vst v63  }
0x20: {  	s25 =	simm.s32 $0x2800;
	s23 =	rddreg [dreg:$0x8]  }
0x21: {  	[tilespmem:s25], [sflag:$0x2] =	stream.linear.gather [hbm4b:s23+s4], $0x2800, $0x38;
	[tilespmem:$0x1EC40] =	vst v63  }
0x22: {  	s22 =	simm.s32 $0x0;
	s23 =	simm.s32 $0x100  }
.LBB2_2:
0x23: {  	p0 =	sne.s32 s23, $0x7F00;
	[tilespmem:s22+$0x9030] =	vst v0;
	s25 =	smov.u32 s23;
	s23 =	sadd.s32 $0x100, s23  }
.Ltmp0:
0x24: {  	[tilespmem:s22+$0x9020] =	vst v0;
	(pc) =	sbr.rel @p0 .LBB2_2-.Ltmp0, $3  }
0x25: {  	[tilespmem:s22+$0x9000] =	vst v0  }
0x26: {  	[tilespmem:s22+$0x9010] =	vst v0;
	_ =	sdelay $0x1  }
0x27: {  	s22 =	sshra.s32 s25, $0x2  }
0x28: {  	[tilespmem:s22+$0x9030] =	vst v0  }
0x29: {  	[tilespmem:s22+$0x9020] =	vst v0  }
0x2a: {  	[tilespmem:s22+$0x9000] =	vst v0  }
0x2b: {  	[tilespmem:s22+$0x9010] =	vst v0  }
0x2c: {  	[spmem:s10] =	stream.linear.scatter [tilespmem:s29], [sflag:$0x4], $0x2000, $0x38;
	[tilespmem:$0x1EC40] =	vst v63  }
0x2d: {  	_ =	swait.ge [sflag:s30], $0x2000  }
0x2e: {  	[sflag:s30] =	ssyncset.done $0x0  }
0x2f: {  	[sflag:s30] =	ssyncadd.s32 $0xFFFFE000  }
0x30: {  	[spmem:s11] =	stream.linear.scatter [tilespmem:s29], [sflag:$0x4], $0x2000, $0x38;
	[tilespmem:$0x1EC40] =	vst v63  }
0x31: {  	_ =	swait.ge [sflag:s30], $0x2000  }
0x32: {  	[sflag:s30] =	ssyncset.done $0x0  }
0x33: {  	[sflag:s30] =	ssyncadd.s32 $0xFFFFE000  }
0x34: {  	[spmem:s12] =	stream.linear.scatter [tilespmem:s29], [sflag:$0x4], $0x2000, $0x38;
	[tilespmem:$0x1EC40] =	vst v63  }
0x35: {  	_ =	swait.ge [sflag:s30], $0x2000  }
0x36: {  	[sflag:s30] =	ssyncset.done $0x0  }
0x37: {  	[sflag:s30] =	ssyncadd.s32 $0xFFFFE000  }
0x38: {  	[spmem:s13] =	stream.linear.scatter [tilespmem:s29], [sflag:$0x4], $0x2000, $0x38;
	[tilespmem:$0x1EC40] =	vst v63  }
0x39: {  	_ =	swait.ge [sflag:s30], $0x2000  }
0x3a: {  	[sflag:s30] =	ssyncset.done $0x0  }
0x3b: {  	[sflag:s30] =	ssyncadd.s32 $0xFFFFE000  }
0x3c: {  	[spmem:s14] =	stream.linear.scatter [tilespmem:s29], [sflag:$0x4], $0x2000, $0x38;
	[tilespmem:$0x1EC40] =	vst v63  }
0x3d: {  	_ =	swait.ge [sflag:s30], $0x2000  }
0x3e: {  	[sflag:s30] =	ssyncset.done $0x0  }
0x3f: {  	[sflag:s30] =	ssyncadd.s32 $0xFFFFE000  }
0x40: {  	_ =	swait.ge [sflag:s31], $0x1388  }
0x41: {  	[sflag:s31] =	ssyncset.done $0x0  }
0x42: {  	[sflag:s31] =	ssyncadd.s32 $0xFFFFEC78  }
0x43: {  	_ =	swait.ge [sflag:s0], $0x2800  }
0x44: {  	[sflag:s0] =	ssyncset.done $0x0  }
0x45: {  	[sflag:s0] =	ssyncadd.s32 $0xFFFFD800  }
0x46: {  	_ =	swait.ge [sflag:s2], $0x2800  }
0x47: {  	[sflag:s2] =	ssyncset.done $0x0  }
0x48: {  	[sflag:s2] =	ssyncadd.s32 $0xFFFFD800  }
0x49: {  	s23 =	simm.s32 $0x0;
	[bflag:$0x0] =	sbarrier.arrive $0xFFFF  }
0x4a: {  	[tilespmem:s6], [sflag:$0x1] =	stream.indirect.gather [spmem:s1], $0x40, s23, s5, $0xb8;
	[tilespmem:$0x1EC40] =	vst v63  }
0x4b: {  	_ = 	snop  }
0x4c: {  	[tilespmem:s8], [sflag:$0x2] =	stream.indirect.gather [spmem:s1], $0x40, s5, s5, $0xb8;
	[tilespmem:$0x1EC40] =	vst v63  }
0x4d: {  	_ =	swait.ge [sflag:s0], $0x2000  }
0x4e: {  	[sflag:s0] =	ssyncset.done $0x0  }
0x4f: {  	s25 =	simm.s32 $0x2800;
	[sflag:s0] =	ssyncadd.s32 $0xFFFFE000  }
0x50: {  	[spmem:s3] =	stream.indirect.scatter.add.f32 [tilespmem:s6], [sflag:$0x4], $0x40, s25, s5, $0xb8;
	[tilespmem:$0x1EC40] =	vst v63  }
0x51: {  	_ =	swait.ge [sflag:s30], $0x2000  }
0x52: {  	[sflag:s30] =	ssyncset.done $0x0  }
0x53: {  	s23 =	simm.s32 $0x100;
	[sflag:s30] =	ssyncadd.s32 $0xFFFFE000  }
0x54: {  	[tilespmem:s6], [sflag:$0x1] =	stream.indirect.gather [spmem:s1], $0x40, s23, s5, $0xb8;
	[tilespmem:$0x1EC40] =	vst v63  }
0x55: {  	_ =	swait.ge [sflag:s2], $0x2000  }
0x56: {  	[sflag:s2] =	ssyncset.done $0x0  }
0x57: {  	s25 =	simm.s32 $0x2880;
	[sflag:s2] =	ssyncadd.s32 $0xFFFFE000  }
0x58: {  	[spmem:s3] =	stream.indirect.scatter.add.f32 [tilespmem:s8], [sflag:$0x4], $0x40, s25, s5, $0xb8;
	[tilespmem:$0x1EC40] =	vst v63  }
0x59: {  	_ =	swait.ge [sflag:s30], $0x2000  }
0x5a: {  	[sflag:s30] =	ssyncset.done $0x0  }
0x5b: {  	s22 =	simm.s32 $0x400;
	s23 =	simm.s32 $0x180;
	[sflag:s30] =	ssyncadd.s32 $0xFFFFE000  }
.LBB2_4:
0x5c: {  	[tilespmem:s8], [sflag:$0x2] =	stream.indirect.gather [spmem:s1], $0x40, s23, s5, $0xb8;
	[tilespmem:$0x1EC40] =	vst v63  }
0x5d: {  	s23 =	smov.u32 s22  }
0x5e: {  	p0 =	sne.s32 s22, $0x9800;
	s22 =	sadd.s32 $0x400, s22;
	_ =	swait.ge [sflag:s0], $0x2000  }
0x5f: {  	s23 =	sshra.s32 s23, $0x2;
	[sflag:s0] =	ssyncset.done $0x0  }
0x60: {  	s25 =	sadd.s32 $0x2800, s23;
	[sflag:s0] =	ssyncadd.s32 $0xFFFFE000  }
0x61: {  	[spmem:s3] =	stream.indirect.scatter.add.f32 [tilespmem:s6], [sflag:$0x4], $0x40, s25, s5, $0xb8;
	[tilespmem:$0x1EC40] =	vst v63  }
0x62: {  	_ =	swait.ge [sflag:s30], $0x2000  }
0x63: {  	[sflag:s30] =	ssyncset.done $0x0  }
0x64: {  	s25 =	sadd.s32 $0x100, s23;
	[sflag:s30] =	ssyncadd.s32 $0xFFFFE000  }
0x65: {  	[tilespmem:s6], [sflag:$0x1] =	stream.indirect.gather [spmem:s1], $0x40, s25, s5, $0xb8;
	[tilespmem:$0x1EC40] =	vst v63  }
0x66: {  	_ =	swait.ge [sflag:s2], $0x2000  }
0x67: {  	[sflag:s2] =	ssyncset.done $0x0  }
.Ltmp1:
0x68: {  	s25 =	sadd.s32 $0x2880, s23;
	[sflag:s2] =	ssyncadd.s32 $0xFFFFE000;
	(pc) =	sbr.rel @p0 .LBB2_4-.Ltmp1, $4  }
0x69: {  	[spmem:s3] =	stream.indirect.scatter.add.f32 [tilespmem:s8], [sflag:$0x4], $0x40, s25, s5, $0xb8;
	[tilespmem:$0x1EC40] =	vst v63  }
0x6a: {  	_ =	swait.ge [sflag:s30], $0x2000  }
0x6b: {  	[sflag:s30] =	ssyncset.done $0x0  }
0x6c: {  	s23 =	sadd.s32 $0x180, s23;
	[sflag:s30] =	ssyncadd.s32 $0xFFFFE000  }
0x6d: {  	[tilespmem:s8], [sflag:$0x2] =	stream.indirect.gather [spmem:s1], $0x40, s23, s5, $0xb8;
	[tilespmem:$0x1EC40] =	vst v63  }
0x6e: {  	_ =	swait.ge [sflag:s0], $0x2000  }
0x6f: {  	[sflag:s0] =	ssyncset.done $0x0  }
0x70: {  	[sflag:s0] =	ssyncadd.s32 $0xFFFFE000  }
0x71: {  	[spmem:s3] =	stream.indirect.scatter.add.f32 [tilespmem:s6], [sflag:$0x4], $0x40, s9, s5, $0xb8;
	[tilespmem:$0x1EC40] =	vst v63  }
0x72: {  	_ =	swait.ge [sflag:s30], $0x2000  }
0x73: {  	[sflag:s30] =	ssyncset.done $0x0  }
0x74: {  	[sflag:s30] =	ssyncadd.s32 $0xFFFFE000  }
0x75: {  	_ =	swait.ge [sflag:s2], $0x2000  }
0x76: {  	[sflag:s2] =	ssyncset.done $0x0  }
0x77: {  	[sflag:s2] =	ssyncadd.s32 $0xFFFFE000  }
0x78: {  	[spmem:s3] =	stream.indirect.scatter.add.f32 [tilespmem:s8], [sflag:$0x4], $0x40, s7, s5, $0xb8;
	[tilespmem:$0x1EC40] =	vst v63  }
0x79: {  	_ =	swait.ge [sflag:s30], $0x2000  }
0x7a: {  	[sflag:s30] =	ssyncset.done $0x0  }
0x7b: {  	[sflag:s30] =	ssyncadd.s32 $0xFFFFE000  }
0x7c: {  	[bflag:$0x0] =	sbarrier.arrive $0xFFFF  }
0x7d: {  	[tilespmem:s29], [sflag:$0x4] =	stream.linear.gather [spmem:s10], $0x2000, $0x38;
	[tilespmem:$0x1EC40] =	vst v63  }
0x7e: {  	_ =	swait.ge [sflag:s30], $0x2000  }
0x7f: {  	[sflag:s30] =	ssyncset.done $0x0  }
0x80: {  	s22 =	sadd.s32 s16, s15;
	s23 =	simm.s32 $0x0;
	[sflag:s30] =	ssyncadd.s32 $0xFFFFE000  }
0x81: {  	[hbm4b:s22+s23] =	stream.linear.scatter [tilespmem:s29], [sflag:$0x4], $0x2000, $0x38;
	[tilespmem:$0x1EC40] =	vst v63  }
0x82: {  	_ =	swait.ge [sflag:s30], $0x2000  }
0x83: {  	[sflag:s30] =	ssyncset.done $0x0  }
0x84: {  	[sflag:s30] =	ssyncadd.s32 $0xFFFFE000  }
0x85: {  	[tilespmem:s29], [sflag:$0x4] =	stream.linear.gather [spmem:s11], $0x2000, $0x38;
	[tilespmem:$0x1EC40] =	vst v63  }
0x86: {  	_ =	swait.ge [sflag:s30], $0x2000  }
0x87: {  	[sflag:s30] =	ssyncset.done $0x0  }
0x88: {  	s25 =	sadd.s32 s17, s15;
	[sflag:s30] =	ssyncadd.s32 $0xFFFFE000  }
0x89: {  	[hbm4b:s25+s23] =	stream.linear.scatter [tilespmem:s29], [sflag:$0x4], $0x2000, $0x38;
	[tilespmem:$0x1EC40] =	vst v63  }
0x8a: {  	_ =	swait.ge [sflag:s30], $0x2000  }
0x8b: {  	[sflag:s30] =	ssyncset.done $0x0  }
0x8c: {  	[sflag:s30] =	ssyncadd.s32 $0xFFFFE000  }
0x8d: {  	[tilespmem:s29], [sflag:$0x4] =	stream.linear.gather [spmem:s12], $0x2000, $0x38;
	[tilespmem:$0x1EC40] =	vst v63  }
0x8e: {  	_ =	swait.ge [sflag:s30], $0x2000  }
0x8f: {  	[sflag:s30] =	ssyncset.done $0x0  }
0x90: {  	s25 =	sadd.s32 s18, s15;
	[sflag:s30] =	ssyncadd.s32 $0xFFFFE000  }
0x91: {  	[hbm4b:s25+s23] =	stream.linear.scatter [tilespmem:s29], [sflag:$0x4], $0x2000, $0x38;
	[tilespmem:$0x1EC40] =	vst v63  }
0x92: {  	_ =	swait.ge [sflag:s30], $0x2000  }
0x93: {  	[sflag:s30] =	ssyncset.done $0x0  }
0x94: {  	[sflag:s30] =	ssyncadd.s32 $0xFFFFE000  }
0x95: {  	[tilespmem:s29], [sflag:$0x4] =	stream.linear.gather [spmem:s13], $0x2000, $0x38;
	[tilespmem:$0x1EC40] =	vst v63  }
0x96: {  	_ =	swait.ge [sflag:s30], $0x2000  }
0x97: {  	[sflag:s30] =	ssyncset.done $0x0  }
0x98: {  	s25 =	sadd.s32 s19, s15;
	[sflag:s30] =	ssyncadd.s32 $0xFFFFE000  }
0x99: {  	[hbm4b:s25+s23] =	stream.linear.scatter [tilespmem:s29], [sflag:$0x4], $0x2000, $0x38;
	[tilespmem:$0x1EC40] =	vst v63  }
0x9a: {  	_ =	swait.ge [sflag:s30], $0x2000  }
0x9b: {  	[sflag:s30] =	ssyncset.done $0x0  }
0x9c: {  	[sflag:s30] =	ssyncadd.s32 $0xFFFFE000  }
0x9d: {  	[tilespmem:s29], [sflag:$0x4] =	stream.linear.gather [spmem:s14], $0x2000, $0x38;
	[tilespmem:$0x1EC40] =	vst v63  }
0x9e: {  	_ =	swait.ge [sflag:s30], $0x2000  }
0x9f: {  	[sflag:s30] =	ssyncset.done $0x0  }
0xa0: {  	s25 =	sadd.s32 s20, s15;
	[sflag:s30] =	ssyncadd.s32 $0xFFFFE000  }
0xa1: {  	[hbm4b:s25+s23] =	stream.linear.scatter [tilespmem:s29], [sflag:$0x4], $0x2000, $0x38;
	[tilespmem:$0x1EC40] =	vst v63  }
0xa2: {  	_ =	swait.ge [sflag:s30], $0x2000  }
0xa3: {  	[sflag:s30] =	ssyncset.done $0x0  }
0xa4: {  	s25 =	rddreg [dreg:$0x9];
	[sflag:s30] =	ssyncadd.s32 $0xFFFFE000  }
0xa5: {  	[tilespmem:s23], [sflag:$0x1] =	stream.linear.gather [hbm4b:s25+s23], $0x2800, $0x38;
	[tilespmem:$0x1EC40] =	vst v63  }
0xa6: {  	s22 =	rddreg [dreg:$0xa];
	s25 =	simm.s32 $0x2800  }
0xa7: {  	[tilespmem:s25], [sflag:$0x2] =	stream.linear.gather [hbm4b:s22+s23], $0x2800, $0x38;
	[tilespmem:$0x1EC40] =	vst v63  }
0xa8: {  	s23 =	simm.s32 $0x100;
	s22 =	simm.s32 $0x0  }
.LBB2_6:
0xa9: {  	p0 =	sne.s32 s23, $0x7F00;
	[tilespmem:s22+$0x9030] =	vst v0;
	s25 =	smov.u32 s23;
	s23 =	sadd.s32 $0x100, s23  }
.Ltmp2:
0xaa: {  	[tilespmem:s22+$0x9020] =	vst v0;
	(pc) =	sbr.rel @p0 .LBB2_6-.Ltmp2, $3  }
0xab: {  	[tilespmem:s22+$0x9000] =	vst v0  }
0xac: {  	[tilespmem:s22+$0x9010] =	vst v0;
	_ =	sdelay $0x1  }
0xad: {  	s22 =	sshra.s32 s25, $0x2  }
0xae: {  	[tilespmem:s22+$0x9030] =	vst v0  }
0xaf: {  	[tilespmem:s22+$0x9020] =	vst v0  }
0xb0: {  	[tilespmem:s22+$0x9000] =	vst v0  }
0xb1: {  	[tilespmem:s22+$0x9010] =	vst v0  }
0xb2: {  	[spmem:s10] =	stream.linear.scatter [tilespmem:s29], [sflag:$0x4], $0x2000, $0x38;
	[tilespmem:$0x1EC40] =	vst v63  }
0xb3: {  	_ =	swait.ge [sflag:s30], $0x2000  }
0xb4: {  	[sflag:s30] =	ssyncset.done $0x0  }
0xb5: {  	[sflag:s30] =	ssyncadd.s32 $0xFFFFE000  }
0xb6: {  	[spmem:s11] =	stream.linear.scatter [tilespmem:s29], [sflag:$0x4], $0x2000, $0x38;
	[tilespmem:$0x1EC40] =	vst v63  }
0xb7: {  	_ =	swait.ge [sflag:s30], $0x2000  }
0xb8: {  	[sflag:s30] =	ssyncset.done $0x0  }
0xb9: {  	[sflag:s30] =	ssyncadd.s32 $0xFFFFE000  }
0xba: {  	[spmem:s12] =	stream.linear.scatter [tilespmem:s29], [sflag:$0x4], $0x2000, $0x38;
	[tilespmem:$0x1EC40] =	vst v63  }
0xbb: {  	_ =	swait.ge [sflag:s30], $0x2000  }
0xbc: {  	[sflag:s30] =	ssyncset.done $0x0  }
0xbd: {  	[sflag:s30] =	ssyncadd.s32 $0xFFFFE000  }
0xbe: {  	[spmem:s13] =	stream.linear.scatter [tilespmem:s29], [sflag:$0x4], $0x2000, $0x38;
	[tilespmem:$0x1EC40] =	vst v63  }
0xbf: {  	_ =	swait.ge [sflag:s30], $0x2000  }
0xc0: {  	[sflag:s30] =	ssyncset.done $0x0  }
0xc1: {  	[sflag:s30] =	ssyncadd.s32 $0xFFFFE000  }
0xc2: {  	[spmem:s14] =	stream.linear.scatter [tilespmem:s29], [sflag:$0x4], $0x2000, $0x38;
	[tilespmem:$0x1EC40] =	vst v63  }
0xc3: {  	_ =	swait.ge [sflag:s30], $0x2000  }
0xc4: {  	[sflag:s30] =	ssyncset.done $0x0  }
0xc5: {  	s25 =	sor.u32 $0x1C04, s26;
	s23 =	rddreg [dreg:$0xb];
	[sflag:s30] =	ssyncadd.s32 $0xFFFFE000  }
0xc6: {  	[spmem:s21], [sflag:s25] =	dma.local [hbm:s23], $0x1388  }
0xc7: {  	_ =	swait.ge [sflag:s30], $0x1388  }
0xc8: {  	[sflag:s30] =	ssyncset.done $0x0  }
0xc9: {  	[sflag:s30] =	ssyncadd.s32 $0xFFFFEC78  }
0xca: {  	_ =	swait.ge [sflag:s0], $0x2800  }
0xcb: {  	[sflag:s0] =	ssyncset.done $0x0  }
0xcc: {  	[sflag:s0] =	ssyncadd.s32 $0xFFFFD800  }
0xcd: {  	_ =	swait.ge [sflag:s2], $0x2800  }
0xce: {  	[sflag:s2] =	ssyncset.done $0x0  }
0xcf: {  	[sflag:s2] =	ssyncadd.s32 $0xFFFFD800  }
0xd0: {  	s25 =	simm.s32 $0x0;
	[bflag:$0x0] =	sbarrier.arrive $0xFFFF  }
0xd1: {  	[tilespmem:s6], [sflag:$0x1] =	stream.indirect.gather [spmem:s1], $0x40, s25, s5, $0xb8;
	[tilespmem:$0x1EC40] =	vst v63  }
0xd2: {  	_ = 	snop  }
0xd3: {  	[tilespmem:s8], [sflag:$0x2] =	stream.indirect.gather [spmem:s1], $0x40, s5, s5, $0xb8;
	[tilespmem:$0x1EC40] =	vst v63  }
0xd4: {  	_ =	swait.ge [sflag:s0], $0x2000  }
0xd5: {  	[sflag:s0] =	ssyncset.done $0x0  }
0xd6: {  	s22 =	simm.s32 $0x2800;
	[sflag:s0] =	ssyncadd.s32 $0xFFFFE000  }
0xd7: {  	[spmem:s3] =	stream.indirect.scatter.add.f32 [tilespmem:s6], [sflag:$0x4], $0x40, s22, s5, $0xb8;
	[tilespmem:$0x1EC40] =	vst v63  }
0xd8: {  	_ =	swait.ge [sflag:s30], $0x2000  }
0xd9: {  	[sflag:s30] =	ssyncset.done $0x0  }
0xda: {  	s23 =	simm.s32 $0x100;
	[sflag:s30] =	ssyncadd.s32 $0xFFFFE000  }
0xdb: {  	[tilespmem:s6], [sflag:$0x1] =	stream.indirect.gather [spmem:s1], $0x40, s23, s5, $0xb8;
	[tilespmem:$0x1EC40] =	vst v63  }
0xdc: {  	_ =	swait.ge [sflag:s2], $0x2000  }
0xdd: {  	[sflag:s2] =	ssyncset.done $0x0  }
0xde: {  	s25 =	simm.s32 $0x2880;
	[sflag:s2] =	ssyncadd.s32 $0xFFFFE000  }
0xdf: {  	[spmem:s3] =	stream.indirect.scatter.add.f32 [tilespmem:s8], [sflag:$0x4], $0x40, s25, s5, $0xb8;
	[tilespmem:$0x1EC40] =	vst v63  }
0xe0: {  	_ =	swait.ge [sflag:s30], $0x2000  }
0xe1: {  	[sflag:s30] =	ssyncset.done $0x0  }
0xe2: {  	s21 =	simm.s32 $0x400;
	s22 =	simm.s32 $0x180;
	[sflag:s30] =	ssyncadd.s32 $0xFFFFE000  }
.LBB2_8:
0xe3: {  	[tilespmem:s8], [sflag:$0x2] =	stream.indirect.gather [spmem:s1], $0x40, s22, s5, $0xb8;
	[tilespmem:$0x1EC40] =	vst v63  }
0xe4: {  	s22 =	smov.u32 s21  }
0xe5: {  	p0 =	sne.s32 s21, $0x9800;
	s21 =	sadd.s32 $0x400, s21;
	_ =	swait.ge [sflag:s0], $0x2000  }
0xe6: {  	s22 =	sshra.s32 s22, $0x2;
	[sflag:s0] =	ssyncset.done $0x0  }
0xe7: {  	s23 =	sadd.s32 $0x2800, s22;
	[sflag:s0] =	ssyncadd.s32 $0xFFFFE000  }
0xe8: {  	[spmem:s3] =	stream.indirect.scatter.add.f32 [tilespmem:s6], [sflag:$0x4], $0x40, s23, s5, $0xb8;
	[tilespmem:$0x1EC40] =	vst v63  }
0xe9: {  	_ =	swait.ge [sflag:s30], $0x2000  }
0xea: {  	[sflag:s30] =	ssyncset.done $0x0  }
0xeb: {  	s23 =	sadd.s32 $0x100, s22;
	[sflag:s30] =	ssyncadd.s32 $0xFFFFE000  }
0xec: {  	[tilespmem:s6], [sflag:$0x1] =	stream.indirect.gather [spmem:s1], $0x40, s23, s5, $0xb8;
	[tilespmem:$0x1EC40] =	vst v63  }
0xed: {  	_ =	swait.ge [sflag:s2], $0x2000  }
0xee: {  	[sflag:s2] =	ssyncset.done $0x0  }
.Ltmp3:
0xef: {  	s23 =	sadd.s32 $0x2880, s22;
	[sflag:s2] =	ssyncadd.s32 $0xFFFFE000;
	(pc) =	sbr.rel @p0 .LBB2_8-.Ltmp3, $4  }
0xf0: {  	[spmem:s3] =	stream.indirect.scatter.add.f32 [tilespmem:s8], [sflag:$0x4], $0x40, s23, s5, $0xb8;
	[tilespmem:$0x1EC40] =	vst v63  }
0xf1: {  	_ =	swait.ge [sflag:s30], $0x2000  }
0xf2: {  	[sflag:s30] =	ssyncset.done $0x0  }
0xf3: {  	s22 =	sadd.s32 $0x180, s22;
	[sflag:s30] =	ssyncadd.s32 $0xFFFFE000  }
0xf4: {  	[tilespmem:s8], [sflag:$0x2] =	stream.indirect.gather [spmem:s1], $0x40, s22, s5, $0xb8;
	[tilespmem:$0x1EC40] =	vst v63  }
0xf5: {  	_ =	swait.ge [sflag:s0], $0x2000  }
0xf6: {  	[sflag:s0] =	ssyncset.done $0x0  }
0xf7: {  	[sflag:s0] =	ssyncadd.s32 $0xFFFFE000  }
0xf8: {  	[spmem:s3] =	stream.indirect.scatter.add.f32 [tilespmem:s6], [sflag:$0x4], $0x40, s9, s5, $0xb8;
	[tilespmem:$0x1EC40] =	vst v63  }
0xf9: {  	_ =	swait.ge [sflag:s30], $0x2000  }
0xfa: {  	[sflag:s30] =	ssyncset.done $0x0  }
0xfb: {  	[sflag:s30] =	ssyncadd.s32 $0xFFFFE000  }
0xfc: {  	_ =	swait.ge [sflag:s2], $0x2000  }
0xfd: {  	[sflag:s2] =	ssyncset.done $0x0  }
0xfe: {  	[sflag:s2] =	ssyncadd.s32 $0xFFFFE000  }
0xff: {  	[spmem:s3] =	stream.indirect.scatter.add.f32 [tilespmem:s8], [sflag:$0x4], $0x40, s7, s5, $0xb8;
	[tilespmem:$0x1EC40] =	vst v63  }
0x100: {  	_ =	swait.ge [sflag:s30], $0x2000  }
0x101: {  	[sflag:s30] =	ssyncset.done $0x0  }
0x102: {  	[sflag:s30] =	ssyncadd.s32 $0xFFFFE000  }
0x103: {  	[bflag:$0x0] =	sbarrier.arrive $0xFFFF  }
0x104: {  	[tilespmem:s29], [sflag:$0x4] =	stream.linear.gather [spmem:s10], $0x2000, $0x38;
	[tilespmem:$0x1EC40] =	vst v63  }
0x105: {  	_ =	swait.ge [sflag:s30], $0x2000  }
0x106: {  	[sflag:s30] =	ssyncset.done $0x0  }
0x107: {  	s21 =	sadd.s32 s16, s24;
	[sflag:s30] =	ssyncadd.s32 $0xFFFFE000  }
0x108: {  	[hbm4b:s21+s4] =	stream.linear.scatter [tilespmem:s29], [sflag:$0x4], $0x2000, $0x38;
	[tilespmem:$0x1EC40] =	vst v63  }
0x109: {  	_ =	swait.ge [sflag:s30], $0x2000  }
0x10a: {  	[sflag:s30] =	ssyncset.done $0x0  }
0x10b: {  	[sflag:s30] =	ssyncadd.s32 $0xFFFFE000  }
0x10c: {  	[tilespmem:s29], [sflag:$0x4] =	stream.linear.gather [spmem:s11], $0x2000, $0x38;
	[tilespmem:$0x1EC40] =	vst v63  }
0x10d: {  	_ =	swait.ge [sflag:s30], $0x2000  }
0x10e: {  	[sflag:s30] =	ssyncset.done $0x0  }
0x10f: {  	s23 =	sadd.s32 s17, s24;
	[sflag:s30] =	ssyncadd.s32 $0xFFFFE000  }
0x110: {  	[hbm4b:s23+s4] =	stream.linear.scatter [tilespmem:s29], [sflag:$0x4], $0x2000, $0x38;
	[tilespmem:$0x1EC40] =	vst v63  }
0x111: {  	_ =	swait.ge [sflag:s30], $0x2000  }
0x112: {  	[sflag:s30] =	ssyncset.done $0x0  }
0x113: {  	[sflag:s30] =	ssyncadd.s32 $0xFFFFE000  }
0x114: {  	[tilespmem:s29], [sflag:$0x4] =	stream.linear.gather [spmem:s12], $0x2000, $0x38;
	[tilespmem:$0x1EC40] =	vst v63  }
0x115: {  	_ =	swait.ge [sflag:s30], $0x2000  }
0x116: {  	[sflag:s30] =	ssyncset.done $0x0  }
0x117: {  	s25 =	sadd.s32 s18, s24;
	[sflag:s30] =	ssyncadd.s32 $0xFFFFE000  }
0x118: {  	[hbm4b:s25+s4] =	stream.linear.scatter [tilespmem:s29], [sflag:$0x4], $0x2000, $0x38;
	[tilespmem:$0x1EC40] =	vst v63  }
0x119: {  	_ =	swait.ge [sflag:s30], $0x2000  }
0x11a: {  	[sflag:s30] =	ssyncset.done $0x0  }
0x11b: {  	[sflag:s30] =	ssyncadd.s32 $0xFFFFE000  }
0x11c: {  	[tilespmem:s29], [sflag:$0x4] =	stream.linear.gather [spmem:s13], $0x2000, $0x38;
	[tilespmem:$0x1EC40] =	vst v63  }
0x11d: {  	_ =	swait.ge [sflag:s30], $0x2000  }
0x11e: {  	[sflag:s30] =	ssyncset.done $0x0  }
0x11f: {  	s22 =	sadd.s32 s19, s24;
	[sflag:s30] =	ssyncadd.s32 $0xFFFFE000  }
0x120: {  	[hbm4b:s22+s4] =	stream.linear.scatter [tilespmem:s29], [sflag:$0x4], $0x2000, $0x38;
	[tilespmem:$0x1EC40] =	vst v63  }
0x121: {  	_ =	swait.ge [sflag:s30], $0x2000  }
0x122: {  	[sflag:s30] =	ssyncset.done $0x0  }
0x123: {  	[sflag:s30] =	ssyncadd.s32 $0xFFFFE000  }
0x124: {  	[tilespmem:s29], [sflag:$0x4] =	stream.linear.gather [spmem:s14], $0x2000, $0x38;
	[tilespmem:$0x1EC40] =	vst v63  }
0x125: {  	_ =	swait.ge [sflag:s30], $0x2000  }
0x126: {  	[sflag:s30] =	ssyncset.done $0x0  }
0x127: {  	s23 =	sadd.s32 s20, s24;
	[sflag:s30] =	ssyncadd.s32 $0xFFFFE000  }
0x128: {  	[hbm4b:s23+s4] =	stream.linear.scatter [tilespmem:s29], [sflag:$0x4], $0x2000, $0x38;
	[tilespmem:$0x1EC40] =	vst v63  }
0x129: {  	_ =	swait.ge [sflag:s30], $0x2000  }
0x12a: {  	s28 =	sadd.s32 $0x1, s28;
	s25 =	rddreg [dreg:$0xc]  }
0x12b: {  	p0 =	sne.s32 s28, s25  }
.Ltmp4:
0x12c: {  	_ = 	snop;
	(pc) =	sbr.rel @p0 .LBB2_1-.Ltmp4, $3  }
0x12d: {  	_ =	sdelay $0x1  }
0x12e: {  	[sflag:s30] =	ssyncset.done $0x0  }
0x12f: {  	[sflag:s30] =	ssyncadd.s32 $0xFFFFE000  }
0x130: {  	_ =	sfence.sel $0x180000  }
0x131: {  	[bflag:$0x0] =	sbarrier.arrive $0xFFFF  }
0x132: {  	_ =	strace $0x9000004A  }
0x133: {  	s0 =	stileid.u32;
	[bflag:$0x2] =	sbarrier.arrive $0xFFFF  }
0x134: {  	p0 =	sne.s32 s0, $0x0;
	s0 =	rddreg [dreg:$0x4]  }
0x135: {  	s0 =	sadd.s32 @!p0 $0x100000, s0  }
0x136: {  	[sflag:s0] =	ssyncadd.tile.s32 @!p0 $0x1;
	_ =	shalt  }
.Lfunc_end2:
_tile_overlayer_lowered:
.L_overlay_start_2:
0x137: {  	(tag) =	ssettag $0x2  }
0x138: {  	s0 =	rddreg [dreg:$0x0];
	s2 =	stileid.u32  }
0x139: {  	s1 =	rddreg [dreg:$0x1];
	p0 =	sne.s32 s2, $0x0  }
0x13a: {  	s3 =	rddreg [dreg:$0x2];
	[bflag:$0x3] =	sbarrier.arrive $0xFFFF;
	s2 =	simm.s32 @!p0 $0x1C04  }
0x13b: {  	[timem:s3], [sflag:s2] =	dma.local @!p0 [hbm:s0], s1  }
0x13c: {  	s0 =	simm.s32 @!p0 $0x4  }
0x13d: {  	_ =	swait.ge @!p0 [sflag:s0], s1  }
0x13e: {  	s1 =	ssub.s32 @!p0 $0x0, s1;
	[sflag:s0] =	ssyncset.done @!p0 $0x0  }
0x13f: {  	[sflag:s0] =	ssyncadd.s32 @!p0 s1  }
0x140: {  	[bflag:$0x3] =	sbarrier.arrive $0xFFFF  }
0x141: {  	_ =	shalt  }

// kernel: kernel.14.cloned.1.call-start
scs
__scs_entry_jumppad:
0x0: {  	(pc) =	sbr.rel $0x88, $3  }
0x1: {  	(tag) =	ssettag $0x0;
	lr =	simm.s32 $0x1  }
0x2: {  	[smem:$0x3F90] =	sst lr;
	_ =	strace $0xD0000000  }
0x3: {  	_ = 	snop  }
0x4: {  	_ = 	snop  }
0x5: {  	_ = 	snop  }
0x6: {  	_ = 	snop  }
0x7: {  	_ = 	snop  }
__scs_overlays_trampoline_lowered:
0x8: {  	[smem:$0x3F9F] =	sst s0  }
0x9: {  	[smem:$0x3FA0] =	sst s1  }
0xa: {  	[smem:$0x3FA1] =	sst s2  }
0xb: {  	[smem:$0x3FA2] =	sst s3  }
0xc: {  	[smem:$0x3FA3] =	sst s4  }
0xd: {  	[smem:$0x3FA4] =	sst s5  }
0xe: {  	[smem:$0x3FA5] =	sst s6  }
0xf: {  	[smem:$0x3FA6] =	sst s7  }
0x10: {  	[smem:$0x3FA7] =	sst s8  }
0x11: {  	[smem:$0x3FA8] =	sst s9;
	s0 =	simm.s32 @!p0 $0x0  }
0x12: {  	s1 =	sld [smem:$0x3F8E];
	s0 =	simm.s32 @p0 $0x1  }
0x13: {  	[smem:$0x3FA9] =	sst s0;
	s0 =	simm.s32 @!p1 $0x0  }
0x14: {  	s2 =	sld [smem:$0x3F8D];
	s0 =	simm.s32 @p1 $0x1  }
0x15: {  	[smem:$0x3FAA] =	sst s0;
	s0 =	simm.s32 @!p2 $0x0  }
0x16: {  	s3 =	sld [smem:$0x3FDB];
	s0 =	simm.s32 @p2 $0x1  }
0x17: {  	s4 =	simm.s32 $0x1BF5;
	[smem:$0x3FAC] =	sst s0  }
0x18: {  	s0 =	sld [smem:$0x3F8F];
	_ =	swait.ge [sflag:s4], $0x0  }
0x19: {  	s7 =	sld [smem:$0x3F90]  }
0x1a: {  	s8 =	sadd.s32 $0xFFFFE003, lr  }
0x1b: {  	s9 =	sadd.s32 $0xFFFFFEF7, lr;
	s5 =	simm.s32 $0xFFFFFFFF;
	p2 =	slt.u32 s8, $0xFFFFF086  }
0x1c: {  	p1 =	slt.u32 s9, $0xF7A;
	s5 =	simm.s32 @!p2 $0x0  }
0x1d: {  	s5 =	simm.s32 @p1 $0x1;
	p0 =	seq.s32 s7, s2  }
0x1e: {  	s7 =	smul.u32 @!p0 $0xF7A, s2;
	p2 =	seq.s32 @!p0 s5, $0x0  }
0x1f: {  	s9 =	smul.u32 $0xF7A, s1;
	s8 =	simm.s32 @!p0 $0x1BF5;
	p2 =	por !p2, p0  }
0x20: {  	[sflag:s8] =	ssyncset.s32 @!p0 $0xFFFFF086;
	s6 =	sadd.s32 @!p0 s3, s7;
	s7 =	simm.s32 @!p0 $0x108  }
0x21: {  	s3 =	sadd.s32 s3, s9;
	s6 =	sadd.s32 @!p0 $0x88, s6;
	s7 =	simm.s32 @p2 $0x1082  }
0x22: {  	[simem:s7], [sflag:s8] =	dma.local @!p0 [hbm:s6], $0xF7A  }
0x23: {  	s9 =	sor.u32 $0xD0000000, s2;
	s6 =	simm.s32 $0x108;
	_ =	swait.ge @!p0 [sflag:s8], $0x0  }
0x24: {  	s3 =	sadd.s32 $0x88, s3;
	s6 =	simm.s32 @!p1 $0x1082;
	[sflag:s4] =	ssyncset.s32 $0xFFFFF086  }
0x25: {  	[simem:s6], [sflag:s4] =	dma.local [hbm:s3], $0xF7A  }
0x26: {  	[smem:$0x3F90] =	sst s1;
	(tag) =	ssettag s2;
	_ =	strace s9  }
0x27: {  	s1 =	sld [smem:$0x3FA0]  }
0x28: {  	s2 =	sld [smem:$0x3FA1]  }
0x29: {  	s4 =	sld [smem:$0x3FA3]  }
0x2a: {  	p0 =	seq.s32 s5, $0x0;
	s5 =	sld [smem:$0x3FA4]  }
0x2b: {  	s6 =	sld [smem:$0x3FA5]  }
0x2c: {  	s7 =	sld [smem:$0x3FA6]  }
0x2d: {  	s3 =	simm.s32 $0x108;
	s8 =	sld [smem:$0x3FA7]  }
0x2e: {  	s3 =	simm.s32 @!p0 $0x1082;
	s9 =	sld [smem:$0x3FA8]  }
0x2f: {  	lr =	sadd.s32 s0, s3;
	s0 =	sld [smem:$0x3F9F]  }
0x30: {  	s3 =	sld [smem:$0x3FA2]  }
0x31: {  	[smem:$0x3FAB] =	sst s10  }
0x32: {  	s10 =	sld [smem:$0x3FA9];
	_ =	sdelay $0x3  }
0x33: {  	p0 =	seq.s32 s10, $0x1;
	s10 =	sld [smem:$0x3FAB];
	_ =	sdelay $0x3  }
0x34: {  	[smem:$0x3FAB] =	sst s10  }
0x35: {  	s10 =	sld [smem:$0x3FAA];
	_ =	sdelay $0x3  }
0x36: {  	p1 =	seq.s32 s10, $0x1;
	s10 =	sld [smem:$0x3FAB];
	_ =	sdelay $0x3  }
0x37: {  	[smem:$0x3FAB] =	sst s10  }
0x38: {  	s10 =	sld [smem:$0x3FAC]  }
0x39: {  	_ = 	snop;
	(pc) =	sbr.ind lr, $3  }
0x3a: {  	_ = 	snop  }
0x3b: {  	_ = 	snop  }
0x3c: {  	p2 =	seq.s32 s10, $0x1;
	s10 =	sld [smem:$0x3FAB]  }
0x3d: {  	_ =	shalt  }
0x3e: {  	_ =	shalt  }
0x3f: {  	_ =	shalt  }
0x40: {  	_ =	shalt  }
0x41: {  	_ =	shalt  }
0x42: {  	_ =	shalt  }
0x43: {  	_ =	shalt  }
0x44: {  	_ =	shalt  }
0x45: {  	_ =	shalt  }
0x46: {  	_ =	shalt  }
0x47: {  	_ =	shalt  }
0x48: {  	_ =	shalt  }
0x49: {  	_ =	shalt  }
0x4a: {  	_ =	shalt  }
0x4b: {  	_ =	shalt  }
0x4c: {  	_ =	shalt  }
0x4d: {  	_ =	shalt  }
0x4e: {  	_ =	shalt  }
0x4f: {  	_ =	shalt  }
0x50: {  	_ =	shalt  }
0x51: {  	_ =	shalt  }
0x52: {  	_ =	shalt  }
0x53: {  	_ =	shalt  }
0x54: {  	_ =	shalt  }
0x55: {  	_ =	shalt  }
0x56: {  	_ =	shalt  }
0x57: {  	_ =	shalt  }
0x58: {  	_ =	shalt  }
0x59: {  	_ =	shalt  }
0x5a: {  	_ =	shalt  }
0x5b: {  	_ =	shalt  }
0x5c: {  	_ =	shalt  }
0x5d: {  	_ =	shalt  }
0x5e: {  	_ =	shalt  }
0x5f: {  	_ =	shalt  }
0x60: {  	_ =	shalt  }
0x61: {  	_ =	shalt  }
0x62: {  	_ =	shalt  }
0x63: {  	_ =	shalt  }
0x64: {  	_ =	shalt  }
0x65: {  	_ =	shalt  }
0x66: {  	_ =	shalt  }
0x67: {  	_ =	shalt  }
0x68: {  	_ =	shalt  }
0x69: {  	_ =	shalt  }
0x6a: {  	_ =	shalt  }
0x6b: {  	_ =	shalt  }
0x6c: {  	_ =	shalt  }
0x6d: {  	_ =	shalt  }
0x6e: {  	_ =	shalt  }
0x6f: {  	_ =	shalt  }
0x70: {  	_ =	shalt  }
0x71: {  	_ =	shalt  }
0x72: {  	_ =	shalt  }
0x73: {  	_ =	shalt  }
0x74: {  	_ =	shalt  }
0x75: {  	_ =	shalt  }
0x76: {  	_ =	shalt  }
0x77: {  	_ =	shalt  }
0x78: {  	_ =	shalt  }
0x79: {  	_ =	shalt  }
0x7a: {  	_ =	shalt  }
0x7b: {  	_ =	shalt  }
0x7c: {  	_ =	shalt  }
0x7d: {  	_ =	shalt  }
0x7e: {  	_ =	shalt  }
0x7f: {  	_ =	shalt  }
0x80: {  	_ =	shalt  }
0x81: {  	_ =	shalt  }
0x82: {  	_ =	shalt  }
0x83: {  	_ =	shalt  }
0x84: {  	_ =	shalt  }
0x85: {  	_ =	shalt  }
0x86: {  	_ =	shalt  }
0x87: {  	_ =	shalt  }
.Lfunc_end0:
.L_simem_size_0:
called_computation.2_lowered:
.L_overlay_start_0:
0x88: {  	s2 =	sld [smem:$0x3FD9]  }
0x89: {  	s3 =	sld [smem:$0x3FFE];
	_ =	sdelay $0x1  }
0x8a: {  	s1 =	srdreg.scid  }
0x8b: {  	s0 =	sand.u32 $0x1, s1  }
0x8c: {  	s17 =	sshll.u32 s0, $0xA;
	s2 =	sadd.s32 s3, s2  }
0x8d: {  	s2 =	sadd.s32 s2, s17  }
0x8e: {  	[smem:$0x3FB7] =	sst s2  }
0x8f: {  	_ = 	snop  }
0x90: {  	s2 =	sld [smem:$0x3FD0];
	(tm) =	ssettm $0x1  }
0x91: {  	s18 =	sld [smem:$0x3FFB];
	_ =	sdelay $0x3  }
0x92: {  	_ =	strace s18  }
0x93: {  	s3 =	sld [smem:$0x3FFC];
	_ =	sdelay $0x3  }
0x94: {  	_ =	strace s3  }
0x95: {  	s3 =	sld [smem:$0x3FFD];
	_ =	sdelay $0x3  }
0x96: {  	_ =	strace s3  }
0x97: {  	_ =	strace $0x8FFFFFFF  }
0x98: {  	s19 =	sld [smem:$0x3FDB];
	_ =	sdelay $0x1  }
0x99: {  	s4 =	simm.s32 $_scs_section_size  }
0x9a: {  	s5 =	simm.s32 $_size__tile_overlayer_lowered;
	s6 =	simm.s32 $_tile_overlayer_lowered  }
0x9b: {  	s22 =	simm.s32 $0x1BFF;
	s21 =	sshll.u32 s6, $0x1;
	s3 =	sadd.s32 s4, s19  }
0x9c: {  	s7 =	simm.s32 $0x0;
	s20 =	sshll.u32 s5, $0x1;
	s5 =	sadd.s32 s21, s3  }
0x9d: {  	[timem:s7], [sflag:s22] =	dma.local [hbm:s5], s20  }
0x9e: {  	_ =	swait.ge [sflag:s22], s20  }
0x9f: {  	s4 =	ssub.s32 $0x0, s20;
	[sflag:s22] =	ssyncset.done $0x0  }
0xa0: {  	[sflag:s22] =	ssyncadd.s32 s4;
	_ =	sdelay $0x1  }
0xa1: {  	s23 =	simm.s32 $0x1B8B  }
0xa2: {  	_ =	swait.ge [sflag:s23], $0x1  }
0xa3: {  	[sflag:s23] =	ssyncset.done $0x0  }
0xa4: {  	s25 =	simm.s32 $0x1B8E;
	s24 =	sld [smem:$0x3FFE];
	[sflag:s23] =	ssyncadd.s32 $0xFFFFFFFF  }
0xa5: {  	s26 =	simm.s32 $execute0_lowered;
	[smem:$0x3FD2] =	sst s25  }
0xa6: {  	s5 =	sshll.u32 s26, $0x1;
	_ =	strace $0x8000004C;
	[dreg:$0x1] =	wrdreg $0xFFFFFFFF  }
0xa7: {  	s28 =	simm.s32 $_size_execute0_lowered;
	s3 =	sadd.s32 s3, s5;
	[dreg:$0x0] =	wrdreg $0x0  }
0xa8: {  	s5 =	sshll.u32 s28, $0x1;
	[dreg:$0x2] =	wrdreg s3  }
0xa9: {  	[dreg:$0x3] =	wrdreg s5  }
0xaa: {  	[dreg:$0x4] =	wrdreg $0xC0  }
0xab: {  	_ =	task [dreg:s7], $0x5FFFF  }
0xac: {  	[dreg:$0x1] =	wrdreg $0xFFFFFFFF  }
0xad: {  	[dreg:$0x0] =	wrdreg $0x60  }
0xae: {  	[dreg:$0x2] =	wrdreg s2  }
0xaf: {  	[dreg:$0x3] =	wrdreg s24  }
0xb0: {  	[dreg:$0x4] =	wrdreg $0xB0000  }
0xb1: {  	[dreg:$0x5] =	wrdreg $0x14C400  }
0xb2: {  	[dreg:$0x6] =	wrdreg $0x9  }
0xb3: {  	_ =	task.clear_ibuf [dreg:s7], $0x7FFFF;
	_ =	strace $0x9000004C  }
0xb4: {  	s29 =	simm.s32 $0x9;
	_ =	strace $0x8000004E  }
0xb5: {  	_ =	swait.ge [sflag:s29], $0x1  }
0xb6: {  	[sflag:s29] =	ssyncadd.s32 $0xFFFFFFFF  }
0xb7: {  	_ =	strace $0x9000004E  }
0xb8: {  	_ =	sfence  }
0xb9: {  	s30 =	sld [smem:$0x0];
	_ =	sdelay $0x2  }
0xba: {  	s31 =	sshll.u32 s1, $0xD;
	s1 =	sshrl.u32 s1, $0x2  }
0xbb: {  	s3 =	sand.u32 $0x4000, s31;
	s1 =	sadd.s32 s1, s30  }
0xbc: {  	s0 =	sor.u32 s3, s0;
	s1 =	sshll.u32 s1, $0x11  }
0xbd: {  	s0 =	sor.u32 s1, s0  }
0xbe: {  	s0 =	sadd.s32 $0x8F2B, s0  }
0xbf: {  	[sflag:s0] =	ssyncadd.remote.s32 $0x1  }
0xc0: {  	_ =	sfence.sel $0xFFFF  }
0xc1: {  	[dreg:$0x0] =	wrdreg $0xFFFFFFFF;
	(pc) =	sbr.abs _section_cstart, $3  }
0xc2: {  	[dreg:$0x1] =	wrdreg $0xFFFFFFFF  }
0xc3: {  	_ =	task.clear_ibuf [dreg:s7], $0x2FFFF;
	_ =	strace $0x9FFFFFFF  }
0xc4: {  	(tm) =	ssettm $0x7FFFFFFF  }
0xc5: {  	_ =	shalt  }
tec
execute0_lowered:
.L_overlay_start_1:
0x0: {  	(tag) =	ssettag $0x1  }
0x1: {  	s0 =	rddreg [dreg:$0x0]  }
0x2: {  	s2 =	rddreg [dreg:$0x1]  }
0x3: {  	s1 =	rddreg [dreg:$0x2];
	s4 =	srdreg.scid  }
0x4: {  	s3 =	rddreg [dreg:$0x3];
	s10 =	stileid.u32;
	s29 =	simm.s32 $0x9000  }
0x5: {  	s30 =	simm.s32 $0x4;
	s31 =	simm.s32 $0x3;
	s28 =	simm.s32 $0x0  }
0x6: {  	s5 =	sand.u32 $0x1, s4;
	s4 =	simm.s32 $0x0;
	s7 =	smul.u32 $0x9C40, s10  }
0x7: {  	s16 =	smul.u32 $0xA000, s10;
	s22 =	sshll.u32 s10, $0x6;
	s6 =	sshll.u32 s5, $0x4  }
0x8: {  	[smem:$0x7FF] =	sst s4;
	s9 =	smul.u32 $0x14000, s5;
	s5 =	ssub.s32 $0x2, s5  }
0x9: {  	s6 =	sor.u32 s10, s6;
	_ =	strace $0x8000004D;
	s8 =	sshrl.u32 s7, $0x3  }
0xa: {  	s18 =	sshrl.u32 s5, $0x1;
	s7 =	sadd.s32 s7, s1;
	s20 =	sadd.s32 $0x2000, s16  }
0xb: {  	s10 =	sadd.s32 s16, s3;
	s24 =	sadd.s32 $0x4000, s16;
	s25 =	sadd.s32 $0x6000, s16  }
0xc: {  	s26 =	sadd.s32 $0x8000, s16;
	s16 =	sshrl.u32 s16, $0x3;
	s6 =	smul.u32 $0x500, s6  }
0xd: {  	s21 =	sadd.s32 s8, s2;
	s5 =	ssub.s32 s5, s18;
	[dreg:$0x5] =	wrdreg s7  }
0xe: {  	s0 =	sadd.s32 s0, s8;
	s11 =	sadd.s32 s20, s3;
	s12 =	sadd.s32 s24, s3  }
0xf: {  	s13 =	sadd.s32 s25, s3;
	s14 =	sadd.s32 s26, s3;
	s17 =	sshrl.u32 s20, $0x3  }
0x10: {  	s18 =	sshrl.u32 s24, $0x3;
	s20 =	sshrl.u32 s26, $0x3;
	s26 =	smov.u32 s22  }
0x11: {  	s7 =	simm.s32 $0x4F80;
	[dreg:$0x6] =	wrdreg s0;
	s21 =	sadd.s32 $0x18400, s21  }
0x12: {  	s0 =	simm.s32 $0x1;
	s6 =	sadd.s32 s6, s2;
	s2 =	sadd.s32 s9, s2  }
0x13: {  	[dreg:$0xb] =	wrdreg s21;
	s19 =	sadd.s32 $0x36400, s6;
	s23 =	sadd.s32 $0xE400, s6  }
0x14: {  	s15 =	sadd.s32 $0x90400, s2;
	s8 =	sadd.s32 $0x2C400, s6;
	[dreg:$0x7] =	wrdreg s19  }
0x15: {  	s9 =	sadd.s32 $0x4400, s6;
	s24 =	sadd.s32 $0x68400, s2;
	[dreg:$0x8] =	wrdreg s23  }
0x16: {  	s2 =	simm.s32 $0x2;
	s6 =	simm.s32 $0x5000;
	[dreg:$0x9] =	wrdreg s8  }
0x17: {  	s19 =	sshrl.u32 s25, $0x3;
	[dreg:$0xa] =	wrdreg s9;
	s23 =	smax.u32 s5, $0x1  }
0x18: {  	s25 =	sor.u32 $0x1C03, s22;
	s5 =	simm.s32 $0x80;
	[dreg:$0xc] =	wrdreg s23  }
0x19: {  	v0 =	vimm.f32 $0.0e+00;
	s8 =	simm.s32 $0x7000;
	s9 =	simm.s32 $0x4F00;
	[dreg:$0xd] =	wrdreg s25  }
.LBB2_1:
0x1a: {  	s21 =	rddreg [dreg:$0x5]  }
0x1b: {  	s22 =	rddreg [dreg:$0x6]  }
0x1c: {  	s23 =	rddreg [dreg:$0xd];
	s21 =	sshrl.u32 s21, $0x3  }
0x1d: {  	[spmem:s21], [sflag:s23] =	dma.local [hbm:s22], $0x1388  }
0x1e: {  	s22 =	rddreg [dreg:$0x7]  }
0x1f: {  	[tilespmem:s4], [sflag:$0x1] =	stream.linear.gather [hbm4b:s22+s4], $0x2800, $0x38;
	[tilespmem:$0x1EC40] =	vst v63  }
0x20: {  	s25 =	simm.s32 $0x2800;
	s23 =	rddreg [dreg:$0x8]  }
0x21: {  	[tilespmem:s25], [sflag:$0x2] =	stream.linear.gather [hbm4b:s23+s4], $0x2800, $0x38;
	[tilespmem:$0x1EC40] =	vst v63  }
0x22: {  	s22 =	simm.s32 $0x0;
	s23 =	simm.s32 $0x100  }
.LBB2_2:
0x23: {  	p0 =	sne.s32 s23, $0x7F00;
	[tilespmem:s22+$0x9030] =	vst v0;
	s25 =	smov.u32 s23;
	s23 =	sadd.s32 $0x100, s23  }
.Ltmp0:
0x24: {  	[tilespmem:s22+$0x9020] =	vst v0;
	(pc) =	sbr.rel @p0 .LBB2_2-.Ltmp0, $3  }
0x25: {  	[tilespmem:s22+$0x9000] =	vst v0  }
0x26: {  	[tilespmem:s22+$0x9010] =	vst v0;
	_ =	sdelay $0x1  }
0x27: {  	s22 =	sshra.s32 s25, $0x2  }
0x28: {  	[tilespmem:s22+$0x9030] =	vst v0  }
0x29: {  	[tilespmem:s22+$0x9020] =	vst v0  }
0x2a: {  	[tilespmem:s22+$0x9000] =	vst v0  }
0x2b: {  	[tilespmem:s22+$0x9010] =	vst v0  }
0x2c: {  	[spmem:s10] =	stream.linear.scatter [tilespmem:s29], [sflag:$0x4], $0x2000, $0x38;
	[tilespmem:$0x1EC40] =	vst v63  }
0x2d: {  	_ =	swait.ge [sflag:s30], $0x2000  }
0x2e: {  	[sflag:s30] =	ssyncset.done $0x0  }
0x2f: {  	[sflag:s30] =	ssyncadd.s32 $0xFFFFE000  }
0x30: {  	[spmem:s11] =	stream.linear.scatter [tilespmem:s29], [sflag:$0x4], $0x2000, $0x38;
	[tilespmem:$0x1EC40] =	vst v63  }
0x31: {  	_ =	swait.ge [sflag:s30], $0x2000  }
0x32: {  	[sflag:s30] =	ssyncset.done $0x0  }
0x33: {  	[sflag:s30] =	ssyncadd.s32 $0xFFFFE000  }
0x34: {  	[spmem:s12] =	stream.linear.scatter [tilespmem:s29], [sflag:$0x4], $0x2000, $0x38;
	[tilespmem:$0x1EC40] =	vst v63  }
0x35: {  	_ =	swait.ge [sflag:s30], $0x2000  }
0x36: {  	[sflag:s30] =	ssyncset.done $0x0  }
0x37: {  	[sflag:s30] =	ssyncadd.s32 $0xFFFFE000  }
0x38: {  	[spmem:s13] =	stream.linear.scatter [tilespmem:s29], [sflag:$0x4], $0x2000, $0x38;
	[tilespmem:$0x1EC40] =	vst v63  }
0x39: {  	_ =	swait.ge [sflag:s30], $0x2000  }
0x3a: {  	[sflag:s30] =	ssyncset.done $0x0  }
0x3b: {  	[sflag:s30] =	ssyncadd.s32 $0xFFFFE000  }
0x3c: {  	[spmem:s14] =	stream.linear.scatter [tilespmem:s29], [sflag:$0x4], $0x2000, $0x38;
	[tilespmem:$0x1EC40] =	vst v63  }
0x3d: {  	_ =	swait.ge [sflag:s30], $0x2000  }
0x3e: {  	[sflag:s30] =	ssyncset.done $0x0  }
0x3f: {  	[sflag:s30] =	ssyncadd.s32 $0xFFFFE000  }
0x40: {  	_ =	swait.ge [sflag:s31], $0x1388  }
0x41: {  	[sflag:s31] =	ssyncset.done $0x0  }
0x42: {  	[sflag:s31] =	ssyncadd.s32 $0xFFFFEC78  }
0x43: {  	_ =	swait.ge [sflag:s0], $0x2800  }
0x44: {  	[sflag:s0] =	ssyncset.done $0x0  }
0x45: {  	[sflag:s0] =	ssyncadd.s32 $0xFFFFD800  }
0x46: {  	_ =	swait.ge [sflag:s2], $0x2800  }
0x47: {  	[sflag:s2] =	ssyncset.done $0x0  }
0x48: {  	[sflag:s2] =	ssyncadd.s32 $0xFFFFD800  }
0x49: {  	s23 =	simm.s32 $0x0;
	[bflag:$0x0] =	sbarrier.arrive $0xFFFF  }
0x4a: {  	[tilespmem:s6], [sflag:$0x1] =	stream.indirect.gather [spmem:s1], $0x40, s23, s5, $0xb8;
	[tilespmem:$0x1EC40] =	vst v63  }
0x4b: {  	_ = 	snop  }
0x4c: {  	[tilespmem:s8], [sflag:$0x2] =	stream.indirect.gather [spmem:s1], $0x40, s5, s5, $0xb8;
	[tilespmem:$0x1EC40] =	vst v63  }
0x4d: {  	_ =	swait.ge [sflag:s0], $0x2000  }
0x4e: {  	[sflag:s0] =	ssyncset.done $0x0  }
0x4f: {  	s25 =	simm.s32 $0x2800;
	[sflag:s0] =	ssyncadd.s32 $0xFFFFE000  }
0x50: {  	[spmem:s3] =	stream.indirect.scatter.add.f32 [tilespmem:s6], [sflag:$0x4], $0x40, s25, s5, $0xb8;
	[tilespmem:$0x1EC40] =	vst v63  }
0x51: {  	_ =	swait.ge [sflag:s30], $0x2000  }
0x52: {  	[sflag:s30] =	ssyncset.done $0x0  }
0x53: {  	s23 =	simm.s32 $0x100;
	[sflag:s30] =	ssyncadd.s32 $0xFFFFE000  }
0x54: {  	[tilespmem:s6], [sflag:$0x1] =	stream.indirect.gather [spmem:s1], $0x40, s23, s5, $0xb8;
	[tilespmem:$0x1EC40] =	vst v63  }
0x55: {  	_ =	swait.ge [sflag:s2], $0x2000  }
0x56: {  	[sflag:s2] =	ssyncset.done $0x0  }
0x57: {  	s25 =	simm.s32 $0x2880;
	[sflag:s2] =	ssyncadd.s32 $0xFFFFE000  }
0x58: {  	[spmem:s3] =	stream.indirect.scatter.add.f32 [tilespmem:s8], [sflag:$0x4], $0x40, s25, s5, $0xb8;
	[tilespmem:$0x1EC40] =	vst v63  }
0x59: {  	_ =	swait.ge [sflag:s30], $0x2000  }
0x5a: {  	[sflag:s30] =	ssyncset.done $0x0  }
0x5b: {  	s22 =	simm.s32 $0x400;
	s23 =	simm.s32 $0x180;
	[sflag:s30] =	ssyncadd.s32 $0xFFFFE000  }
.LBB2_4:
0x5c: {  	[tilespmem:s8], [sflag:$0x2] =	stream.indirect.gather [spmem:s1], $0x40, s23, s5, $0xb8;
	[tilespmem:$0x1EC40] =	vst v63  }
0x5d: {  	s23 =	smov.u32 s22  }
0x5e: {  	p0 =	sne.s32 s22, $0x9800;
	s22 =	sadd.s32 $0x400, s22;
	_ =	swait.ge [sflag:s0], $0x2000  }
0x5f: {  	s23 =	sshra.s32 s23, $0x2;
	[sflag:s0] =	ssyncset.done $0x0  }
0x60: {  	s25 =	sadd.s32 $0x2800, s23;
	[sflag:s0] =	ssyncadd.s32 $0xFFFFE000  }
0x61: {  	[spmem:s3] =	stream.indirect.scatter.add.f32 [tilespmem:s6], [sflag:$0x4], $0x40, s25, s5, $0xb8;
	[tilespmem:$0x1EC40] =	vst v63  }
0x62: {  	_ =	swait.ge [sflag:s30], $0x2000  }
0x63: {  	[sflag:s30] =	ssyncset.done $0x0  }
0x64: {  	s25 =	sadd.s32 $0x100, s23;
	[sflag:s30] =	ssyncadd.s32 $0xFFFFE000  }
0x65: {  	[tilespmem:s6], [sflag:$0x1] =	stream.indirect.gather [spmem:s1], $0x40, s25, s5, $0xb8;
	[tilespmem:$0x1EC40] =	vst v63  }
0x66: {  	_ =	swait.ge [sflag:s2], $0x2000  }
0x67: {  	[sflag:s2] =	ssyncset.done $0x0  }
.Ltmp1:
0x68: {  	s25 =	sadd.s32 $0x2880, s23;
	[sflag:s2] =	ssyncadd.s32 $0xFFFFE000;
	(pc) =	sbr.rel @p0 .LBB2_4-.Ltmp1, $4  }
0x69: {  	[spmem:s3] =	stream.indirect.scatter.add.f32 [tilespmem:s8], [sflag:$0x4], $0x40, s25, s5, $0xb8;
	[tilespmem:$0x1EC40] =	vst v63  }
0x6a: {  	_ =	swait.ge [sflag:s30], $0x2000  }
0x6b: {  	[sflag:s30] =	ssyncset.done $0x0  }
0x6c: {  	s23 =	sadd.s32 $0x180, s23;
	[sflag:s30] =	ssyncadd.s32 $0xFFFFE000  }
0x6d: {  	[tilespmem:s8], [sflag:$0x2] =	stream.indirect.gather [spmem:s1], $0x40, s23, s5, $0xb8;
	[tilespmem:$0x1EC40] =	vst v63  }
0x6e: {  	_ =	swait.ge [sflag:s0], $0x2000  }
0x6f: {  	[sflag:s0] =	ssyncset.done $0x0  }
0x70: {  	[sflag:s0] =	ssyncadd.s32 $0xFFFFE000  }
0x71: {  	[spmem:s3] =	stream.indirect.scatter.add.f32 [tilespmem:s6], [sflag:$0x4], $0x40, s9, s5, $0xb8;
	[tilespmem:$0x1EC40] =	vst v63  }
0x72: {  	_ =	swait.ge [sflag:s30], $0x2000  }
0x73: {  	[sflag:s30] =	ssyncset.done $0x0  }
0x74: {  	[sflag:s30] =	ssyncadd.s32 $0xFFFFE000  }
0x75: {  	_ =	swait.ge [sflag:s2], $0x2000  }
0x76: {  	[sflag:s2] =	ssyncset.done $0x0  }
0x77: {  	[sflag:s2] =	ssyncadd.s32 $0xFFFFE000  }
0x78: {  	[spmem:s3] =	stream.indirect.scatter.add.f32 [tilespmem:s8], [sflag:$0x4], $0x40, s7, s5, $0xb8;
	[tilespmem:$0x1EC40] =	vst v63  }
0x79: {  	_ =	swait.ge [sflag:s30], $0x2000  }
0x7a: {  	[sflag:s30] =	ssyncset.done $0x0  }
0x7b: {  	[sflag:s30] =	ssyncadd.s32 $0xFFFFE000  }
0x7c: {  	[bflag:$0x0] =	sbarrier.arrive $0xFFFF  }
0x7d: {  	[tilespmem:s29], [sflag:$0x4] =	stream.linear.gather [spmem:s10], $0x2000, $0x38;
	[tilespmem:$0x1EC40] =	vst v63  }
0x7e: {  	_ =	swait.ge [sflag:s30], $0x2000  }
0x7f: {  	[sflag:s30] =	ssyncset.done $0x0  }
0x80: {  	s22 =	sadd.s32 s16, s15;
	s23 =	simm.s32 $0x0;
	[sflag:s30] =	ssyncadd.s32 $0xFFFFE000  }
0x81: {  	[hbm4b:s22+s23] =	stream.linear.scatter [tilespmem:s29], [sflag:$0x4], $0x2000, $0x38;
	[tilespmem:$0x1EC40] =	vst v63  }
0x82: {  	_ =	swait.ge [sflag:s30], $0x2000  }
0x83: {  	[sflag:s30] =	ssyncset.done $0x0  }
0x84: {  	[sflag:s30] =	ssyncadd.s32 $0xFFFFE000  }
0x85: {  	[tilespmem:s29], [sflag:$0x4] =	stream.linear.gather [spmem:s11], $0x2000, $0x38;
	[tilespmem:$0x1EC40] =	vst v63  }
0x86: {  	_ =	swait.ge [sflag:s30], $0x2000  }
0x87: {  	[sflag:s30] =	ssyncset.done $0x0  }
0x88: {  	s25 =	sadd.s32 s17, s15;
	[sflag:s30] =	ssyncadd.s32 $0xFFFFE000  }
0x89: {  	[hbm4b:s25+s23] =	stream.linear.scatter [tilespmem:s29], [sflag:$0x4], $0x2000, $0x38;
	[tilespmem:$0x1EC40] =	vst v63  }
0x8a: {  	_ =	swait.ge [sflag:s30], $0x2000  }
0x8b: {  	[sflag:s30] =	ssyncset.done $0x0  }
0x8c: {  	[sflag:s30] =	ssyncadd.s32 $0xFFFFE000  }
0x8d: {  	[tilespmem:s29], [sflag:$0x4] =	stream.linear.gather [spmem:s12], $0x2000, $0x38;
	[tilespmem:$0x1EC40] =	vst v63  }
0x8e: {  	_ =	swait.ge [sflag:s30], $0x2000  }
0x8f: {  	[sflag:s30] =	ssyncset.done $0x0  }
0x90: {  	s25 =	sadd.s32 s18, s15;
	[sflag:s30] =	ssyncadd.s32 $0xFFFFE000  }
0x91: {  	[hbm4b:s25+s23] =	stream.linear.scatter [tilespmem:s29], [sflag:$0x4], $0x2000, $0x38;
	[tilespmem:$0x1EC40] =	vst v63  }
0x92: {  	_ =	swait.ge [sflag:s30], $0x2000  }
0x93: {  	[sflag:s30] =	ssyncset.done $0x0  }
0x94: {  	[sflag:s30] =	ssyncadd.s32 $0xFFFFE000  }
0x95: {  	[tilespmem:s29], [sflag:$0x4] =	stream.linear.gather [spmem:s13], $0x2000, $0x38;
	[tilespmem:$0x1EC40] =	vst v63  }
0x96: {  	_ =	swait.ge [sflag:s30], $0x2000  }
0x97: {  	[sflag:s30] =	ssyncset.done $0x0  }
0x98: {  	s25 =	sadd.s32 s19, s15;
	[sflag:s30] =	ssyncadd.s32 $0xFFFFE000  }
0x99: {  	[hbm4b:s25+s23] =	stream.linear.scatter [tilespmem:s29], [sflag:$0x4], $0x2000, $0x38;
	[tilespmem:$0x1EC40] =	vst v63  }
0x9a: {  	_ =	swait.ge [sflag:s30], $0x2000  }
0x9b: {  	[sflag:s30] =	ssyncset.done $0x0  }
0x9c: {  	[sflag:s30] =	ssyncadd.s32 $0xFFFFE000  }
0x9d: {  	[tilespmem:s29], [sflag:$0x4] =	stream.linear.gather [spmem:s14], $0x2000, $0x38;
	[tilespmem:$0x1EC40] =	vst v63  }
0x9e: {  	_ =	swait.ge [sflag:s30], $0x2000  }
0x9f: {  	[sflag:s30] =	ssyncset.done $0x0  }
0xa0: {  	s25 =	sadd.s32 s20, s15;
	[sflag:s30] =	ssyncadd.s32 $0xFFFFE000  }
0xa1: {  	[hbm4b:s25+s23] =	stream.linear.scatter [tilespmem:s29], [sflag:$0x4], $0x2000, $0x38;
	[tilespmem:$0x1EC40] =	vst v63  }
0xa2: {  	_ =	swait.ge [sflag:s30], $0x2000  }
0xa3: {  	[sflag:s30] =	ssyncset.done $0x0  }
0xa4: {  	s25 =	rddreg [dreg:$0x9];
	[sflag:s30] =	ssyncadd.s32 $0xFFFFE000  }
0xa5: {  	[tilespmem:s23], [sflag:$0x1] =	stream.linear.gather [hbm4b:s25+s23], $0x2800, $0x38;
	[tilespmem:$0x1EC40] =	vst v63  }
0xa6: {  	s22 =	rddreg [dreg:$0xa];
	s25 =	simm.s32 $0x2800  }
0xa7: {  	[tilespmem:s25], [sflag:$0x2] =	stream.linear.gather [hbm4b:s22+s23], $0x2800, $0x38;
	[tilespmem:$0x1EC40] =	vst v63  }
0xa8: {  	s23 =	simm.s32 $0x100;
	s22 =	simm.s32 $0x0  }
.LBB2_6:
0xa9: {  	p0 =	sne.s32 s23, $0x7F00;
	[tilespmem:s22+$0x9030] =	vst v0;
	s25 =	smov.u32 s23;
	s23 =	sadd.s32 $0x100, s23  }
.Ltmp2:
0xaa: {  	[tilespmem:s22+$0x9020] =	vst v0;
	(pc) =	sbr.rel @p0 .LBB2_6-.Ltmp2, $3  }
0xab: {  	[tilespmem:s22+$0x9000] =	vst v0  }
0xac: {  	[tilespmem:s22+$0x9010] =	vst v0;
	_ =	sdelay $0x1  }
0xad: {  	s22 =	sshra.s32 s25, $0x2  }
0xae: {  	[tilespmem:s22+$0x9030] =	vst v0  }
0xaf: {  	[tilespmem:s22+$0x9020] =	vst v0  }
0xb0: {  	[tilespmem:s22+$0x9000] =	vst v0  }
0xb1: {  	[tilespmem:s22+$0x9010] =	vst v0  }
0xb2: {  	[spmem:s10] =	stream.linear.scatter [tilespmem:s29], [sflag:$0x4], $0x2000, $0x38;
	[tilespmem:$0x1EC40] =	vst v63  }
0xb3: {  	_ =	swait.ge [sflag:s30], $0x2000  }
0xb4: {  	[sflag:s30] =	ssyncset.done $0x0  }
0xb5: {  	[sflag:s30] =	ssyncadd.s32 $0xFFFFE000  }
0xb6: {  	[spmem:s11] =	stream.linear.scatter [tilespmem:s29], [sflag:$0x4], $0x2000, $0x38;
	[tilespmem:$0x1EC40] =	vst v63  }
0xb7: {  	_ =	swait.ge [sflag:s30], $0x2000  }
0xb8: {  	[sflag:s30] =	ssyncset.done $0x0  }
0xb9: {  	[sflag:s30] =	ssyncadd.s32 $0xFFFFE000  }
0xba: {  	[spmem:s12] =	stream.linear.scatter [tilespmem:s29], [sflag:$0x4], $0x2000, $0x38;
	[tilespmem:$0x1EC40] =	vst v63  }
0xbb: {  	_ =	swait.ge [sflag:s30], $0x2000  }
0xbc: {  	[sflag:s30] =	ssyncset.done $0x0  }
0xbd: {  	[sflag:s30] =	ssyncadd.s32 $0xFFFFE000  }
0xbe: {  	[spmem:s13] =	stream.linear.scatter [tilespmem:s29], [sflag:$0x4], $0x2000, $0x38;
	[tilespmem:$0x1EC40] =	vst v63  }
0xbf: {  	_ =	swait.ge [sflag:s30], $0x2000  }
0xc0: {  	[sflag:s30] =	ssyncset.done $0x0  }
0xc1: {  	[sflag:s30] =	ssyncadd.s32 $0xFFFFE000  }
0xc2: {  	[spmem:s14] =	stream.linear.scatter [tilespmem:s29], [sflag:$0x4], $0x2000, $0x38;
	[tilespmem:$0x1EC40] =	vst v63  }
0xc3: {  	_ =	swait.ge [sflag:s30], $0x2000  }
0xc4: {  	[sflag:s30] =	ssyncset.done $0x0  }
0xc5: {  	s25 =	sor.u32 $0x1C04, s26;
	s23 =	rddreg [dreg:$0xb];
	[sflag:s30] =	ssyncadd.s32 $0xFFFFE000  }
0xc6: {  	[spmem:s21], [sflag:s25] =	dma.local [hbm:s23], $0x1388  }
0xc7: {  	_ =	swait.ge [sflag:s30], $0x1388  }
0xc8: {  	[sflag:s30] =	ssyncset.done $0x0  }
0xc9: {  	[sflag:s30] =	ssyncadd.s32 $0xFFFFEC78  }
0xca: {  	_ =	swait.ge [sflag:s0], $0x2800  }
0xcb: {  	[sflag:s0] =	ssyncset.done $0x0  }
0xcc: {  	[sflag:s0] =	ssyncadd.s32 $0xFFFFD800  }
0xcd: {  	_ =	swait.ge [sflag:s2], $0x2800  }
0xce: {  	[sflag:s2] =	ssyncset.done $0x0  }
0xcf: {  	[sflag:s2] =	ssyncadd.s32 $0xFFFFD800  }
0xd0: {  	s25 =	simm.s32 $0x0;
	[bflag:$0x0] =	sbarrier.arrive $0xFFFF  }
0xd1: {  	[tilespmem:s6], [sflag:$0x1] =	stream.indirect.gather [spmem:s1], $0x40, s25, s5, $0xb8;
	[tilespmem:$0x1EC40] =	vst v63  }
0xd2: {  	_ = 	snop  }
0xd3: {  	[tilespmem:s8], [sflag:$0x2] =	stream.indirect.gather [spmem:s1], $0x40, s5, s5, $0xb8;
	[tilespmem:$0x1EC40] =	vst v63  }
0xd4: {  	_ =	swait.ge [sflag:s0], $0x2000  }
0xd5: {  	[sflag:s0] =	ssyncset.done $0x0  }
0xd6: {  	s22 =	simm.s32 $0x2800;
	[sflag:s0] =	ssyncadd.s32 $0xFFFFE000  }
0xd7: {  	[spmem:s3] =	stream.indirect.scatter.add.f32 [tilespmem:s6], [sflag:$0x4], $0x40, s22, s5, $0xb8;
	[tilespmem:$0x1EC40] =	vst v63  }
0xd8: {  	_ =	swait.ge [sflag:s30], $0x2000  }
0xd9: {  	[sflag:s30] =	ssyncset.done $0x0  }
0xda: {  	s23 =	simm.s32 $0x100;
	[sflag:s30] =	ssyncadd.s32 $0xFFFFE000  }
0xdb: {  	[tilespmem:s6], [sflag:$0x1] =	stream.indirect.gather [spmem:s1], $0x40, s23, s5, $0xb8;
	[tilespmem:$0x1EC40] =	vst v63  }
0xdc: {  	_ =	swait.ge [sflag:s2], $0x2000  }
0xdd: {  	[sflag:s2] =	ssyncset.done $0x0  }
0xde: {  	s25 =	simm.s32 $0x2880;
	[sflag:s2] =	ssyncadd.s32 $0xFFFFE000  }
0xdf: {  	[spmem:s3] =	stream.indirect.scatter.add.f32 [tilespmem:s8], [sflag:$0x4], $0x40, s25, s5, $0xb8;
	[tilespmem:$0x1EC40] =	vst v63  }
0xe0: {  	_ =	swait.ge [sflag:s30], $0x2000  }
0xe1: {  	[sflag:s30] =	ssyncset.done $0x0  }
0xe2: {  	s21 =	simm.s32 $0x400;
	s22 =	simm.s32 $0x180;
	[sflag:s30] =	ssyncadd.s32 $0xFFFFE000  }
.LBB2_8:
0xe3: {  	[tilespmem:s8], [sflag:$0x2] =	stream.indirect.gather [spmem:s1], $0x40, s22, s5, $0xb8;
	[tilespmem:$0x1EC40] =	vst v63  }
0xe4: {  	s22 =	smov.u32 s21  }
0xe5: {  	p0 =	sne.s32 s21, $0x9800;
	s21 =	sadd.s32 $0x400, s21;
	_ =	swait.ge [sflag:s0], $0x2000  }
0xe6: {  	s22 =	sshra.s32 s22, $0x2;
	[sflag:s0] =	ssyncset.done $0x0  }
0xe7: {  	s23 =	sadd.s32 $0x2800, s22;
	[sflag:s0] =	ssyncadd.s32 $0xFFFFE000  }
0xe8: {  	[spmem:s3] =	stream.indirect.scatter.add.f32 [tilespmem:s6], [sflag:$0x4], $0x40, s23, s5, $0xb8;
	[tilespmem:$0x1EC40] =	vst v63  }
0xe9: {  	_ =	swait.ge [sflag:s30], $0x2000  }
0xea: {  	[sflag:s30] =	ssyncset.done $0x0  }
0xeb: {  	s23 =	sadd.s32 $0x100, s22;
	[sflag:s30] =	ssyncadd.s32 $0xFFFFE000  }
0xec: {  	[tilespmem:s6], [sflag:$0x1] =	stream.indirect.gather [spmem:s1], $0x40, s23, s5, $0xb8;
	[tilespmem:$0x1EC40] =	vst v63  }
0xed: {  	_ =	swait.ge [sflag:s2], $0x2000  }
0xee: {  	[sflag:s2] =	ssyncset.done $0x0  }
.Ltmp3:
0xef: {  	s23 =	sadd.s32 $0x2880, s22;
	[sflag:s2] =	ssyncadd.s32 $0xFFFFE000;
	(pc) =	sbr.rel @p0 .LBB2_8-.Ltmp3, $4  }
0xf0: {  	[spmem:s3] =	stream.indirect.scatter.add.f32 [tilespmem:s8], [sflag:$0x4], $0x40, s23, s5, $0xb8;
	[tilespmem:$0x1EC40] =	vst v63  }
0xf1: {  	_ =	swait.ge [sflag:s30], $0x2000  }
0xf2: {  	[sflag:s30] =	ssyncset.done $0x0  }
0xf3: {  	s22 =	sadd.s32 $0x180, s22;
	[sflag:s30] =	ssyncadd.s32 $0xFFFFE000  }
0xf4: {  	[tilespmem:s8], [sflag:$0x2] =	stream.indirect.gather [spmem:s1], $0x40, s22, s5, $0xb8;
	[tilespmem:$0x1EC40] =	vst v63  }
0xf5: {  	_ =	swait.ge [sflag:s0], $0x2000  }
0xf6: {  	[sflag:s0] =	ssyncset.done $0x0  }
0xf7: {  	[sflag:s0] =	ssyncadd.s32 $0xFFFFE000  }
0xf8: {  	[spmem:s3] =	stream.indirect.scatter.add.f32 [tilespmem:s6], [sflag:$0x4], $0x40, s9, s5, $0xb8;
	[tilespmem:$0x1EC40] =	vst v63  }
0xf9: {  	_ =	swait.ge [sflag:s30], $0x2000  }
0xfa: {  	[sflag:s30] =	ssyncset.done $0x0  }
0xfb: {  	[sflag:s30] =	ssyncadd.s32 $0xFFFFE000  }
0xfc: {  	_ =	swait.ge [sflag:s2], $0x2000  }
0xfd: {  	[sflag:s2] =	ssyncset.done $0x0  }
0xfe: {  	[sflag:s2] =	ssyncadd.s32 $0xFFFFE000  }
0xff: {  	[spmem:s3] =	stream.indirect.scatter.add.f32 [tilespmem:s8], [sflag:$0x4], $0x40, s7, s5, $0xb8;
	[tilespmem:$0x1EC40] =	vst v63  }
0x100: {  	_ =	swait.ge [sflag:s30], $0x2000  }
0x101: {  	[sflag:s30] =	ssyncset.done $0x0  }
0x102: {  	[sflag:s30] =	ssyncadd.s32 $0xFFFFE000  }
0x103: {  	[bflag:$0x0] =	sbarrier.arrive $0xFFFF  }
0x104: {  	[tilespmem:s29], [sflag:$0x4] =	stream.linear.gather [spmem:s10], $0x2000, $0x38;
	[tilespmem:$0x1EC40] =	vst v63  }
0x105: {  	_ =	swait.ge [sflag:s30], $0x2000  }
0x106: {  	[sflag:s30] =	ssyncset.done $0x0  }
0x107: {  	s21 =	sadd.s32 s16, s24;
	[sflag:s30] =	ssyncadd.s32 $0xFFFFE000  }
0x108: {  	[hbm4b:s21+s4] =	stream.linear.scatter [tilespmem:s29], [sflag:$0x4], $0x2000, $0x38;
	[tilespmem:$0x1EC40] =	vst v63  }
0x109: {  	_ =	swait.ge [sflag:s30], $0x2000  }
0x10a: {  	[sflag:s30] =	ssyncset.done $0x0  }
0x10b: {  	[sflag:s30] =	ssyncadd.s32 $0xFFFFE000  }
0x10c: {  	[tilespmem:s29], [sflag:$0x4] =	stream.linear.gather [spmem:s11], $0x2000, $0x38;
	[tilespmem:$0x1EC40] =	vst v63  }
0x10d: {  	_ =	swait.ge [sflag:s30], $0x2000  }
0x10e: {  	[sflag:s30] =	ssyncset.done $0x0  }
0x10f: {  	s23 =	sadd.s32 s17, s24;
	[sflag:s30] =	ssyncadd.s32 $0xFFFFE000  }
0x110: {  	[hbm4b:s23+s4] =	stream.linear.scatter [tilespmem:s29], [sflag:$0x4], $0x2000, $0x38;
	[tilespmem:$0x1EC40] =	vst v63  }
0x111: {  	_ =	swait.ge [sflag:s30], $0x2000  }
0x112: {  	[sflag:s30] =	ssyncset.done $0x0  }
0x113: {  	[sflag:s30] =	ssyncadd.s32 $0xFFFFE000  }
0x114: {  	[tilespmem:s29], [sflag:$0x4] =	stream.linear.gather [spmem:s12], $0x2000, $0x38;
	[tilespmem:$0x1EC40] =	vst v63  }
0x115: {  	_ =	swait.ge [sflag:s30], $0x2000  }
0x116: {  	[sflag:s30] =	ssyncset.done $0x0  }
0x117: {  	s25 =	sadd.s32 s18, s24;
	[sflag:s30] =	ssyncadd.s32 $0xFFFFE000  }
0x118: {  	[hbm4b:s25+s4] =	stream.linear.scatter [tilespmem:s29], [sflag:$0x4], $0x2000, $0x38;
	[tilespmem:$0x1EC40] =	vst v63  }
0x119: {  	_ =	swait.ge [sflag:s30], $0x2000  }
0x11a: {  	[sflag:s30] =	ssyncset.done $0x0  }
0x11b: {  	[sflag:s30] =	ssyncadd.s32 $0xFFFFE000  }
0x11c: {  	[tilespmem:s29], [sflag:$0x4] =	stream.linear.gather [spmem:s13], $0x2000, $0x38;
	[tilespmem:$0x1EC40] =	vst v63  }
0x11d: {  	_ =	swait.ge [sflag:s30], $0x2000  }
0x11e: {  	[sflag:s30] =	ssyncset.done $0x0  }
0x11f: {  	s22 =	sadd.s32 s19, s24;
	[sflag:s30] =	ssyncadd.s32 $0xFFFFE000  }
0x120: {  	[hbm4b:s22+s4] =	stream.linear.scatter [tilespmem:s29], [sflag:$0x4], $0x2000, $0x38;
	[tilespmem:$0x1EC40] =	vst v63  }
0x121: {  	_ =	swait.ge [sflag:s30], $0x2000  }
0x122: {  	[sflag:s30] =	ssyncset.done $0x0  }
0x123: {  	[sflag:s30] =	ssyncadd.s32 $0xFFFFE000  }
0x124: {  	[tilespmem:s29], [sflag:$0x4] =	stream.linear.gather [spmem:s14], $0x2000, $0x38;
	[tilespmem:$0x1EC40] =	vst v63  }
0x125: {  	_ =	swait.ge [sflag:s30], $0x2000  }
0x126: {  	[sflag:s30] =	ssyncset.done $0x0  }
0x127: {  	s23 =	sadd.s32 s20, s24;
	[sflag:s30] =	ssyncadd.s32 $0xFFFFE000  }
0x128: {  	[hbm4b:s23+s4] =	stream.linear.scatter [tilespmem:s29], [sflag:$0x4], $0x2000, $0x38;
	[tilespmem:$0x1EC40] =	vst v63  }
0x129: {  	_ =	swait.ge [sflag:s30], $0x2000  }
0x12a: {  	s28 =	sadd.s32 $0x1, s28;
	s25 =	rddreg [dreg:$0xc]  }
0x12b: {  	p0 =	sne.s32 s28, s25  }
.Ltmp4:
0x12c: {  	_ = 	snop;
	(pc) =	sbr.rel @p0 .LBB2_1-.Ltmp4, $3  }
0x12d: {  	_ =	sdelay $0x1  }
0x12e: {  	[sflag:s30] =	ssyncset.done $0x0  }
0x12f: {  	[sflag:s30] =	ssyncadd.s32 $0xFFFFE000  }
0x130: {  	_ =	sfence.sel $0x180000  }
0x131: {  	[bflag:$0x0] =	sbarrier.arrive $0xFFFF  }
0x132: {  	_ =	strace $0x9000004D  }
0x133: {  	s0 =	stileid.u32;
	[bflag:$0x2] =	sbarrier.arrive $0xFFFF  }
0x134: {  	p0 =	sne.s32 s0, $0x0;
	s0 =	rddreg [dreg:$0x4]  }
0x135: {  	s0 =	sadd.s32 @!p0 $0x100000, s0  }
0x136: {  	[sflag:s0] =	ssyncadd.tile.s32 @!p0 $0x1;
	_ =	shalt  }
.Lfunc_end2:
_tile_overlayer_lowered:
.L_overlay_start_2:
0x137: {  	(tag) =	ssettag $0x2  }
0x138: {  	s0 =	rddreg [dreg:$0x0];
	s2 =	stileid.u32  }
0x139: {  	s1 =	rddreg [dreg:$0x1];
	p0 =	sne.s32 s2, $0x0  }
0x13a: {  	s3 =	rddreg [dreg:$0x2];
	[bflag:$0x3] =	sbarrier.arrive $0xFFFF;
	s2 =	simm.s32 @!p0 $0x1C04  }
0x13b: {  	[timem:s3], [sflag:s2] =	dma.local @!p0 [hbm:s0], s1  }
0x13c: {  	s0 =	simm.s32 @!p0 $0x4  }
0x13d: {  	_ =	swait.ge @!p0 [sflag:s0], s1  }
0x13e: {  	s1 =	ssub.s32 @!p0 $0x0, s1;
	[sflag:s0] =	ssyncset.done @!p0 $0x0  }
0x13f: {  	[sflag:s0] =	ssyncadd.s32 @!p0 s1  }
0x140: {  	[bflag:$0x3] =	sbarrier.arrive $0xFFFF  }
0x141: {  	_ =	shalt  }

// kernel: kernel.8.cloned.1.call-start
scs
__scs_entry_jumppad:
0x0: {  	(pc) =	sbr.rel $0x88, $3  }
0x1: {  	(tag) =	ssettag $0x0;
	lr =	simm.s32 $0x1  }
0x2: {  	[smem:$0x3F90] =	sst lr;
	_ =	strace $0xD0000000  }
0x3: {  	_ = 	snop  }
0x4: {  	_ = 	snop  }
0x5: {  	_ = 	snop  }
0x6: {  	_ = 	snop  }
0x7: {  	_ = 	snop  }
__scs_overlays_trampoline_lowered:
0x8: {  	[smem:$0x3F9F] =	sst s0  }
0x9: {  	[smem:$0x3FA0] =	sst s1  }
0xa: {  	[smem:$0x3FA1] =	sst s2  }
0xb: {  	[smem:$0x3FA2] =	sst s3  }
0xc: {  	[smem:$0x3FA3] =	sst s4  }
0xd: {  	[smem:$0x3FA4] =	sst s5  }
0xe: {  	[smem:$0x3FA5] =	sst s6  }
0xf: {  	[smem:$0x3FA6] =	sst s7  }
0x10: {  	[smem:$0x3FA7] =	sst s8  }
0x11: {  	[smem:$0x3FA8] =	sst s9;
	s0 =	simm.s32 @!p0 $0x0  }
0x12: {  	s1 =	sld [smem:$0x3F8E];
	s0 =	simm.s32 @p0 $0x1  }
0x13: {  	[smem:$0x3FA9] =	sst s0;
	s0 =	simm.s32 @!p1 $0x0  }
0x14: {  	s2 =	sld [smem:$0x3F8D];
	s0 =	simm.s32 @p1 $0x1  }
0x15: {  	[smem:$0x3FAA] =	sst s0;
	s0 =	simm.s32 @!p2 $0x0  }
0x16: {  	s3 =	sld [smem:$0x3FDB];
	s0 =	simm.s32 @p2 $0x1  }
0x17: {  	s4 =	simm.s32 $0x1BF5;
	[smem:$0x3FAC] =	sst s0  }
0x18: {  	s0 =	sld [smem:$0x3F8F];
	_ =	swait.ge [sflag:s4], $0x0  }
0x19: {  	s7 =	sld [smem:$0x3F90]  }
0x1a: {  	s8 =	sadd.s32 $0xFFFFE003, lr  }
0x1b: {  	s9 =	sadd.s32 $0xFFFFFEF7, lr;
	s5 =	simm.s32 $0xFFFFFFFF;
	p2 =	slt.u32 s8, $0xFFFFF086  }
0x1c: {  	p1 =	slt.u32 s9, $0xF7A;
	s5 =	simm.s32 @!p2 $0x0  }
0x1d: {  	s5 =	simm.s32 @p1 $0x1;
	p0 =	seq.s32 s7, s2  }
0x1e: {  	s7 =	smul.u32 @!p0 $0xF7A, s2;
	p2 =	seq.s32 @!p0 s5, $0x0  }
0x1f: {  	s9 =	smul.u32 $0xF7A, s1;
	s8 =	simm.s32 @!p0 $0x1BF5;
	p2 =	por !p2, p0  }
0x20: {  	[sflag:s8] =	ssyncset.s32 @!p0 $0xFFFFF086;
	s6 =	sadd.s32 @!p0 s3, s7;
	s7 =	simm.s32 @!p0 $0x108  }
0x21: {  	s3 =	sadd.s32 s3, s9;
	s6 =	sadd.s32 @!p0 $0x88, s6;
	s7 =	simm.s32 @p2 $0x1082  }
0x22: {  	[simem:s7], [sflag:s8] =	dma.local @!p0 [hbm:s6], $0xF7A  }
0x23: {  	s9 =	sor.u32 $0xD0000000, s2;
	s6 =	simm.s32 $0x108;
	_ =	swait.ge @!p0 [sflag:s8], $0x0  }
0x24: {  	s3 =	sadd.s32 $0x88, s3;
	s6 =	simm.s32 @!p1 $0x1082;
	[sflag:s4] =	ssyncset.s32 $0xFFFFF086  }
0x25: {  	[simem:s6], [sflag:s4] =	dma.local [hbm:s3], $0xF7A  }
0x26: {  	[smem:$0x3F90] =	sst s1;
	(tag) =	ssettag s2;
	_ =	strace s9  }
0x27: {  	s1 =	sld [smem:$0x3FA0]  }
0x28: {  	s2 =	sld [smem:$0x3FA1]  }
0x29: {  	s4 =	sld [smem:$0x3FA3]  }
0x2a: {  	p0 =	seq.s32 s5, $0x0;
	s5 =	sld [smem:$0x3FA4]  }
0x2b: {  	s6 =	sld [smem:$0x3FA5]  }
0x2c: {  	s7 =	sld [smem:$0x3FA6]  }
0x2d: {  	s3 =	simm.s32 $0x108;
	s8 =	sld [smem:$0x3FA7]  }
0x2e: {  	s3 =	simm.s32 @!p0 $0x1082;
	s9 =	sld [smem:$0x3FA8]  }
0x2f: {  	lr =	sadd.s32 s0, s3;
	s0 =	sld [smem:$0x3F9F]  }
0x30: {  	s3 =	sld [smem:$0x3FA2]  }
0x31: {  	[smem:$0x3FAB] =	sst s10  }
0x32: {  	s10 =	sld [smem:$0x3FA9];
	_ =	sdelay $0x3  }
0x33: {  	p0 =	seq.s32 s10, $0x1;
	s10 =	sld [smem:$0x3FAB];
	_ =	sdelay $0x3  }
0x34: {  	[smem:$0x3FAB] =	sst s10  }
0x35: {  	s10 =	sld [smem:$0x3FAA];
	_ =	sdelay $0x3  }
0x36: {  	p1 =	seq.s32 s10, $0x1;
	s10 =	sld [smem:$0x3FAB];
	_ =	sdelay $0x3  }
0x37: {  	[smem:$0x3FAB] =	sst s10  }
0x38: {  	s10 =	sld [smem:$0x3FAC]  }
0x39: {  	_ = 	snop;
	(pc) =	sbr.ind lr, $3  }
0x3a: {  	_ = 	snop  }
0x3b: {  	_ = 	snop  }
0x3c: {  	p2 =	seq.s32 s10, $0x1;
	s10 =	sld [smem:$0x3FAB]  }
0x3d: {  	_ =	shalt  }
0x3e: {  	_ =	shalt  }
0x3f: {  	_ =	shalt  }
0x40: {  	_ =	shalt  }
0x41: {  	_ =	shalt  }
0x42: {  	_ =	shalt  }
0x43: {  	_ =	shalt  }
0x44: {  	_ =	shalt  }
0x45: {  	_ =	shalt  }
0x46: {  	_ =	shalt  }
0x47: {  	_ =	shalt  }
0x48: {  	_ =	shalt  }
0x49: {  	_ =	shalt  }
0x4a: {  	_ =	shalt  }
0x4b: {  	_ =	shalt  }
0x4c: {  	_ =	shalt  }
0x4d: {  	_ =	shalt  }
0x4e: {  	_ =	shalt  }
0x4f: {  	_ =	shalt  }
0x50: {  	_ =	shalt  }
0x51: {  	_ =	shalt  }
0x52: {  	_ =	shalt  }
0x53: {  	_ =	shalt  }
0x54: {  	_ =	shalt  }
0x55: {  	_ =	shalt  }
0x56: {  	_ =	shalt  }
0x57: {  	_ =	shalt  }
0x58: {  	_ =	shalt  }
0x59: {  	_ =	shalt  }
0x5a: {  	_ =	shalt  }
0x5b: {  	_ =	shalt  }
0x5c: {  	_ =	shalt  }
0x5d: {  	_ =	shalt  }
0x5e: {  	_ =	shalt  }
0x5f: {  	_ =	shalt  }
0x60: {  	_ =	shalt  }
0x61: {  	_ =	shalt  }
0x62: {  	_ =	shalt  }
0x63: {  	_ =	shalt  }
0x64: {  	_ =	shalt  }
0x65: {  	_ =	shalt  }
0x66: {  	_ =	shalt  }
0x67: {  	_ =	shalt  }
0x68: {  	_ =	shalt  }
0x69: {  	_ =	shalt  }
0x6a: {  	_ =	shalt  }
0x6b: {  	_ =	shalt  }
0x6c: {  	_ =	shalt  }
0x6d: {  	_ =	shalt  }
0x6e: {  	_ =	shalt  }
0x6f: {  	_ =	shalt  }
0x70: {  	_ =	shalt  }
0x71: {  	_ =	shalt  }
0x72: {  	_ =	shalt  }
0x73: {  	_ =	shalt  }
0x74: {  	_ =	shalt  }
0x75: {  	_ =	shalt  }
0x76: {  	_ =	shalt  }
0x77: {  	_ =	shalt  }
0x78: {  	_ =	shalt  }
0x79: {  	_ =	shalt  }
0x7a: {  	_ =	shalt  }
0x7b: {  	_ =	shalt  }
0x7c: {  	_ =	shalt  }
0x7d: {  	_ =	shalt  }
0x7e: {  	_ =	shalt  }
0x7f: {  	_ =	shalt  }
0x80: {  	_ =	shalt  }
0x81: {  	_ =	shalt  }
0x82: {  	_ =	shalt  }
0x83: {  	_ =	shalt  }
0x84: {  	_ =	shalt  }
0x85: {  	_ =	shalt  }
0x86: {  	_ =	shalt  }
0x87: {  	_ =	shalt  }
.Lfunc_end0:
.L_simem_size_0:
called_computation_lowered:
.L_overlay_start_0:
0x88: {  	s2 =	sld [smem:$0x3FD9]  }
0x89: {  	s3 =	sld [smem:$0x3FFE];
	_ =	sdelay $0x1  }
0x8a: {  	s1 =	srdreg.scid  }
0x8b: {  	s0 =	sand.u32 $0x1, s1  }
0x8c: {  	s16 =	sshll.u32 s0, $0xA;
	s2 =	sadd.s32 s3, s2  }
0x8d: {  	s2 =	sadd.s32 s2, s16  }
0x8e: {  	[smem:$0x3FB7] =	sst s2  }
0x8f: {  	_ = 	snop  }
0x90: {  	(tm) =	ssettm $0x1  }
0x91: {  	s17 =	sld [smem:$0x3FFB];
	_ =	sdelay $0x3  }
0x92: {  	_ =	strace s17  }
0x93: {  	s2 =	sld [smem:$0x3FFC];
	_ =	sdelay $0x3  }
0x94: {  	_ =	strace s2  }
0x95: {  	s2 =	sld [smem:$0x3FFD];
	_ =	sdelay $0x3  }
0x96: {  	_ =	strace s2  }
0x97: {  	_ =	strace $0x8FFFFFFF  }
0x98: {  	s18 =	sld [smem:$0x3FDB];
	_ =	sdelay $0x1  }
0x99: {  	s19 =	simm.s32 $_scs_section_size  }
0x9a: {  	s4 =	simm.s32 $_size__tile_overlayer_lowered;
	s5 =	simm.s32 $_tile_overlayer_lowered  }
0x9b: {  	s22 =	simm.s32 $0x1BFF;
	s21 =	sshll.u32 s5, $0x1;
	s2 =	sadd.s32 s19, s18  }
0x9c: {  	s6 =	simm.s32 $0x0;
	s20 =	sshll.u32 s4, $0x1;
	s4 =	sadd.s32 s21, s2  }
0x9d: {  	[timem:s6], [sflag:s22] =	dma.local [hbm:s4], s20  }
0x9e: {  	_ =	swait.ge [sflag:s22], s20  }
0x9f: {  	s3 =	ssub.s32 $0x0, s20;
	[sflag:s22] =	ssyncset.done $0x0  }
0xa0: {  	[sflag:s22] =	ssyncadd.s32 s3;
	_ =	sdelay $0x1  }
0xa1: {  	s23 =	simm.s32 $0x1B8B  }
0xa2: {  	_ =	swait.ge [sflag:s23], $0x1  }
0xa3: {  	[sflag:s23] =	ssyncset.done $0x0  }
0xa4: {  	s25 =	simm.s32 $0x1B8E;
	s24 =	sld [smem:$0x3FFE];
	[sflag:s23] =	ssyncadd.s32 $0xFFFFFFFF  }
0xa5: {  	s26 =	simm.s32 $execute0_lowered;
	[smem:$0x3FD2] =	sst s25  }
0xa6: {  	s4 =	sshll.u32 s26, $0x1;
	_ =	strace $0x80000046;
	[dreg:$0x1] =	wrdreg $0xFFFFFFFF  }
0xa7: {  	s28 =	simm.s32 $_size_execute0_lowered;
	s2 =	sadd.s32 s2, s4;
	[dreg:$0x0] =	wrdreg $0x0  }
0xa8: {  	s4 =	sshll.u32 s28, $0x1;
	[dreg:$0x2] =	wrdreg s2  }
0xa9: {  	[dreg:$0x3] =	wrdreg s4  }
0xaa: {  	[dreg:$0x4] =	wrdreg $0xC0  }
0xab: {  	_ =	task [dreg:s6], $0x5FFFF  }
0xac: {  	[dreg:$0x1] =	wrdreg $0xFFFFFFFF  }
0xad: {  	[dreg:$0x0] =	wrdreg $0x60  }
0xae: {  	[dreg:$0x2] =	wrdreg s24  }
0xaf: {  	[dreg:$0x3] =	wrdreg $0x9  }
0xb0: {  	_ =	task.clear_ibuf [dreg:s6], $0x4FFFF;
	_ =	strace $0x90000046  }
0xb1: {  	s29 =	simm.s32 $0x9;
	_ =	strace $0x80000048  }
0xb2: {  	_ =	swait.ge [sflag:s29], $0x1  }
0xb3: {  	[sflag:s29] =	ssyncadd.s32 $0xFFFFFFFF  }
0xb4: {  	_ =	strace $0x90000048  }
0xb5: {  	_ =	sfence  }
0xb6: {  	s30 =	sld [smem:$0x0];
	_ =	sdelay $0x2  }
0xb7: {  	s31 =	sshll.u32 s1, $0xD;
	s1 =	sshrl.u32 s1, $0x2  }
0xb8: {  	s3 =	sand.u32 $0x4000, s31;
	s1 =	sadd.s32 s1, s30  }
0xb9: {  	s0 =	sor.u32 s3, s0;
	s1 =	sshll.u32 s1, $0x11  }
0xba: {  	s0 =	sor.u32 s1, s0  }
0xbb: {  	s0 =	sadd.s32 $0x8F2B, s0  }
0xbc: {  	[sflag:s0] =	ssyncadd.remote.s32 $0x1  }
0xbd: {  	_ =	sfence.sel $0xFFFF  }
0xbe: {  	[dreg:$0x0] =	wrdreg $0xFFFFFFFF;
	(pc) =	sbr.abs _section_cstart, $3  }
0xbf: {  	[dreg:$0x1] =	wrdreg $0xFFFFFFFF  }
0xc0: {  	_ =	task.clear_ibuf [dreg:s6], $0x2FFFF;
	_ =	strace $0x9FFFFFFF  }
0xc1: {  	(tm) =	ssettm $0x7FFFFFFF  }
tec
execute0_lowered:
.L_overlay_start_1:
0x0: {  	(tag) =	ssettag $0x1  }
0x1: {  	s0 =	srdreg.scid  }
0x2: {  	s6 =	rddreg [dreg:$0x0];
	s3 =	sand.u32 $0x1, s0  }
0x3: {  	s1 =	stileid.u32;
	s8 =	simm.s32 $0x2800;
	s2 =	sshll.u32 s3, $0x4  }
0x4: {  	s0 =	rddreg [dreg:$0x1];
	s3 =	ssub.s32 $0x2, s3;
	s4 =	sor.u32 s1, s2  }
0x5: {  	s2 =	simm.s32 $0x0;
	s31 =	sshrl.u32 s3, $0x1;
	s9 =	smul.u32 $0x500, s4  }
0x6: {  	s10 =	sadd.s32 $0x22400, s6;
	[smem:$0x7FF] =	sst s2;
	s7 =	ssub.s32 s3, s31  }
0x7: {  	_ =	strace $0x80000047;
	s5 =	sadd.s32 s9, s6;
	s6 =	smax.u32 s7, $0x1  }
0x8: {  	s7 =	simm.s32 $0x1;
	s9 =	sadd.s32 s9, s10;
	s10 =	simm.s32 $0x0  }
0x9: {  	v0 =	vimm.f32 $0.0e+00;
	v1 =	vimm.f32 $1.000000000e+00;
	s3 =	sadd.s32 $0xE400, s5;
	s4 =	sadd.s32 $0x18400, s5;
	s5 =	sadd.s32 $0x4400, s5  }
.LBB2_1:
0xa: {  	[tilespmem:s2], [sflag:$0x1] =	stream.linear.gather [hbm4b:s3+s2], $0x2800, $0x38;
	[tilespmem:$0x5000] =	vst v63  }
0xb: {  	_ =	swait.ge [sflag:s7], $0x2800  }
0xc: {  	[sflag:s7] =	ssyncset.done $0x0  }
0xd: {  	s11 =	simm.s32 $0x0;
	[sflag:s7] =	ssyncadd.s32 $0xFFFFD800  }
.LBB2_2:
0xe: {  	p0 =	sne.s32 s11, $0x9FC0  }
.Ltmp0:
0xf: {  	_ = 	snop;
	(pc) =	sbr.rel @p0 .LBB2_2-.Ltmp0, $3  }
0x10: {  	_ =	sdelay $0x1  }
0x11: {  	s12 =	sshra.s32 s11, $0x2  }
0x12: {  	s11 =	sadd.s32 $0x40, s11;
	[tilespmem:s12+$0x2800] =	vst v0  }
0x13: {  	s11 =	simm.s32 $0x0  }
.LBB2_4:
0x14: {  	s12 =	sshra.s32 s11, $0x2  }
0x15: {  	v2 =	vld [tilespmem:s12+$0x0];
	_ =	sdelay $0x7  }
0x16: {  	[tilespmem:v2+s8+$0x0] =	vst.idx.add.f32.msk $0xffff, v1  }
0x17: {  	v2 =	vld [tilespmem:s12+$0x10];
	_ =	sdelay $0x7  }
0x18: {  	[tilespmem:v2+s8+$0x0] =	vst.idx.add.f32.msk $0xffff, v1  }
0x19: {  	v2 =	vld [tilespmem:s12+$0x20];
	_ =	sdelay $0x7  }
0x1a: {  	[tilespmem:v2+s8+$0x0] =	vst.idx.add.f32.msk $0xffff, v1  }
0x1b: {  	v2 =	vld [tilespmem:s12+$0x30];
	_ =	sdelay $0x7  }
0x1c: {  	[tilespmem:v2+s8+$0x0] =	vst.idx.add.f32.msk $0xffff, v1  }
0x1d: {  	v2 =	vld [tilespmem:s12+$0x40];
	_ =	sdelay $0x7  }
0x1e: {  	[tilespmem:v2+s8+$0x0] =	vst.idx.add.f32.msk $0xffff, v1  }
0x1f: {  	v2 =	vld [tilespmem:s12+$0x50];
	_ =	sdelay $0x7  }
0x20: {  	[tilespmem:v2+s8+$0x0] =	vst.idx.add.f32.msk $0xffff, v1  }
0x21: {  	v2 =	vld [tilespmem:s12+$0x60];
	_ =	sdelay $0x7  }
0x22: {  	[tilespmem:v2+s8+$0x0] =	vst.idx.add.f32.msk $0xffff, v1  }
0x23: {  	v2 =	vld [tilespmem:s12+$0x70];
	_ =	sdelay $0x2  }
0x24: {  	p0 =	sne.s32 s11, $0x9E00  }
.Ltmp1:
0x25: {  	_ = 	snop;
	(pc) =	sbr.rel @p0 .LBB2_4-.Ltmp1, $2  }
0x26: {  	_ =	sdelay $0x2  }
0x27: {  	s11 =	sadd.s32 $0x200, s11;
	[tilespmem:v2+s8+$0x0] =	vst.idx.add.f32.msk $0xffff, v1  }
0x28: {  	s11 =	simm.s32 $0x0  }
0x29: {  	[hbm4b:s4+s11] =	stream.linear.scatter [tilespmem:s8], [sflag:$0x1], $0x2800, $0x38;
	[tilespmem:$0x5000] =	vst v63  }
0x2a: {  	_ =	swait.ge [sflag:s7], $0x2800  }
0x2b: {  	[sflag:s7] =	ssyncset.done $0x0  }
0x2c: {  	[sflag:s7] =	ssyncadd.s32 $0xFFFFD800  }
0x2d: {  	[tilespmem:s11], [sflag:$0x1] =	stream.linear.gather [hbm4b:s5+s11], $0x2800, $0x38;
	[tilespmem:$0x5000] =	vst v63  }
0x2e: {  	_ =	swait.ge [sflag:s7], $0x2800  }
0x2f: {  	[sflag:s7] =	ssyncset.done $0x0  }
0x30: {  	s12 =	simm.s32 $0x40;
	s13 =	simm.s32 $0x0;
	[sflag:s7] =	ssyncadd.s32 $0xFFFFD800  }
.LBB2_6:
0x31: {  	p0 =	sne.s32 s12, $0x9FC0;
	[tilespmem:s13+$0x2800] =	vst v0;
	s13 =	smov.u32 s12;
	s12 =	sadd.s32 $0x40, s12  }
.Ltmp2:
0x32: {  	(pc) =	sbr.rel @p0 .LBB2_6-.Ltmp2, $2  }
0x33: {  	_ =	sdelay $0x2  }
0x34: {  	s13 =	sshra.s32 s13, $0x2  }
0x35: {  	[tilespmem:s13+$0x2800] =	vst v0  }
.LBB2_8:
0x36: {  	s12 =	sshra.s32 s11, $0x2  }
0x37: {  	v2 =	vld [tilespmem:s12+$0x0];
	_ =	sdelay $0x7  }
0x38: {  	[tilespmem:v2+s8+$0x0] =	vst.idx.add.f32.msk $0xffff, v1  }
0x39: {  	v2 =	vld [tilespmem:s12+$0x10];
	_ =	sdelay $0x7  }
0x3a: {  	[tilespmem:v2+s8+$0x0] =	vst.idx.add.f32.msk $0xffff, v1  }
0x3b: {  	v2 =	vld [tilespmem:s12+$0x20];
	_ =	sdelay $0x7  }
0x3c: {  	[tilespmem:v2+s8+$0x0] =	vst.idx.add.f32.msk $0xffff, v1  }
0x3d: {  	v2 =	vld [tilespmem:s12+$0x30];
	_ =	sdelay $0x7  }
0x3e: {  	[tilespmem:v2+s8+$0x0] =	vst.idx.add.f32.msk $0xffff, v1  }
0x3f: {  	v2 =	vld [tilespmem:s12+$0x40];
	_ =	sdelay $0x7  }
0x40: {  	[tilespmem:v2+s8+$0x0] =	vst.idx.add.f32.msk $0xffff, v1  }
0x41: {  	v2 =	vld [tilespmem:s12+$0x50];
	_ =	sdelay $0x7  }
0x42: {  	[tilespmem:v2+s8+$0x0] =	vst.idx.add.f32.msk $0xffff, v1  }
0x43: {  	v2 =	vld [tilespmem:s12+$0x60];
	_ =	sdelay $0x7  }
0x44: {  	[tilespmem:v2+s8+$0x0] =	vst.idx.add.f32.msk $0xffff, v1  }
0x45: {  	v2 =	vld [tilespmem:s12+$0x70];
	_ =	sdelay $0x2  }
0x46: {  	p0 =	sne.s32 s11, $0x9E00  }
.Ltmp3:
0x47: {  	_ = 	snop;
	(pc) =	sbr.rel @p0 .LBB2_8-.Ltmp3, $2  }
0x48: {  	_ =	sdelay $0x2  }
0x49: {  	s11 =	sadd.s32 $0x200, s11;
	[tilespmem:v2+s8+$0x0] =	vst.idx.add.f32.msk $0xffff, v1  }
0x4a: {  	s10 =	sadd.s32 $0x1, s10  }
0x4b: {  	p0 =	sne.s32 s10, s6  }
.Ltmp4:
0x4c: {  	_ = 	snop;
	(pc) =	sbr.rel @p0 .LBB2_1-.Ltmp4, $4  }
0x4d: {  	[hbm4b:s9+s2] =	stream.linear.scatter [tilespmem:s8], [sflag:$0x1], $0x2800, $0x38;
	[tilespmem:$0x5000] =	vst v63  }
0x4e: {  	_ =	swait.ge [sflag:s7], $0x2800  }
0x4f: {  	[sflag:s7] =	ssyncset.done $0x0  }
0x50: {  	[sflag:s7] =	ssyncadd.s32 $0xFFFFD800  }
0x51: {  	_ =	sfence.sel $0x180000  }
0x52: {  	[bflag:$0x0] =	sbarrier.arrive $0xFFFF  }
0x53: {  	p0 =	sne.s32 s1, $0x0;
	_ =	strace $0x90000047  }
0x54: {  	s0 =	sadd.s32 @!p0 $0x100000, s0;
	[bflag:$0x2] =	sbarrier.arrive $0xFFFF  }
0x55: {  	[sflag:s0] =	ssyncadd.tile.s32 @!p0 $0x1;
	_ =	shalt  }
.Lfunc_end2:
_tile_overlayer_lowered:
.L_overlay_start_2:
0x56: {  	(tag) =	ssettag $0x2  }
0x57: {  	s0 =	rddreg [dreg:$0x0];
	s2 =	stileid.u32  }
0x58: {  	s1 =	rddreg [dreg:$0x1];
	p0 =	sne.s32 s2, $0x0  }
0x59: {  	s3 =	rddreg [dreg:$0x2];
	[bflag:$0x3] =	sbarrier.arrive $0xFFFF;
	s2 =	simm.s32 @!p0 $0x1C01  }
0x5a: {  	[timem:s3], [sflag:s2] =	dma.local @!p0 [hbm:s0], s1  }
0x5b: {  	s0 =	simm.s32 @!p0 $0x1  }
0x5c: {  	_ =	swait.ge @!p0 [sflag:s0], s1  }
0x5d: {  	s1 =	ssub.s32 @!p0 $0x0, s1;
	[sflag:s0] =	ssyncset.done @!p0 $0x0  }
0x5e: {  	[sflag:s0] =	ssyncadd.s32 @!p0 s1  }
0x5f: {  	[bflag:$0x3] =	sbarrier.arrive $0xFFFF  }
0x60: {  	_ =	shalt  }

</sc_bundles>
